<compile_context>
chip_gen: v7x
topology: tpu7x:2x2x1
jax: 0.10.2.dev20260603
libtpu: 0.0.44.dev20260713+nightly
codegen_flags: <defaults>
</compile_context>

<pallas_src>
import functools

import jax
import jax.numpy as jnp
import numpy as np
from jax import lax
from jax.experimental import pallas as pl
from jax.experimental.pallas import tpu as pltpu
from jax.experimental.pallas import tpu_sc as plsc

NN = 10000
EE = 320000
HID = 128
NH = 4
HD = 32
ROW = 144
SCALE = 1.0 / np.sqrt(HD)

NC = 2
NS = 16
NWK = NC * NS
WIN = 64
NWIN = -(-EE // (NWK * WIN))
EPW = WIN * NWIN
EP = EPW * NWK
NP = 10240
NSL = NP // NS
GRP = WIN // 16
PAD_DST = NN + 8


def _pre_body(h_ref, v384_ref, wq_ref, bq_ref, wk_ref, bk_ref, wv_ref,
              bv_ref, wvec_ref, qt_ref, m0_ref, wt0_ref, wt1_ref, wt2_ref,
              vdot_ref, vec3_ref):
    hh = h_ref[...]
    q = jnp.dot(hh, wq_ref[...], preferred_element_type=jnp.float32) + bq_ref[...]
    k = jnp.dot(hh, wk_ref[...], preferred_element_type=jnp.float32) + bk_ref[...]
    v = jnp.dot(hh, wv_ref[...], preferred_element_type=jnp.float32) + bv_ref[...]
    qt_ref[...] = q
    hv_cat = jnp.concatenate([v[:, 64 * t:64 * t + 32] for t in range(NH)], axis=1)
    s1v_cat = jnp.concatenate([v[:, 64 * t + 32:64 * t + 64] for t in range(NH)], axis=1)
    m0_ref[...] = jnp.concatenate([k, hv_cat], axis=1)
    wt_refs = (wt0_ref, wt1_ref, wt2_ref)
    zpad = jnp.zeros((hh.shape[0], ROW - HID), jnp.float32)
    vdot = None
    for c in range(3):
        vc = v384_ref[:, 128 * c:128 * (c + 1)]
        wt_refs[c][...] = jnp.concatenate([vc * s1v_cat, zpad], axis=1)
        vp = jnp.dot(vc, wvec_ref[...], preferred_element_type=jnp.float32)
        v1 = jnp.concatenate([vp[:, 96 * t:96 * t + 32] for t in range(NH)], axis=1)
        v2 = jnp.concatenate([vp[:, 96 * t + 32:96 * t + 64] for t in range(NH)], axis=1)
        v3 = jnp.concatenate([vp[:, 96 * t + 64:96 * t + 96] for t in range(NH)], axis=1)
        vdot = v1 * v2 if vdot is None else vdot + v1 * v2
        vec3_ref[:, 128 * c:128 * (c + 1)] = v3
    vdot_ref[...] = vdot


def _pre_stage(h, v384, Wq, bq, Wk, bk, Wv, bv, Wvec):
    B = 1000
    grid = (NN // B,)
    row = lambda i: (i, 0)
    full = lambda i: (0, 0)
    return pl.pallas_call(
        _pre_body,
        grid=grid,
        in_specs=[
            pl.BlockSpec((B, HID), row),
            pl.BlockSpec((B, 384), row),
            pl.BlockSpec((HID, HID), full),
            pl.BlockSpec((1, HID), full),
            pl.BlockSpec((HID, HID), full),
            pl.BlockSpec((1, HID), full),
            pl.BlockSpec((HID, 256), full),
            pl.BlockSpec((1, 256), full),
            pl.BlockSpec((HID, 384), full),
        ],
        out_specs=[
            pl.BlockSpec((B, HID), row),
            pl.BlockSpec((B, 256), row),
            pl.BlockSpec((B, ROW), row),
            pl.BlockSpec((B, ROW), row),
            pl.BlockSpec((B, ROW), row),
            pl.BlockSpec((B, HID), row),
            pl.BlockSpec((B, 384), row),
        ],
        out_shape=[
            jax.ShapeDtypeStruct((NN, HID), jnp.float32),
            jax.ShapeDtypeStruct((NN, 256), jnp.float32),
            jax.ShapeDtypeStruct((NN, ROW), jnp.float32),
            jax.ShapeDtypeStruct((NN, ROW), jnp.float32),
            jax.ShapeDtypeStruct((NN, ROW), jnp.float32),
            jax.ShapeDtypeStruct((NN, HID), jnp.float32),
            jax.ShapeDtypeStruct((NN, 384), jnp.float32),
        ],
    )(h, v384, Wq, bq, Wk, bk, Wv, bv, Wvec)


def _sc_body(src_hbm, dst_hbm, qt_hbm, m0_hbm, wt0_hbm, wt1_hbm, wt2_hbm,
             ox_out, vg0_out, vg1_out, vg2_out,
             srcv, dstv, qd, ms, oxw, sptab):
    c = lax.axis_index("c")
    s = lax.axis_index("s")
    w = s * NC + c
    ebase = w * EPW
    rbase = s * NSL
    iota = lax.iota(jnp.int32, 16)
    z16 = jnp.zeros((16,), jnp.float32)

    def _zero_oxw(i, _):
        for j in range(ROW // 16):
            oxw[i, pl.ds(j * 16, 16)] = z16
        return 0

    def _zero_sptab():
        for j in range(10):
            pltpu.sync_copy(oxw, sptab.at[pl.ds(rbase + j * WIN, WIN)])

    lax.fori_loop(0, WIN, _zero_oxw, 0)
    _zero_sptab()
    plsc.subcore_barrier()

    def _g0_win(iw, _):
        b = ebase + iw * WIN
        pltpu.sync_copy(src_hbm.at[pl.ds(b, WIN)], srcv)
        pltpu.sync_copy(dst_hbm.at[pl.ds(b, WIN)], dstv)
        pltpu.sync_copy(qt_hbm.at[dstv], qd)
        pltpu.sync_copy(m0_hbm.at[srcv], ms)
        for g in range(GRP):
            rows = iota + g * 16

            def _dots(dd, accs):
                out = []
                for t in range(NH):
                    col = jnp.full((16,), t * HD, jnp.int32) + dd
                    qv = plsc.load_gather(qd, [rows, col])
                    kv = plsc.load_gather(ms, [rows, col])
                    out.append(accs[t] + qv * kv)
                return tuple(out)

            acc = lax.fori_loop(0, HD, _dots, (z16, z16, z16, z16))
            exs = [jnp.exp(acc[t] * SCALE) for t in range(NH)]
            for t in range(NH):
                plsc.store_scatter(oxw, [rows, jnp.full((16,), HID + t, jnp.int32)], exs[t])

            def _oxb(dd, carry):
                for t in range(NH):
                    col = jnp.full((16,), t * HD, jnp.int32) + dd
                    hv = plsc.load_gather(ms, [rows, col + 128])
                    plsc.store_scatter(oxw, [rows, col], hv * exs[t])
                return carry

            lax.fori_loop(0, HD, _oxb, 0)
        pltpu.sync_copy(oxw, sptab.at[dstv], add=True)
        return 0

    lax.fori_loop(0, NWIN, _g0_win, 0)
    plsc.subcore_barrier()
    for j in range(5):
        pltpu.sync_copy(sptab.at[pl.ds(rbase + j * 128, 128)],
                        ox_out.at[c, pl.ds(rbase + j * 128, 128)])
    plsc.subcore_barrier()

    for wt_tab, vg_out in ((wt0_hbm, vg0_out), (wt1_hbm, vg1_out), (wt2_hbm, vg2_out)):
        lax.fori_loop(0, WIN, _zero_oxw, 0)
        _zero_sptab()
        plsc.subcore_barrier()

        def _gc_win(iw, _, _tab=wt_tab):
            b = ebase + iw * WIN
            pltpu.sync_copy(src_hbm.at[pl.ds(b, WIN)], srcv)
            pltpu.sync_copy(dst_hbm.at[pl.ds(b, WIN)], dstv)
            pltpu.sync_copy(_tab.at[srcv], oxw)
            pltpu.sync_copy(oxw, sptab.at[dstv], add=True)
            return 0

        lax.fori_loop(0, NWIN, _gc_win, 0)
        plsc.subcore_barrier()
        for j in range(5):
            pltpu.sync_copy(sptab.at[pl.ds(rbase + j * 128, 128)],
                            vg_out.at[c, pl.ds(rbase + j * 128, 128)])
        plsc.subcore_barrier()


def _sc_stage(src, dst, qt, m0, wt0, wt1, wt2):
    mesh = plsc.VectorSubcoreMesh(core_axis_name="c", subcore_axis_name="s")
    fn = functools.partial(
        pl.kernel,
        mesh=mesh,
        compiler_params=pltpu.CompilerParams(
            needs_layout_passes=False, use_tc_tiling_on_sc=False),
        out_type=[
            jax.ShapeDtypeStruct((NC, NP, ROW), jnp.float32),
            jax.ShapeDtypeStruct((NC, NP, ROW), jnp.float32),
            jax.ShapeDtypeStruct((NC, NP, ROW), jnp.float32),
            jax.ShapeDtypeStruct((NC, NP, ROW), jnp.float32),
        ],
        scratch_types=[
            pltpu.VMEM((WIN,), jnp.int32),
            pltpu.VMEM((WIN,), jnp.int32),
            pltpu.VMEM((WIN, HID), jnp.float32),
            pltpu.VMEM((WIN, 256), jnp.float32),
            pltpu.VMEM((WIN, ROW), jnp.float32),
            pltpu.VMEM_SHARED((NP, ROW), jnp.float32),
        ],
    )(_sc_body)
    return fn(src, dst, qt, m0, wt0, wt1, wt2)


def _post_body(h_ref, v384_ref, ox_ref, vg0_ref, vg1_ref, vg2_ref,
               vdot_ref, vec3_ref, wpb_ref, bpb_ref, ho_ref, vo_ref):
    oxf = ox_ref[0] + ox_ref[1]
    sel = (lax.broadcasted_iota(jnp.int32, (16, HID), 1) // HD
           == lax.broadcasted_iota(jnp.int32, (16, HID), 0)).astype(jnp.float32)
    den128 = jnp.dot(oxf[:, HID:], sel, preferred_element_type=jnp.float32)
    ox = oxf[:, :HID] / (den128 + 1e-16)
    qs = jnp.dot(ox, wpb_ref[...], preferred_element_type=jnp.float32) + bpb_ref[...]
    q1 = jnp.concatenate([qs[:, 96 * t:96 * t + 32] for t in range(NH)], axis=1)
    q2 = jnp.concatenate([qs[:, 96 * t + 32:96 * t + 64] for t in range(NH)], axis=1)
    q3 = jnp.concatenate([qs[:, 96 * t + 64:96 * t + 96] for t in range(NH)], axis=1)
    ho_ref[...] = h_ref[...] + q2 + q3 * vdot_ref[...]
    vg_refs = (vg0_ref, vg1_ref, vg2_ref)
    pieces = []
    for c in range(3):
        vagg = vg_refs[c][0] + vg_refs[c][1]
        pieces.append(vec3_ref[:, 128 * c:128 * (c + 1)] * q1 + vagg[:, :HID])
    vo_ref[...] = v384_ref[...] + jnp.concatenate(pieces, axis=1)


def _post_stage(h, v384, ox, vg0, vg1, vg2, vdot, vec3, wpb, bpb):
    B = 1000
    grid = (NN // B,)
    row = lambda i: (i, 0)
    prow = lambda i: (0, i, 0)
    full = lambda i: (0, 0)
    return pl.pallas_call(
        _post_body,
        grid=grid,
        in_specs=[
            pl.BlockSpec((B, HID), row),
            pl.BlockSpec((B, 384), row),
            pl.BlockSpec((NC, B, ROW), prow),
            pl.BlockSpec((NC, B, ROW), prow),
            pl.BlockSpec((NC, B, ROW), prow),
            pl.BlockSpec((NC, B, ROW), prow),
            pl.BlockSpec((B, HID), row),
            pl.BlockSpec((B, 384), row),
            pl.BlockSpec((HID, 384), full),
            pl.BlockSpec((1, 384), full),
        ],
        out_specs=[
            pl.BlockSpec((B, HID), row),
            pl.BlockSpec((B, 384), row),
        ],
        out_shape=[
            jax.ShapeDtypeStruct((NN, HID), jnp.float32),
            jax.ShapeDtypeStruct((NN, 384), jnp.float32),
        ],
    )(h, v384, ox, vg0, vg1, vg2, vdot, vec3, wpb, bpb)


def kernel(h, vec, Wq, bq, Wk, bk, Wv, bv, Wproj, bproj, Wvec, edge_index):
    v384 = vec.reshape(NN, 384)
    qt, m0, wt0, wt1, wt2, vdot, vec3 = _pre_stage(
        h, v384, Wq, bq.reshape(1, HID), Wk, bk.reshape(1, HID),
        Wv, bv.reshape(1, 256), Wvec)
    pad = EP - EE
    src = jnp.concatenate([edge_index[0], jnp.zeros((pad,), jnp.int32)])
    dst = jnp.concatenate([edge_index[1], jnp.full((pad,), PAD_DST, jnp.int32)])
    ox, vg0, vg1, vg2 = _sc_stage(src, dst, qt, m0, wt0, wt1, wt2)
    wpb = jnp.zeros((HID, 3 * HID), jnp.float32)
    for t in range(NH):
        wpb = wpb.at[HD * t:HD * (t + 1), 96 * t:96 * (t + 1)].set(Wproj)
    bpb = jnp.tile(bproj, (NH,)).reshape(1, 3 * HID)
    ho, vo384 = _post_stage(h, v384, ox, vg0, vg1, vg2, vdot, vec3, wpb, bpb)
    return ho, vo384.reshape(NN, 3, HID)

# --- scband reference (transcript-rebuilt; emitter-appended) ---
"""Pipeline reference for scband-decoder-block-26431228739714 (READ-ONLY COPY).

The authoritative reference and input builder live on the scoring server;
editing this copy changes nothing except your own understanding.
"""

import jax, jax.numpy as jnp
import numpy as np

N = 10000
E = 320000
HID = 128
H = 4
D = HID // H


def setup_inputs(seed: int = 0):
    key = jax.random.key(seed)
    ks = jax.random.split(key, 12)
    h = jax.random.normal(ks[0], (N, HID), dtype=jnp.float32)
    vec = jax.random.normal(ks[1], (N, 3, HID), dtype=jnp.float32)
    edge_index = jax.random.randint(ks[2], (2, E), 0, N, dtype=jnp.int32)
    s1 = 1.0 / np.sqrt(HID)
    s2 = 1.0 / np.sqrt(D)
    Wq = jax.random.uniform(ks[3], (HID, H * D), minval=-s1, maxval=s1, dtype=jnp.float32)
    bq = jax.random.uniform(ks[4], (H * D,), minval=-s1, maxval=s1, dtype=jnp.float32)
    Wk = jax.random.uniform(ks[5], (HID, H * D), minval=-s1, maxval=s1, dtype=jnp.float32)
    bk = jax.random.uniform(ks[6], (H * D,), minval=-s1, maxval=s1, dtype=jnp.float32)
    Wv = jax.random.uniform(ks[7], (HID, 2 * H * D), minval=-s1, maxval=s1, dtype=jnp.float32)
    bv = jax.random.uniform(ks[8], (2 * H * D,), minval=-s1, maxval=s1, dtype=jnp.float32)
    Wproj = jax.random.uniform(ks[9], (D, 3 * D), minval=-s2, maxval=s2, dtype=jnp.float32)
    bproj = jax.random.uniform(ks[10], (3 * D,), minval=-s2, maxval=s2, dtype=jnp.float32)
    Wvec = jax.random.uniform(ks[11], (HID, 3 * H * D), minval=-s1, maxval=s1, dtype=jnp.float32)
    return {"h": h, "vec": vec, "Wq": Wq, "bq": bq, "Wk": Wk, "bk": bk, "Wv": Wv, "bv": bv, "Wproj": Wproj, "bproj": bproj, "Wvec": Wvec, "edge_index": edge_index}


def reference(h, vec, Wq, bq, Wk, bk, Wv, bv, Wproj, bproj, Wvec, edge_index):
    src = edge_index[0]
    dst = edge_index[1]
    # node-level projections
    query = h @ Wq + bq
    vp = (vec @ Wvec).reshape(N, 3, H, 3, D)
    vec1 = vp[:, :, :, 0, :]
    vec2 = vp[:, :, :, 1, :]
    vec3 = vp[:, :, :, 2, :]
    vec_r = vec.reshape(N, 3, H, D)
    vec_dot = (vec1 * vec2).sum(axis=1)  # [N, H, D]
    # message: gather per-edge
    q_i = query[dst].reshape(E, H, D)
    k_j = (h @ Wk + bk)[src].reshape(E, H, D)
    v_j = (h @ Wv + bv)[src].reshape(E, H, 2, D)
    alpha = (q_i * k_j).sum(axis=-1) / np.sqrt(D)  # [E, H]
    # segment softmax over destination nodes (pyg softmax semantics, eps=1e-16)
    amax = jax.ops.segment_max(alpha, dst, num_segments=N)
    amax = jnp.where(jnp.isfinite(amax), amax, 0.0)
    ex = jnp.exp(alpha - amax[dst])
    denom = jax.ops.segment_sum(ex, dst, num_segments=N)
    alpha = ex / (denom[dst] + 1e-16)
    hv = v_j[:, :, 0, :]
    s1v = v_j[:, :, 1, :]
    msg = hv * alpha[:, :, None]  # [E, H, D]
    vec_msg = vec_r[src] * s1v[:, None, :, :]  # [E, 3, H, D]
    # aggregate: scatter-add over dst
    out_x = jax.ops.segment_sum(msg, dst, num_segments=N)  # [N, H, D]
    vec_agg = jax.ops.segment_sum(vec_msg, dst, num_segments=N)  # [N, 3, H, D]
    # update
    qs = (out_x.reshape(N * H, D) @ Wproj + bproj).reshape(N, H, 3, D)
    q1 = qs[:, :, 0, :]
    q2 = qs[:, :, 1, :]
    q3 = qs[:, :, 2, :]
    dx = (q2 + q3 * vec_dot).reshape(N, H * D)
    dvec = (vec3 * q1[:, None, :, :] + vec_agg).reshape(N, 3, H * D)
    # residual connections from DecoderBlock
    return (h + dx, vec + dvec)

if __name__ == "__main__":
    import jax
    _d = setup_inputs()
    print(jax.jit(kernel)(*tuple(_d.values())))

</pallas_src>

<mosaic_0001>
#map = affine_map<(d0, d1) -> (0)>
#map1 = affine_map<(d0, d1) -> (0, 0)>
#map2 = affine_map<(d0, d1) -> (0, 0, 0)>
module attributes {stable_mosaic.version = 14 : i64} {
  func.func @_sc_body(%arg0: i32, %arg1: i32, %arg2: memref<321536xi32, #tpu.memory_space<hbm>>, %arg3: memref<321536xi32, #tpu.memory_space<hbm>>, %arg4: memref<10000x128xf32, #tpu.memory_space<hbm>>, %arg5: memref<10000x256xf32, #tpu.memory_space<hbm>>, %arg6: memref<10000x144xf32, #tpu.memory_space<hbm>>, %arg7: memref<10000x144xf32, #tpu.memory_space<hbm>>, %arg8: memref<10000x144xf32, #tpu.memory_space<hbm>>, %arg9: memref<2x10240x144xf32, #tpu.memory_space<hbm>>, %arg10: memref<2x10240x144xf32, #tpu.memory_space<hbm>>, %arg11: memref<2x10240x144xf32, #tpu.memory_space<hbm>>, %arg12: memref<2x10240x144xf32, #tpu.memory_space<hbm>>, %arg13: memref<64xi32, #tpu.memory_space<vmem>>, %arg14: memref<64xi32, #tpu.memory_space<vmem>>, %arg15: memref<64x128xf32, #tpu.memory_space<vmem>>, %arg16: memref<64x256xf32, #tpu.memory_space<vmem>>, %arg17: memref<64x144xf32, #tpu.memory_space<vmem>>, %arg18: memref<10240x144xf32, #tpu.memory_space<vmem_shared>>) attributes {dimension_semantics = [#tpu.dimension_semantics<core_parallel>, #tpu.dimension_semantics<subcore_parallel>], iteration_bounds = array<i64: 2, 16>, scalar_prefetch = 0 : i64, scratch_operands = 6 : i64, tpu.core_type = #tpu.core_type<sc_vector_subcore>, window_params = [{transform_indices = #map}, {transform_indices = #map}, {transform_indices = #map1}, {transform_indices = #map1}, {transform_indices = #map1}, {transform_indices = #map1}, {transform_indices = #map1}, {transform_indices = #map2}, {transform_indices = #map2}, {transform_indices = #map2}, {transform_indices = #map2}]} {
    %mul3A = arith.constant 2 : i32
    %mul3A_0 = arith.muli %arg1, %mul3A : i32
    %add3A = arith.addi %mul3A_0, %arg0 : i32
    %mul3A_1 = arith.constant 10048 : i32
    %mul3A_2 = arith.muli %add3A, %mul3A_1 : i32
    %mul3A_3 = arith.constant 640 : i32
    %mul3A_4 = arith.muli %arg1, %mul3A_3 : i32
    %iota3A = tpu.iota {dimensions = array<i32: 0>} : vector<16xi32>
    %broadcast_in_dim3A = arith.constant 0.000000e+00 : f32
    %broadcast_in_dim3A_5 = vector.broadcast %broadcast_in_dim3A : f32 to vector<16xf32>
    %scan3A = arith.constant 0 : i32
    %scan3A_6 = arith.constant 0 : i32
    %scan3A_7 = arith.constant 64 : i32
    %scan3A_8 = arith.addi %scan3A_6, %scan3A_7 : i32
    %scan3A_9 = arith.constant 1 : i32
    %scan3A_10 = scf.for %scan3A_232 = %scan3A_6 to %scan3A_8 step %scan3A_9 iter_args(%scan3A_233 = %scan3A) -> (i32)  : i32 {
      %swap3A = arith.index_cast %scan3A_232 : i32 to index
      %swap3A_234 = arith.constant 0 : index
      %swap3A_235 = tpu.vector_load %arg17[%swap3A, %swap3A_234] {strides = array<i32>} : memref<64x144xf32, #tpu.memory_space<vmem>>, vector<16xf32>,
      tpu.vector_store %arg17[%swap3A, %swap3A_234], %broadcast_in_dim3A_5 {strides = array<i32>} : memref<64x144xf32, #tpu.memory_space<vmem>>, vector<16xf32>,
      %swap3A_236 = arith.index_cast %scan3A_232 : i32 to index
      %swap3A_237 = arith.constant 16 : index
      %swap3A_238 = tpu.vector_load %arg17[%swap3A_236, %swap3A_237] {strides = array<i32>} : memref<64x144xf32, #tpu.memory_space<vmem>>, vector<16xf32>,
      tpu.vector_store %arg17[%swap3A_236, %swap3A_237], %broadcast_in_dim3A_5 {strides = array<i32>} : memref<64x144xf32, #tpu.memory_space<vmem>>, vector<16xf32>,
      %swap3A_239 = arith.index_cast %scan3A_232 : i32 to index
      %swap3A_240 = arith.constant 32 : index
      %swap3A_241 = tpu.vector_load %arg17[%swap3A_239, %swap3A_240] {strides = array<i32>} : memref<64x144xf32, #tpu.memory_space<vmem>>, vector<16xf32>,
      tpu.vector_store %arg17[%swap3A_239, %swap3A_240], %broadcast_in_dim3A_5 {strides = array<i32>} : memref<64x144xf32, #tpu.memory_space<vmem>>, vector<16xf32>,
      %swap3A_242 = arith.index_cast %scan3A_232 : i32 to index
      %swap3A_243 = arith.constant 48 : index
      %swap3A_244 = tpu.vector_load %arg17[%swap3A_242, %swap3A_243] {strides = array<i32>} : memref<64x144xf32, #tpu.memory_space<vmem>>, vector<16xf32>,
      tpu.vector_store %arg17[%swap3A_242, %swap3A_243], %broadcast_in_dim3A_5 {strides = array<i32>} : memref<64x144xf32, #tpu.memory_space<vmem>>, vector<16xf32>,
      %swap3A_245 = arith.index_cast %scan3A_232 : i32 to index
      %swap3A_246 = arith.constant 64 : index
      %swap3A_247 = tpu.vector_load %arg17[%swap3A_245, %swap3A_246] {strides = array<i32>} : memref<64x144xf32, #tpu.memory_space<vmem>>, vector<16xf32>,
      tpu.vector_store %arg17[%swap3A_245, %swap3A_246], %broadcast_in_dim3A_5 {strides = array<i32>} : memref<64x144xf32, #tpu.memory_space<vmem>>, vector<16xf32>,
      %swap3A_248 = arith.index_cast %scan3A_232 : i32 to index
      %swap3A_249 = arith.constant 80 : index
      %swap3A_250 = tpu.vector_load %arg17[%swap3A_248, %swap3A_249] {strides = array<i32>} : memref<64x144xf32, #tpu.memory_space<vmem>>, vector<16xf32>,
      tpu.vector_store %arg17[%swap3A_248, %swap3A_249], %broadcast_in_dim3A_5 {strides = array<i32>} : memref<64x144xf32, #tpu.memory_space<vmem>>, vector<16xf32>,
      %swap3A_251 = arith.index_cast %scan3A_232 : i32 to index
      %swap3A_252 = arith.constant 96 : index
      %swap3A_253 = tpu.vector_load %arg17[%swap3A_251, %swap3A_252] {strides = array<i32>} : memref<64x144xf32, #tpu.memory_space<vmem>>, vector<16xf32>,
      tpu.vector_store %arg17[%swap3A_251, %swap3A_252], %broadcast_in_dim3A_5 {strides = array<i32>} : memref<64x144xf32, #tpu.memory_space<vmem>>, vector<16xf32>,
      %swap3A_254 = arith.index_cast %scan3A_232 : i32 to index
      %swap3A_255 = arith.constant 112 : index
      %swap3A_256 = tpu.vector_load %arg17[%swap3A_254, %swap3A_255] {strides = array<i32>} : memref<64x144xf32, #tpu.memory_space<vmem>>, vector<16xf32>,
      tpu.vector_store %arg17[%swap3A_254, %swap3A_255], %broadcast_in_dim3A_5 {strides = array<i32>} : memref<64x144xf32, #tpu.memory_space<vmem>>, vector<16xf32>,
      %swap3A_257 = arith.index_cast %scan3A_232 : i32 to index
      %swap3A_258 = arith.constant 128 : index
      %swap3A_259 = tpu.vector_load %arg17[%swap3A_257, %swap3A_258] {strides = array<i32>} : memref<64x144xf32, #tpu.memory_space<vmem>>, vector<16xf32>,
      tpu.vector_store %arg17[%swap3A_257, %swap3A_258], %broadcast_in_dim3A_5 {strides = array<i32>} : memref<64x144xf32, #tpu.memory_space<vmem>>, vector<16xf32>,
      %scan3A_260 = arith.constant 0 : i32
      scf.yield %scan3A_260 : i32
    }
    %scan3A_11 = arith.constant 64 : i32
    %add3A_12 = arith.constant 0 : i32
    %add3A_13 = arith.addi %mul3A_4, %add3A_12 : i32
    "tpu.region"() ({
      %run_scoped3A = tpu.sem_alloc : memref<!tpu.dma_semaphore, #tpu.memory_space<semaphore_mem>>
      %dma_start3A = arith.constant 0 : i32
      %dma_start3A_232 = tpu.memref_slice %arg18[%add3A_13, %dma_start3A] : memref<10240x144xf32, #tpu.memory_space<vmem_shared>> -> memref<64x144xf32, #tpu.memory_space<vmem_shared>>
      %dma_start3A_233 = arith.constant 0 : i32
      %dma_start3A_234 = tpu.memref_slice %arg18[%add3A_13, %dma_start3A_233] : memref<10240x144xf32, #tpu.memory_space<vmem_shared>> -> memref<64x144xf32, #tpu.memory_space<vmem_shared>>
      tpu.enqueue_dma source(%arg17 : memref<64x144xf32, #tpu.memory_space<vmem>>) target(%dma_start3A_234 : memref<64x144xf32, #tpu.memory_space<vmem_shared>>) target_semaphore(%run_scoped3A : memref<!tpu.dma_semaphore, #tpu.memory_space<semaphore_mem>>)
      %dma_wait3A = arith.constant 0 : i32
      %dma_wait3A_235 = tpu.memref_slice %arg18[%add3A_13, %dma_wait3A] : memref<10240x144xf32, #tpu.memory_space<vmem_shared>> -> memref<64x144xf32, #tpu.memory_space<vmem_shared>>
      %dma_wait3A_236 = arith.constant 0 : i32
      %dma_wait3A_237 = tpu.memref_slice %arg18[%add3A_13, %dma_wait3A_236] : memref<10240x144xf32, #tpu.memory_space<vmem_shared>> -> memref<64x144xf32, #tpu.memory_space<vmem_shared>>
      tpu.wait_dma2 semaphore(%run_scoped3A : memref<!tpu.dma_semaphore, #tpu.memory_space<semaphore_mem>>) src(%arg17 : memref<64x144xf32, #tpu.memory_space<vmem>>) dst(%dma_wait3A_237 : memref<64x144xf32, #tpu.memory_space<vmem_shared>>)
      tpu.yield
    }) : () -> ()
    %add3A_14 = arith.constant 64 : i32
    %add3A_15 = arith.addi %mul3A_4, %add3A_14 : i32
    "tpu.region"() ({
      %run_scoped3A = tpu.sem_alloc : memref<!tpu.dma_semaphore, #tpu.memory_space<semaphore_mem>>
      %dma_start3A = arith.constant 0 : i32
      %dma_start3A_232 = tpu.memref_slice %arg18[%add3A_15, %dma_start3A] : memref<10240x144xf32, #tpu.memory_space<vmem_shared>> -> memref<64x144xf32, #tpu.memory_space<vmem_shared>>
      %dma_start3A_233 = arith.constant 0 : i32
      %dma_start3A_234 = tpu.memref_slice %arg18[%add3A_15, %dma_start3A_233] : memref<10240x144xf32, #tpu.memory_space<vmem_shared>> -> memref<64x144xf32, #tpu.memory_space<vmem_shared>>
      tpu.enqueue_dma source(%arg17 : memref<64x144xf32, #tpu.memory_space<vmem>>) target(%dma_start3A_234 : memref<64x144xf32, #tpu.memory_space<vmem_shared>>) target_semaphore(%run_scoped3A : memref<!tpu.dma_semaphore, #tpu.memory_space<semaphore_mem>>)
      %dma_wait3A = arith.constant 0 : i32
      %dma_wait3A_235 = tpu.memref_slice %arg18[%add3A_15, %dma_wait3A] : memref<10240x144xf32, #tpu.memory_space<vmem_shared>> -> memref<64x144xf32, #tpu.memory_space<vmem_shared>>
      %dma_wait3A_236 = arith.constant 0 : i32
      %dma_wait3A_237 = tpu.memref_slice %arg18[%add3A_15, %dma_wait3A_236] : memref<10240x144xf32, #tpu.memory_space<vmem_shared>> -> memref<64x144xf32, #tpu.memory_space<vmem_shared>>
      tpu.wait_dma2 semaphore(%run_scoped3A : memref<!tpu.dma_semaphore, #tpu.memory_space<semaphore_mem>>) src(%arg17 : memref<64x144xf32, #tpu.memory_space<vmem>>) dst(%dma_wait3A_237 : memref<64x144xf32, #tpu.memory_space<vmem_shared>>)
      tpu.yield
    }) : () -> ()
    %add3A_16 = arith.constant 128 : i32
    %add3A_17 = arith.addi %mul3A_4, %add3A_16 : i32
    "tpu.region"() ({
      %run_scoped3A = tpu.sem_alloc : memref<!tpu.dma_semaphore, #tpu.memory_space<semaphore_mem>>
      %dma_start3A = arith.constant 0 : i32
      %dma_start3A_232 = tpu.memref_slice %arg18[%add3A_17, %dma_start3A] : memref<10240x144xf32, #tpu.memory_space<vmem_shared>> -> memref<64x144xf32, #tpu.memory_space<vmem_shared>>
      %dma_start3A_233 = arith.constant 0 : i32
      %dma_start3A_234 = tpu.memref_slice %arg18[%add3A_17, %dma_start3A_233] : memref<10240x144xf32, #tpu.memory_space<vmem_shared>> -> memref<64x144xf32, #tpu.memory_space<vmem_shared>>
      tpu.enqueue_dma source(%arg17 : memref<64x144xf32, #tpu.memory_space<vmem>>) target(%dma_start3A_234 : memref<64x144xf32, #tpu.memory_space<vmem_shared>>) target_semaphore(%run_scoped3A : memref<!tpu.dma_semaphore, #tpu.memory_space<semaphore_mem>>)
      %dma_wait3A = arith.constant 0 : i32
      %dma_wait3A_235 = tpu.memref_slice %arg18[%add3A_17, %dma_wait3A] : memref<10240x144xf32, #tpu.memory_space<vmem_shared>> -> memref<64x144xf32, #tpu.memory_space<vmem_shared>>
      %dma_wait3A_236 = arith.constant 0 : i32
      %dma_wait3A_237 = tpu.memref_slice %arg18[%add3A_17, %dma_wait3A_236] : memref<10240x144xf32, #tpu.memory_space<vmem_shared>> -> memref<64x144xf32, #tpu.memory_space<vmem_shared>>
      tpu.wait_dma2 semaphore(%run_scoped3A : memref<!tpu.dma_semaphore, #tpu.memory_space<semaphore_mem>>) src(%arg17 : memref<64x144xf32, #tpu.memory_space<vmem>>) dst(%dma_wait3A_237 : memref<64x144xf32, #tpu.memory_space<vmem_shared>>)
      tpu.yield
    }) : () -> ()
    %add3A_18 = arith.constant 192 : i32
    %add3A_19 = arith.addi %mul3A_4, %add3A_18 : i32
    "tpu.region"() ({
      %run_scoped3A = tpu.sem_alloc : memref<!tpu.dma_semaphore, #tpu.memory_space<semaphore_mem>>
      %dma_start3A = arith.constant 0 : i32
      %dma_start3A_232 = tpu.memref_slice %arg18[%add3A_19, %dma_start3A] : memref<10240x144xf32, #tpu.memory_space<vmem_shared>> -> memref<64x144xf32, #tpu.memory_space<vmem_shared>>
      %dma_start3A_233 = arith.constant 0 : i32
      %dma_start3A_234 = tpu.memref_slice %arg18[%add3A_19, %dma_start3A_233] : memref<10240x144xf32, #tpu.memory_space<vmem_shared>> -> memref<64x144xf32, #tpu.memory_space<vmem_shared>>
      tpu.enqueue_dma source(%arg17 : memref<64x144xf32, #tpu.memory_space<vmem>>) target(%dma_start3A_234 : memref<64x144xf32, #tpu.memory_space<vmem_shared>>) target_semaphore(%run_scoped3A : memref<!tpu.dma_semaphore, #tpu.memory_space<semaphore_mem>>)
      %dma_wait3A = arith.constant 0 : i32
      %dma_wait3A_235 = tpu.memref_slice %arg18[%add3A_19, %dma_wait3A] : memref<10240x144xf32, #tpu.memory_space<vmem_shared>> -> memref<64x144xf32, #tpu.memory_space<vmem_shared>>
      %dma_wait3A_236 = arith.constant 0 : i32
      %dma_wait3A_237 = tpu.memref_slice %arg18[%add3A_19, %dma_wait3A_236] : memref<10240x144xf32, #tpu.memory_space<vmem_shared>> -> memref<64x144xf32, #tpu.memory_space<vmem_shared>>
      tpu.wait_dma2 semaphore(%run_scoped3A : memref<!tpu.dma_semaphore, #tpu.memory_space<semaphore_mem>>) src(%arg17 : memref<64x144xf32, #tpu.memory_space<vmem>>) dst(%dma_wait3A_237 : memref<64x144xf32, #tpu.memory_space<vmem_shared>>)
      tpu.yield
    }) : () -> ()
    %add3A_20 = arith.constant 256 : i32
    %add3A_21 = arith.addi %mul3A_4, %add3A_20 : i32
    "tpu.region"() ({
      %run_scoped3A = tpu.sem_alloc : memref<!tpu.dma_semaphore, #tpu.memory_space<semaphore_mem>>
      %dma_start3A = arith.constant 0 : i32
      %dma_start3A_232 = tpu.memref_slice %arg18[%add3A_21, %dma_start3A] : memref<10240x144xf32, #tpu.memory_space<vmem_shared>> -> memref<64x144xf32, #tpu.memory_space<vmem_shared>>
      %dma_start3A_233 = arith.constant 0 : i32
      %dma_start3A_234 = tpu.memref_slice %arg18[%add3A_21, %dma_start3A_233] : memref<10240x144xf32, #tpu.memory_space<vmem_shared>> -> memref<64x144xf32, #tpu.memory_space<vmem_shared>>
      tpu.enqueue_dma source(%arg17 : memref<64x144xf32, #tpu.memory_space<vmem>>) target(%dma_start3A_234 : memref<64x144xf32, #tpu.memory_space<vmem_shared>>) target_semaphore(%run_scoped3A : memref<!tpu.dma_semaphore, #tpu.memory_space<semaphore_mem>>)
      %dma_wait3A = arith.constant 0 : i32
      %dma_wait3A_235 = tpu.memref_slice %arg18[%add3A_21, %dma_wait3A] : memref<10240x144xf32, #tpu.memory_space<vmem_shared>> -> memref<64x144xf32, #tpu.memory_space<vmem_shared>>
      %dma_wait3A_236 = arith.constant 0 : i32
      %dma_wait3A_237 = tpu.memref_slice %arg18[%add3A_21, %dma_wait3A_236] : memref<10240x144xf32, #tpu.memory_space<vmem_shared>> -> memref<64x144xf32, #tpu.memory_space<vmem_shared>>
      tpu.wait_dma2 semaphore(%run_scoped3A : memref<!tpu.dma_semaphore, #tpu.memory_space<semaphore_mem>>) src(%arg17 : memref<64x144xf32, #tpu.memory_space<vmem>>) dst(%dma_wait3A_237 : memref<64x144xf32, #tpu.memory_space<vmem_shared>>)
      tpu.yield
    }) : () -> ()
    %add3A_22 = arith.constant 320 : i32
    %add3A_23 = arith.addi %mul3A_4, %add3A_22 : i32
    "tpu.region"() ({
      %run_scoped3A = tpu.sem_alloc : memref<!tpu.dma_semaphore, #tpu.memory_space<semaphore_mem>>
      %dma_start3A = arith.constant 0 : i32
      %dma_start3A_232 = tpu.memref_slice %arg18[%add3A_23, %dma_start3A] : memref<10240x144xf32, #tpu.memory_space<vmem_shared>> -> memref<64x144xf32, #tpu.memory_space<vmem_shared>>
      %dma_start3A_233 = arith.constant 0 : i32
      %dma_start3A_234 = tpu.memref_slice %arg18[%add3A_23, %dma_start3A_233] : memref<10240x144xf32, #tpu.memory_space<vmem_shared>> -> memref<64x144xf32, #tpu.memory_space<vmem_shared>>
      tpu.enqueue_dma source(%arg17 : memref<64x144xf32, #tpu.memory_space<vmem>>) target(%dma_start3A_234 : memref<64x144xf32, #tpu.memory_space<vmem_shared>>) target_semaphore(%run_scoped3A : memref<!tpu.dma_semaphore, #tpu.memory_space<semaphore_mem>>)
      %dma_wait3A = arith.constant 0 : i32
      %dma_wait3A_235 = tpu.memref_slice %arg18[%add3A_23, %dma_wait3A] : memref<10240x144xf32, #tpu.memory_space<vmem_shared>> -> memref<64x144xf32, #tpu.memory_space<vmem_shared>>
      %dma_wait3A_236 = arith.constant 0 : i32
      %dma_wait3A_237 = tpu.memref_slice %arg18[%add3A_23, %dma_wait3A_236] : memref<10240x144xf32, #tpu.memory_space<vmem_shared>> -> memref<64x144xf32, #tpu.memory_space<vmem_shared>>
      tpu.wait_dma2 semaphore(%run_scoped3A : memref<!tpu.dma_semaphore, #tpu.memory_space<semaphore_mem>>) src(%arg17 : memref<64x144xf32, #tpu.memory_space<vmem>>) dst(%dma_wait3A_237 : memref<64x144xf32, #tpu.memory_space<vmem_shared>>)
      tpu.yield
    }) : () -> ()
    %add3A_24 = arith.constant 384 : i32
    %add3A_25 = arith.addi %mul3A_4, %add3A_24 : i32
    "tpu.region"() ({
      %run_scoped3A = tpu.sem_alloc : memref<!tpu.dma_semaphore, #tpu.memory_space<semaphore_mem>>
      %dma_start3A = arith.constant 0 : i32
      %dma_start3A_232 = tpu.memref_slice %arg18[%add3A_25, %dma_start3A] : memref<10240x144xf32, #tpu.memory_space<vmem_shared>> -> memref<64x144xf32, #tpu.memory_space<vmem_shared>>
      %dma_start3A_233 = arith.constant 0 : i32
      %dma_start3A_234 = tpu.memref_slice %arg18[%add3A_25, %dma_start3A_233] : memref<10240x144xf32, #tpu.memory_space<vmem_shared>> -> memref<64x144xf32, #tpu.memory_space<vmem_shared>>
      tpu.enqueue_dma source(%arg17 : memref<64x144xf32, #tpu.memory_space<vmem>>) target(%dma_start3A_234 : memref<64x144xf32, #tpu.memory_space<vmem_shared>>) target_semaphore(%run_scoped3A : memref<!tpu.dma_semaphore, #tpu.memory_space<semaphore_mem>>)
      %dma_wait3A = arith.constant 0 : i32
      %dma_wait3A_235 = tpu.memref_slice %arg18[%add3A_25, %dma_wait3A] : memref<10240x144xf32, #tpu.memory_space<vmem_shared>> -> memref<64x144xf32, #tpu.memory_space<vmem_shared>>
      %dma_wait3A_236 = arith.constant 0 : i32
      %dma_wait3A_237 = tpu.memref_slice %arg18[%add3A_25, %dma_wait3A_236] : memref<10240x144xf32, #tpu.memory_space<vmem_shared>> -> memref<64x144xf32, #tpu.memory_space<vmem_shared>>
      tpu.wait_dma2 semaphore(%run_scoped3A : memref<!tpu.dma_semaphore, #tpu.memory_space<semaphore_mem>>) src(%arg17 : memref<64x144xf32, #tpu.memory_space<vmem>>) dst(%dma_wait3A_237 : memref<64x144xf32, #tpu.memory_space<vmem_shared>>)
      tpu.yield
    }) : () -> ()
    %add3A_26 = arith.constant 448 : i32
    %add3A_27 = arith.addi %mul3A_4, %add3A_26 : i32
    "tpu.region"() ({
      %run_scoped3A = tpu.sem_alloc : memref<!tpu.dma_semaphore, #tpu.memory_space<semaphore_mem>>
      %dma_start3A = arith.constant 0 : i32
      %dma_start3A_232 = tpu.memref_slice %arg18[%add3A_27, %dma_start3A] : memref<10240x144xf32, #tpu.memory_space<vmem_shared>> -> memref<64x144xf32, #tpu.memory_space<vmem_shared>>
      %dma_start3A_233 = arith.constant 0 : i32
      %dma_start3A_234 = tpu.memref_slice %arg18[%add3A_27, %dma_start3A_233] : memref<10240x144xf32, #tpu.memory_space<vmem_shared>> -> memref<64x144xf32, #tpu.memory_space<vmem_shared>>
      tpu.enqueue_dma source(%arg17 : memref<64x144xf32, #tpu.memory_space<vmem>>) target(%dma_start3A_234 : memref<64x144xf32, #tpu.memory_space<vmem_shared>>) target_semaphore(%run_scoped3A : memref<!tpu.dma_semaphore, #tpu.memory_space<semaphore_mem>>)
      %dma_wait3A = arith.constant 0 : i32
      %dma_wait3A_235 = tpu.memref_slice %arg18[%add3A_27, %dma_wait3A] : memref<10240x144xf32, #tpu.memory_space<vmem_shared>> -> memref<64x144xf32, #tpu.memory_space<vmem_shared>>
      %dma_wait3A_236 = arith.constant 0 : i32
      %dma_wait3A_237 = tpu.memref_slice %arg18[%add3A_27, %dma_wait3A_236] : memref<10240x144xf32, #tpu.memory_space<vmem_shared>> -> memref<64x144xf32, #tpu.memory_space<vmem_shared>>
      tpu.wait_dma2 semaphore(%run_scoped3A : memref<!tpu.dma_semaphore, #tpu.memory_space<semaphore_mem>>) src(%arg17 : memref<64x144xf32, #tpu.memory_space<vmem>>) dst(%dma_wait3A_237 : memref<64x144xf32, #tpu.memory_space<vmem_shared>>)
      tpu.yield
    }) : () -> ()
    %add3A_28 = arith.constant 512 : i32
    %add3A_29 = arith.addi %mul3A_4, %add3A_28 : i32
    "tpu.region"() ({
      %run_scoped3A = tpu.sem_alloc : memref<!tpu.dma_semaphore, #tpu.memory_space<semaphore_mem>>
      %dma_start3A = arith.constant 0 : i32
      %dma_start3A_232 = tpu.memref_slice %arg18[%add3A_29, %dma_start3A] : memref<10240x144xf32, #tpu.memory_space<vmem_shared>> -> memref<64x144xf32, #tpu.memory_space<vmem_shared>>
      %dma_start3A_233 = arith.constant 0 : i32
      %dma_start3A_234 = tpu.memref_slice %arg18[%add3A_29, %dma_start3A_233] : memref<10240x144xf32, #tpu.memory_space<vmem_shared>> -> memref<64x144xf32, #tpu.memory_space<vmem_shared>>
      tpu.enqueue_dma source(%arg17 : memref<64x144xf32, #tpu.memory_space<vmem>>) target(%dma_start3A_234 : memref<64x144xf32, #tpu.memory_space<vmem_shared>>) target_semaphore(%run_scoped3A : memref<!tpu.dma_semaphore, #tpu.memory_space<semaphore_mem>>)
      %dma_wait3A = arith.constant 0 : i32
      %dma_wait3A_235 = tpu.memref_slice %arg18[%add3A_29, %dma_wait3A] : memref<10240x144xf32, #tpu.memory_space<vmem_shared>> -> memref<64x144xf32, #tpu.memory_space<vmem_shared>>
      %dma_wait3A_236 = arith.constant 0 : i32
      %dma_wait3A_237 = tpu.memref_slice %arg18[%add3A_29, %dma_wait3A_236] : memref<10240x144xf32, #tpu.memory_space<vmem_shared>> -> memref<64x144xf32, #tpu.memory_space<vmem_shared>>
      tpu.wait_dma2 semaphore(%run_scoped3A : memref<!tpu.dma_semaphore, #tpu.memory_space<semaphore_mem>>) src(%arg17 : memref<64x144xf32, #tpu.memory_space<vmem>>) dst(%dma_wait3A_237 : memref<64x144xf32, #tpu.memory_space<vmem_shared>>)
      tpu.yield
    }) : () -> ()
    %add3A_30 = arith.constant 576 : i32
    %add3A_31 = arith.addi %mul3A_4, %add3A_30 : i32
    "tpu.region"() ({
      %run_scoped3A = tpu.sem_alloc : memref<!tpu.dma_semaphore, #tpu.memory_space<semaphore_mem>>
      %dma_start3A = arith.constant 0 : i32
      %dma_start3A_232 = tpu.memref_slice %arg18[%add3A_31, %dma_start3A] : memref<10240x144xf32, #tpu.memory_space<vmem_shared>> -> memref<64x144xf32, #tpu.memory_space<vmem_shared>>
      %dma_start3A_233 = arith.constant 0 : i32
      %dma_start3A_234 = tpu.memref_slice %arg18[%add3A_31, %dma_start3A_233] : memref<10240x144xf32, #tpu.memory_space<vmem_shared>> -> memref<64x144xf32, #tpu.memory_space<vmem_shared>>
      tpu.enqueue_dma source(%arg17 : memref<64x144xf32, #tpu.memory_space<vmem>>) target(%dma_start3A_234 : memref<64x144xf32, #tpu.memory_space<vmem_shared>>) target_semaphore(%run_scoped3A : memref<!tpu.dma_semaphore, #tpu.memory_space<semaphore_mem>>)
      %dma_wait3A = arith.constant 0 : i32
      %dma_wait3A_235 = tpu.memref_slice %arg18[%add3A_31, %dma_wait3A] : memref<10240x144xf32, #tpu.memory_space<vmem_shared>> -> memref<64x144xf32, #tpu.memory_space<vmem_shared>>
      %dma_wait3A_236 = arith.constant 0 : i32
      %dma_wait3A_237 = tpu.memref_slice %arg18[%add3A_31, %dma_wait3A_236] : memref<10240x144xf32, #tpu.memory_space<vmem_shared>> -> memref<64x144xf32, #tpu.memory_space<vmem_shared>>
      tpu.wait_dma2 semaphore(%run_scoped3A : memref<!tpu.dma_semaphore, #tpu.memory_space<semaphore_mem>>) src(%arg17 : memref<64x144xf32, #tpu.memory_space<vmem>>) dst(%dma_wait3A_237 : memref<64x144xf32, #tpu.memory_space<vmem_shared>>)
      tpu.yield
    }) : () -> ()
    %barrier3A = arith.constant 0 : index
    tpu.barrier barrier_id(%barrier3A)
    %scan3A_32 = arith.constant 0 : i32
    %scan3A_33 = arith.constant 0 : i32
    %scan3A_34 = arith.constant 157 : i32
    %scan3A_35 = arith.addi %scan3A_33, %scan3A_34 : i32
    %scan3A_36 = arith.constant 1 : i32
    %scan3A_37 = scf.for %scan3A_232 = %scan3A_33 to %scan3A_35 step %scan3A_36 iter_args(%scan3A_233 = %scan3A_32) -> (i32)  : i32 {
      %mul3A_234 = arith.constant 64 : i32
      %mul3A_235 = arith.muli %scan3A_232, %mul3A_234 : i32
      %add3A_236 = arith.addi %mul3A_2, %mul3A_235 : i32
      "tpu.region"() ({
        %run_scoped3A = tpu.sem_alloc : memref<!tpu.dma_semaphore, #tpu.memory_space<semaphore_mem>>
        %dma_start3A = tpu.memref_slice %arg2[%add3A_236] : memref<321536xi32, #tpu.memory_space<hbm>> -> memref<64xi32, #tpu.memory_space<hbm>>
        %dma_start3A_393 = tpu.memref_slice %arg2[%add3A_236] : memref<321536xi32, #tpu.memory_space<hbm>> -> memref<64xi32, #tpu.memory_space<hbm>>
        tpu.enqueue_dma source(%dma_start3A_393 : memref<64xi32, #tpu.memory_space<hbm>>) target(%arg13 : memref<64xi32, #tpu.memory_space<vmem>>) target_semaphore(%run_scoped3A : memref<!tpu.dma_semaphore, #tpu.memory_space<semaphore_mem>>)
        %dma_wait3A = tpu.memref_slice %arg2[%add3A_236] : memref<321536xi32, #tpu.memory_space<hbm>> -> memref<64xi32, #tpu.memory_space<hbm>>
        %dma_wait3A_394 = tpu.memref_slice %arg2[%add3A_236] : memref<321536xi32, #tpu.memory_space<hbm>> -> memref<64xi32, #tpu.memory_space<hbm>>
        tpu.wait_dma2 semaphore(%run_scoped3A : memref<!tpu.dma_semaphore, #tpu.memory_space<semaphore_mem>>) src(%dma_wait3A_394 : memref<64xi32, #tpu.memory_space<hbm>>) dst(%arg13 : memref<64xi32, #tpu.memory_space<vmem>>)
        tpu.yield
      }) : () -> ()
      "tpu.region"() ({
        %run_scoped3A = tpu.sem_alloc : memref<!tpu.dma_semaphore, #tpu.memory_space<semaphore_mem>>
        %dma_start3A = tpu.memref_slice %arg3[%add3A_236] : memref<321536xi32, #tpu.memory_space<hbm>> -> memref<64xi32, #tpu.memory_space<hbm>>
        %dma_start3A_393 = tpu.memref_slice %arg3[%add3A_236] : memref<321536xi32, #tpu.memory_space<hbm>> -> memref<64xi32, #tpu.memory_space<hbm>>
        tpu.enqueue_dma source(%dma_start3A_393 : memref<64xi32, #tpu.memory_space<hbm>>) target(%arg14 : memref<64xi32, #tpu.memory_space<vmem>>) target_semaphore(%run_scoped3A : memref<!tpu.dma_semaphore, #tpu.memory_space<semaphore_mem>>)
        %dma_wait3A = tpu.memref_slice %arg3[%add3A_236] : memref<321536xi32, #tpu.memory_space<hbm>> -> memref<64xi32, #tpu.memory_space<hbm>>
        %dma_wait3A_394 = tpu.memref_slice %arg3[%add3A_236] : memref<321536xi32, #tpu.memory_space<hbm>> -> memref<64xi32, #tpu.memory_space<hbm>>
        tpu.wait_dma2 semaphore(%run_scoped3A : memref<!tpu.dma_semaphore, #tpu.memory_space<semaphore_mem>>) src(%dma_wait3A_394 : memref<64xi32, #tpu.memory_space<hbm>>) dst(%arg14 : memref<64xi32, #tpu.memory_space<vmem>>)
        tpu.yield
      }) : () -> ()
      "tpu.region"() ({
        %run_scoped3A = tpu.sem_alloc : memref<!tpu.dma_semaphore, #tpu.memory_space<semaphore_mem>>
        %dma_start3A = arith.constant 0 : i32
        %dma_start3A_393 = arith.constant 0 : i32
        %dma_start3A_394 = tpu.memref_slice %arg4[%dma_start3A, %dma_start3A_393] : memref<10000x128xf32, #tpu.memory_space<hbm>> -> memref<10000x128xf32, #tpu.memory_space<hbm>>
        tpu.enqueue_indirect_dma source(%dma_start3A_394 : memref<10000x128xf32, #tpu.memory_space<hbm>>) target(%arg15 : memref<64x128xf32, #tpu.memory_space<vmem>>) offsets(%arg14 : memref<64xi32, #tpu.memory_space<vmem>>) semaphore(%run_scoped3A : memref<!tpu.dma_semaphore, #tpu.memory_space<semaphore_mem>>)
        %dma_wait3A = arith.constant 0 : i32
        %dma_wait3A_395 = arith.constant 0 : i32
        %dma_wait3A_396 = tpu.memref_slice %arg4[%dma_wait3A, %dma_wait3A_395] : memref<10000x128xf32, #tpu.memory_space<hbm>> -> memref<10000x128xf32, #tpu.memory_space<hbm>>
        tpu.wait_indirect_dma semaphore(%run_scoped3A : memref<!tpu.dma_semaphore, #tpu.memory_space<semaphore_mem>>) src(%dma_wait3A_396 : memref<10000x128xf32, #tpu.memory_space<hbm>>) dst(%arg15 : memref<64x128xf32, #tpu.memory_space<vmem>>)
        tpu.yield
      }) : () -> ()
      "tpu.region"() ({
        %run_scoped3A = tpu.sem_alloc : memref<!tpu.dma_semaphore, #tpu.memory_space<semaphore_mem>>
        %dma_start3A = arith.constant 0 : i32
        %dma_start3A_393 = arith.constant 0 : i32
        %dma_start3A_394 = tpu.memref_slice %arg5[%dma_start3A, %dma_start3A_393] : memref<10000x256xf32, #tpu.memory_space<hbm>> -> memref<10000x256xf32, #tpu.memory_space<hbm>>
        tpu.enqueue_indirect_dma source(%dma_start3A_394 : memref<10000x256xf32, #tpu.memory_space<hbm>>) target(%arg16 : memref<64x256xf32, #tpu.memory_space<vmem>>) offsets(%arg13 : memref<64xi32, #tpu.memory_space<vmem>>) semaphore(%run_scoped3A : memref<!tpu.dma_semaphore, #tpu.memory_space<semaphore_mem>>)
        %dma_wait3A = arith.constant 0 : i32
        %dma_wait3A_395 = arith.constant 0 : i32
        %dma_wait3A_396 = tpu.memref_slice %arg5[%dma_wait3A, %dma_wait3A_395] : memref<10000x256xf32, #tpu.memory_space<hbm>> -> memref<10000x256xf32, #tpu.memory_space<hbm>>
        tpu.wait_indirect_dma semaphore(%run_scoped3A : memref<!tpu.dma_semaphore, #tpu.memory_space<semaphore_mem>>) src(%dma_wait3A_396 : memref<10000x256xf32, #tpu.memory_space<hbm>>) dst(%arg16 : memref<64x256xf32, #tpu.memory_space<vmem>>)
        tpu.yield
      }) : () -> ()
      %add3A_237 = arith.constant 0 : i32
      %add3A_238 = vector.broadcast %add3A_237 : i32 to vector<16xi32>
      %add3A_239 = arith.addi %iota3A, %add3A_238 : vector<16xi32>
      %scan3A_240 = arith.constant 0 : i32
      %scan3A_241 = arith.constant 32 : i32
      %scan3A_242 = arith.addi %scan3A_240, %scan3A_241 : i32
      %scan3A_243 = arith.constant 1 : i32
      %scan3A_244:4 = scf.for %scan3A_393 = %scan3A_240 to %scan3A_242 step %scan3A_243 iter_args(%scan3A_394 = %broadcast_in_dim3A_5, %scan3A_395 = %broadcast_in_dim3A_5, %scan3A_396 = %broadcast_in_dim3A_5, %scan3A_397 = %broadcast_in_dim3A_5) -> (vector<16xf32>, vector<16xf32>, vector<16xf32>, vector<16xf32>)  : i32 {
        %broadcast_in_dim3A_398 = arith.constant 0 : i32
        %broadcast_in_dim3A_399 = vector.broadcast %broadcast_in_dim3A_398 : i32 to vector<16xi32>
        %add3A_400 = vector.broadcast %scan3A_393 : i32 to vector<16xi32>
        %add3A_401 = arith.addi %broadcast_in_dim3A_399, %add3A_400 : vector<16xi32>
        %gather3A = tpu.vector_load_idx %arg15[%add3A_239, %add3A_401] : memref<64x128xf32, #tpu.memory_space<vmem>>[vector<16xi32>, vector<16xi32>], vector<16xf32>,
        %gather3A_402 = tpu.vector_load_idx %arg16[%add3A_239, %add3A_401] : memref<64x256xf32, #tpu.memory_space<vmem>>[vector<16xi32>, vector<16xi32>], vector<16xf32>,
        %mul3A_403 = arith.mulf %gather3A, %gather3A_402 : vector<16xf32>
        %add3A_404 = arith.addf %scan3A_394, %mul3A_403 : vector<16xf32>
        %broadcast_in_dim3A_405 = arith.constant 32 : i32
        %broadcast_in_dim3A_406 = vector.broadcast %broadcast_in_dim3A_405 : i32 to vector<16xi32>
        %add3A_407 = vector.broadcast %scan3A_393 : i32 to vector<16xi32>
        %add3A_408 = arith.addi %broadcast_in_dim3A_406, %add3A_407 : vector<16xi32>
        %gather3A_409 = tpu.vector_load_idx %arg15[%add3A_239, %add3A_408] : memref<64x128xf32, #tpu.memory_space<vmem>>[vector<16xi32>, vector<16xi32>], vector<16xf32>,
        %gather3A_410 = tpu.vector_load_idx %arg16[%add3A_239, %add3A_408] : memref<64x256xf32, #tpu.memory_space<vmem>>[vector<16xi32>, vector<16xi32>], vector<16xf32>,
        %mul3A_411 = arith.mulf %gather3A_409, %gather3A_410 : vector<16xf32>
        %add3A_412 = arith.addf %scan3A_395, %mul3A_411 : vector<16xf32>
        %broadcast_in_dim3A_413 = arith.constant 64 : i32
        %broadcast_in_dim3A_414 = vector.broadcast %broadcast_in_dim3A_413 : i32 to vector<16xi32>
        %add3A_415 = vector.broadcast %scan3A_393 : i32 to vector<16xi32>
        %add3A_416 = arith.addi %broadcast_in_dim3A_414, %add3A_415 : vector<16xi32>
        %gather3A_417 = tpu.vector_load_idx %arg15[%add3A_239, %add3A_416] : memref<64x128xf32, #tpu.memory_space<vmem>>[vector<16xi32>, vector<16xi32>], vector<16xf32>,
        %gather3A_418 = tpu.vector_load_idx %arg16[%add3A_239, %add3A_416] : memref<64x256xf32, #tpu.memory_space<vmem>>[vector<16xi32>, vector<16xi32>], vector<16xf32>,
        %mul3A_419 = arith.mulf %gather3A_417, %gather3A_418 : vector<16xf32>
        %add3A_420 = arith.addf %scan3A_396, %mul3A_419 : vector<16xf32>
        %broadcast_in_dim3A_421 = arith.constant 96 : i32
        %broadcast_in_dim3A_422 = vector.broadcast %broadcast_in_dim3A_421 : i32 to vector<16xi32>
        %add3A_423 = vector.broadcast %scan3A_393 : i32 to vector<16xi32>
        %add3A_424 = arith.addi %broadcast_in_dim3A_422, %add3A_423 : vector<16xi32>
        %gather3A_425 = tpu.vector_load_idx %arg15[%add3A_239, %add3A_424] : memref<64x128xf32, #tpu.memory_space<vmem>>[vector<16xi32>, vector<16xi32>], vector<16xf32>,
        %gather3A_426 = tpu.vector_load_idx %arg16[%add3A_239, %add3A_424] : memref<64x256xf32, #tpu.memory_space<vmem>>[vector<16xi32>, vector<16xi32>], vector<16xf32>,
        %mul3A_427 = arith.mulf %gather3A_425, %gather3A_426 : vector<16xf32>
        %add3A_428 = arith.addf %scan3A_397, %mul3A_427 : vector<16xf32>
        scf.yield %add3A_404, %add3A_412, %add3A_420, %add3A_428 : vector<16xf32>, vector<16xf32>, vector<16xf32>, vector<16xf32>
      }
      %scan3A_245 = arith.constant 32 : i32
      %mul3A_246 = arith.constant 0.176776692 : f32
      %mul3A_247 = vector.broadcast %mul3A_246 : f32 to vector<16xf32>
      %mul3A_248 = arith.mulf %scan3A_244#0, %mul3A_247 : vector<16xf32>
      %exp3A = math.exp %mul3A_248 : vector<16xf32>
      %mul3A_249 = arith.constant 0.176776692 : f32
      %mul3A_250 = vector.broadcast %mul3A_249 : f32 to vector<16xf32>
      %mul3A_251 = arith.mulf %scan3A_244#1, %mul3A_250 : vector<16xf32>
      %exp3A_252 = math.exp %mul3A_251 : vector<16xf32>
      %mul3A_253 = arith.constant 0.176776692 : f32
      %mul3A_254 = vector.broadcast %mul3A_253 : f32 to vector<16xf32>
      %mul3A_255 = arith.mulf %scan3A_244#2, %mul3A_254 : vector<16xf32>
      %exp3A_256 = math.exp %mul3A_255 : vector<16xf32>
      %mul3A_257 = arith.constant 0.176776692 : f32
      %mul3A_258 = vector.broadcast %mul3A_257 : f32 to vector<16xf32>
      %mul3A_259 = arith.mulf %scan3A_244#3, %mul3A_258 : vector<16xf32>
      %exp3A_260 = math.exp %mul3A_259 : vector<16xf32>
      %broadcast_in_dim3A_261 = arith.constant 128 : i32
      %broadcast_in_dim3A_262 = vector.broadcast %broadcast_in_dim3A_261 : i32 to vector<16xi32>
      tpu.vector_store_idx %arg17[%add3A_239, %broadcast_in_dim3A_262], %exp3A : memref<64x144xf32, #tpu.memory_space<vmem>>[vector<16xi32>, vector<16xi32>], vector<16xf32>,
      %broadcast_in_dim3A_263 = arith.constant 129 : i32
      %broadcast_in_dim3A_264 = vector.broadcast %broadcast_in_dim3A_263 : i32 to vector<16xi32>
      tpu.vector_store_idx %arg17[%add3A_239, %broadcast_in_dim3A_264], %exp3A_252 : memref<64x144xf32, #tpu.memory_space<vmem>>[vector<16xi32>, vector<16xi32>], vector<16xf32>,
      %broadcast_in_dim3A_265 = arith.constant 130 : i32
      %broadcast_in_dim3A_266 = vector.broadcast %broadcast_in_dim3A_265 : i32 to vector<16xi32>
      tpu.vector_store_idx %arg17[%add3A_239, %broadcast_in_dim3A_266], %exp3A_256 : memref<64x144xf32, #tpu.memory_space<vmem>>[vector<16xi32>, vector<16xi32>], vector<16xf32>,
      %broadcast_in_dim3A_267 = arith.constant 131 : i32
      %broadcast_in_dim3A_268 = vector.broadcast %broadcast_in_dim3A_267 : i32 to vector<16xi32>
      tpu.vector_store_idx %arg17[%add3A_239, %broadcast_in_dim3A_268], %exp3A_260 : memref<64x144xf32, #tpu.memory_space<vmem>>[vector<16xi32>, vector<16xi32>], vector<16xf32>,
      %scan3A_269 = arith.constant 0 : i32
      %scan3A_270 = arith.constant 0 : i32
      %scan3A_271 = arith.constant 32 : i32
      %scan3A_272 = arith.addi %scan3A_270, %scan3A_271 : i32
      %scan3A_273 = arith.constant 1 : i32
      scf.for %scan3A_393 = %scan3A_270 to %scan3A_272 step %scan3A_273  : i32 {
        %broadcast_in_dim3A_394 = arith.constant 0 : i32
        %broadcast_in_dim3A_395 = vector.broadcast %broadcast_in_dim3A_394 : i32 to vector<16xi32>
        %add3A_396 = vector.broadcast %scan3A_393 : i32 to vector<16xi32>
        %add3A_397 = arith.addi %broadcast_in_dim3A_395, %add3A_396 : vector<16xi32>
        %add3A_398 = arith.constant 128 : i32
        %add3A_399 = vector.broadcast %add3A_398 : i32 to vector<16xi32>
        %add3A_400 = arith.addi %add3A_397, %add3A_399 : vector<16xi32>
        %gather3A = tpu.vector_load_idx %arg16[%add3A_239, %add3A_400] : memref<64x256xf32, #tpu.memory_space<vmem>>[vector<16xi32>, vector<16xi32>], vector<16xf32>,
        %mul3A_401 = arith.mulf %gather3A, %exp3A : vector<16xf32>
        tpu.vector_store_idx %arg17[%add3A_239, %add3A_397], %mul3A_401 : memref<64x144xf32, #tpu.memory_space<vmem>>[vector<16xi32>, vector<16xi32>], vector<16xf32>,
        %broadcast_in_dim3A_402 = arith.constant 32 : i32
        %broadcast_in_dim3A_403 = vector.broadcast %broadcast_in_dim3A_402 : i32 to vector<16xi32>
        %add3A_404 = vector.broadcast %scan3A_393 : i32 to vector<16xi32>
        %add3A_405 = arith.addi %broadcast_in_dim3A_403, %add3A_404 : vector<16xi32>
        %add3A_406 = arith.constant 128 : i32
        %add3A_407 = vector.broadcast %add3A_406 : i32 to vector<16xi32>
        %add3A_408 = arith.addi %add3A_405, %add3A_407 : vector<16xi32>
        %gather3A_409 = tpu.vector_load_idx %arg16[%add3A_239, %add3A_408] : memref<64x256xf32, #tpu.memory_space<vmem>>[vector<16xi32>, vector<16xi32>], vector<16xf32>,
        %mul3A_410 = arith.mulf %gather3A_409, %exp3A_252 : vector<16xf32>
        tpu.vector_store_idx %arg17[%add3A_239, %add3A_405], %mul3A_410 : memref<64x144xf32, #tpu.memory_space<vmem>>[vector<16xi32>, vector<16xi32>], vector<16xf32>,
        %broadcast_in_dim3A_411 = arith.constant 64 : i32
        %broadcast_in_dim3A_412 = vector.broadcast %broadcast_in_dim3A_411 : i32 to vector<16xi32>
        %add3A_413 = vector.broadcast %scan3A_393 : i32 to vector<16xi32>
        %add3A_414 = arith.addi %broadcast_in_dim3A_412, %add3A_413 : vector<16xi32>
        %add3A_415 = arith.constant 128 : i32
        %add3A_416 = vector.broadcast %add3A_415 : i32 to vector<16xi32>
        %add3A_417 = arith.addi %add3A_414, %add3A_416 : vector<16xi32>
        %gather3A_418 = tpu.vector_load_idx %arg16[%add3A_239, %add3A_417] : memref<64x256xf32, #tpu.memory_space<vmem>>[vector<16xi32>, vector<16xi32>], vector<16xf32>,
        %mul3A_419 = arith.mulf %gather3A_418, %exp3A_256 : vector<16xf32>
        tpu.vector_store_idx %arg17[%add3A_239, %add3A_414], %mul3A_419 : memref<64x144xf32, #tpu.memory_space<vmem>>[vector<16xi32>, vector<16xi32>], vector<16xf32>,
        %broadcast_in_dim3A_420 = arith.constant 96 : i32
        %broadcast_in_dim3A_421 = vector.broadcast %broadcast_in_dim3A_420 : i32 to vector<16xi32>
        %add3A_422 = vector.broadcast %scan3A_393 : i32 to vector<16xi32>
        %add3A_423 = arith.addi %broadcast_in_dim3A_421, %add3A_422 : vector<16xi32>
        %add3A_424 = arith.constant 128 : i32
        %add3A_425 = vector.broadcast %add3A_424 : i32 to vector<16xi32>
        %add3A_426 = arith.addi %add3A_423, %add3A_425 : vector<16xi32>
        %gather3A_427 = tpu.vector_load_idx %arg16[%add3A_239, %add3A_426] : memref<64x256xf32, #tpu.memory_space<vmem>>[vector<16xi32>, vector<16xi32>], vector<16xf32>,
        %mul3A_428 = arith.mulf %gather3A_427, %exp3A_260 : vector<16xf32>
        tpu.vector_store_idx %arg17[%add3A_239, %add3A_423], %mul3A_428 : memref<64x144xf32, #tpu.memory_space<vmem>>[vector<16xi32>, vector<16xi32>], vector<16xf32>,
      }
      %scan3A_274 = arith.constant 32 : i32
      %add3A_275 = arith.constant 16 : i32
      %add3A_276 = vector.broadcast %add3A_275 : i32 to vector<16xi32>
      %add3A_277 = arith.addi %iota3A, %add3A_276 : vector<16xi32>
      %scan3A_278 = arith.constant 0 : i32
      %scan3A_279 = arith.constant 32 : i32
      %scan3A_280 = arith.addi %scan3A_278, %scan3A_279 : i32
      %scan3A_281 = arith.constant 1 : i32
      %scan3A_282:4 = scf.for %scan3A_393 = %scan3A_278 to %scan3A_280 step %scan3A_281 iter_args(%scan3A_394 = %broadcast_in_dim3A_5, %scan3A_395 = %broadcast_in_dim3A_5, %scan3A_396 = %broadcast_in_dim3A_5, %scan3A_397 = %broadcast_in_dim3A_5) -> (vector<16xf32>, vector<16xf32>, vector<16xf32>, vector<16xf32>)  : i32 {
        %broadcast_in_dim3A_398 = arith.constant 0 : i32
        %broadcast_in_dim3A_399 = vector.broadcast %broadcast_in_dim3A_398 : i32 to vector<16xi32>
        %add3A_400 = vector.broadcast %scan3A_393 : i32 to vector<16xi32>
        %add3A_401 = arith.addi %broadcast_in_dim3A_399, %add3A_400 : vector<16xi32>
        %gather3A = tpu.vector_load_idx %arg15[%add3A_277, %add3A_401] : memref<64x128xf32, #tpu.memory_space<vmem>>[vector<16xi32>, vector<16xi32>], vector<16xf32>,
        %gather3A_402 = tpu.vector_load_idx %arg16[%add3A_277, %add3A_401] : memref<64x256xf32, #tpu.memory_space<vmem>>[vector<16xi32>, vector<16xi32>], vector<16xf32>,
        %mul3A_403 = arith.mulf %gather3A, %gather3A_402 : vector<16xf32>
        %add3A_404 = arith.addf %scan3A_394, %mul3A_403 : vector<16xf32>
        %broadcast_in_dim3A_405 = arith.constant 32 : i32
        %broadcast_in_dim3A_406 = vector.broadcast %broadcast_in_dim3A_405 : i32 to vector<16xi32>
        %add3A_407 = vector.broadcast %scan3A_393 : i32 to vector<16xi32>
        %add3A_408 = arith.addi %broadcast_in_dim3A_406, %add3A_407 : vector<16xi32>
        %gather3A_409 = tpu.vector_load_idx %arg15[%add3A_277, %add3A_408] : memref<64x128xf32, #tpu.memory_space<vmem>>[vector<16xi32>, vector<16xi32>], vector<16xf32>,
        %gather3A_410 = tpu.vector_load_idx %arg16[%add3A_277, %add3A_408] : memref<64x256xf32, #tpu.memory_space<vmem>>[vector<16xi32>, vector<16xi32>], vector<16xf32>,
        %mul3A_411 = arith.mulf %gather3A_409, %gather3A_410 : vector<16xf32>
        %add3A_412 = arith.addf %scan3A_395, %mul3A_411 : vector<16xf32>
        %broadcast_in_dim3A_413 = arith.constant 64 : i32
        %broadcast_in_dim3A_414 = vector.broadcast %broadcast_in_dim3A_413 : i32 to vector<16xi32>
        %add3A_415 = vector.broadcast %scan3A_393 : i32 to vector<16xi32>
        %add3A_416 = arith.addi %broadcast_in_dim3A_414, %add3A_415 : vector<16xi32>
        %gather3A_417 = tpu.vector_load_idx %arg15[%add3A_277, %add3A_416] : memref<64x128xf32, #tpu.memory_space<vmem>>[vector<16xi32>, vector<16xi32>], vector<16xf32>,
        %gather3A_418 = tpu.vector_load_idx %arg16[%add3A_277, %add3A_416] : memref<64x256xf32, #tpu.memory_space<vmem>>[vector<16xi32>, vector<16xi32>], vector<16xf32>,
        %mul3A_419 = arith.mulf %gather3A_417, %gather3A_418 : vector<16xf32>
        %add3A_420 = arith.addf %scan3A_396, %mul3A_419 : vector<16xf32>
        %broadcast_in_dim3A_421 = arith.constant 96 : i32
        %broadcast_in_dim3A_422 = vector.broadcast %broadcast_in_dim3A_421 : i32 to vector<16xi32>
        %add3A_423 = vector.broadcast %scan3A_393 : i32 to vector<16xi32>
        %add3A_424 = arith.addi %broadcast_in_dim3A_422, %add3A_423 : vector<16xi32>
        %gather3A_425 = tpu.vector_load_idx %arg15[%add3A_277, %add3A_424] : memref<64x128xf32, #tpu.memory_space<vmem>>[vector<16xi32>, vector<16xi32>], vector<16xf32>,
        %gather3A_426 = tpu.vector_load_idx %arg16[%add3A_277, %add3A_424] : memref<64x256xf32, #tpu.memory_space<vmem>>[vector<16xi32>, vector<16xi32>], vector<16xf32>,
        %mul3A_427 = arith.mulf %gather3A_425, %gather3A_426 : vector<16xf32>
        %add3A_428 = arith.addf %scan3A_397, %mul3A_427 : vector<16xf32>
        scf.yield %add3A_404, %add3A_412, %add3A_420, %add3A_428 : vector<16xf32>, vector<16xf32>, vector<16xf32>, vector<16xf32>
      }
      %scan3A_283 = arith.constant 32 : i32
      %mul3A_284 = arith.constant 0.176776692 : f32
      %mul3A_285 = vector.broadcast %mul3A_284 : f32 to vector<16xf32>
      %mul3A_286 = arith.mulf %scan3A_282#0, %mul3A_285 : vector<16xf32>
      %exp3A_287 = math.exp %mul3A_286 : vector<16xf32>
      %mul3A_288 = arith.constant 0.176776692 : f32
      %mul3A_289 = vector.broadcast %mul3A_288 : f32 to vector<16xf32>
      %mul3A_290 = arith.mulf %scan3A_282#1, %mul3A_289 : vector<16xf32>
      %exp3A_291 = math.exp %mul3A_290 : vector<16xf32>
      %mul3A_292 = arith.constant 0.176776692 : f32
      %mul3A_293 = vector.broadcast %mul3A_292 : f32 to vector<16xf32>
      %mul3A_294 = arith.mulf %scan3A_282#2, %mul3A_293 : vector<16xf32>
      %exp3A_295 = math.exp %mul3A_294 : vector<16xf32>
      %mul3A_296 = arith.constant 0.176776692 : f32
      %mul3A_297 = vector.broadcast %mul3A_296 : f32 to vector<16xf32>
      %mul3A_298 = arith.mulf %scan3A_282#3, %mul3A_297 : vector<16xf32>
      %exp3A_299 = math.exp %mul3A_298 : vector<16xf32>
      %broadcast_in_dim3A_300 = arith.constant 128 : i32
      %broadcast_in_dim3A_301 = vector.broadcast %broadcast_in_dim3A_300 : i32 to vector<16xi32>
      tpu.vector_store_idx %arg17[%add3A_277, %broadcast_in_dim3A_301], %exp3A_287 : memref<64x144xf32, #tpu.memory_space<vmem>>[vector<16xi32>, vector<16xi32>], vector<16xf32>,
      %broadcast_in_dim3A_302 = arith.constant 129 : i32
      %broadcast_in_dim3A_303 = vector.broadcast %broadcast_in_dim3A_302 : i32 to vector<16xi32>
      tpu.vector_store_idx %arg17[%add3A_277, %broadcast_in_dim3A_303], %exp3A_291 : memref<64x144xf32, #tpu.memory_space<vmem>>[vector<16xi32>, vector<16xi32>], vector<16xf32>,
      %broadcast_in_dim3A_304 = arith.constant 130 : i32
      %broadcast_in_dim3A_305 = vector.broadcast %broadcast_in_dim3A_304 : i32 to vector<16xi32>
      tpu.vector_store_idx %arg17[%add3A_277, %broadcast_in_dim3A_305], %exp3A_295 : memref<64x144xf32, #tpu.memory_space<vmem>>[vector<16xi32>, vector<16xi32>], vector<16xf32>,
      %broadcast_in_dim3A_306 = arith.constant 131 : i32
      %broadcast_in_dim3A_307 = vector.broadcast %broadcast_in_dim3A_306 : i32 to vector<16xi32>
      tpu.vector_store_idx %arg17[%add3A_277, %broadcast_in_dim3A_307], %exp3A_299 : memref<64x144xf32, #tpu.memory_space<vmem>>[vector<16xi32>, vector<16xi32>], vector<16xf32>,
      %scan3A_308 = arith.constant 0 : i32
      %scan3A_309 = arith.constant 0 : i32
      %scan3A_310 = arith.constant 32 : i32
      %scan3A_311 = arith.addi %scan3A_309, %scan3A_310 : i32
      %scan3A_312 = arith.constant 1 : i32
      scf.for %scan3A_393 = %scan3A_309 to %scan3A_311 step %scan3A_312  : i32 {
        %broadcast_in_dim3A_394 = arith.constant 0 : i32
        %broadcast_in_dim3A_395 = vector.broadcast %broadcast_in_dim3A_394 : i32 to vector<16xi32>
        %add3A_396 = vector.broadcast %scan3A_393 : i32 to vector<16xi32>
        %add3A_397 = arith.addi %broadcast_in_dim3A_395, %add3A_396 : vector<16xi32>
        %add3A_398 = arith.constant 128 : i32
        %add3A_399 = vector.broadcast %add3A_398 : i32 to vector<16xi32>
        %add3A_400 = arith.addi %add3A_397, %add3A_399 : vector<16xi32>
        %gather3A = tpu.vector_load_idx %arg16[%add3A_277, %add3A_400] : memref<64x256xf32, #tpu.memory_space<vmem>>[vector<16xi32>, vector<16xi32>], vector<16xf32>,
        %mul3A_401 = arith.mulf %gather3A, %exp3A_287 : vector<16xf32>
        tpu.vector_store_idx %arg17[%add3A_277, %add3A_397], %mul3A_401 : memref<64x144xf32, #tpu.memory_space<vmem>>[vector<16xi32>, vector<16xi32>], vector<16xf32>,
        %broadcast_in_dim3A_402 = arith.constant 32 : i32
        %broadcast_in_dim3A_403 = vector.broadcast %broadcast_in_dim3A_402 : i32 to vector<16xi32>
        %add3A_404 = vector.broadcast %scan3A_393 : i32 to vector<16xi32>
        %add3A_405 = arith.addi %broadcast_in_dim3A_403, %add3A_404 : vector<16xi32>
        %add3A_406 = arith.constant 128 : i32
        %add3A_407 = vector.broadcast %add3A_406 : i32 to vector<16xi32>
        %add3A_408 = arith.addi %add3A_405, %add3A_407 : vector<16xi32>
        %gather3A_409 = tpu.vector_load_idx %arg16[%add3A_277, %add3A_408] : memref<64x256xf32, #tpu.memory_space<vmem>>[vector<16xi32>, vector<16xi32>], vector<16xf32>,
        %mul3A_410 = arith.mulf %gather3A_409, %exp3A_291 : vector<16xf32>
        tpu.vector_store_idx %arg17[%add3A_277, %add3A_405], %mul3A_410 : memref<64x144xf32, #tpu.memory_space<vmem>>[vector<16xi32>, vector<16xi32>], vector<16xf32>,
        %broadcast_in_dim3A_411 = arith.constant 64 : i32
        %broadcast_in_dim3A_412 = vector.broadcast %broadcast_in_dim3A_411 : i32 to vector<16xi32>
        %add3A_413 = vector.broadcast %scan3A_393 : i32 to vector<16xi32>
        %add3A_414 = arith.addi %broadcast_in_dim3A_412, %add3A_413 : vector<16xi32>
        %add3A_415 = arith.constant 128 : i32
        %add3A_416 = vector.broadcast %add3A_415 : i32 to vector<16xi32>
        %add3A_417 = arith.addi %add3A_414, %add3A_416 : vector<16xi32>
        %gather3A_418 = tpu.vector_load_idx %arg16[%add3A_277, %add3A_417] : memref<64x256xf32, #tpu.memory_space<vmem>>[vector<16xi32>, vector<16xi32>], vector<16xf32>,
        %mul3A_419 = arith.mulf %gather3A_418, %exp3A_295 : vector<16xf32>
        tpu.vector_store_idx %arg17[%add3A_277, %add3A_414], %mul3A_419 : memref<64x144xf32, #tpu.memory_space<vmem>>[vector<16xi32>, vector<16xi32>], vector<16xf32>,
        %broadcast_in_dim3A_420 = arith.constant 96 : i32
        %broadcast_in_dim3A_421 = vector.broadcast %broadcast_in_dim3A_420 : i32 to vector<16xi32>
        %add3A_422 = vector.broadcast %scan3A_393 : i32 to vector<16xi32>
        %add3A_423 = arith.addi %broadcast_in_dim3A_421, %add3A_422 : vector<16xi32>
        %add3A_424 = arith.constant 128 : i32
        %add3A_425 = vector.broadcast %add3A_424 : i32 to vector<16xi32>
        %add3A_426 = arith.addi %add3A_423, %add3A_425 : vector<16xi32>
        %gather3A_427 = tpu.vector_load_idx %arg16[%add3A_277, %add3A_426] : memref<64x256xf32, #tpu.memory_space<vmem>>[vector<16xi32>, vector<16xi32>], vector<16xf32>,
        %mul3A_428 = arith.mulf %gather3A_427, %exp3A_299 : vector<16xf32>
        tpu.vector_store_idx %arg17[%add3A_277, %add3A_423], %mul3A_428 : memref<64x144xf32, #tpu.memory_space<vmem>>[vector<16xi32>, vector<16xi32>], vector<16xf32>,
      }
      %scan3A_313 = arith.constant 32 : i32
      %add3A_314 = arith.constant 32 : i32
      %add3A_315 = vector.broadcast %add3A_314 : i32 to vector<16xi32>
      %add3A_316 = arith.addi %iota3A, %add3A_315 : vector<16xi32>
      %scan3A_317 = arith.constant 0 : i32
      %scan3A_318 = arith.constant 32 : i32
      %scan3A_319 = arith.addi %scan3A_317, %scan3A_318 : i32
      %scan3A_320 = arith.constant 1 : i32
      %scan3A_321:4 = scf.for %scan3A_393 = %scan3A_317 to %scan3A_319 step %scan3A_320 iter_args(%scan3A_394 = %broadcast_in_dim3A_5, %scan3A_395 = %broadcast_in_dim3A_5, %scan3A_396 = %broadcast_in_dim3A_5, %scan3A_397 = %broadcast_in_dim3A_5) -> (vector<16xf32>, vector<16xf32>, vector<16xf32>, vector<16xf32>)  : i32 {
        %broadcast_in_dim3A_398 = arith.constant 0 : i32
        %broadcast_in_dim3A_399 = vector.broadcast %broadcast_in_dim3A_398 : i32 to vector<16xi32>
        %add3A_400 = vector.broadcast %scan3A_393 : i32 to vector<16xi32>
        %add3A_401 = arith.addi %broadcast_in_dim3A_399, %add3A_400 : vector<16xi32>
        %gather3A = tpu.vector_load_idx %arg15[%add3A_316, %add3A_401] : memref<64x128xf32, #tpu.memory_space<vmem>>[vector<16xi32>, vector<16xi32>], vector<16xf32>,
        %gather3A_402 = tpu.vector_load_idx %arg16[%add3A_316, %add3A_401] : memref<64x256xf32, #tpu.memory_space<vmem>>[vector<16xi32>, vector<16xi32>], vector<16xf32>,
        %mul3A_403 = arith.mulf %gather3A, %gather3A_402 : vector<16xf32>
        %add3A_404 = arith.addf %scan3A_394, %mul3A_403 : vector<16xf32>
        %broadcast_in_dim3A_405 = arith.constant 32 : i32
        %broadcast_in_dim3A_406 = vector.broadcast %broadcast_in_dim3A_405 : i32 to vector<16xi32>
        %add3A_407 = vector.broadcast %scan3A_393 : i32 to vector<16xi32>
        %add3A_408 = arith.addi %broadcast_in_dim3A_406, %add3A_407 : vector<16xi32>
        %gather3A_409 = tpu.vector_load_idx %arg15[%add3A_316, %add3A_408] : memref<64x128xf32, #tpu.memory_space<vmem>>[vector<16xi32>, vector<16xi32>], vector<16xf32>,
        %gather3A_410 = tpu.vector_load_idx %arg16[%add3A_316, %add3A_408] : memref<64x256xf32, #tpu.memory_space<vmem>>[vector<16xi32>, vector<16xi32>], vector<16xf32>,
        %mul3A_411 = arith.mulf %gather3A_409, %gather3A_410 : vector<16xf32>
        %add3A_412 = arith.addf %scan3A_395, %mul3A_411 : vector<16xf32>
        %broadcast_in_dim3A_413 = arith.constant 64 : i32
        %broadcast_in_dim3A_414 = vector.broadcast %broadcast_in_dim3A_413 : i32 to vector<16xi32>
        %add3A_415 = vector.broadcast %scan3A_393 : i32 to vector<16xi32>
        %add3A_416 = arith.addi %broadcast_in_dim3A_414, %add3A_415 : vector<16xi32>
        %gather3A_417 = tpu.vector_load_idx %arg15[%add3A_316, %add3A_416] : memref<64x128xf32, #tpu.memory_space<vmem>>[vector<16xi32>, vector<16xi32>], vector<16xf32>,
        %gather3A_418 = tpu.vector_load_idx %arg16[%add3A_316, %add3A_416] : memref<64x256xf32, #tpu.memory_space<vmem>>[vector<16xi32>, vector<16xi32>], vector<16xf32>,
        %mul3A_419 = arith.mulf %gather3A_417, %gather3A_418 : vector<16xf32>
        %add3A_420 = arith.addf %scan3A_396, %mul3A_419 : vector<16xf32>
        %broadcast_in_dim3A_421 = arith.constant 96 : i32
        %broadcast_in_dim3A_422 = vector.broadcast %broadcast_in_dim3A_421 : i32 to vector<16xi32>
        %add3A_423 = vector.broadcast %scan3A_393 : i32 to vector<16xi32>
        %add3A_424 = arith.addi %broadcast_in_dim3A_422, %add3A_423 : vector<16xi32>
        %gather3A_425 = tpu.vector_load_idx %arg15[%add3A_316, %add3A_424] : memref<64x128xf32, #tpu.memory_space<vmem>>[vector<16xi32>, vector<16xi32>], vector<16xf32>,
        %gather3A_426 = tpu.vector_load_idx %arg16[%add3A_316, %add3A_424] : memref<64x256xf32, #tpu.memory_space<vmem>>[vector<16xi32>, vector<16xi32>], vector<16xf32>,
        %mul3A_427 = arith.mulf %gather3A_425, %gather3A_426 : vector<16xf32>
        %add3A_428 = arith.addf %scan3A_397, %mul3A_427 : vector<16xf32>
        scf.yield %add3A_404, %add3A_412, %add3A_420, %add3A_428 : vector<16xf32>, vector<16xf32>, vector<16xf32>, vector<16xf32>
      }
      %scan3A_322 = arith.constant 32 : i32
      %mul3A_323 = arith.constant 0.176776692 : f32
      %mul3A_324 = vector.broadcast %mul3A_323 : f32 to vector<16xf32>
      %mul3A_325 = arith.mulf %scan3A_321#0, %mul3A_324 : vector<16xf32>
      %exp3A_326 = math.exp %mul3A_325 : vector<16xf32>
      %mul3A_327 = arith.constant 0.176776692 : f32
      %mul3A_328 = vector.broadcast %mul3A_327 : f32 to vector<16xf32>
      %mul3A_329 = arith.mulf %scan3A_321#1, %mul3A_328 : vector<16xf32>
      %exp3A_330 = math.exp %mul3A_329 : vector<16xf32>
      %mul3A_331 = arith.constant 0.176776692 : f32
      %mul3A_332 = vector.broadcast %mul3A_331 : f32 to vector<16xf32>
      %mul3A_333 = arith.mulf %scan3A_321#2, %mul3A_332 : vector<16xf32>
      %exp3A_334 = math.exp %mul3A_333 : vector<16xf32>
      %mul3A_335 = arith.constant 0.176776692 : f32
      %mul3A_336 = vector.broadcast %mul3A_335 : f32 to vector<16xf32>
      %mul3A_337 = arith.mulf %scan3A_321#3, %mul3A_336 : vector<16xf32>
      %exp3A_338 = math.exp %mul3A_337 : vector<16xf32>
      %broadcast_in_dim3A_339 = arith.constant 128 : i32
      %broadcast_in_dim3A_340 = vector.broadcast %broadcast_in_dim3A_339 : i32 to vector<16xi32>
      tpu.vector_store_idx %arg17[%add3A_316, %broadcast_in_dim3A_340], %exp3A_326 : memref<64x144xf32, #tpu.memory_space<vmem>>[vector<16xi32>, vector<16xi32>], vector<16xf32>,
      %broadcast_in_dim3A_341 = arith.constant 129 : i32
      %broadcast_in_dim3A_342 = vector.broadcast %broadcast_in_dim3A_341 : i32 to vector<16xi32>
      tpu.vector_store_idx %arg17[%add3A_316, %broadcast_in_dim3A_342], %exp3A_330 : memref<64x144xf32, #tpu.memory_space<vmem>>[vector<16xi32>, vector<16xi32>], vector<16xf32>,
      %broadcast_in_dim3A_343 = arith.constant 130 : i32
      %broadcast_in_dim3A_344 = vector.broadcast %broadcast_in_dim3A_343 : i32 to vector<16xi32>
      tpu.vector_store_idx %arg17[%add3A_316, %broadcast_in_dim3A_344], %exp3A_334 : memref<64x144xf32, #tpu.memory_space<vmem>>[vector<16xi32>, vector<16xi32>], vector<16xf32>,
      %broadcast_in_dim3A_345 = arith.constant 131 : i32
      %broadcast_in_dim3A_346 = vector.broadcast %broadcast_in_dim3A_345 : i32 to vector<16xi32>
      tpu.vector_store_idx %arg17[%add3A_316, %broadcast_in_dim3A_346], %exp3A_338 : memref<64x144xf32, #tpu.memory_space<vmem>>[vector<16xi32>, vector<16xi32>], vector<16xf32>,
      %scan3A_347 = arith.constant 0 : i32
      %scan3A_348 = arith.constant 0 : i32
      %scan3A_349 = arith.constant 32 : i32
      %scan3A_350 = arith.addi %scan3A_348, %scan3A_349 : i32
      %scan3A_351 = arith.constant 1 : i32
      scf.for %scan3A_393 = %scan3A_348 to %scan3A_350 step %scan3A_351  : i32 {
        %broadcast_in_dim3A_394 = arith.constant 0 : i32
        %broadcast_in_dim3A_395 = vector.broadcast %broadcast_in_dim3A_394 : i32 to vector<16xi32>
        %add3A_396 = vector.broadcast %scan3A_393 : i32 to vector<16xi32>
        %add3A_397 = arith.addi %broadcast_in_dim3A_395, %add3A_396 : vector<16xi32>
        %add3A_398 = arith.constant 128 : i32
        %add3A_399 = vector.broadcast %add3A_398 : i32 to vector<16xi32>
        %add3A_400 = arith.addi %add3A_397, %add3A_399 : vector<16xi32>
        %gather3A = tpu.vector_load_idx %arg16[%add3A_316, %add3A_400] : memref<64x256xf32, #tpu.memory_space<vmem>>[vector<16xi32>, vector<16xi32>], vector<16xf32>,
        %mul3A_401 = arith.mulf %gather3A, %exp3A_326 : vector<16xf32>
        tpu.vector_store_idx %arg17[%add3A_316, %add3A_397], %mul3A_401 : memref<64x144xf32, #tpu.memory_space<vmem>>[vector<16xi32>, vector<16xi32>], vector<16xf32>,
        %broadcast_in_dim3A_402 = arith.constant 32 : i32
        %broadcast_in_dim3A_403 = vector.broadcast %broadcast_in_dim3A_402 : i32 to vector<16xi32>
        %add3A_404 = vector.broadcast %scan3A_393 : i32 to vector<16xi32>
        %add3A_405 = arith.addi %broadcast_in_dim3A_403, %add3A_404 : vector<16xi32>
        %add3A_406 = arith.constant 128 : i32
        %add3A_407 = vector.broadcast %add3A_406 : i32 to vector<16xi32>
        %add3A_408 = arith.addi %add3A_405, %add3A_407 : vector<16xi32>
        %gather3A_409 = tpu.vector_load_idx %arg16[%add3A_316, %add3A_408] : memref<64x256xf32, #tpu.memory_space<vmem>>[vector<16xi32>, vector<16xi32>], vector<16xf32>,
        %mul3A_410 = arith.mulf %gather3A_409, %exp3A_330 : vector<16xf32>
        tpu.vector_store_idx %arg17[%add3A_316, %add3A_405], %mul3A_410 : memref<64x144xf32, #tpu.memory_space<vmem>>[vector<16xi32>, vector<16xi32>], vector<16xf32>,
        %broadcast_in_dim3A_411 = arith.constant 64 : i32
        %broadcast_in_dim3A_412 = vector.broadcast %broadcast_in_dim3A_411 : i32 to vector<16xi32>
        %add3A_413 = vector.broadcast %scan3A_393 : i32 to vector<16xi32>
        %add3A_414 = arith.addi %broadcast_in_dim3A_412, %add3A_413 : vector<16xi32>
        %add3A_415 = arith.constant 128 : i32
        %add3A_416 = vector.broadcast %add3A_415 : i32 to vector<16xi32>
        %add3A_417 = arith.addi %add3A_414, %add3A_416 : vector<16xi32>
        %gather3A_418 = tpu.vector_load_idx %arg16[%add3A_316, %add3A_417] : memref<64x256xf32, #tpu.memory_space<vmem>>[vector<16xi32>, vector<16xi32>], vector<16xf32>,
        %mul3A_419 = arith.mulf %gather3A_418, %exp3A_334 : vector<16xf32>
        tpu.vector_store_idx %arg17[%add3A_316, %add3A_414], %mul3A_419 : memref<64x144xf32, #tpu.memory_space<vmem>>[vector<16xi32>, vector<16xi32>], vector<16xf32>,
        %broadcast_in_dim3A_420 = arith.constant 96 : i32
        %broadcast_in_dim3A_421 = vector.broadcast %broadcast_in_dim3A_420 : i32 to vector<16xi32>
        %add3A_422 = vector.broadcast %scan3A_393 : i32 to vector<16xi32>
        %add3A_423 = arith.addi %broadcast_in_dim3A_421, %add3A_422 : vector<16xi32>
        %add3A_424 = arith.constant 128 : i32
        %add3A_425 = vector.broadcast %add3A_424 : i32 to vector<16xi32>
        %add3A_426 = arith.addi %add3A_423, %add3A_425 : vector<16xi32>
        %gather3A_427 = tpu.vector_load_idx %arg16[%add3A_316, %add3A_426] : memref<64x256xf32, #tpu.memory_space<vmem>>[vector<16xi32>, vector<16xi32>], vector<16xf32>,
        %mul3A_428 = arith.mulf %gather3A_427, %exp3A_338 : vector<16xf32>
        tpu.vector_store_idx %arg17[%add3A_316, %add3A_423], %mul3A_428 : memref<64x144xf32, #tpu.memory_space<vmem>>[vector<16xi32>, vector<16xi32>], vector<16xf32>,
      }
      %scan3A_352 = arith.constant 32 : i32
      %add3A_353 = arith.constant 48 : i32
      %add3A_354 = vector.broadcast %add3A_353 : i32 to vector<16xi32>
      %add3A_355 = arith.addi %iota3A, %add3A_354 : vector<16xi32>
      %scan3A_356 = arith.constant 0 : i32
      %scan3A_357 = arith.constant 32 : i32
      %scan3A_358 = arith.addi %scan3A_356, %scan3A_357 : i32
      %scan3A_359 = arith.constant 1 : i32
      %scan3A_360:4 = scf.for %scan3A_393 = %scan3A_356 to %scan3A_358 step %scan3A_359 iter_args(%scan3A_394 = %broadcast_in_dim3A_5, %scan3A_395 = %broadcast_in_dim3A_5, %scan3A_396 = %broadcast_in_dim3A_5, %scan3A_397 = %broadcast_in_dim3A_5) -> (vector<16xf32>, vector<16xf32>, vector<16xf32>, vector<16xf32>)  : i32 {
        %broadcast_in_dim3A_398 = arith.constant 0 : i32
        %broadcast_in_dim3A_399 = vector.broadcast %broadcast_in_dim3A_398 : i32 to vector<16xi32>
        %add3A_400 = vector.broadcast %scan3A_393 : i32 to vector<16xi32>
        %add3A_401 = arith.addi %broadcast_in_dim3A_399, %add3A_400 : vector<16xi32>
        %gather3A = tpu.vector_load_idx %arg15[%add3A_355, %add3A_401] : memref<64x128xf32, #tpu.memory_space<vmem>>[vector<16xi32>, vector<16xi32>], vector<16xf32>,
        %gather3A_402 = tpu.vector_load_idx %arg16[%add3A_355, %add3A_401] : memref<64x256xf32, #tpu.memory_space<vmem>>[vector<16xi32>, vector<16xi32>], vector<16xf32>,
        %mul3A_403 = arith.mulf %gather3A, %gather3A_402 : vector<16xf32>
        %add3A_404 = arith.addf %scan3A_394, %mul3A_403 : vector<16xf32>
        %broadcast_in_dim3A_405 = arith.constant 32 : i32
        %broadcast_in_dim3A_406 = vector.broadcast %broadcast_in_dim3A_405 : i32 to vector<16xi32>
        %add3A_407 = vector.broadcast %scan3A_393 : i32 to vector<16xi32>
        %add3A_408 = arith.addi %broadcast_in_dim3A_406, %add3A_407 : vector<16xi32>
        %gather3A_409 = tpu.vector_load_idx %arg15[%add3A_355, %add3A_408] : memref<64x128xf32, #tpu.memory_space<vmem>>[vector<16xi32>, vector<16xi32>], vector<16xf32>,
        %gather3A_410 = tpu.vector_load_idx %arg16[%add3A_355, %add3A_408] : memref<64x256xf32, #tpu.memory_space<vmem>>[vector<16xi32>, vector<16xi32>], vector<16xf32>,
        %mul3A_411 = arith.mulf %gather3A_409, %gather3A_410 : vector<16xf32>
        %add3A_412 = arith.addf %scan3A_395, %mul3A_411 : vector<16xf32>
        %broadcast_in_dim3A_413 = arith.constant 64 : i32
        %broadcast_in_dim3A_414 = vector.broadcast %broadcast_in_dim3A_413 : i32 to vector<16xi32>
        %add3A_415 = vector.broadcast %scan3A_393 : i32 to vector<16xi32>
        %add3A_416 = arith.addi %broadcast_in_dim3A_414, %add3A_415 : vector<16xi32>
        %gather3A_417 = tpu.vector_load_idx %arg15[%add3A_355, %add3A_416] : memref<64x128xf32, #tpu.memory_space<vmem>>[vector<16xi32>, vector<16xi32>], vector<16xf32>,
        %gather3A_418 = tpu.vector_load_idx %arg16[%add3A_355, %add3A_416] : memref<64x256xf32, #tpu.memory_space<vmem>>[vector<16xi32>, vector<16xi32>], vector<16xf32>,
        %mul3A_419 = arith.mulf %gather3A_417, %gather3A_418 : vector<16xf32>
        %add3A_420 = arith.addf %scan3A_396, %mul3A_419 : vector<16xf32>
        %broadcast_in_dim3A_421 = arith.constant 96 : i32
        %broadcast_in_dim3A_422 = vector.broadcast %broadcast_in_dim3A_421 : i32 to vector<16xi32>
        %add3A_423 = vector.broadcast %scan3A_393 : i32 to vector<16xi32>
        %add3A_424 = arith.addi %broadcast_in_dim3A_422, %add3A_423 : vector<16xi32>
        %gather3A_425 = tpu.vector_load_idx %arg15[%add3A_355, %add3A_424] : memref<64x128xf32, #tpu.memory_space<vmem>>[vector<16xi32>, vector<16xi32>], vector<16xf32>,
        %gather3A_426 = tpu.vector_load_idx %arg16[%add3A_355, %add3A_424] : memref<64x256xf32, #tpu.memory_space<vmem>>[vector<16xi32>, vector<16xi32>], vector<16xf32>,
        %mul3A_427 = arith.mulf %gather3A_425, %gather3A_426 : vector<16xf32>
        %add3A_428 = arith.addf %scan3A_397, %mul3A_427 : vector<16xf32>
        scf.yield %add3A_404, %add3A_412, %add3A_420, %add3A_428 : vector<16xf32>, vector<16xf32>, vector<16xf32>, vector<16xf32>
      }
      %scan3A_361 = arith.constant 32 : i32
      %mul3A_362 = arith.constant 0.176776692 : f32
      %mul3A_363 = vector.broadcast %mul3A_362 : f32 to vector<16xf32>
      %mul3A_364 = arith.mulf %scan3A_360#0, %mul3A_363 : vector<16xf32>
      %exp3A_365 = math.exp %mul3A_364 : vector<16xf32>
      %mul3A_366 = arith.constant 0.176776692 : f32
      %mul3A_367 = vector.broadcast %mul3A_366 : f32 to vector<16xf32>
      %mul3A_368 = arith.mulf %scan3A_360#1, %mul3A_367 : vector<16xf32>
      %exp3A_369 = math.exp %mul3A_368 : vector<16xf32>
      %mul3A_370 = arith.constant 0.176776692 : f32
      %mul3A_371 = vector.broadcast %mul3A_370 : f32 to vector<16xf32>
      %mul3A_372 = arith.mulf %scan3A_360#2, %mul3A_371 : vector<16xf32>
      %exp3A_373 = math.exp %mul3A_372 : vector<16xf32>
      %mul3A_374 = arith.constant 0.176776692 : f32
      %mul3A_375 = vector.broadcast %mul3A_374 : f32 to vector<16xf32>
      %mul3A_376 = arith.mulf %scan3A_360#3, %mul3A_375 : vector<16xf32>
      %exp3A_377 = math.exp %mul3A_376 : vector<16xf32>
      %broadcast_in_dim3A_378 = arith.constant 128 : i32
      %broadcast_in_dim3A_379 = vector.broadcast %broadcast_in_dim3A_378 : i32 to vector<16xi32>
      tpu.vector_store_idx %arg17[%add3A_355, %broadcast_in_dim3A_379], %exp3A_365 : memref<64x144xf32, #tpu.memory_space<vmem>>[vector<16xi32>, vector<16xi32>], vector<16xf32>,
      %broadcast_in_dim3A_380 = arith.constant 129 : i32
      %broadcast_in_dim3A_381 = vector.broadcast %broadcast_in_dim3A_380 : i32 to vector<16xi32>
      tpu.vector_store_idx %arg17[%add3A_355, %broadcast_in_dim3A_381], %exp3A_369 : memref<64x144xf32, #tpu.memory_space<vmem>>[vector<16xi32>, vector<16xi32>], vector<16xf32>,
      %broadcast_in_dim3A_382 = arith.constant 130 : i32
      %broadcast_in_dim3A_383 = vector.broadcast %broadcast_in_dim3A_382 : i32 to vector<16xi32>
      tpu.vector_store_idx %arg17[%add3A_355, %broadcast_in_dim3A_383], %exp3A_373 : memref<64x144xf32, #tpu.memory_space<vmem>>[vector<16xi32>, vector<16xi32>], vector<16xf32>,
      %broadcast_in_dim3A_384 = arith.constant 131 : i32
      %broadcast_in_dim3A_385 = vector.broadcast %broadcast_in_dim3A_384 : i32 to vector<16xi32>
      tpu.vector_store_idx %arg17[%add3A_355, %broadcast_in_dim3A_385], %exp3A_377 : memref<64x144xf32, #tpu.memory_space<vmem>>[vector<16xi32>, vector<16xi32>], vector<16xf32>,
      %scan3A_386 = arith.constant 0 : i32
      %scan3A_387 = arith.constant 0 : i32
      %scan3A_388 = arith.constant 32 : i32
      %scan3A_389 = arith.addi %scan3A_387, %scan3A_388 : i32
      %scan3A_390 = arith.constant 1 : i32
      scf.for %scan3A_393 = %scan3A_387 to %scan3A_389 step %scan3A_390  : i32 {
        %broadcast_in_dim3A_394 = arith.constant 0 : i32
        %broadcast_in_dim3A_395 = vector.broadcast %broadcast_in_dim3A_394 : i32 to vector<16xi32>
        %add3A_396 = vector.broadcast %scan3A_393 : i32 to vector<16xi32>
        %add3A_397 = arith.addi %broadcast_in_dim3A_395, %add3A_396 : vector<16xi32>
        %add3A_398 = arith.constant 128 : i32
        %add3A_399 = vector.broadcast %add3A_398 : i32 to vector<16xi32>
        %add3A_400 = arith.addi %add3A_397, %add3A_399 : vector<16xi32>
        %gather3A = tpu.vector_load_idx %arg16[%add3A_355, %add3A_400] : memref<64x256xf32, #tpu.memory_space<vmem>>[vector<16xi32>, vector<16xi32>], vector<16xf32>,
        %mul3A_401 = arith.mulf %gather3A, %exp3A_365 : vector<16xf32>
        tpu.vector_store_idx %arg17[%add3A_355, %add3A_397], %mul3A_401 : memref<64x144xf32, #tpu.memory_space<vmem>>[vector<16xi32>, vector<16xi32>], vector<16xf32>,
        %broadcast_in_dim3A_402 = arith.constant 32 : i32
        %broadcast_in_dim3A_403 = vector.broadcast %broadcast_in_dim3A_402 : i32 to vector<16xi32>
        %add3A_404 = vector.broadcast %scan3A_393 : i32 to vector<16xi32>
        %add3A_405 = arith.addi %broadcast_in_dim3A_403, %add3A_404 : vector<16xi32>
        %add3A_406 = arith.constant 128 : i32
        %add3A_407 = vector.broadcast %add3A_406 : i32 to vector<16xi32>
        %add3A_408 = arith.addi %add3A_405, %add3A_407 : vector<16xi32>
        %gather3A_409 = tpu.vector_load_idx %arg16[%add3A_355, %add3A_408] : memref<64x256xf32, #tpu.memory_space<vmem>>[vector<16xi32>, vector<16xi32>], vector<16xf32>,
        %mul3A_410 = arith.mulf %gather3A_409, %exp3A_369 : vector<16xf32>
        tpu.vector_store_idx %arg17[%add3A_355, %add3A_405], %mul3A_410 : memref<64x144xf32, #tpu.memory_space<vmem>>[vector<16xi32>, vector<16xi32>], vector<16xf32>,
        %broadcast_in_dim3A_411 = arith.constant 64 : i32
        %broadcast_in_dim3A_412 = vector.broadcast %broadcast_in_dim3A_411 : i32 to vector<16xi32>
        %add3A_413 = vector.broadcast %scan3A_393 : i32 to vector<16xi32>
        %add3A_414 = arith.addi %broadcast_in_dim3A_412, %add3A_413 : vector<16xi32>
        %add3A_415 = arith.constant 128 : i32
        %add3A_416 = vector.broadcast %add3A_415 : i32 to vector<16xi32>
        %add3A_417 = arith.addi %add3A_414, %add3A_416 : vector<16xi32>
        %gather3A_418 = tpu.vector_load_idx %arg16[%add3A_355, %add3A_417] : memref<64x256xf32, #tpu.memory_space<vmem>>[vector<16xi32>, vector<16xi32>], vector<16xf32>,
        %mul3A_419 = arith.mulf %gather3A_418, %exp3A_373 : vector<16xf32>
        tpu.vector_store_idx %arg17[%add3A_355, %add3A_414], %mul3A_419 : memref<64x144xf32, #tpu.memory_space<vmem>>[vector<16xi32>, vector<16xi32>], vector<16xf32>,
        %broadcast_in_dim3A_420 = arith.constant 96 : i32
        %broadcast_in_dim3A_421 = vector.broadcast %broadcast_in_dim3A_420 : i32 to vector<16xi32>
        %add3A_422 = vector.broadcast %scan3A_393 : i32 to vector<16xi32>
        %add3A_423 = arith.addi %broadcast_in_dim3A_421, %add3A_422 : vector<16xi32>
        %add3A_424 = arith.constant 128 : i32
        %add3A_425 = vector.broadcast %add3A_424 : i32 to vector<16xi32>
        %add3A_426 = arith.addi %add3A_423, %add3A_425 : vector<16xi32>
        %gather3A_427 = tpu.vector_load_idx %arg16[%add3A_355, %add3A_426] : memref<64x256xf32, #tpu.memory_space<vmem>>[vector<16xi32>, vector<16xi32>], vector<16xf32>,
        %mul3A_428 = arith.mulf %gather3A_427, %exp3A_377 : vector<16xf32>
        tpu.vector_store_idx %arg17[%add3A_355, %add3A_423], %mul3A_428 : memref<64x144xf32, #tpu.memory_space<vmem>>[vector<16xi32>, vector<16xi32>], vector<16xf32>,
      }
      %scan3A_391 = arith.constant 32 : i32
      "tpu.region"() ({
        %run_scoped3A = tpu.sem_alloc : memref<!tpu.dma_semaphore, #tpu.memory_space<semaphore_mem>>
        %dma_start3A = arith.constant 0 : i32
        %dma_start3A_393 = arith.constant 0 : i32
        %dma_start3A_394 = tpu.memref_slice %arg18[%dma_start3A, %dma_start3A_393] : memref<10240x144xf32, #tpu.memory_space<vmem_shared>> -> memref<10240x144xf32, #tpu.memory_space<vmem_shared>>
        tpu.enqueue_indirect_dma source(%arg17 : memref<64x144xf32, #tpu.memory_space<vmem>>) target(%dma_start3A_394 : memref<10240x144xf32, #tpu.memory_space<vmem_shared>>) offsets(%arg14 : memref<64xi32, #tpu.memory_space<vmem>>) semaphore(%run_scoped3A : memref<!tpu.dma_semaphore, #tpu.memory_space<semaphore_mem>>) {add = true}
        %dma_wait3A = arith.constant 0 : i32
        %dma_wait3A_395 = arith.constant 0 : i32
        %dma_wait3A_396 = tpu.memref_slice %arg18[%dma_wait3A, %dma_wait3A_395] : memref<10240x144xf32, #tpu.memory_space<vmem_shared>> -> memref<10240x144xf32, #tpu.memory_space<vmem_shared>>
        tpu.wait_indirect_dma semaphore(%run_scoped3A : memref<!tpu.dma_semaphore, #tpu.memory_space<semaphore_mem>>) src(%arg17 : memref<64x144xf32, #tpu.memory_space<vmem>>) dst(%dma_wait3A_396 : memref<10240x144xf32, #tpu.memory_space<vmem_shared>>)
        tpu.yield
      }) : () -> ()
      %scan3A_392 = arith.constant 0 : i32
      scf.yield %scan3A_392 : i32
    }
    %scan3A_38 = arith.constant 157 : i32
    %barrier3A_39 = arith.constant 0 : index
    tpu.barrier barrier_id(%barrier3A_39)
    %add3A_40 = arith.constant 0 : i32
    %add3A_41 = arith.addi %mul3A_4, %add3A_40 : i32
    %add3A_42 = arith.constant 0 : i32
    %add3A_43 = arith.addi %mul3A_4, %add3A_42 : i32
    "tpu.region"() ({
      %run_scoped3A = tpu.sem_alloc : memref<!tpu.dma_semaphore, #tpu.memory_space<semaphore_mem>>
      %dma_start3A = arith.constant 0 : i32
      %dma_start3A_232 = tpu.memref_slice %arg9[%arg0, %add3A_43, %dma_start3A] : memref<2x10240x144xf32, #tpu.memory_space<hbm>> -> memref<1x128x144xf32, #tpu.memory_space<hbm>>
      %dma_start3A_233 = tpu.memref_squeeze %dma_start3A_232 : memref<1x128x144xf32, #tpu.memory_space<hbm>> -> memref<128x144xf32, #tpu.memory_space<hbm>>
      %dma_start3A_234 = arith.constant 0 : i32
      %dma_start3A_235 = tpu.memref_slice %arg18[%add3A_41, %dma_start3A_234] : memref<10240x144xf32, #tpu.memory_space<vmem_shared>> -> memref<128x144xf32, #tpu.memory_space<vmem_shared>>
      tpu.enqueue_dma source(%dma_start3A_235 : memref<128x144xf32, #tpu.memory_space<vmem_shared>>) target(%dma_start3A_233 : memref<128x144xf32, #tpu.memory_space<hbm>>) target_semaphore(%run_scoped3A : memref<!tpu.dma_semaphore, #tpu.memory_space<semaphore_mem>>)
      %dma_wait3A = arith.constant 0 : i32
      %dma_wait3A_236 = tpu.memref_slice %arg9[%arg0, %add3A_43, %dma_wait3A] : memref<2x10240x144xf32, #tpu.memory_space<hbm>> -> memref<1x128x144xf32, #tpu.memory_space<hbm>>
      %dma_wait3A_237 = tpu.memref_squeeze %dma_wait3A_236 : memref<1x128x144xf32, #tpu.memory_space<hbm>> -> memref<128x144xf32, #tpu.memory_space<hbm>>
      %dma_wait3A_238 = arith.constant 0 : i32
      %dma_wait3A_239 = tpu.memref_slice %arg18[%add3A_41, %dma_wait3A_238] : memref<10240x144xf32, #tpu.memory_space<vmem_shared>> -> memref<128x144xf32, #tpu.memory_space<vmem_shared>>
      tpu.wait_dma2 semaphore(%run_scoped3A : memref<!tpu.dma_semaphore, #tpu.memory_space<semaphore_mem>>) src(%dma_wait3A_239 : memref<128x144xf32, #tpu.memory_space<vmem_shared>>) dst(%dma_wait3A_237 : memref<128x144xf32, #tpu.memory_space<hbm>>)
      tpu.yield
    }) : () -> ()
    %add3A_44 = arith.constant 128 : i32
    %add3A_45 = arith.addi %mul3A_4, %add3A_44 : i32
    %add3A_46 = arith.constant 128 : i32
    %add3A_47 = arith.addi %mul3A_4, %add3A_46 : i32
    "tpu.region"() ({
      %run_scoped3A = tpu.sem_alloc : memref<!tpu.dma_semaphore, #tpu.memory_space<semaphore_mem>>
      %dma_start3A = arith.constant 0 : i32
      %dma_start3A_232 = tpu.memref_slice %arg9[%arg0, %add3A_47, %dma_start3A] : memref<2x10240x144xf32, #tpu.memory_space<hbm>> -> memref<1x128x144xf32, #tpu.memory_space<hbm>>
      %dma_start3A_233 = tpu.memref_squeeze %dma_start3A_232 : memref<1x128x144xf32, #tpu.memory_space<hbm>> -> memref<128x144xf32, #tpu.memory_space<hbm>>
      %dma_start3A_234 = arith.constant 0 : i32
      %dma_start3A_235 = tpu.memref_slice %arg18[%add3A_45, %dma_start3A_234] : memref<10240x144xf32, #tpu.memory_space<vmem_shared>> -> memref<128x144xf32, #tpu.memory_space<vmem_shared>>
      tpu.enqueue_dma source(%dma_start3A_235 : memref<128x144xf32, #tpu.memory_space<vmem_shared>>) target(%dma_start3A_233 : memref<128x144xf32, #tpu.memory_space<hbm>>) target_semaphore(%run_scoped3A : memref<!tpu.dma_semaphore, #tpu.memory_space<semaphore_mem>>)
      %dma_wait3A = arith.constant 0 : i32
      %dma_wait3A_236 = tpu.memref_slice %arg9[%arg0, %add3A_47, %dma_wait3A] : memref<2x10240x144xf32, #tpu.memory_space<hbm>> -> memref<1x128x144xf32, #tpu.memory_space<hbm>>
      %dma_wait3A_237 = tpu.memref_squeeze %dma_wait3A_236 : memref<1x128x144xf32, #tpu.memory_space<hbm>> -> memref<128x144xf32, #tpu.memory_space<hbm>>
      %dma_wait3A_238 = arith.constant 0 : i32
      %dma_wait3A_239 = tpu.memref_slice %arg18[%add3A_45, %dma_wait3A_238] : memref<10240x144xf32, #tpu.memory_space<vmem_shared>> -> memref<128x144xf32, #tpu.memory_space<vmem_shared>>
      tpu.wait_dma2 semaphore(%run_scoped3A : memref<!tpu.dma_semaphore, #tpu.memory_space<semaphore_mem>>) src(%dma_wait3A_239 : memref<128x144xf32, #tpu.memory_space<vmem_shared>>) dst(%dma_wait3A_237 : memref<128x144xf32, #tpu.memory_space<hbm>>)
      tpu.yield
    }) : () -> ()
    %add3A_48 = arith.constant 256 : i32
    %add3A_49 = arith.addi %mul3A_4, %add3A_48 : i32
    %add3A_50 = arith.constant 256 : i32
    %add3A_51 = arith.addi %mul3A_4, %add3A_50 : i32
    "tpu.region"() ({
      %run_scoped3A = tpu.sem_alloc : memref<!tpu.dma_semaphore, #tpu.memory_space<semaphore_mem>>
      %dma_start3A = arith.constant 0 : i32
      %dma_start3A_232 = tpu.memref_slice %arg9[%arg0, %add3A_51, %dma_start3A] : memref<2x10240x144xf32, #tpu.memory_space<hbm>> -> memref<1x128x144xf32, #tpu.memory_space<hbm>>
      %dma_start3A_233 = tpu.memref_squeeze %dma_start3A_232 : memref<1x128x144xf32, #tpu.memory_space<hbm>> -> memref<128x144xf32, #tpu.memory_space<hbm>>
      %dma_start3A_234 = arith.constant 0 : i32
      %dma_start3A_235 = tpu.memref_slice %arg18[%add3A_49, %dma_start3A_234] : memref<10240x144xf32, #tpu.memory_space<vmem_shared>> -> memref<128x144xf32, #tpu.memory_space<vmem_shared>>
      tpu.enqueue_dma source(%dma_start3A_235 : memref<128x144xf32, #tpu.memory_space<vmem_shared>>) target(%dma_start3A_233 : memref<128x144xf32, #tpu.memory_space<hbm>>) target_semaphore(%run_scoped3A : memref<!tpu.dma_semaphore, #tpu.memory_space<semaphore_mem>>)
      %dma_wait3A = arith.constant 0 : i32
      %dma_wait3A_236 = tpu.memref_slice %arg9[%arg0, %add3A_51, %dma_wait3A] : memref<2x10240x144xf32, #tpu.memory_space<hbm>> -> memref<1x128x144xf32, #tpu.memory_space<hbm>>
      %dma_wait3A_237 = tpu.memref_squeeze %dma_wait3A_236 : memref<1x128x144xf32, #tpu.memory_space<hbm>> -> memref<128x144xf32, #tpu.memory_space<hbm>>
      %dma_wait3A_238 = arith.constant 0 : i32
      %dma_wait3A_239 = tpu.memref_slice %arg18[%add3A_49, %dma_wait3A_238] : memref<10240x144xf32, #tpu.memory_space<vmem_shared>> -> memref<128x144xf32, #tpu.memory_space<vmem_shared>>
      tpu.wait_dma2 semaphore(%run_scoped3A : memref<!tpu.dma_semaphore, #tpu.memory_space<semaphore_mem>>) src(%dma_wait3A_239 : memref<128x144xf32, #tpu.memory_space<vmem_shared>>) dst(%dma_wait3A_237 : memref<128x144xf32, #tpu.memory_space<hbm>>)
      tpu.yield
    }) : () -> ()
    %add3A_52 = arith.constant 384 : i32
    %add3A_53 = arith.addi %mul3A_4, %add3A_52 : i32
    %add3A_54 = arith.constant 384 : i32
    %add3A_55 = arith.addi %mul3A_4, %add3A_54 : i32
    "tpu.region"() ({
      %run_scoped3A = tpu.sem_alloc : memref<!tpu.dma_semaphore, #tpu.memory_space<semaphore_mem>>
      %dma_start3A = arith.constant 0 : i32
      %dma_start3A_232 = tpu.memref_slice %arg9[%arg0, %add3A_55, %dma_start3A] : memref<2x10240x144xf32, #tpu.memory_space<hbm>> -> memref<1x128x144xf32, #tpu.memory_space<hbm>>
      %dma_start3A_233 = tpu.memref_squeeze %dma_start3A_232 : memref<1x128x144xf32, #tpu.memory_space<hbm>> -> memref<128x144xf32, #tpu.memory_space<hbm>>
      %dma_start3A_234 = arith.constant 0 : i32
      %dma_start3A_235 = tpu.memref_slice %arg18[%add3A_53, %dma_start3A_234] : memref<10240x144xf32, #tpu.memory_space<vmem_shared>> -> memref<128x144xf32, #tpu.memory_space<vmem_shared>>
      tpu.enqueue_dma source(%dma_start3A_235 : memref<128x144xf32, #tpu.memory_space<vmem_shared>>) target(%dma_start3A_233 : memref<128x144xf32, #tpu.memory_space<hbm>>) target_semaphore(%run_scoped3A : memref<!tpu.dma_semaphore, #tpu.memory_space<semaphore_mem>>)
      %dma_wait3A = arith.constant 0 : i32
      %dma_wait3A_236 = tpu.memref_slice %arg9[%arg0, %add3A_55, %dma_wait3A] : memref<2x10240x144xf32, #tpu.memory_space<hbm>> -> memref<1x128x144xf32, #tpu.memory_space<hbm>>
      %dma_wait3A_237 = tpu.memref_squeeze %dma_wait3A_236 : memref<1x128x144xf32, #tpu.memory_space<hbm>> -> memref<128x144xf32, #tpu.memory_space<hbm>>
      %dma_wait3A_238 = arith.constant 0 : i32
      %dma_wait3A_239 = tpu.memref_slice %arg18[%add3A_53, %dma_wait3A_238] : memref<10240x144xf32, #tpu.memory_space<vmem_shared>> -> memref<128x144xf32, #tpu.memory_space<vmem_shared>>
      tpu.wait_dma2 semaphore(%run_scoped3A : memref<!tpu.dma_semaphore, #tpu.memory_space<semaphore_mem>>) src(%dma_wait3A_239 : memref<128x144xf32, #tpu.memory_space<vmem_shared>>) dst(%dma_wait3A_237 : memref<128x144xf32, #tpu.memory_space<hbm>>)
      tpu.yield
    }) : () -> ()
    %add3A_56 = arith.constant 512 : i32
    %add3A_57 = arith.addi %mul3A_4, %add3A_56 : i32
    %add3A_58 = arith.constant 512 : i32
    %add3A_59 = arith.addi %mul3A_4, %add3A_58 : i32
    "tpu.region"() ({
      %run_scoped3A = tpu.sem_alloc : memref<!tpu.dma_semaphore, #tpu.memory_space<semaphore_mem>>
      %dma_start3A = arith.constant 0 : i32
      %dma_start3A_232 = tpu.memref_slice %arg9[%arg0, %add3A_59, %dma_start3A] : memref<2x10240x144xf32, #tpu.memory_space<hbm>> -> memref<1x128x144xf32, #tpu.memory_space<hbm>>
      %dma_start3A_233 = tpu.memref_squeeze %dma_start3A_232 : memref<1x128x144xf32, #tpu.memory_space<hbm>> -> memref<128x144xf32, #tpu.memory_space<hbm>>
      %dma_start3A_234 = arith.constant 0 : i32
      %dma_start3A_235 = tpu.memref_slice %arg18[%add3A_57, %dma_start3A_234] : memref<10240x144xf32, #tpu.memory_space<vmem_shared>> -> memref<128x144xf32, #tpu.memory_space<vmem_shared>>
      tpu.enqueue_dma source(%dma_start3A_235 : memref<128x144xf32, #tpu.memory_space<vmem_shared>>) target(%dma_start3A_233 : memref<128x144xf32, #tpu.memory_space<hbm>>) target_semaphore(%run_scoped3A : memref<!tpu.dma_semaphore, #tpu.memory_space<semaphore_mem>>)
      %dma_wait3A = arith.constant 0 : i32
      %dma_wait3A_236 = tpu.memref_slice %arg9[%arg0, %add3A_59, %dma_wait3A] : memref<2x10240x144xf32, #tpu.memory_space<hbm>> -> memref<1x128x144xf32, #tpu.memory_space<hbm>>
      %dma_wait3A_237 = tpu.memref_squeeze %dma_wait3A_236 : memref<1x128x144xf32, #tpu.memory_space<hbm>> -> memref<128x144xf32, #tpu.memory_space<hbm>>
      %dma_wait3A_238 = arith.constant 0 : i32
      %dma_wait3A_239 = tpu.memref_slice %arg18[%add3A_57, %dma_wait3A_238] : memref<10240x144xf32, #tpu.memory_space<vmem_shared>> -> memref<128x144xf32, #tpu.memory_space<vmem_shared>>
      tpu.wait_dma2 semaphore(%run_scoped3A : memref<!tpu.dma_semaphore, #tpu.memory_space<semaphore_mem>>) src(%dma_wait3A_239 : memref<128x144xf32, #tpu.memory_space<vmem_shared>>) dst(%dma_wait3A_237 : memref<128x144xf32, #tpu.memory_space<hbm>>)
      tpu.yield
    }) : () -> ()
    %barrier3A_60 = arith.constant 0 : index
    tpu.barrier barrier_id(%barrier3A_60)
    %scan3A_61 = arith.constant 0 : i32
    %scan3A_62 = arith.constant 0 : i32
    %scan3A_63 = arith.constant 64 : i32
    %scan3A_64 = arith.addi %scan3A_62, %scan3A_63 : i32
    %scan3A_65 = arith.constant 1 : i32
    %scan3A_66 = scf.for %scan3A_232 = %scan3A_62 to %scan3A_64 step %scan3A_65 iter_args(%scan3A_233 = %scan3A_61) -> (i32)  : i32 {
      %swap3A = arith.index_cast %scan3A_232 : i32 to index
      %swap3A_234 = arith.constant 0 : index
      %swap3A_235 = tpu.vector_load %arg17[%swap3A, %swap3A_234] {strides = array<i32>} : memref<64x144xf32, #tpu.memory_space<vmem>>, vector<16xf32>,
      tpu.vector_store %arg17[%swap3A, %swap3A_234], %broadcast_in_dim3A_5 {strides = array<i32>} : memref<64x144xf32, #tpu.memory_space<vmem>>, vector<16xf32>,
      %swap3A_236 = arith.index_cast %scan3A_232 : i32 to index
      %swap3A_237 = arith.constant 16 : index
      %swap3A_238 = tpu.vector_load %arg17[%swap3A_236, %swap3A_237] {strides = array<i32>} : memref<64x144xf32, #tpu.memory_space<vmem>>, vector<16xf32>,
      tpu.vector_store %arg17[%swap3A_236, %swap3A_237], %broadcast_in_dim3A_5 {strides = array<i32>} : memref<64x144xf32, #tpu.memory_space<vmem>>, vector<16xf32>,
      %swap3A_239 = arith.index_cast %scan3A_232 : i32 to index
      %swap3A_240 = arith.constant 32 : index
      %swap3A_241 = tpu.vector_load %arg17[%swap3A_239, %swap3A_240] {strides = array<i32>} : memref<64x144xf32, #tpu.memory_space<vmem>>, vector<16xf32>,
      tpu.vector_store %arg17[%swap3A_239, %swap3A_240], %broadcast_in_dim3A_5 {strides = array<i32>} : memref<64x144xf32, #tpu.memory_space<vmem>>, vector<16xf32>,
      %swap3A_242 = arith.index_cast %scan3A_232 : i32 to index
      %swap3A_243 = arith.constant 48 : index
      %swap3A_244 = tpu.vector_load %arg17[%swap3A_242, %swap3A_243] {strides = array<i32>} : memref<64x144xf32, #tpu.memory_space<vmem>>, vector<16xf32>,
      tpu.vector_store %arg17[%swap3A_242, %swap3A_243], %broadcast_in_dim3A_5 {strides = array<i32>} : memref<64x144xf32, #tpu.memory_space<vmem>>, vector<16xf32>,
      %swap3A_245 = arith.index_cast %scan3A_232 : i32 to index
      %swap3A_246 = arith.constant 64 : index
      %swap3A_247 = tpu.vector_load %arg17[%swap3A_245, %swap3A_246] {strides = array<i32>} : memref<64x144xf32, #tpu.memory_space<vmem>>, vector<16xf32>,
      tpu.vector_store %arg17[%swap3A_245, %swap3A_246], %broadcast_in_dim3A_5 {strides = array<i32>} : memref<64x144xf32, #tpu.memory_space<vmem>>, vector<16xf32>,
      %swap3A_248 = arith.index_cast %scan3A_232 : i32 to index
      %swap3A_249 = arith.constant 80 : index
      %swap3A_250 = tpu.vector_load %arg17[%swap3A_248, %swap3A_249] {strides = array<i32>} : memref<64x144xf32, #tpu.memory_space<vmem>>, vector<16xf32>,
      tpu.vector_store %arg17[%swap3A_248, %swap3A_249], %broadcast_in_dim3A_5 {strides = array<i32>} : memref<64x144xf32, #tpu.memory_space<vmem>>, vector<16xf32>,
      %swap3A_251 = arith.index_cast %scan3A_232 : i32 to index
      %swap3A_252 = arith.constant 96 : index
      %swap3A_253 = tpu.vector_load %arg17[%swap3A_251, %swap3A_252] {strides = array<i32>} : memref<64x144xf32, #tpu.memory_space<vmem>>, vector<16xf32>,
      tpu.vector_store %arg17[%swap3A_251, %swap3A_252], %broadcast_in_dim3A_5 {strides = array<i32>} : memref<64x144xf32, #tpu.memory_space<vmem>>, vector<16xf32>,
      %swap3A_254 = arith.index_cast %scan3A_232 : i32 to index
      %swap3A_255 = arith.constant 112 : index
      %swap3A_256 = tpu.vector_load %arg17[%swap3A_254, %swap3A_255] {strides = array<i32>} : memref<64x144xf32, #tpu.memory_space<vmem>>, vector<16xf32>,
      tpu.vector_store %arg17[%swap3A_254, %swap3A_255], %broadcast_in_dim3A_5 {strides = array<i32>} : memref<64x144xf32, #tpu.memory_space<vmem>>, vector<16xf32>,
      %swap3A_257 = arith.index_cast %scan3A_232 : i32 to index
      %swap3A_258 = arith.constant 128 : index
      %swap3A_259 = tpu.vector_load %arg17[%swap3A_257, %swap3A_258] {strides = array<i32>} : memref<64x144xf32, #tpu.memory_space<vmem>>, vector<16xf32>,
      tpu.vector_store %arg17[%swap3A_257, %swap3A_258], %broadcast_in_dim3A_5 {strides = array<i32>} : memref<64x144xf32, #tpu.memory_space<vmem>>, vector<16xf32>,
      %scan3A_260 = arith.constant 0 : i32
      scf.yield %scan3A_260 : i32
    }
    %scan3A_67 = arith.constant 64 : i32
    %add3A_68 = arith.constant 0 : i32
    %add3A_69 = arith.addi %mul3A_4, %add3A_68 : i32
    "tpu.region"() ({
      %run_scoped3A = tpu.sem_alloc : memref<!tpu.dma_semaphore, #tpu.memory_space<semaphore_mem>>
      %dma_start3A = arith.constant 0 : i32
      %dma_start3A_232 = tpu.memref_slice %arg18[%add3A_69, %dma_start3A] : memref<10240x144xf32, #tpu.memory_space<vmem_shared>> -> memref<64x144xf32, #tpu.memory_space<vmem_shared>>
      %dma_start3A_233 = arith.constant 0 : i32
      %dma_start3A_234 = tpu.memref_slice %arg18[%add3A_69, %dma_start3A_233] : memref<10240x144xf32, #tpu.memory_space<vmem_shared>> -> memref<64x144xf32, #tpu.memory_space<vmem_shared>>
      tpu.enqueue_dma source(%arg17 : memref<64x144xf32, #tpu.memory_space<vmem>>) target(%dma_start3A_234 : memref<64x144xf32, #tpu.memory_space<vmem_shared>>) target_semaphore(%run_scoped3A : memref<!tpu.dma_semaphore, #tpu.memory_space<semaphore_mem>>)
      %dma_wait3A = arith.constant 0 : i32
      %dma_wait3A_235 = tpu.memref_slice %arg18[%add3A_69, %dma_wait3A] : memref<10240x144xf32, #tpu.memory_space<vmem_shared>> -> memref<64x144xf32, #tpu.memory_space<vmem_shared>>
      %dma_wait3A_236 = arith.constant 0 : i32
      %dma_wait3A_237 = tpu.memref_slice %arg18[%add3A_69, %dma_wait3A_236] : memref<10240x144xf32, #tpu.memory_space<vmem_shared>> -> memref<64x144xf32, #tpu.memory_space<vmem_shared>>
      tpu.wait_dma2 semaphore(%run_scoped3A : memref<!tpu.dma_semaphore, #tpu.memory_space<semaphore_mem>>) src(%arg17 : memref<64x144xf32, #tpu.memory_space<vmem>>) dst(%dma_wait3A_237 : memref<64x144xf32, #tpu.memory_space<vmem_shared>>)
      tpu.yield
    }) : () -> ()
    %add3A_70 = arith.constant 64 : i32
    %add3A_71 = arith.addi %mul3A_4, %add3A_70 : i32
    "tpu.region"() ({
      %run_scoped3A = tpu.sem_alloc : memref<!tpu.dma_semaphore, #tpu.memory_space<semaphore_mem>>
      %dma_start3A = arith.constant 0 : i32
      %dma_start3A_232 = tpu.memref_slice %arg18[%add3A_71, %dma_start3A] : memref<10240x144xf32, #tpu.memory_space<vmem_shared>> -> memref<64x144xf32, #tpu.memory_space<vmem_shared>>
      %dma_start3A_233 = arith.constant 0 : i32
      %dma_start3A_234 = tpu.memref_slice %arg18[%add3A_71, %dma_start3A_233] : memref<10240x144xf32, #tpu.memory_space<vmem_shared>> -> memref<64x144xf32, #tpu.memory_space<vmem_shared>>
      tpu.enqueue_dma source(%arg17 : memref<64x144xf32, #tpu.memory_space<vmem>>) target(%dma_start3A_234 : memref<64x144xf32, #tpu.memory_space<vmem_shared>>) target_semaphore(%run_scoped3A : memref<!tpu.dma_semaphore, #tpu.memory_space<semaphore_mem>>)
      %dma_wait3A = arith.constant 0 : i32
      %dma_wait3A_235 = tpu.memref_slice %arg18[%add3A_71, %dma_wait3A] : memref<10240x144xf32, #tpu.memory_space<vmem_shared>> -> memref<64x144xf32, #tpu.memory_space<vmem_shared>>
      %dma_wait3A_236 = arith.constant 0 : i32
      %dma_wait3A_237 = tpu.memref_slice %arg18[%add3A_71, %dma_wait3A_236] : memref<10240x144xf32, #tpu.memory_space<vmem_shared>> -> memref<64x144xf32, #tpu.memory_space<vmem_shared>>
      tpu.wait_dma2 semaphore(%run_scoped3A : memref<!tpu.dma_semaphore, #tpu.memory_space<semaphore_mem>>) src(%arg17 : memref<64x144xf32, #tpu.memory_space<vmem>>) dst(%dma_wait3A_237 : memref<64x144xf32, #tpu.memory_space<vmem_shared>>)
      tpu.yield
    }) : () -> ()
    %add3A_72 = arith.constant 128 : i32
    %add3A_73 = arith.addi %mul3A_4, %add3A_72 : i32
    "tpu.region"() ({
      %run_scoped3A = tpu.sem_alloc : memref<!tpu.dma_semaphore, #tpu.memory_space<semaphore_mem>>
      %dma_start3A = arith.constant 0 : i32
      %dma_start3A_232 = tpu.memref_slice %arg18[%add3A_73, %dma_start3A] : memref<10240x144xf32, #tpu.memory_space<vmem_shared>> -> memref<64x144xf32, #tpu.memory_space<vmem_shared>>
      %dma_start3A_233 = arith.constant 0 : i32
      %dma_start3A_234 = tpu.memref_slice %arg18[%add3A_73, %dma_start3A_233] : memref<10240x144xf32, #tpu.memory_space<vmem_shared>> -> memref<64x144xf32, #tpu.memory_space<vmem_shared>>
      tpu.enqueue_dma source(%arg17 : memref<64x144xf32, #tpu.memory_space<vmem>>) target(%dma_start3A_234 : memref<64x144xf32, #tpu.memory_space<vmem_shared>>) target_semaphore(%run_scoped3A : memref<!tpu.dma_semaphore, #tpu.memory_space<semaphore_mem>>)
      %dma_wait3A = arith.constant 0 : i32
      %dma_wait3A_235 = tpu.memref_slice %arg18[%add3A_73, %dma_wait3A] : memref<10240x144xf32, #tpu.memory_space<vmem_shared>> -> memref<64x144xf32, #tpu.memory_space<vmem_shared>>
      %dma_wait3A_236 = arith.constant 0 : i32
      %dma_wait3A_237 = tpu.memref_slice %arg18[%add3A_73, %dma_wait3A_236] : memref<10240x144xf32, #tpu.memory_space<vmem_shared>> -> memref<64x144xf32, #tpu.memory_space<vmem_shared>>
      tpu.wait_dma2 semaphore(%run_scoped3A : memref<!tpu.dma_semaphore, #tpu.memory_space<semaphore_mem>>) src(%arg17 : memref<64x144xf32, #tpu.memory_space<vmem>>) dst(%dma_wait3A_237 : memref<64x144xf32, #tpu.memory_space<vmem_shared>>)
      tpu.yield
    }) : () -> ()
    %add3A_74 = arith.constant 192 : i32
    %add3A_75 = arith.addi %mul3A_4, %add3A_74 : i32
    "tpu.region"() ({
      %run_scoped3A = tpu.sem_alloc : memref<!tpu.dma_semaphore, #tpu.memory_space<semaphore_mem>>
      %dma_start3A = arith.constant 0 : i32
      %dma_start3A_232 = tpu.memref_slice %arg18[%add3A_75, %dma_start3A] : memref<10240x144xf32, #tpu.memory_space<vmem_shared>> -> memref<64x144xf32, #tpu.memory_space<vmem_shared>>
      %dma_start3A_233 = arith.constant 0 : i32
      %dma_start3A_234 = tpu.memref_slice %arg18[%add3A_75, %dma_start3A_233] : memref<10240x144xf32, #tpu.memory_space<vmem_shared>> -> memref<64x144xf32, #tpu.memory_space<vmem_shared>>
      tpu.enqueue_dma source(%arg17 : memref<64x144xf32, #tpu.memory_space<vmem>>) target(%dma_start3A_234 : memref<64x144xf32, #tpu.memory_space<vmem_shared>>) target_semaphore(%run_scoped3A : memref<!tpu.dma_semaphore, #tpu.memory_space<semaphore_mem>>)
      %dma_wait3A = arith.constant 0 : i32
      %dma_wait3A_235 = tpu.memref_slice %arg18[%add3A_75, %dma_wait3A] : memref<10240x144xf32, #tpu.memory_space<vmem_shared>> -> memref<64x144xf32, #tpu.memory_space<vmem_shared>>
      %dma_wait3A_236 = arith.constant 0 : i32
      %dma_wait3A_237 = tpu.memref_slice %arg18[%add3A_75, %dma_wait3A_236] : memref<10240x144xf32, #tpu.memory_space<vmem_shared>> -> memref<64x144xf32, #tpu.memory_space<vmem_shared>>
      tpu.wait_dma2 semaphore(%run_scoped3A : memref<!tpu.dma_semaphore, #tpu.memory_space<semaphore_mem>>) src(%arg17 : memref<64x144xf32, #tpu.memory_space<vmem>>) dst(%dma_wait3A_237 : memref<64x144xf32, #tpu.memory_space<vmem_shared>>)
      tpu.yield
    }) : () -> ()
    %add3A_76 = arith.constant 256 : i32
    %add3A_77 = arith.addi %mul3A_4, %add3A_76 : i32
    "tpu.region"() ({
      %run_scoped3A = tpu.sem_alloc : memref<!tpu.dma_semaphore, #tpu.memory_space<semaphore_mem>>
      %dma_start3A = arith.constant 0 : i32
      %dma_start3A_232 = tpu.memref_slice %arg18[%add3A_77, %dma_start3A] : memref<10240x144xf32, #tpu.memory_space<vmem_shared>> -> memref<64x144xf32, #tpu.memory_space<vmem_shared>>
      %dma_start3A_233 = arith.constant 0 : i32
      %dma_start3A_234 = tpu.memref_slice %arg18[%add3A_77, %dma_start3A_233] : memref<10240x144xf32, #tpu.memory_space<vmem_shared>> -> memref<64x144xf32, #tpu.memory_space<vmem_shared>>
      tpu.enqueue_dma source(%arg17 : memref<64x144xf32, #tpu.memory_space<vmem>>) target(%dma_start3A_234 : memref<64x144xf32, #tpu.memory_space<vmem_shared>>) target_semaphore(%run_scoped3A : memref<!tpu.dma_semaphore, #tpu.memory_space<semaphore_mem>>)
      %dma_wait3A = arith.constant 0 : i32
      %dma_wait3A_235 = tpu.memref_slice %arg18[%add3A_77, %dma_wait3A] : memref<10240x144xf32, #tpu.memory_space<vmem_shared>> -> memref<64x144xf32, #tpu.memory_space<vmem_shared>>
      %dma_wait3A_236 = arith.constant 0 : i32
      %dma_wait3A_237 = tpu.memref_slice %arg18[%add3A_77, %dma_wait3A_236] : memref<10240x144xf32, #tpu.memory_space<vmem_shared>> -> memref<64x144xf32, #tpu.memory_space<vmem_shared>>
      tpu.wait_dma2 semaphore(%run_scoped3A : memref<!tpu.dma_semaphore, #tpu.memory_space<semaphore_mem>>) src(%arg17 : memref<64x144xf32, #tpu.memory_space<vmem>>) dst(%dma_wait3A_237 : memref<64x144xf32, #tpu.memory_space<vmem_shared>>)
      tpu.yield
    }) : () -> ()
    %add3A_78 = arith.constant 320 : i32
    %add3A_79 = arith.addi %mul3A_4, %add3A_78 : i32
    "tpu.region"() ({
      %run_scoped3A = tpu.sem_alloc : memref<!tpu.dma_semaphore, #tpu.memory_space<semaphore_mem>>
      %dma_start3A = arith.constant 0 : i32
      %dma_start3A_232 = tpu.memref_slice %arg18[%add3A_79, %dma_start3A] : memref<10240x144xf32, #tpu.memory_space<vmem_shared>> -> memref<64x144xf32, #tpu.memory_space<vmem_shared>>
      %dma_start3A_233 = arith.constant 0 : i32
      %dma_start3A_234 = tpu.memref_slice %arg18[%add3A_79, %dma_start3A_233] : memref<10240x144xf32, #tpu.memory_space<vmem_shared>> -> memref<64x144xf32, #tpu.memory_space<vmem_shared>>
      tpu.enqueue_dma source(%arg17 : memref<64x144xf32, #tpu.memory_space<vmem>>) target(%dma_start3A_234 : memref<64x144xf32, #tpu.memory_space<vmem_shared>>) target_semaphore(%run_scoped3A : memref<!tpu.dma_semaphore, #tpu.memory_space<semaphore_mem>>)
      %dma_wait3A = arith.constant 0 : i32
      %dma_wait3A_235 = tpu.memref_slice %arg18[%add3A_79, %dma_wait3A] : memref<10240x144xf32, #tpu.memory_space<vmem_shared>> -> memref<64x144xf32, #tpu.memory_space<vmem_shared>>
      %dma_wait3A_236 = arith.constant 0 : i32
      %dma_wait3A_237 = tpu.memref_slice %arg18[%add3A_79, %dma_wait3A_236] : memref<10240x144xf32, #tpu.memory_space<vmem_shared>> -> memref<64x144xf32, #tpu.memory_space<vmem_shared>>
      tpu.wait_dma2 semaphore(%run_scoped3A : memref<!tpu.dma_semaphore, #tpu.memory_space<semaphore_mem>>) src(%arg17 : memref<64x144xf32, #tpu.memory_space<vmem>>) dst(%dma_wait3A_237 : memref<64x144xf32, #tpu.memory_space<vmem_shared>>)
      tpu.yield
    }) : () -> ()
    %add3A_80 = arith.constant 384 : i32
    %add3A_81 = arith.addi %mul3A_4, %add3A_80 : i32
    "tpu.region"() ({
      %run_scoped3A = tpu.sem_alloc : memref<!tpu.dma_semaphore, #tpu.memory_space<semaphore_mem>>
      %dma_start3A = arith.constant 0 : i32
      %dma_start3A_232 = tpu.memref_slice %arg18[%add3A_81, %dma_start3A] : memref<10240x144xf32, #tpu.memory_space<vmem_shared>> -> memref<64x144xf32, #tpu.memory_space<vmem_shared>>
      %dma_start3A_233 = arith.constant 0 : i32
      %dma_start3A_234 = tpu.memref_slice %arg18[%add3A_81, %dma_start3A_233] : memref<10240x144xf32, #tpu.memory_space<vmem_shared>> -> memref<64x144xf32, #tpu.memory_space<vmem_shared>>
      tpu.enqueue_dma source(%arg17 : memref<64x144xf32, #tpu.memory_space<vmem>>) target(%dma_start3A_234 : memref<64x144xf32, #tpu.memory_space<vmem_shared>>) target_semaphore(%run_scoped3A : memref<!tpu.dma_semaphore, #tpu.memory_space<semaphore_mem>>)
      %dma_wait3A = arith.constant 0 : i32
      %dma_wait3A_235 = tpu.memref_slice %arg18[%add3A_81, %dma_wait3A] : memref<10240x144xf32, #tpu.memory_space<vmem_shared>> -> memref<64x144xf32, #tpu.memory_space<vmem_shared>>
      %dma_wait3A_236 = arith.constant 0 : i32
      %dma_wait3A_237 = tpu.memref_slice %arg18[%add3A_81, %dma_wait3A_236] : memref<10240x144xf32, #tpu.memory_space<vmem_shared>> -> memref<64x144xf32, #tpu.memory_space<vmem_shared>>
      tpu.wait_dma2 semaphore(%run_scoped3A : memref<!tpu.dma_semaphore, #tpu.memory_space<semaphore_mem>>) src(%arg17 : memref<64x144xf32, #tpu.memory_space<vmem>>) dst(%dma_wait3A_237 : memref<64x144xf32, #tpu.memory_space<vmem_shared>>)
      tpu.yield
    }) : () -> ()
    %add3A_82 = arith.constant 448 : i32
    %add3A_83 = arith.addi %mul3A_4, %add3A_82 : i32
    "tpu.region"() ({
      %run_scoped3A = tpu.sem_alloc : memref<!tpu.dma_semaphore, #tpu.memory_space<semaphore_mem>>
      %dma_start3A = arith.constant 0 : i32
      %dma_start3A_232 = tpu.memref_slice %arg18[%add3A_83, %dma_start3A] : memref<10240x144xf32, #tpu.memory_space<vmem_shared>> -> memref<64x144xf32, #tpu.memory_space<vmem_shared>>
      %dma_start3A_233 = arith.constant 0 : i32
      %dma_start3A_234 = tpu.memref_slice %arg18[%add3A_83, %dma_start3A_233] : memref<10240x144xf32, #tpu.memory_space<vmem_shared>> -> memref<64x144xf32, #tpu.memory_space<vmem_shared>>
      tpu.enqueue_dma source(%arg17 : memref<64x144xf32, #tpu.memory_space<vmem>>) target(%dma_start3A_234 : memref<64x144xf32, #tpu.memory_space<vmem_shared>>) target_semaphore(%run_scoped3A : memref<!tpu.dma_semaphore, #tpu.memory_space<semaphore_mem>>)
      %dma_wait3A = arith.constant 0 : i32
      %dma_wait3A_235 = tpu.memref_slice %arg18[%add3A_83, %dma_wait3A] : memref<10240x144xf32, #tpu.memory_space<vmem_shared>> -> memref<64x144xf32, #tpu.memory_space<vmem_shared>>
      %dma_wait3A_236 = arith.constant 0 : i32
      %dma_wait3A_237 = tpu.memref_slice %arg18[%add3A_83, %dma_wait3A_236] : memref<10240x144xf32, #tpu.memory_space<vmem_shared>> -> memref<64x144xf32, #tpu.memory_space<vmem_shared>>
      tpu.wait_dma2 semaphore(%run_scoped3A : memref<!tpu.dma_semaphore, #tpu.memory_space<semaphore_mem>>) src(%arg17 : memref<64x144xf32, #tpu.memory_space<vmem>>) dst(%dma_wait3A_237 : memref<64x144xf32, #tpu.memory_space<vmem_shared>>)
      tpu.yield
    }) : () -> ()
    %add3A_84 = arith.constant 512 : i32
    %add3A_85 = arith.addi %mul3A_4, %add3A_84 : i32
    "tpu.region"() ({
      %run_scoped3A = tpu.sem_alloc : memref<!tpu.dma_semaphore, #tpu.memory_space<semaphore_mem>>
      %dma_start3A = arith.constant 0 : i32
      %dma_start3A_232 = tpu.memref_slice %arg18[%add3A_85, %dma_start3A] : memref<10240x144xf32, #tpu.memory_space<vmem_shared>> -> memref<64x144xf32, #tpu.memory_space<vmem_shared>>
      %dma_start3A_233 = arith.constant 0 : i32
      %dma_start3A_234 = tpu.memref_slice %arg18[%add3A_85, %dma_start3A_233] : memref<10240x144xf32, #tpu.memory_space<vmem_shared>> -> memref<64x144xf32, #tpu.memory_space<vmem_shared>>
      tpu.enqueue_dma source(%arg17 : memref<64x144xf32, #tpu.memory_space<vmem>>) target(%dma_start3A_234 : memref<64x144xf32, #tpu.memory_space<vmem_shared>>) target_semaphore(%run_scoped3A : memref<!tpu.dma_semaphore, #tpu.memory_space<semaphore_mem>>)
      %dma_wait3A = arith.constant 0 : i32
      %dma_wait3A_235 = tpu.memref_slice %arg18[%add3A_85, %dma_wait3A] : memref<10240x144xf32, #tpu.memory_space<vmem_shared>> -> memref<64x144xf32, #tpu.memory_space<vmem_shared>>
      %dma_wait3A_236 = arith.constant 0 : i32
      %dma_wait3A_237 = tpu.memref_slice %arg18[%add3A_85, %dma_wait3A_236] : memref<10240x144xf32, #tpu.memory_space<vmem_shared>> -> memref<64x144xf32, #tpu.memory_space<vmem_shared>>
      tpu.wait_dma2 semaphore(%run_scoped3A : memref<!tpu.dma_semaphore, #tpu.memory_space<semaphore_mem>>) src(%arg17 : memref<64x144xf32, #tpu.memory_space<vmem>>) dst(%dma_wait3A_237 : memref<64x144xf32, #tpu.memory_space<vmem_shared>>)
      tpu.yield
    }) : () -> ()
    %add3A_86 = arith.constant 576 : i32
    %add3A_87 = arith.addi %mul3A_4, %add3A_86 : i32
    "tpu.region"() ({
      %run_scoped3A = tpu.sem_alloc : memref<!tpu.dma_semaphore, #tpu.memory_space<semaphore_mem>>
      %dma_start3A = arith.constant 0 : i32
      %dma_start3A_232 = tpu.memref_slice %arg18[%add3A_87, %dma_start3A] : memref<10240x144xf32, #tpu.memory_space<vmem_shared>> -> memref<64x144xf32, #tpu.memory_space<vmem_shared>>
      %dma_start3A_233 = arith.constant 0 : i32
      %dma_start3A_234 = tpu.memref_slice %arg18[%add3A_87, %dma_start3A_233] : memref<10240x144xf32, #tpu.memory_space<vmem_shared>> -> memref<64x144xf32, #tpu.memory_space<vmem_shared>>
      tpu.enqueue_dma source(%arg17 : memref<64x144xf32, #tpu.memory_space<vmem>>) target(%dma_start3A_234 : memref<64x144xf32, #tpu.memory_space<vmem_shared>>) target_semaphore(%run_scoped3A : memref<!tpu.dma_semaphore, #tpu.memory_space<semaphore_mem>>)
      %dma_wait3A = arith.constant 0 : i32
      %dma_wait3A_235 = tpu.memref_slice %arg18[%add3A_87, %dma_wait3A] : memref<10240x144xf32, #tpu.memory_space<vmem_shared>> -> memref<64x144xf32, #tpu.memory_space<vmem_shared>>
      %dma_wait3A_236 = arith.constant 0 : i32
      %dma_wait3A_237 = tpu.memref_slice %arg18[%add3A_87, %dma_wait3A_236] : memref<10240x144xf32, #tpu.memory_space<vmem_shared>> -> memref<64x144xf32, #tpu.memory_space<vmem_shared>>
      tpu.wait_dma2 semaphore(%run_scoped3A : memref<!tpu.dma_semaphore, #tpu.memory_space<semaphore_mem>>) src(%arg17 : memref<64x144xf32, #tpu.memory_space<vmem>>) dst(%dma_wait3A_237 : memref<64x144xf32, #tpu.memory_space<vmem_shared>>)
      tpu.yield
    }) : () -> ()
    %barrier3A_88 = arith.constant 0 : index
    tpu.barrier barrier_id(%barrier3A_88)
    %scan3A_89 = arith.constant 0 : i32
    %scan3A_90 = arith.constant 0 : i32
    %scan3A_91 = arith.constant 157 : i32
    %scan3A_92 = arith.addi %scan3A_90, %scan3A_91 : i32
    %scan3A_93 = arith.constant 1 : i32
    %scan3A_94 = scf.for %scan3A_232 = %scan3A_90 to %scan3A_92 step %scan3A_93 iter_args(%scan3A_233 = %scan3A_89) -> (i32)  : i32 {
      %mul3A_234 = arith.constant 64 : i32
      %mul3A_235 = arith.muli %scan3A_232, %mul3A_234 : i32
      %add3A_236 = arith.addi %mul3A_2, %mul3A_235 : i32
      "tpu.region"() ({
        %run_scoped3A = tpu.sem_alloc : memref<!tpu.dma_semaphore, #tpu.memory_space<semaphore_mem>>
        %dma_start3A = tpu.memref_slice %arg2[%add3A_236] : memref<321536xi32, #tpu.memory_space<hbm>> -> memref<64xi32, #tpu.memory_space<hbm>>
        %dma_start3A_238 = tpu.memref_slice %arg2[%add3A_236] : memref<321536xi32, #tpu.memory_space<hbm>> -> memref<64xi32, #tpu.memory_space<hbm>>
        tpu.enqueue_dma source(%dma_start3A_238 : memref<64xi32, #tpu.memory_space<hbm>>) target(%arg13 : memref<64xi32, #tpu.memory_space<vmem>>) target_semaphore(%run_scoped3A : memref<!tpu.dma_semaphore, #tpu.memory_space<semaphore_mem>>)
        %dma_wait3A = tpu.memref_slice %arg2[%add3A_236] : memref<321536xi32, #tpu.memory_space<hbm>> -> memref<64xi32, #tpu.memory_space<hbm>>
        %dma_wait3A_239 = tpu.memref_slice %arg2[%add3A_236] : memref<321536xi32, #tpu.memory_space<hbm>> -> memref<64xi32, #tpu.memory_space<hbm>>
        tpu.wait_dma2 semaphore(%run_scoped3A : memref<!tpu.dma_semaphore, #tpu.memory_space<semaphore_mem>>) src(%dma_wait3A_239 : memref<64xi32, #tpu.memory_space<hbm>>) dst(%arg13 : memref<64xi32, #tpu.memory_space<vmem>>)
        tpu.yield
      }) : () -> ()
      "tpu.region"() ({
        %run_scoped3A = tpu.sem_alloc : memref<!tpu.dma_semaphore, #tpu.memory_space<semaphore_mem>>
        %dma_start3A = tpu.memref_slice %arg3[%add3A_236] : memref<321536xi32, #tpu.memory_space<hbm>> -> memref<64xi32, #tpu.memory_space<hbm>>
        %dma_start3A_238 = tpu.memref_slice %arg3[%add3A_236] : memref<321536xi32, #tpu.memory_space<hbm>> -> memref<64xi32, #tpu.memory_space<hbm>>
        tpu.enqueue_dma source(%dma_start3A_238 : memref<64xi32, #tpu.memory_space<hbm>>) target(%arg14 : memref<64xi32, #tpu.memory_space<vmem>>) target_semaphore(%run_scoped3A : memref<!tpu.dma_semaphore, #tpu.memory_space<semaphore_mem>>)
        %dma_wait3A = tpu.memref_slice %arg3[%add3A_236] : memref<321536xi32, #tpu.memory_space<hbm>> -> memref<64xi32, #tpu.memory_space<hbm>>
        %dma_wait3A_239 = tpu.memref_slice %arg3[%add3A_236] : memref<321536xi32, #tpu.memory_space<hbm>> -> memref<64xi32, #tpu.memory_space<hbm>>
        tpu.wait_dma2 semaphore(%run_scoped3A : memref<!tpu.dma_semaphore, #tpu.memory_space<semaphore_mem>>) src(%dma_wait3A_239 : memref<64xi32, #tpu.memory_space<hbm>>) dst(%arg14 : memref<64xi32, #tpu.memory_space<vmem>>)
        tpu.yield
      }) : () -> ()
      "tpu.region"() ({
        %run_scoped3A = tpu.sem_alloc : memref<!tpu.dma_semaphore, #tpu.memory_space<semaphore_mem>>
        %dma_start3A = arith.constant 0 : i32
        %dma_start3A_238 = arith.constant 0 : i32
        %dma_start3A_239 = tpu.memref_slice %arg6[%dma_start3A, %dma_start3A_238] : memref<10000x144xf32, #tpu.memory_space<hbm>> -> memref<10000x144xf32, #tpu.memory_space<hbm>>
        tpu.enqueue_indirect_dma source(%dma_start3A_239 : memref<10000x144xf32, #tpu.memory_space<hbm>>) target(%arg17 : memref<64x144xf32, #tpu.memory_space<vmem>>) offsets(%arg13 : memref<64xi32, #tpu.memory_space<vmem>>) semaphore(%run_scoped3A : memref<!tpu.dma_semaphore, #tpu.memory_space<semaphore_mem>>)
        %dma_wait3A = arith.constant 0 : i32
        %dma_wait3A_240 = arith.constant 0 : i32
        %dma_wait3A_241 = tpu.memref_slice %arg6[%dma_wait3A, %dma_wait3A_240] : memref<10000x144xf32, #tpu.memory_space<hbm>> -> memref<10000x144xf32, #tpu.memory_space<hbm>>
        tpu.wait_indirect_dma semaphore(%run_scoped3A : memref<!tpu.dma_semaphore, #tpu.memory_space<semaphore_mem>>) src(%dma_wait3A_241 : memref<10000x144xf32, #tpu.memory_space<hbm>>) dst(%arg17 : memref<64x144xf32, #tpu.memory_space<vmem>>)
        tpu.yield
      }) : () -> ()
      "tpu.region"() ({
        %run_scoped3A = tpu.sem_alloc : memref<!tpu.dma_semaphore, #tpu.memory_space<semaphore_mem>>
        %dma_start3A = arith.constant 0 : i32
        %dma_start3A_238 = arith.constant 0 : i32
        %dma_start3A_239 = tpu.memref_slice %arg18[%dma_start3A, %dma_start3A_238] : memref<10240x144xf32, #tpu.memory_space<vmem_shared>> -> memref<10240x144xf32, #tpu.memory_space<vmem_shared>>
        tpu.enqueue_indirect_dma source(%arg17 : memref<64x144xf32, #tpu.memory_space<vmem>>) target(%dma_start3A_239 : memref<10240x144xf32, #tpu.memory_space<vmem_shared>>) offsets(%arg14 : memref<64xi32, #tpu.memory_space<vmem>>) semaphore(%run_scoped3A : memref<!tpu.dma_semaphore, #tpu.memory_space<semaphore_mem>>) {add = true}
        %dma_wait3A = arith.constant 0 : i32
        %dma_wait3A_240 = arith.constant 0 : i32
        %dma_wait3A_241 = tpu.memref_slice %arg18[%dma_wait3A, %dma_wait3A_240] : memref<10240x144xf32, #tpu.memory_space<vmem_shared>> -> memref<10240x144xf32, #tpu.memory_space<vmem_shared>>
        tpu.wait_indirect_dma semaphore(%run_scoped3A : memref<!tpu.dma_semaphore, #tpu.memory_space<semaphore_mem>>) src(%arg17 : memref<64x144xf32, #tpu.memory_space<vmem>>) dst(%dma_wait3A_241 : memref<10240x144xf32, #tpu.memory_space<vmem_shared>>)
        tpu.yield
      }) : () -> ()
      %scan3A_237 = arith.constant 0 : i32
      scf.yield %scan3A_237 : i32
    }
    %scan3A_95 = arith.constant 157 : i32
    %barrier3A_96 = arith.constant 0 : index
    tpu.barrier barrier_id(%barrier3A_96)
    %add3A_97 = arith.constant 0 : i32
    %add3A_98 = arith.addi %mul3A_4, %add3A_97 : i32
    %add3A_99 = arith.constant 0 : i32
    %add3A_100 = arith.addi %mul3A_4, %add3A_99 : i32
    "tpu.region"() ({
      %run_scoped3A = tpu.sem_alloc : memref<!tpu.dma_semaphore, #tpu.memory_space<semaphore_mem>>
      %dma_start3A = arith.constant 0 : i32
      %dma_start3A_232 = tpu.memref_slice %arg10[%arg0, %add3A_100, %dma_start3A] : memref<2x10240x144xf32, #tpu.memory_space<hbm>> -> memref<1x128x144xf32, #tpu.memory_space<hbm>>
      %dma_start3A_233 = tpu.memref_squeeze %dma_start3A_232 : memref<1x128x144xf32, #tpu.memory_space<hbm>> -> memref<128x144xf32, #tpu.memory_space<hbm>>
      %dma_start3A_234 = arith.constant 0 : i32
      %dma_start3A_235 = tpu.memref_slice %arg18[%add3A_98, %dma_start3A_234] : memref<10240x144xf32, #tpu.memory_space<vmem_shared>> -> memref<128x144xf32, #tpu.memory_space<vmem_shared>>
      tpu.enqueue_dma source(%dma_start3A_235 : memref<128x144xf32, #tpu.memory_space<vmem_shared>>) target(%dma_start3A_233 : memref<128x144xf32, #tpu.memory_space<hbm>>) target_semaphore(%run_scoped3A : memref<!tpu.dma_semaphore, #tpu.memory_space<semaphore_mem>>)
      %dma_wait3A = arith.constant 0 : i32
      %dma_wait3A_236 = tpu.memref_slice %arg10[%arg0, %add3A_100, %dma_wait3A] : memref<2x10240x144xf32, #tpu.memory_space<hbm>> -> memref<1x128x144xf32, #tpu.memory_space<hbm>>
      %dma_wait3A_237 = tpu.memref_squeeze %dma_wait3A_236 : memref<1x128x144xf32, #tpu.memory_space<hbm>> -> memref<128x144xf32, #tpu.memory_space<hbm>>
      %dma_wait3A_238 = arith.constant 0 : i32
      %dma_wait3A_239 = tpu.memref_slice %arg18[%add3A_98, %dma_wait3A_238] : memref<10240x144xf32, #tpu.memory_space<vmem_shared>> -> memref<128x144xf32, #tpu.memory_space<vmem_shared>>
      tpu.wait_dma2 semaphore(%run_scoped3A : memref<!tpu.dma_semaphore, #tpu.memory_space<semaphore_mem>>) src(%dma_wait3A_239 : memref<128x144xf32, #tpu.memory_space<vmem_shared>>) dst(%dma_wait3A_237 : memref<128x144xf32, #tpu.memory_space<hbm>>)
      tpu.yield
    }) : () -> ()
    %add3A_101 = arith.constant 128 : i32
    %add3A_102 = arith.addi %mul3A_4, %add3A_101 : i32
    %add3A_103 = arith.constant 128 : i32
    %add3A_104 = arith.addi %mul3A_4, %add3A_103 : i32
    "tpu.region"() ({
      %run_scoped3A = tpu.sem_alloc : memref<!tpu.dma_semaphore, #tpu.memory_space<semaphore_mem>>
      %dma_start3A = arith.constant 0 : i32
      %dma_start3A_232 = tpu.memref_slice %arg10[%arg0, %add3A_104, %dma_start3A] : memref<2x10240x144xf32, #tpu.memory_space<hbm>> -> memref<1x128x144xf32, #tpu.memory_space<hbm>>
      %dma_start3A_233 = tpu.memref_squeeze %dma_start3A_232 : memref<1x128x144xf32, #tpu.memory_space<hbm>> -> memref<128x144xf32, #tpu.memory_space<hbm>>
      %dma_start3A_234 = arith.constant 0 : i32
      %dma_start3A_235 = tpu.memref_slice %arg18[%add3A_102, %dma_start3A_234] : memref<10240x144xf32, #tpu.memory_space<vmem_shared>> -> memref<128x144xf32, #tpu.memory_space<vmem_shared>>
      tpu.enqueue_dma source(%dma_start3A_235 : memref<128x144xf32, #tpu.memory_space<vmem_shared>>) target(%dma_start3A_233 : memref<128x144xf32, #tpu.memory_space<hbm>>) target_semaphore(%run_scoped3A : memref<!tpu.dma_semaphore, #tpu.memory_space<semaphore_mem>>)
      %dma_wait3A = arith.constant 0 : i32
      %dma_wait3A_236 = tpu.memref_slice %arg10[%arg0, %add3A_104, %dma_wait3A] : memref<2x10240x144xf32, #tpu.memory_space<hbm>> -> memref<1x128x144xf32, #tpu.memory_space<hbm>>
      %dma_wait3A_237 = tpu.memref_squeeze %dma_wait3A_236 : memref<1x128x144xf32, #tpu.memory_space<hbm>> -> memref<128x144xf32, #tpu.memory_space<hbm>>
      %dma_wait3A_238 = arith.constant 0 : i32
      %dma_wait3A_239 = tpu.memref_slice %arg18[%add3A_102, %dma_wait3A_238] : memref<10240x144xf32, #tpu.memory_space<vmem_shared>> -> memref<128x144xf32, #tpu.memory_space<vmem_shared>>
      tpu.wait_dma2 semaphore(%run_scoped3A : memref<!tpu.dma_semaphore, #tpu.memory_space<semaphore_mem>>) src(%dma_wait3A_239 : memref<128x144xf32, #tpu.memory_space<vmem_shared>>) dst(%dma_wait3A_237 : memref<128x144xf32, #tpu.memory_space<hbm>>)
      tpu.yield
    }) : () -> ()
    %add3A_105 = arith.constant 256 : i32
    %add3A_106 = arith.addi %mul3A_4, %add3A_105 : i32
    %add3A_107 = arith.constant 256 : i32
    %add3A_108 = arith.addi %mul3A_4, %add3A_107 : i32
    "tpu.region"() ({
      %run_scoped3A = tpu.sem_alloc : memref<!tpu.dma_semaphore, #tpu.memory_space<semaphore_mem>>
      %dma_start3A = arith.constant 0 : i32
      %dma_start3A_232 = tpu.memref_slice %arg10[%arg0, %add3A_108, %dma_start3A] : memref<2x10240x144xf32, #tpu.memory_space<hbm>> -> memref<1x128x144xf32, #tpu.memory_space<hbm>>
      %dma_start3A_233 = tpu.memref_squeeze %dma_start3A_232 : memref<1x128x144xf32, #tpu.memory_space<hbm>> -> memref<128x144xf32, #tpu.memory_space<hbm>>
      %dma_start3A_234 = arith.constant 0 : i32
      %dma_start3A_235 = tpu.memref_slice %arg18[%add3A_106, %dma_start3A_234] : memref<10240x144xf32, #tpu.memory_space<vmem_shared>> -> memref<128x144xf32, #tpu.memory_space<vmem_shared>>
      tpu.enqueue_dma source(%dma_start3A_235 : memref<128x144xf32, #tpu.memory_space<vmem_shared>>) target(%dma_start3A_233 : memref<128x144xf32, #tpu.memory_space<hbm>>) target_semaphore(%run_scoped3A : memref<!tpu.dma_semaphore, #tpu.memory_space<semaphore_mem>>)
      %dma_wait3A = arith.constant 0 : i32
      %dma_wait3A_236 = tpu.memref_slice %arg10[%arg0, %add3A_108, %dma_wait3A] : memref<2x10240x144xf32, #tpu.memory_space<hbm>> -> memref<1x128x144xf32, #tpu.memory_space<hbm>>
      %dma_wait3A_237 = tpu.memref_squeeze %dma_wait3A_236 : memref<1x128x144xf32, #tpu.memory_space<hbm>> -> memref<128x144xf32, #tpu.memory_space<hbm>>
      %dma_wait3A_238 = arith.constant 0 : i32
      %dma_wait3A_239 = tpu.memref_slice %arg18[%add3A_106, %dma_wait3A_238] : memref<10240x144xf32, #tpu.memory_space<vmem_shared>> -> memref<128x144xf32, #tpu.memory_space<vmem_shared>>
      tpu.wait_dma2 semaphore(%run_scoped3A : memref<!tpu.dma_semaphore, #tpu.memory_space<semaphore_mem>>) src(%dma_wait3A_239 : memref<128x144xf32, #tpu.memory_space<vmem_shared>>) dst(%dma_wait3A_237 : memref<128x144xf32, #tpu.memory_space<hbm>>)
      tpu.yield
    }) : () -> ()
    %add3A_109 = arith.constant 384 : i32
    %add3A_110 = arith.addi %mul3A_4, %add3A_109 : i32
    %add3A_111 = arith.constant 384 : i32
    %add3A_112 = arith.addi %mul3A_4, %add3A_111 : i32
    "tpu.region"() ({
      %run_scoped3A = tpu.sem_alloc : memref<!tpu.dma_semaphore, #tpu.memory_space<semaphore_mem>>
      %dma_start3A = arith.constant 0 : i32
      %dma_start3A_232 = tpu.memref_slice %arg10[%arg0, %add3A_112, %dma_start3A] : memref<2x10240x144xf32, #tpu.memory_space<hbm>> -> memref<1x128x144xf32, #tpu.memory_space<hbm>>
      %dma_start3A_233 = tpu.memref_squeeze %dma_start3A_232 : memref<1x128x144xf32, #tpu.memory_space<hbm>> -> memref<128x144xf32, #tpu.memory_space<hbm>>
      %dma_start3A_234 = arith.constant 0 : i32
      %dma_start3A_235 = tpu.memref_slice %arg18[%add3A_110, %dma_start3A_234] : memref<10240x144xf32, #tpu.memory_space<vmem_shared>> -> memref<128x144xf32, #tpu.memory_space<vmem_shared>>
      tpu.enqueue_dma source(%dma_start3A_235 : memref<128x144xf32, #tpu.memory_space<vmem_shared>>) target(%dma_start3A_233 : memref<128x144xf32, #tpu.memory_space<hbm>>) target_semaphore(%run_scoped3A : memref<!tpu.dma_semaphore, #tpu.memory_space<semaphore_mem>>)
      %dma_wait3A = arith.constant 0 : i32
      %dma_wait3A_236 = tpu.memref_slice %arg10[%arg0, %add3A_112, %dma_wait3A] : memref<2x10240x144xf32, #tpu.memory_space<hbm>> -> memref<1x128x144xf32, #tpu.memory_space<hbm>>
      %dma_wait3A_237 = tpu.memref_squeeze %dma_wait3A_236 : memref<1x128x144xf32, #tpu.memory_space<hbm>> -> memref<128x144xf32, #tpu.memory_space<hbm>>
      %dma_wait3A_238 = arith.constant 0 : i32
      %dma_wait3A_239 = tpu.memref_slice %arg18[%add3A_110, %dma_wait3A_238] : memref<10240x144xf32, #tpu.memory_space<vmem_shared>> -> memref<128x144xf32, #tpu.memory_space<vmem_shared>>
      tpu.wait_dma2 semaphore(%run_scoped3A : memref<!tpu.dma_semaphore, #tpu.memory_space<semaphore_mem>>) src(%dma_wait3A_239 : memref<128x144xf32, #tpu.memory_space<vmem_shared>>) dst(%dma_wait3A_237 : memref<128x144xf32, #tpu.memory_space<hbm>>)
      tpu.yield
    }) : () -> ()
    %add3A_113 = arith.constant 512 : i32
    %add3A_114 = arith.addi %mul3A_4, %add3A_113 : i32
    %add3A_115 = arith.constant 512 : i32
    %add3A_116 = arith.addi %mul3A_4, %add3A_115 : i32
    "tpu.region"() ({
      %run_scoped3A = tpu.sem_alloc : memref<!tpu.dma_semaphore, #tpu.memory_space<semaphore_mem>>
      %dma_start3A = arith.constant 0 : i32
      %dma_start3A_232 = tpu.memref_slice %arg10[%arg0, %add3A_116, %dma_start3A] : memref<2x10240x144xf32, #tpu.memory_space<hbm>> -> memref<1x128x144xf32, #tpu.memory_space<hbm>>
      %dma_start3A_233 = tpu.memref_squeeze %dma_start3A_232 : memref<1x128x144xf32, #tpu.memory_space<hbm>> -> memref<128x144xf32, #tpu.memory_space<hbm>>
      %dma_start3A_234 = arith.constant 0 : i32
      %dma_start3A_235 = tpu.memref_slice %arg18[%add3A_114, %dma_start3A_234] : memref<10240x144xf32, #tpu.memory_space<vmem_shared>> -> memref<128x144xf32, #tpu.memory_space<vmem_shared>>
      tpu.enqueue_dma source(%dma_start3A_235 : memref<128x144xf32, #tpu.memory_space<vmem_shared>>) target(%dma_start3A_233 : memref<128x144xf32, #tpu.memory_space<hbm>>) target_semaphore(%run_scoped3A : memref<!tpu.dma_semaphore, #tpu.memory_space<semaphore_mem>>)
      %dma_wait3A = arith.constant 0 : i32
      %dma_wait3A_236 = tpu.memref_slice %arg10[%arg0, %add3A_116, %dma_wait3A] : memref<2x10240x144xf32, #tpu.memory_space<hbm>> -> memref<1x128x144xf32, #tpu.memory_space<hbm>>
      %dma_wait3A_237 = tpu.memref_squeeze %dma_wait3A_236 : memref<1x128x144xf32, #tpu.memory_space<hbm>> -> memref<128x144xf32, #tpu.memory_space<hbm>>
      %dma_wait3A_238 = arith.constant 0 : i32
      %dma_wait3A_239 = tpu.memref_slice %arg18[%add3A_114, %dma_wait3A_238] : memref<10240x144xf32, #tpu.memory_space<vmem_shared>> -> memref<128x144xf32, #tpu.memory_space<vmem_shared>>
      tpu.wait_dma2 semaphore(%run_scoped3A : memref<!tpu.dma_semaphore, #tpu.memory_space<semaphore_mem>>) src(%dma_wait3A_239 : memref<128x144xf32, #tpu.memory_space<vmem_shared>>) dst(%dma_wait3A_237 : memref<128x144xf32, #tpu.memory_space<hbm>>)
      tpu.yield
    }) : () -> ()
    %barrier3A_117 = arith.constant 0 : index
    tpu.barrier barrier_id(%barrier3A_117)
    %scan3A_118 = arith.constant 0 : i32
    %scan3A_119 = arith.constant 0 : i32
    %scan3A_120 = arith.constant 64 : i32
    %scan3A_121 = arith.addi %scan3A_119, %scan3A_120 : i32
    %scan3A_122 = arith.constant 1 : i32
    %scan3A_123 = scf.for %scan3A_232 = %scan3A_119 to %scan3A_121 step %scan3A_122 iter_args(%scan3A_233 = %scan3A_118) -> (i32)  : i32 {
      %swap3A = arith.index_cast %scan3A_232 : i32 to index
      %swap3A_234 = arith.constant 0 : index
      %swap3A_235 = tpu.vector_load %arg17[%swap3A, %swap3A_234] {strides = array<i32>} : memref<64x144xf32, #tpu.memory_space<vmem>>, vector<16xf32>,
      tpu.vector_store %arg17[%swap3A, %swap3A_234], %broadcast_in_dim3A_5 {strides = array<i32>} : memref<64x144xf32, #tpu.memory_space<vmem>>, vector<16xf32>,
      %swap3A_236 = arith.index_cast %scan3A_232 : i32 to index
      %swap3A_237 = arith.constant 16 : index
      %swap3A_238 = tpu.vector_load %arg17[%swap3A_236, %swap3A_237] {strides = array<i32>} : memref<64x144xf32, #tpu.memory_space<vmem>>, vector<16xf32>,
      tpu.vector_store %arg17[%swap3A_236, %swap3A_237], %broadcast_in_dim3A_5 {strides = array<i32>} : memref<64x144xf32, #tpu.memory_space<vmem>>, vector<16xf32>,
      %swap3A_239 = arith.index_cast %scan3A_232 : i32 to index
      %swap3A_240 = arith.constant 32 : index
      %swap3A_241 = tpu.vector_load %arg17[%swap3A_239, %swap3A_240] {strides = array<i32>} : memref<64x144xf32, #tpu.memory_space<vmem>>, vector<16xf32>,
      tpu.vector_store %arg17[%swap3A_239, %swap3A_240], %broadcast_in_dim3A_5 {strides = array<i32>} : memref<64x144xf32, #tpu.memory_space<vmem>>, vector<16xf32>,
      %swap3A_242 = arith.index_cast %scan3A_232 : i32 to index
      %swap3A_243 = arith.constant 48 : index
      %swap3A_244 = tpu.vector_load %arg17[%swap3A_242, %swap3A_243] {strides = array<i32>} : memref<64x144xf32, #tpu.memory_space<vmem>>, vector<16xf32>,
      tpu.vector_store %arg17[%swap3A_242, %swap3A_243], %broadcast_in_dim3A_5 {strides = array<i32>} : memref<64x144xf32, #tpu.memory_space<vmem>>, vector<16xf32>,
      %swap3A_245 = arith.index_cast %scan3A_232 : i32 to index
      %swap3A_246 = arith.constant 64 : index
      %swap3A_247 = tpu.vector_load %arg17[%swap3A_245, %swap3A_246] {strides = array<i32>} : memref<64x144xf32, #tpu.memory_space<vmem>>, vector<16xf32>,
      tpu.vector_store %arg17[%swap3A_245, %swap3A_246], %broadcast_in_dim3A_5 {strides = array<i32>} : memref<64x144xf32, #tpu.memory_space<vmem>>, vector<16xf32>,
      %swap3A_248 = arith.index_cast %scan3A_232 : i32 to index
      %swap3A_249 = arith.constant 80 : index
      %swap3A_250 = tpu.vector_load %arg17[%swap3A_248, %swap3A_249] {strides = array<i32>} : memref<64x144xf32, #tpu.memory_space<vmem>>, vector<16xf32>,
      tpu.vector_store %arg17[%swap3A_248, %swap3A_249], %broadcast_in_dim3A_5 {strides = array<i32>} : memref<64x144xf32, #tpu.memory_space<vmem>>, vector<16xf32>,
      %swap3A_251 = arith.index_cast %scan3A_232 : i32 to index
      %swap3A_252 = arith.constant 96 : index
      %swap3A_253 = tpu.vector_load %arg17[%swap3A_251, %swap3A_252] {strides = array<i32>} : memref<64x144xf32, #tpu.memory_space<vmem>>, vector<16xf32>,
      tpu.vector_store %arg17[%swap3A_251, %swap3A_252], %broadcast_in_dim3A_5 {strides = array<i32>} : memref<64x144xf32, #tpu.memory_space<vmem>>, vector<16xf32>,
      %swap3A_254 = arith.index_cast %scan3A_232 : i32 to index
      %swap3A_255 = arith.constant 112 : index
      %swap3A_256 = tpu.vector_load %arg17[%swap3A_254, %swap3A_255] {strides = array<i32>} : memref<64x144xf32, #tpu.memory_space<vmem>>, vector<16xf32>,
      tpu.vector_store %arg17[%swap3A_254, %swap3A_255], %broadcast_in_dim3A_5 {strides = array<i32>} : memref<64x144xf32, #tpu.memory_space<vmem>>, vector<16xf32>,
      %swap3A_257 = arith.index_cast %scan3A_232 : i32 to index
      %swap3A_258 = arith.constant 128 : index
      %swap3A_259 = tpu.vector_load %arg17[%swap3A_257, %swap3A_258] {strides = array<i32>} : memref<64x144xf32, #tpu.memory_space<vmem>>, vector<16xf32>,
      tpu.vector_store %arg17[%swap3A_257, %swap3A_258], %broadcast_in_dim3A_5 {strides = array<i32>} : memref<64x144xf32, #tpu.memory_space<vmem>>, vector<16xf32>,
      %scan3A_260 = arith.constant 0 : i32
      scf.yield %scan3A_260 : i32
    }
    %scan3A_124 = arith.constant 64 : i32
    %add3A_125 = arith.constant 0 : i32
    %add3A_126 = arith.addi %mul3A_4, %add3A_125 : i32
    "tpu.region"() ({
      %run_scoped3A = tpu.sem_alloc : memref<!tpu.dma_semaphore, #tpu.memory_space<semaphore_mem>>
      %dma_start3A = arith.constant 0 : i32
      %dma_start3A_232 = tpu.memref_slice %arg18[%add3A_126, %dma_start3A] : memref<10240x144xf32, #tpu.memory_space<vmem_shared>> -> memref<64x144xf32, #tpu.memory_space<vmem_shared>>
      %dma_start3A_233 = arith.constant 0 : i32
      %dma_start3A_234 = tpu.memref_slice %arg18[%add3A_126, %dma_start3A_233] : memref<10240x144xf32, #tpu.memory_space<vmem_shared>> -> memref<64x144xf32, #tpu.memory_space<vmem_shared>>
      tpu.enqueue_dma source(%arg17 : memref<64x144xf32, #tpu.memory_space<vmem>>) target(%dma_start3A_234 : memref<64x144xf32, #tpu.memory_space<vmem_shared>>) target_semaphore(%run_scoped3A : memref<!tpu.dma_semaphore, #tpu.memory_space<semaphore_mem>>)
      %dma_wait3A = arith.constant 0 : i32
      %dma_wait3A_235 = tpu.memref_slice %arg18[%add3A_126, %dma_wait3A] : memref<10240x144xf32, #tpu.memory_space<vmem_shared>> -> memref<64x144xf32, #tpu.memory_space<vmem_shared>>
      %dma_wait3A_236 = arith.constant 0 : i32
      %dma_wait3A_237 = tpu.memref_slice %arg18[%add3A_126, %dma_wait3A_236] : memref<10240x144xf32, #tpu.memory_space<vmem_shared>> -> memref<64x144xf32, #tpu.memory_space<vmem_shared>>
      tpu.wait_dma2 semaphore(%run_scoped3A : memref<!tpu.dma_semaphore, #tpu.memory_space<semaphore_mem>>) src(%arg17 : memref<64x144xf32, #tpu.memory_space<vmem>>) dst(%dma_wait3A_237 : memref<64x144xf32, #tpu.memory_space<vmem_shared>>)
      tpu.yield
    }) : () -> ()
    %add3A_127 = arith.constant 64 : i32
    %add3A_128 = arith.addi %mul3A_4, %add3A_127 : i32
    "tpu.region"() ({
      %run_scoped3A = tpu.sem_alloc : memref<!tpu.dma_semaphore, #tpu.memory_space<semaphore_mem>>
      %dma_start3A = arith.constant 0 : i32
      %dma_start3A_232 = tpu.memref_slice %arg18[%add3A_128, %dma_start3A] : memref<10240x144xf32, #tpu.memory_space<vmem_shared>> -> memref<64x144xf32, #tpu.memory_space<vmem_shared>>
      %dma_start3A_233 = arith.constant 0 : i32
      %dma_start3A_234 = tpu.memref_slice %arg18[%add3A_128, %dma_start3A_233] : memref<10240x144xf32, #tpu.memory_space<vmem_shared>> -> memref<64x144xf32, #tpu.memory_space<vmem_shared>>
      tpu.enqueue_dma source(%arg17 : memref<64x144xf32, #tpu.memory_space<vmem>>) target(%dma_start3A_234 : memref<64x144xf32, #tpu.memory_space<vmem_shared>>) target_semaphore(%run_scoped3A : memref<!tpu.dma_semaphore, #tpu.memory_space<semaphore_mem>>)
      %dma_wait3A = arith.constant 0 : i32
      %dma_wait3A_235 = tpu.memref_slice %arg18[%add3A_128, %dma_wait3A] : memref<10240x144xf32, #tpu.memory_space<vmem_shared>> -> memref<64x144xf32, #tpu.memory_space<vmem_shared>>
      %dma_wait3A_236 = arith.constant 0 : i32
      %dma_wait3A_237 = tpu.memref_slice %arg18[%add3A_128, %dma_wait3A_236] : memref<10240x144xf32, #tpu.memory_space<vmem_shared>> -> memref<64x144xf32, #tpu.memory_space<vmem_shared>>
      tpu.wait_dma2 semaphore(%run_scoped3A : memref<!tpu.dma_semaphore, #tpu.memory_space<semaphore_mem>>) src(%arg17 : memref<64x144xf32, #tpu.memory_space<vmem>>) dst(%dma_wait3A_237 : memref<64x144xf32, #tpu.memory_space<vmem_shared>>)
      tpu.yield
    }) : () -> ()
    %add3A_129 = arith.constant 128 : i32
    %add3A_130 = arith.addi %mul3A_4, %add3A_129 : i32
    "tpu.region"() ({
      %run_scoped3A = tpu.sem_alloc : memref<!tpu.dma_semaphore, #tpu.memory_space<semaphore_mem>>
      %dma_start3A = arith.constant 0 : i32
      %dma_start3A_232 = tpu.memref_slice %arg18[%add3A_130, %dma_start3A] : memref<10240x144xf32, #tpu.memory_space<vmem_shared>> -> memref<64x144xf32, #tpu.memory_space<vmem_shared>>
      %dma_start3A_233 = arith.constant 0 : i32
      %dma_start3A_234 = tpu.memref_slice %arg18[%add3A_130, %dma_start3A_233] : memref<10240x144xf32, #tpu.memory_space<vmem_shared>> -> memref<64x144xf32, #tpu.memory_space<vmem_shared>>
      tpu.enqueue_dma source(%arg17 : memref<64x144xf32, #tpu.memory_space<vmem>>) target(%dma_start3A_234 : memref<64x144xf32, #tpu.memory_space<vmem_shared>>) target_semaphore(%run_scoped3A : memref<!tpu.dma_semaphore, #tpu.memory_space<semaphore_mem>>)
      %dma_wait3A = arith.constant 0 : i32
      %dma_wait3A_235 = tpu.memref_slice %arg18[%add3A_130, %dma_wait3A] : memref<10240x144xf32, #tpu.memory_space<vmem_shared>> -> memref<64x144xf32, #tpu.memory_space<vmem_shared>>
      %dma_wait3A_236 = arith.constant 0 : i32
      %dma_wait3A_237 = tpu.memref_slice %arg18[%add3A_130, %dma_wait3A_236] : memref<10240x144xf32, #tpu.memory_space<vmem_shared>> -> memref<64x144xf32, #tpu.memory_space<vmem_shared>>
      tpu.wait_dma2 semaphore(%run_scoped3A : memref<!tpu.dma_semaphore, #tpu.memory_space<semaphore_mem>>) src(%arg17 : memref<64x144xf32, #tpu.memory_space<vmem>>) dst(%dma_wait3A_237 : memref<64x144xf32, #tpu.memory_space<vmem_shared>>)
      tpu.yield
    }) : () -> ()
    %add3A_131 = arith.constant 192 : i32
    %add3A_132 = arith.addi %mul3A_4, %add3A_131 : i32
    "tpu.region"() ({
      %run_scoped3A = tpu.sem_alloc : memref<!tpu.dma_semaphore, #tpu.memory_space<semaphore_mem>>
      %dma_start3A = arith.constant 0 : i32
      %dma_start3A_232 = tpu.memref_slice %arg18[%add3A_132, %dma_start3A] : memref<10240x144xf32, #tpu.memory_space<vmem_shared>> -> memref<64x144xf32, #tpu.memory_space<vmem_shared>>
      %dma_start3A_233 = arith.constant 0 : i32
      %dma_start3A_234 = tpu.memref_slice %arg18[%add3A_132, %dma_start3A_233] : memref<10240x144xf32, #tpu.memory_space<vmem_shared>> -> memref<64x144xf32, #tpu.memory_space<vmem_shared>>
      tpu.enqueue_dma source(%arg17 : memref<64x144xf32, #tpu.memory_space<vmem>>) target(%dma_start3A_234 : memref<64x144xf32, #tpu.memory_space<vmem_shared>>) target_semaphore(%run_scoped3A : memref<!tpu.dma_semaphore, #tpu.memory_space<semaphore_mem>>)
      %dma_wait3A = arith.constant 0 : i32
      %dma_wait3A_235 = tpu.memref_slice %arg18[%add3A_132, %dma_wait3A] : memref<10240x144xf32, #tpu.memory_space<vmem_shared>> -> memref<64x144xf32, #tpu.memory_space<vmem_shared>>
      %dma_wait3A_236 = arith.constant 0 : i32
      %dma_wait3A_237 = tpu.memref_slice %arg18[%add3A_132, %dma_wait3A_236] : memref<10240x144xf32, #tpu.memory_space<vmem_shared>> -> memref<64x144xf32, #tpu.memory_space<vmem_shared>>
      tpu.wait_dma2 semaphore(%run_scoped3A : memref<!tpu.dma_semaphore, #tpu.memory_space<semaphore_mem>>) src(%arg17 : memref<64x144xf32, #tpu.memory_space<vmem>>) dst(%dma_wait3A_237 : memref<64x144xf32, #tpu.memory_space<vmem_shared>>)
      tpu.yield
    }) : () -> ()
    %add3A_133 = arith.constant 256 : i32
    %add3A_134 = arith.addi %mul3A_4, %add3A_133 : i32
    "tpu.region"() ({
      %run_scoped3A = tpu.sem_alloc : memref<!tpu.dma_semaphore, #tpu.memory_space<semaphore_mem>>
      %dma_start3A = arith.constant 0 : i32
      %dma_start3A_232 = tpu.memref_slice %arg18[%add3A_134, %dma_start3A] : memref<10240x144xf32, #tpu.memory_space<vmem_shared>> -> memref<64x144xf32, #tpu.memory_space<vmem_shared>>
      %dma_start3A_233 = arith.constant 0 : i32
      %dma_start3A_234 = tpu.memref_slice %arg18[%add3A_134, %dma_start3A_233] : memref<10240x144xf32, #tpu.memory_space<vmem_shared>> -> memref<64x144xf32, #tpu.memory_space<vmem_shared>>
      tpu.enqueue_dma source(%arg17 : memref<64x144xf32, #tpu.memory_space<vmem>>) target(%dma_start3A_234 : memref<64x144xf32, #tpu.memory_space<vmem_shared>>) target_semaphore(%run_scoped3A : memref<!tpu.dma_semaphore, #tpu.memory_space<semaphore_mem>>)
      %dma_wait3A = arith.constant 0 : i32
      %dma_wait3A_235 = tpu.memref_slice %arg18[%add3A_134, %dma_wait3A] : memref<10240x144xf32, #tpu.memory_space<vmem_shared>> -> memref<64x144xf32, #tpu.memory_space<vmem_shared>>
      %dma_wait3A_236 = arith.constant 0 : i32
      %dma_wait3A_237 = tpu.memref_slice %arg18[%add3A_134, %dma_wait3A_236] : memref<10240x144xf32, #tpu.memory_space<vmem_shared>> -> memref<64x144xf32, #tpu.memory_space<vmem_shared>>
      tpu.wait_dma2 semaphore(%run_scoped3A : memref<!tpu.dma_semaphore, #tpu.memory_space<semaphore_mem>>) src(%arg17 : memref<64x144xf32, #tpu.memory_space<vmem>>) dst(%dma_wait3A_237 : memref<64x144xf32, #tpu.memory_space<vmem_shared>>)
      tpu.yield
    }) : () -> ()
    %add3A_135 = arith.constant 320 : i32
    %add3A_136 = arith.addi %mul3A_4, %add3A_135 : i32
    "tpu.region"() ({
      %run_scoped3A = tpu.sem_alloc : memref<!tpu.dma_semaphore, #tpu.memory_space<semaphore_mem>>
      %dma_start3A = arith.constant 0 : i32
      %dma_start3A_232 = tpu.memref_slice %arg18[%add3A_136, %dma_start3A] : memref<10240x144xf32, #tpu.memory_space<vmem_shared>> -> memref<64x144xf32, #tpu.memory_space<vmem_shared>>
      %dma_start3A_233 = arith.constant 0 : i32
      %dma_start3A_234 = tpu.memref_slice %arg18[%add3A_136, %dma_start3A_233] : memref<10240x144xf32, #tpu.memory_space<vmem_shared>> -> memref<64x144xf32, #tpu.memory_space<vmem_shared>>
      tpu.enqueue_dma source(%arg17 : memref<64x144xf32, #tpu.memory_space<vmem>>) target(%dma_start3A_234 : memref<64x144xf32, #tpu.memory_space<vmem_shared>>) target_semaphore(%run_scoped3A : memref<!tpu.dma_semaphore, #tpu.memory_space<semaphore_mem>>)
      %dma_wait3A = arith.constant 0 : i32
      %dma_wait3A_235 = tpu.memref_slice %arg18[%add3A_136, %dma_wait3A] : memref<10240x144xf32, #tpu.memory_space<vmem_shared>> -> memref<64x144xf32, #tpu.memory_space<vmem_shared>>
      %dma_wait3A_236 = arith.constant 0 : i32
      %dma_wait3A_237 = tpu.memref_slice %arg18[%add3A_136, %dma_wait3A_236] : memref<10240x144xf32, #tpu.memory_space<vmem_shared>> -> memref<64x144xf32, #tpu.memory_space<vmem_shared>>
      tpu.wait_dma2 semaphore(%run_scoped3A : memref<!tpu.dma_semaphore, #tpu.memory_space<semaphore_mem>>) src(%arg17 : memref<64x144xf32, #tpu.memory_space<vmem>>) dst(%dma_wait3A_237 : memref<64x144xf32, #tpu.memory_space<vmem_shared>>)
      tpu.yield
    }) : () -> ()
    %add3A_137 = arith.constant 384 : i32
    %add3A_138 = arith.addi %mul3A_4, %add3A_137 : i32
    "tpu.region"() ({
      %run_scoped3A = tpu.sem_alloc : memref<!tpu.dma_semaphore, #tpu.memory_space<semaphore_mem>>
      %dma_start3A = arith.constant 0 : i32
      %dma_start3A_232 = tpu.memref_slice %arg18[%add3A_138, %dma_start3A] : memref<10240x144xf32, #tpu.memory_space<vmem_shared>> -> memref<64x144xf32, #tpu.memory_space<vmem_shared>>
      %dma_start3A_233 = arith.constant 0 : i32
      %dma_start3A_234 = tpu.memref_slice %arg18[%add3A_138, %dma_start3A_233] : memref<10240x144xf32, #tpu.memory_space<vmem_shared>> -> memref<64x144xf32, #tpu.memory_space<vmem_shared>>
      tpu.enqueue_dma source(%arg17 : memref<64x144xf32, #tpu.memory_space<vmem>>) target(%dma_start3A_234 : memref<64x144xf32, #tpu.memory_space<vmem_shared>>) target_semaphore(%run_scoped3A : memref<!tpu.dma_semaphore, #tpu.memory_space<semaphore_mem>>)
      %dma_wait3A = arith.constant 0 : i32
      %dma_wait3A_235 = tpu.memref_slice %arg18[%add3A_138, %dma_wait3A] : memref<10240x144xf32, #tpu.memory_space<vmem_shared>> -> memref<64x144xf32, #tpu.memory_space<vmem_shared>>
      %dma_wait3A_236 = arith.constant 0 : i32
      %dma_wait3A_237 = tpu.memref_slice %arg18[%add3A_138, %dma_wait3A_236] : memref<10240x144xf32, #tpu.memory_space<vmem_shared>> -> memref<64x144xf32, #tpu.memory_space<vmem_shared>>
      tpu.wait_dma2 semaphore(%run_scoped3A : memref<!tpu.dma_semaphore, #tpu.memory_space<semaphore_mem>>) src(%arg17 : memref<64x144xf32, #tpu.memory_space<vmem>>) dst(%dma_wait3A_237 : memref<64x144xf32, #tpu.memory_space<vmem_shared>>)
      tpu.yield
    }) : () -> ()
    %add3A_139 = arith.constant 448 : i32
    %add3A_140 = arith.addi %mul3A_4, %add3A_139 : i32
    "tpu.region"() ({
      %run_scoped3A = tpu.sem_alloc : memref<!tpu.dma_semaphore, #tpu.memory_space<semaphore_mem>>
      %dma_start3A = arith.constant 0 : i32
      %dma_start3A_232 = tpu.memref_slice %arg18[%add3A_140, %dma_start3A] : memref<10240x144xf32, #tpu.memory_space<vmem_shared>> -> memref<64x144xf32, #tpu.memory_space<vmem_shared>>
      %dma_start3A_233 = arith.constant 0 : i32
      %dma_start3A_234 = tpu.memref_slice %arg18[%add3A_140, %dma_start3A_233] : memref<10240x144xf32, #tpu.memory_space<vmem_shared>> -> memref<64x144xf32, #tpu.memory_space<vmem_shared>>
      tpu.enqueue_dma source(%arg17 : memref<64x144xf32, #tpu.memory_space<vmem>>) target(%dma_start3A_234 : memref<64x144xf32, #tpu.memory_space<vmem_shared>>) target_semaphore(%run_scoped3A : memref<!tpu.dma_semaphore, #tpu.memory_space<semaphore_mem>>)
      %dma_wait3A = arith.constant 0 : i32
      %dma_wait3A_235 = tpu.memref_slice %arg18[%add3A_140, %dma_wait3A] : memref<10240x144xf32, #tpu.memory_space<vmem_shared>> -> memref<64x144xf32, #tpu.memory_space<vmem_shared>>
      %dma_wait3A_236 = arith.constant 0 : i32
      %dma_wait3A_237 = tpu.memref_slice %arg18[%add3A_140, %dma_wait3A_236] : memref<10240x144xf32, #tpu.memory_space<vmem_shared>> -> memref<64x144xf32, #tpu.memory_space<vmem_shared>>
      tpu.wait_dma2 semaphore(%run_scoped3A : memref<!tpu.dma_semaphore, #tpu.memory_space<semaphore_mem>>) src(%arg17 : memref<64x144xf32, #tpu.memory_space<vmem>>) dst(%dma_wait3A_237 : memref<64x144xf32, #tpu.memory_space<vmem_shared>>)
      tpu.yield
    }) : () -> ()
    %add3A_141 = arith.constant 512 : i32
    %add3A_142 = arith.addi %mul3A_4, %add3A_141 : i32
    "tpu.region"() ({
      %run_scoped3A = tpu.sem_alloc : memref<!tpu.dma_semaphore, #tpu.memory_space<semaphore_mem>>
      %dma_start3A = arith.constant 0 : i32
      %dma_start3A_232 = tpu.memref_slice %arg18[%add3A_142, %dma_start3A] : memref<10240x144xf32, #tpu.memory_space<vmem_shared>> -> memref<64x144xf32, #tpu.memory_space<vmem_shared>>
      %dma_start3A_233 = arith.constant 0 : i32
      %dma_start3A_234 = tpu.memref_slice %arg18[%add3A_142, %dma_start3A_233] : memref<10240x144xf32, #tpu.memory_space<vmem_shared>> -> memref<64x144xf32, #tpu.memory_space<vmem_shared>>
      tpu.enqueue_dma source(%arg17 : memref<64x144xf32, #tpu.memory_space<vmem>>) target(%dma_start3A_234 : memref<64x144xf32, #tpu.memory_space<vmem_shared>>) target_semaphore(%run_scoped3A : memref<!tpu.dma_semaphore, #tpu.memory_space<semaphore_mem>>)
      %dma_wait3A = arith.constant 0 : i32
      %dma_wait3A_235 = tpu.memref_slice %arg18[%add3A_142, %dma_wait3A] : memref<10240x144xf32, #tpu.memory_space<vmem_shared>> -> memref<64x144xf32, #tpu.memory_space<vmem_shared>>
      %dma_wait3A_236 = arith.constant 0 : i32
      %dma_wait3A_237 = tpu.memref_slice %arg18[%add3A_142, %dma_wait3A_236] : memref<10240x144xf32, #tpu.memory_space<vmem_shared>> -> memref<64x144xf32, #tpu.memory_space<vmem_shared>>
      tpu.wait_dma2 semaphore(%run_scoped3A : memref<!tpu.dma_semaphore, #tpu.memory_space<semaphore_mem>>) src(%arg17 : memref<64x144xf32, #tpu.memory_space<vmem>>) dst(%dma_wait3A_237 : memref<64x144xf32, #tpu.memory_space<vmem_shared>>)
      tpu.yield
    }) : () -> ()
    %add3A_143 = arith.constant 576 : i32
    %add3A_144 = arith.addi %mul3A_4, %add3A_143 : i32
    "tpu.region"() ({
      %run_scoped3A = tpu.sem_alloc : memref<!tpu.dma_semaphore, #tpu.memory_space<semaphore_mem>>
      %dma_start3A = arith.constant 0 : i32
      %dma_start3A_232 = tpu.memref_slice %arg18[%add3A_144, %dma_start3A] : memref<10240x144xf32, #tpu.memory_space<vmem_shared>> -> memref<64x144xf32, #tpu.memory_space<vmem_shared>>
      %dma_start3A_233 = arith.constant 0 : i32
      %dma_start3A_234 = tpu.memref_slice %arg18[%add3A_144, %dma_start3A_233] : memref<10240x144xf32, #tpu.memory_space<vmem_shared>> -> memref<64x144xf32, #tpu.memory_space<vmem_shared>>
      tpu.enqueue_dma source(%arg17 : memref<64x144xf32, #tpu.memory_space<vmem>>) target(%dma_start3A_234 : memref<64x144xf32, #tpu.memory_space<vmem_shared>>) target_semaphore(%run_scoped3A : memref<!tpu.dma_semaphore, #tpu.memory_space<semaphore_mem>>)
      %dma_wait3A = arith.constant 0 : i32
      %dma_wait3A_235 = tpu.memref_slice %arg18[%add3A_144, %dma_wait3A] : memref<10240x144xf32, #tpu.memory_space<vmem_shared>> -> memref<64x144xf32, #tpu.memory_space<vmem_shared>>
      %dma_wait3A_236 = arith.constant 0 : i32
      %dma_wait3A_237 = tpu.memref_slice %arg18[%add3A_144, %dma_wait3A_236] : memref<10240x144xf32, #tpu.memory_space<vmem_shared>> -> memref<64x144xf32, #tpu.memory_space<vmem_shared>>
      tpu.wait_dma2 semaphore(%run_scoped3A : memref<!tpu.dma_semaphore, #tpu.memory_space<semaphore_mem>>) src(%arg17 : memref<64x144xf32, #tpu.memory_space<vmem>>) dst(%dma_wait3A_237 : memref<64x144xf32, #tpu.memory_space<vmem_shared>>)
      tpu.yield
    }) : () -> ()
    %barrier3A_145 = arith.constant 0 : index
    tpu.barrier barrier_id(%barrier3A_145)
    %scan3A_146 = arith.constant 0 : i32
    %scan3A_147 = arith.constant 0 : i32
    %scan3A_148 = arith.constant 157 : i32
    %scan3A_149 = arith.addi %scan3A_147, %scan3A_148 : i32
    %scan3A_150 = arith.constant 1 : i32
    %scan3A_151 = scf.for %scan3A_232 = %scan3A_147 to %scan3A_149 step %scan3A_150 iter_args(%scan3A_233 = %scan3A_146) -> (i32)  : i32 {
      %mul3A_234 = arith.constant 64 : i32
      %mul3A_235 = arith.muli %scan3A_232, %mul3A_234 : i32
      %add3A_236 = arith.addi %mul3A_2, %mul3A_235 : i32
      "tpu.region"() ({
        %run_scoped3A = tpu.sem_alloc : memref<!tpu.dma_semaphore, #tpu.memory_space<semaphore_mem>>
        %dma_start3A = tpu.memref_slice %arg2[%add3A_236] : memref<321536xi32, #tpu.memory_space<hbm>> -> memref<64xi32, #tpu.memory_space<hbm>>
        %dma_start3A_238 = tpu.memref_slice %arg2[%add3A_236] : memref<321536xi32, #tpu.memory_space<hbm>> -> memref<64xi32, #tpu.memory_space<hbm>>
        tpu.enqueue_dma source(%dma_start3A_238 : memref<64xi32, #tpu.memory_space<hbm>>) target(%arg13 : memref<64xi32, #tpu.memory_space<vmem>>) target_semaphore(%run_scoped3A : memref<!tpu.dma_semaphore, #tpu.memory_space<semaphore_mem>>)
        %dma_wait3A = tpu.memref_slice %arg2[%add3A_236] : memref<321536xi32, #tpu.memory_space<hbm>> -> memref<64xi32, #tpu.memory_space<hbm>>
        %dma_wait3A_239 = tpu.memref_slice %arg2[%add3A_236] : memref<321536xi32, #tpu.memory_space<hbm>> -> memref<64xi32, #tpu.memory_space<hbm>>
        tpu.wait_dma2 semaphore(%run_scoped3A : memref<!tpu.dma_semaphore, #tpu.memory_space<semaphore_mem>>) src(%dma_wait3A_239 : memref<64xi32, #tpu.memory_space<hbm>>) dst(%arg13 : memref<64xi32, #tpu.memory_space<vmem>>)
        tpu.yield
      }) : () -> ()
      "tpu.region"() ({
        %run_scoped3A = tpu.sem_alloc : memref<!tpu.dma_semaphore, #tpu.memory_space<semaphore_mem>>
        %dma_start3A = tpu.memref_slice %arg3[%add3A_236] : memref<321536xi32, #tpu.memory_space<hbm>> -> memref<64xi32, #tpu.memory_space<hbm>>
        %dma_start3A_238 = tpu.memref_slice %arg3[%add3A_236] : memref<321536xi32, #tpu.memory_space<hbm>> -> memref<64xi32, #tpu.memory_space<hbm>>
        tpu.enqueue_dma source(%dma_start3A_238 : memref<64xi32, #tpu.memory_space<hbm>>) target(%arg14 : memref<64xi32, #tpu.memory_space<vmem>>) target_semaphore(%run_scoped3A : memref<!tpu.dma_semaphore, #tpu.memory_space<semaphore_mem>>)
        %dma_wait3A = tpu.memref_slice %arg3[%add3A_236] : memref<321536xi32, #tpu.memory_space<hbm>> -> memref<64xi32, #tpu.memory_space<hbm>>
        %dma_wait3A_239 = tpu.memref_slice %arg3[%add3A_236] : memref<321536xi32, #tpu.memory_space<hbm>> -> memref<64xi32, #tpu.memory_space<hbm>>
        tpu.wait_dma2 semaphore(%run_scoped3A : memref<!tpu.dma_semaphore, #tpu.memory_space<semaphore_mem>>) src(%dma_wait3A_239 : memref<64xi32, #tpu.memory_space<hbm>>) dst(%arg14 : memref<64xi32, #tpu.memory_space<vmem>>)
        tpu.yield
      }) : () -> ()
      "tpu.region"() ({
        %run_scoped3A = tpu.sem_alloc : memref<!tpu.dma_semaphore, #tpu.memory_space<semaphore_mem>>
        %dma_start3A = arith.constant 0 : i32
        %dma_start3A_238 = arith.constant 0 : i32
        %dma_start3A_239 = tpu.memref_slice %arg7[%dma_start3A, %dma_start3A_238] : memref<10000x144xf32, #tpu.memory_space<hbm>> -> memref<10000x144xf32, #tpu.memory_space<hbm>>
        tpu.enqueue_indirect_dma source(%dma_start3A_239 : memref<10000x144xf32, #tpu.memory_space<hbm>>) target(%arg17 : memref<64x144xf32, #tpu.memory_space<vmem>>) offsets(%arg13 : memref<64xi32, #tpu.memory_space<vmem>>) semaphore(%run_scoped3A : memref<!tpu.dma_semaphore, #tpu.memory_space<semaphore_mem>>)
        %dma_wait3A = arith.constant 0 : i32
        %dma_wait3A_240 = arith.constant 0 : i32
        %dma_wait3A_241 = tpu.memref_slice %arg7[%dma_wait3A, %dma_wait3A_240] : memref<10000x144xf32, #tpu.memory_space<hbm>> -> memref<10000x144xf32, #tpu.memory_space<hbm>>
        tpu.wait_indirect_dma semaphore(%run_scoped3A : memref<!tpu.dma_semaphore, #tpu.memory_space<semaphore_mem>>) src(%dma_wait3A_241 : memref<10000x144xf32, #tpu.memory_space<hbm>>) dst(%arg17 : memref<64x144xf32, #tpu.memory_space<vmem>>)
        tpu.yield
      }) : () -> ()
      "tpu.region"() ({
        %run_scoped3A = tpu.sem_alloc : memref<!tpu.dma_semaphore, #tpu.memory_space<semaphore_mem>>
        %dma_start3A = arith.constant 0 : i32
        %dma_start3A_238 = arith.constant 0 : i32
        %dma_start3A_239 = tpu.memref_slice %arg18[%dma_start3A, %dma_start3A_238] : memref<10240x144xf32, #tpu.memory_space<vmem_shared>> -> memref<10240x144xf32, #tpu.memory_space<vmem_shared>>
        tpu.enqueue_indirect_dma source(%arg17 : memref<64x144xf32, #tpu.memory_space<vmem>>) target(%dma_start3A_239 : memref<10240x144xf32, #tpu.memory_space<vmem_shared>>) offsets(%arg14 : memref<64xi32, #tpu.memory_space<vmem>>) semaphore(%run_scoped3A : memref<!tpu.dma_semaphore, #tpu.memory_space<semaphore_mem>>) {add = true}
        %dma_wait3A = arith.constant 0 : i32
        %dma_wait3A_240 = arith.constant 0 : i32
        %dma_wait3A_241 = tpu.memref_slice %arg18[%dma_wait3A, %dma_wait3A_240] : memref<10240x144xf32, #tpu.memory_space<vmem_shared>> -> memref<10240x144xf32, #tpu.memory_space<vmem_shared>>
        tpu.wait_indirect_dma semaphore(%run_scoped3A : memref<!tpu.dma_semaphore, #tpu.memory_space<semaphore_mem>>) src(%arg17 : memref<64x144xf32, #tpu.memory_space<vmem>>) dst(%dma_wait3A_241 : memref<10240x144xf32, #tpu.memory_space<vmem_shared>>)
        tpu.yield
      }) : () -> ()
      %scan3A_237 = arith.constant 0 : i32
      scf.yield %scan3A_237 : i32
    }
    %scan3A_152 = arith.constant 157 : i32
    %barrier3A_153 = arith.constant 0 : index
    tpu.barrier barrier_id(%barrier3A_153)
    %add3A_154 = arith.constant 0 : i32
    %add3A_155 = arith.addi %mul3A_4, %add3A_154 : i32
    %add3A_156 = arith.constant 0 : i32
    %add3A_157 = arith.addi %mul3A_4, %add3A_156 : i32
    "tpu.region"() ({
      %run_scoped3A = tpu.sem_alloc : memref<!tpu.dma_semaphore, #tpu.memory_space<semaphore_mem>>
      %dma_start3A = arith.constant 0 : i32
      %dma_start3A_232 = tpu.memref_slice %arg11[%arg0, %add3A_157, %dma_start3A] : memref<2x10240x144xf32, #tpu.memory_space<hbm>> -> memref<1x128x144xf32, #tpu.memory_space<hbm>>
      %dma_start3A_233 = tpu.memref_squeeze %dma_start3A_232 : memref<1x128x144xf32, #tpu.memory_space<hbm>> -> memref<128x144xf32, #tpu.memory_space<hbm>>
      %dma_start3A_234 = arith.constant 0 : i32
      %dma_start3A_235 = tpu.memref_slice %arg18[%add3A_155, %dma_start3A_234] : memref<10240x144xf32, #tpu.memory_space<vmem_shared>> -> memref<128x144xf32, #tpu.memory_space<vmem_shared>>
      tpu.enqueue_dma source(%dma_start3A_235 : memref<128x144xf32, #tpu.memory_space<vmem_shared>>) target(%dma_start3A_233 : memref<128x144xf32, #tpu.memory_space<hbm>>) target_semaphore(%run_scoped3A : memref<!tpu.dma_semaphore, #tpu.memory_space<semaphore_mem>>)
      %dma_wait3A = arith.constant 0 : i32
      %dma_wait3A_236 = tpu.memref_slice %arg11[%arg0, %add3A_157, %dma_wait3A] : memref<2x10240x144xf32, #tpu.memory_space<hbm>> -> memref<1x128x144xf32, #tpu.memory_space<hbm>>
      %dma_wait3A_237 = tpu.memref_squeeze %dma_wait3A_236 : memref<1x128x144xf32, #tpu.memory_space<hbm>> -> memref<128x144xf32, #tpu.memory_space<hbm>>
      %dma_wait3A_238 = arith.constant 0 : i32
      %dma_wait3A_239 = tpu.memref_slice %arg18[%add3A_155, %dma_wait3A_238] : memref<10240x144xf32, #tpu.memory_space<vmem_shared>> -> memref<128x144xf32, #tpu.memory_space<vmem_shared>>
      tpu.wait_dma2 semaphore(%run_scoped3A : memref<!tpu.dma_semaphore, #tpu.memory_space<semaphore_mem>>) src(%dma_wait3A_239 : memref<128x144xf32, #tpu.memory_space<vmem_shared>>) dst(%dma_wait3A_237 : memref<128x144xf32, #tpu.memory_space<hbm>>)
      tpu.yield
    }) : () -> ()
    %add3A_158 = arith.constant 128 : i32
    %add3A_159 = arith.addi %mul3A_4, %add3A_158 : i32
    %add3A_160 = arith.constant 128 : i32
    %add3A_161 = arith.addi %mul3A_4, %add3A_160 : i32
    "tpu.region"() ({
      %run_scoped3A = tpu.sem_alloc : memref<!tpu.dma_semaphore, #tpu.memory_space<semaphore_mem>>
      %dma_start3A = arith.constant 0 : i32
      %dma_start3A_232 = tpu.memref_slice %arg11[%arg0, %add3A_161, %dma_start3A] : memref<2x10240x144xf32, #tpu.memory_space<hbm>> -> memref<1x128x144xf32, #tpu.memory_space<hbm>>
      %dma_start3A_233 = tpu.memref_squeeze %dma_start3A_232 : memref<1x128x144xf32, #tpu.memory_space<hbm>> -> memref<128x144xf32, #tpu.memory_space<hbm>>
      %dma_start3A_234 = arith.constant 0 : i32
      %dma_start3A_235 = tpu.memref_slice %arg18[%add3A_159, %dma_start3A_234] : memref<10240x144xf32, #tpu.memory_space<vmem_shared>> -> memref<128x144xf32, #tpu.memory_space<vmem_shared>>
      tpu.enqueue_dma source(%dma_start3A_235 : memref<128x144xf32, #tpu.memory_space<vmem_shared>>) target(%dma_start3A_233 : memref<128x144xf32, #tpu.memory_space<hbm>>) target_semaphore(%run_scoped3A : memref<!tpu.dma_semaphore, #tpu.memory_space<semaphore_mem>>)
      %dma_wait3A = arith.constant 0 : i32
      %dma_wait3A_236 = tpu.memref_slice %arg11[%arg0, %add3A_161, %dma_wait3A] : memref<2x10240x144xf32, #tpu.memory_space<hbm>> -> memref<1x128x144xf32, #tpu.memory_space<hbm>>
      %dma_wait3A_237 = tpu.memref_squeeze %dma_wait3A_236 : memref<1x128x144xf32, #tpu.memory_space<hbm>> -> memref<128x144xf32, #tpu.memory_space<hbm>>
      %dma_wait3A_238 = arith.constant 0 : i32
      %dma_wait3A_239 = tpu.memref_slice %arg18[%add3A_159, %dma_wait3A_238] : memref<10240x144xf32, #tpu.memory_space<vmem_shared>> -> memref<128x144xf32, #tpu.memory_space<vmem_shared>>
      tpu.wait_dma2 semaphore(%run_scoped3A : memref<!tpu.dma_semaphore, #tpu.memory_space<semaphore_mem>>) src(%dma_wait3A_239 : memref<128x144xf32, #tpu.memory_space<vmem_shared>>) dst(%dma_wait3A_237 : memref<128x144xf32, #tpu.memory_space<hbm>>)
      tpu.yield
    }) : () -> ()
    %add3A_162 = arith.constant 256 : i32
    %add3A_163 = arith.addi %mul3A_4, %add3A_162 : i32
    %add3A_164 = arith.constant 256 : i32
    %add3A_165 = arith.addi %mul3A_4, %add3A_164 : i32
    "tpu.region"() ({
      %run_scoped3A = tpu.sem_alloc : memref<!tpu.dma_semaphore, #tpu.memory_space<semaphore_mem>>
      %dma_start3A = arith.constant 0 : i32
      %dma_start3A_232 = tpu.memref_slice %arg11[%arg0, %add3A_165, %dma_start3A] : memref<2x10240x144xf32, #tpu.memory_space<hbm>> -> memref<1x128x144xf32, #tpu.memory_space<hbm>>
      %dma_start3A_233 = tpu.memref_squeeze %dma_start3A_232 : memref<1x128x144xf32, #tpu.memory_space<hbm>> -> memref<128x144xf32, #tpu.memory_space<hbm>>
      %dma_start3A_234 = arith.constant 0 : i32
      %dma_start3A_235 = tpu.memref_slice %arg18[%add3A_163, %dma_start3A_234] : memref<10240x144xf32, #tpu.memory_space<vmem_shared>> -> memref<128x144xf32, #tpu.memory_space<vmem_shared>>
      tpu.enqueue_dma source(%dma_start3A_235 : memref<128x144xf32, #tpu.memory_space<vmem_shared>>) target(%dma_start3A_233 : memref<128x144xf32, #tpu.memory_space<hbm>>) target_semaphore(%run_scoped3A : memref<!tpu.dma_semaphore, #tpu.memory_space<semaphore_mem>>)
      %dma_wait3A = arith.constant 0 : i32
      %dma_wait3A_236 = tpu.memref_slice %arg11[%arg0, %add3A_165, %dma_wait3A] : memref<2x10240x144xf32, #tpu.memory_space<hbm>> -> memref<1x128x144xf32, #tpu.memory_space<hbm>>
      %dma_wait3A_237 = tpu.memref_squeeze %dma_wait3A_236 : memref<1x128x144xf32, #tpu.memory_space<hbm>> -> memref<128x144xf32, #tpu.memory_space<hbm>>
      %dma_wait3A_238 = arith.constant 0 : i32
      %dma_wait3A_239 = tpu.memref_slice %arg18[%add3A_163, %dma_wait3A_238] : memref<10240x144xf32, #tpu.memory_space<vmem_shared>> -> memref<128x144xf32, #tpu.memory_space<vmem_shared>>
      tpu.wait_dma2 semaphore(%run_scoped3A : memref<!tpu.dma_semaphore, #tpu.memory_space<semaphore_mem>>) src(%dma_wait3A_239 : memref<128x144xf32, #tpu.memory_space<vmem_shared>>) dst(%dma_wait3A_237 : memref<128x144xf32, #tpu.memory_space<hbm>>)
      tpu.yield
    }) : () -> ()
    %add3A_166 = arith.constant 384 : i32
    %add3A_167 = arith.addi %mul3A_4, %add3A_166 : i32
    %add3A_168 = arith.constant 384 : i32
    %add3A_169 = arith.addi %mul3A_4, %add3A_168 : i32
    "tpu.region"() ({
      %run_scoped3A = tpu.sem_alloc : memref<!tpu.dma_semaphore, #tpu.memory_space<semaphore_mem>>
      %dma_start3A = arith.constant 0 : i32
      %dma_start3A_232 = tpu.memref_slice %arg11[%arg0, %add3A_169, %dma_start3A] : memref<2x10240x144xf32, #tpu.memory_space<hbm>> -> memref<1x128x144xf32, #tpu.memory_space<hbm>>
      %dma_start3A_233 = tpu.memref_squeeze %dma_start3A_232 : memref<1x128x144xf32, #tpu.memory_space<hbm>> -> memref<128x144xf32, #tpu.memory_space<hbm>>
      %dma_start3A_234 = arith.constant 0 : i32
      %dma_start3A_235 = tpu.memref_slice %arg18[%add3A_167, %dma_start3A_234] : memref<10240x144xf32, #tpu.memory_space<vmem_shared>> -> memref<128x144xf32, #tpu.memory_space<vmem_shared>>
      tpu.enqueue_dma source(%dma_start3A_235 : memref<128x144xf32, #tpu.memory_space<vmem_shared>>) target(%dma_start3A_233 : memref<128x144xf32, #tpu.memory_space<hbm>>) target_semaphore(%run_scoped3A : memref<!tpu.dma_semaphore, #tpu.memory_space<semaphore_mem>>)
      %dma_wait3A = arith.constant 0 : i32
      %dma_wait3A_236 = tpu.memref_slice %arg11[%arg0, %add3A_169, %dma_wait3A] : memref<2x10240x144xf32, #tpu.memory_space<hbm>> -> memref<1x128x144xf32, #tpu.memory_space<hbm>>
      %dma_wait3A_237 = tpu.memref_squeeze %dma_wait3A_236 : memref<1x128x144xf32, #tpu.memory_space<hbm>> -> memref<128x144xf32, #tpu.memory_space<hbm>>
      %dma_wait3A_238 = arith.constant 0 : i32
      %dma_wait3A_239 = tpu.memref_slice %arg18[%add3A_167, %dma_wait3A_238] : memref<10240x144xf32, #tpu.memory_space<vmem_shared>> -> memref<128x144xf32, #tpu.memory_space<vmem_shared>>
      tpu.wait_dma2 semaphore(%run_scoped3A : memref<!tpu.dma_semaphore, #tpu.memory_space<semaphore_mem>>) src(%dma_wait3A_239 : memref<128x144xf32, #tpu.memory_space<vmem_shared>>) dst(%dma_wait3A_237 : memref<128x144xf32, #tpu.memory_space<hbm>>)
      tpu.yield
    }) : () -> ()
    %add3A_170 = arith.constant 512 : i32
    %add3A_171 = arith.addi %mul3A_4, %add3A_170 : i32
    %add3A_172 = arith.constant 512 : i32
    %add3A_173 = arith.addi %mul3A_4, %add3A_172 : i32
    "tpu.region"() ({
      %run_scoped3A = tpu.sem_alloc : memref<!tpu.dma_semaphore, #tpu.memory_space<semaphore_mem>>
      %dma_start3A = arith.constant 0 : i32
      %dma_start3A_232 = tpu.memref_slice %arg11[%arg0, %add3A_173, %dma_start3A] : memref<2x10240x144xf32, #tpu.memory_space<hbm>> -> memref<1x128x144xf32, #tpu.memory_space<hbm>>
      %dma_start3A_233 = tpu.memref_squeeze %dma_start3A_232 : memref<1x128x144xf32, #tpu.memory_space<hbm>> -> memref<128x144xf32, #tpu.memory_space<hbm>>
      %dma_start3A_234 = arith.constant 0 : i32
      %dma_start3A_235 = tpu.memref_slice %arg18[%add3A_171, %dma_start3A_234] : memref<10240x144xf32, #tpu.memory_space<vmem_shared>> -> memref<128x144xf32, #tpu.memory_space<vmem_shared>>
      tpu.enqueue_dma source(%dma_start3A_235 : memref<128x144xf32, #tpu.memory_space<vmem_shared>>) target(%dma_start3A_233 : memref<128x144xf32, #tpu.memory_space<hbm>>) target_semaphore(%run_scoped3A : memref<!tpu.dma_semaphore, #tpu.memory_space<semaphore_mem>>)
      %dma_wait3A = arith.constant 0 : i32
      %dma_wait3A_236 = tpu.memref_slice %arg11[%arg0, %add3A_173, %dma_wait3A] : memref<2x10240x144xf32, #tpu.memory_space<hbm>> -> memref<1x128x144xf32, #tpu.memory_space<hbm>>
      %dma_wait3A_237 = tpu.memref_squeeze %dma_wait3A_236 : memref<1x128x144xf32, #tpu.memory_space<hbm>> -> memref<128x144xf32, #tpu.memory_space<hbm>>
      %dma_wait3A_238 = arith.constant 0 : i32
      %dma_wait3A_239 = tpu.memref_slice %arg18[%add3A_171, %dma_wait3A_238] : memref<10240x144xf32, #tpu.memory_space<vmem_shared>> -> memref<128x144xf32, #tpu.memory_space<vmem_shared>>
      tpu.wait_dma2 semaphore(%run_scoped3A : memref<!tpu.dma_semaphore, #tpu.memory_space<semaphore_mem>>) src(%dma_wait3A_239 : memref<128x144xf32, #tpu.memory_space<vmem_shared>>) dst(%dma_wait3A_237 : memref<128x144xf32, #tpu.memory_space<hbm>>)
      tpu.yield
    }) : () -> ()
    %barrier3A_174 = arith.constant 0 : index
    tpu.barrier barrier_id(%barrier3A_174)
    %scan3A_175 = arith.constant 0 : i32
    %scan3A_176 = arith.constant 0 : i32
    %scan3A_177 = arith.constant 64 : i32
    %scan3A_178 = arith.addi %scan3A_176, %scan3A_177 : i32
    %scan3A_179 = arith.constant 1 : i32
    %scan3A_180 = scf.for %scan3A_232 = %scan3A_176 to %scan3A_178 step %scan3A_179 iter_args(%scan3A_233 = %scan3A_175) -> (i32)  : i32 {
      %swap3A = arith.index_cast %scan3A_232 : i32 to index
      %swap3A_234 = arith.constant 0 : index
      %swap3A_235 = tpu.vector_load %arg17[%swap3A, %swap3A_234] {strides = array<i32>} : memref<64x144xf32, #tpu.memory_space<vmem>>, vector<16xf32>,
      tpu.vector_store %arg17[%swap3A, %swap3A_234], %broadcast_in_dim3A_5 {strides = array<i32>} : memref<64x144xf32, #tpu.memory_space<vmem>>, vector<16xf32>,
      %swap3A_236 = arith.index_cast %scan3A_232 : i32 to index
      %swap3A_237 = arith.constant 16 : index
      %swap3A_238 = tpu.vector_load %arg17[%swap3A_236, %swap3A_237] {strides = array<i32>} : memref<64x144xf32, #tpu.memory_space<vmem>>, vector<16xf32>,
      tpu.vector_store %arg17[%swap3A_236, %swap3A_237], %broadcast_in_dim3A_5 {strides = array<i32>} : memref<64x144xf32, #tpu.memory_space<vmem>>, vector<16xf32>,
      %swap3A_239 = arith.index_cast %scan3A_232 : i32 to index
      %swap3A_240 = arith.constant 32 : index
      %swap3A_241 = tpu.vector_load %arg17[%swap3A_239, %swap3A_240] {strides = array<i32>} : memref<64x144xf32, #tpu.memory_space<vmem>>, vector<16xf32>,
      tpu.vector_store %arg17[%swap3A_239, %swap3A_240], %broadcast_in_dim3A_5 {strides = array<i32>} : memref<64x144xf32, #tpu.memory_space<vmem>>, vector<16xf32>,
      %swap3A_242 = arith.index_cast %scan3A_232 : i32 to index
      %swap3A_243 = arith.constant 48 : index
      %swap3A_244 = tpu.vector_load %arg17[%swap3A_242, %swap3A_243] {strides = array<i32>} : memref<64x144xf32, #tpu.memory_space<vmem>>, vector<16xf32>,
      tpu.vector_store %arg17[%swap3A_242, %swap3A_243], %broadcast_in_dim3A_5 {strides = array<i32>} : memref<64x144xf32, #tpu.memory_space<vmem>>, vector<16xf32>,
      %swap3A_245 = arith.index_cast %scan3A_232 : i32 to index
      %swap3A_246 = arith.constant 64 : index
      %swap3A_247 = tpu.vector_load %arg17[%swap3A_245, %swap3A_246] {strides = array<i32>} : memref<64x144xf32, #tpu.memory_space<vmem>>, vector<16xf32>,
      tpu.vector_store %arg17[%swap3A_245, %swap3A_246], %broadcast_in_dim3A_5 {strides = array<i32>} : memref<64x144xf32, #tpu.memory_space<vmem>>, vector<16xf32>,
      %swap3A_248 = arith.index_cast %scan3A_232 : i32 to index
      %swap3A_249 = arith.constant 80 : index
      %swap3A_250 = tpu.vector_load %arg17[%swap3A_248, %swap3A_249] {strides = array<i32>} : memref<64x144xf32, #tpu.memory_space<vmem>>, vector<16xf32>,
      tpu.vector_store %arg17[%swap3A_248, %swap3A_249], %broadcast_in_dim3A_5 {strides = array<i32>} : memref<64x144xf32, #tpu.memory_space<vmem>>, vector<16xf32>,
      %swap3A_251 = arith.index_cast %scan3A_232 : i32 to index
      %swap3A_252 = arith.constant 96 : index
      %swap3A_253 = tpu.vector_load %arg17[%swap3A_251, %swap3A_252] {strides = array<i32>} : memref<64x144xf32, #tpu.memory_space<vmem>>, vector<16xf32>,
      tpu.vector_store %arg17[%swap3A_251, %swap3A_252], %broadcast_in_dim3A_5 {strides = array<i32>} : memref<64x144xf32, #tpu.memory_space<vmem>>, vector<16xf32>,
      %swap3A_254 = arith.index_cast %scan3A_232 : i32 to index
      %swap3A_255 = arith.constant 112 : index
      %swap3A_256 = tpu.vector_load %arg17[%swap3A_254, %swap3A_255] {strides = array<i32>} : memref<64x144xf32, #tpu.memory_space<vmem>>, vector<16xf32>,
      tpu.vector_store %arg17[%swap3A_254, %swap3A_255], %broadcast_in_dim3A_5 {strides = array<i32>} : memref<64x144xf32, #tpu.memory_space<vmem>>, vector<16xf32>,
      %swap3A_257 = arith.index_cast %scan3A_232 : i32 to index
      %swap3A_258 = arith.constant 128 : index
      %swap3A_259 = tpu.vector_load %arg17[%swap3A_257, %swap3A_258] {strides = array<i32>} : memref<64x144xf32, #tpu.memory_space<vmem>>, vector<16xf32>,
      tpu.vector_store %arg17[%swap3A_257, %swap3A_258], %broadcast_in_dim3A_5 {strides = array<i32>} : memref<64x144xf32, #tpu.memory_space<vmem>>, vector<16xf32>,
      %scan3A_260 = arith.constant 0 : i32
      scf.yield %scan3A_260 : i32
    }
    %scan3A_181 = arith.constant 64 : i32
    %add3A_182 = arith.constant 0 : i32
    %add3A_183 = arith.addi %mul3A_4, %add3A_182 : i32
    "tpu.region"() ({
      %run_scoped3A = tpu.sem_alloc : memref<!tpu.dma_semaphore, #tpu.memory_space<semaphore_mem>>
      %dma_start3A = arith.constant 0 : i32
      %dma_start3A_232 = tpu.memref_slice %arg18[%add3A_183, %dma_start3A] : memref<10240x144xf32, #tpu.memory_space<vmem_shared>> -> memref<64x144xf32, #tpu.memory_space<vmem_shared>>
      %dma_start3A_233 = arith.constant 0 : i32
      %dma_start3A_234 = tpu.memref_slice %arg18[%add3A_183, %dma_start3A_233] : memref<10240x144xf32, #tpu.memory_space<vmem_shared>> -> memref<64x144xf32, #tpu.memory_space<vmem_shared>>
      tpu.enqueue_dma source(%arg17 : memref<64x144xf32, #tpu.memory_space<vmem>>) target(%dma_start3A_234 : memref<64x144xf32, #tpu.memory_space<vmem_shared>>) target_semaphore(%run_scoped3A : memref<!tpu.dma_semaphore, #tpu.memory_space<semaphore_mem>>)
      %dma_wait3A = arith.constant 0 : i32
      %dma_wait3A_235 = tpu.memref_slice %arg18[%add3A_183, %dma_wait3A] : memref<10240x144xf32, #tpu.memory_space<vmem_shared>> -> memref<64x144xf32, #tpu.memory_space<vmem_shared>>
      %dma_wait3A_236 = arith.constant 0 : i32
      %dma_wait3A_237 = tpu.memref_slice %arg18[%add3A_183, %dma_wait3A_236] : memref<10240x144xf32, #tpu.memory_space<vmem_shared>> -> memref<64x144xf32, #tpu.memory_space<vmem_shared>>
      tpu.wait_dma2 semaphore(%run_scoped3A : memref<!tpu.dma_semaphore, #tpu.memory_space<semaphore_mem>>) src(%arg17 : memref<64x144xf32, #tpu.memory_space<vmem>>) dst(%dma_wait3A_237 : memref<64x144xf32, #tpu.memory_space<vmem_shared>>)
      tpu.yield
    }) : () -> ()
    %add3A_184 = arith.constant 64 : i32
    %add3A_185 = arith.addi %mul3A_4, %add3A_184 : i32
    "tpu.region"() ({
      %run_scoped3A = tpu.sem_alloc : memref<!tpu.dma_semaphore, #tpu.memory_space<semaphore_mem>>
      %dma_start3A = arith.constant 0 : i32
      %dma_start3A_232 = tpu.memref_slice %arg18[%add3A_185, %dma_start3A] : memref<10240x144xf32, #tpu.memory_space<vmem_shared>> -> memref<64x144xf32, #tpu.memory_space<vmem_shared>>
      %dma_start3A_233 = arith.constant 0 : i32
      %dma_start3A_234 = tpu.memref_slice %arg18[%add3A_185, %dma_start3A_233] : memref<10240x144xf32, #tpu.memory_space<vmem_shared>> -> memref<64x144xf32, #tpu.memory_space<vmem_shared>>
      tpu.enqueue_dma source(%arg17 : memref<64x144xf32, #tpu.memory_space<vmem>>) target(%dma_start3A_234 : memref<64x144xf32, #tpu.memory_space<vmem_shared>>) target_semaphore(%run_scoped3A : memref<!tpu.dma_semaphore, #tpu.memory_space<semaphore_mem>>)
      %dma_wait3A = arith.constant 0 : i32
      %dma_wait3A_235 = tpu.memref_slice %arg18[%add3A_185, %dma_wait3A] : memref<10240x144xf32, #tpu.memory_space<vmem_shared>> -> memref<64x144xf32, #tpu.memory_space<vmem_shared>>
      %dma_wait3A_236 = arith.constant 0 : i32
      %dma_wait3A_237 = tpu.memref_slice %arg18[%add3A_185, %dma_wait3A_236] : memref<10240x144xf32, #tpu.memory_space<vmem_shared>> -> memref<64x144xf32, #tpu.memory_space<vmem_shared>>
      tpu.wait_dma2 semaphore(%run_scoped3A : memref<!tpu.dma_semaphore, #tpu.memory_space<semaphore_mem>>) src(%arg17 : memref<64x144xf32, #tpu.memory_space<vmem>>) dst(%dma_wait3A_237 : memref<64x144xf32, #tpu.memory_space<vmem_shared>>)
      tpu.yield
    }) : () -> ()
    %add3A_186 = arith.constant 128 : i32
    %add3A_187 = arith.addi %mul3A_4, %add3A_186 : i32
    "tpu.region"() ({
      %run_scoped3A = tpu.sem_alloc : memref<!tpu.dma_semaphore, #tpu.memory_space<semaphore_mem>>
      %dma_start3A = arith.constant 0 : i32
      %dma_start3A_232 = tpu.memref_slice %arg18[%add3A_187, %dma_start3A] : memref<10240x144xf32, #tpu.memory_space<vmem_shared>> -> memref<64x144xf32, #tpu.memory_space<vmem_shared>>
      %dma_start3A_233 = arith.constant 0 : i32
      %dma_start3A_234 = tpu.memref_slice %arg18[%add3A_187, %dma_start3A_233] : memref<10240x144xf32, #tpu.memory_space<vmem_shared>> -> memref<64x144xf32, #tpu.memory_space<vmem_shared>>
      tpu.enqueue_dma source(%arg17 : memref<64x144xf32, #tpu.memory_space<vmem>>) target(%dma_start3A_234 : memref<64x144xf32, #tpu.memory_space<vmem_shared>>) target_semaphore(%run_scoped3A : memref<!tpu.dma_semaphore, #tpu.memory_space<semaphore_mem>>)
      %dma_wait3A = arith.constant 0 : i32
      %dma_wait3A_235 = tpu.memref_slice %arg18[%add3A_187, %dma_wait3A] : memref<10240x144xf32, #tpu.memory_space<vmem_shared>> -> memref<64x144xf32, #tpu.memory_space<vmem_shared>>
      %dma_wait3A_236 = arith.constant 0 : i32
      %dma_wait3A_237 = tpu.memref_slice %arg18[%add3A_187, %dma_wait3A_236] : memref<10240x144xf32, #tpu.memory_space<vmem_shared>> -> memref<64x144xf32, #tpu.memory_space<vmem_shared>>
      tpu.wait_dma2 semaphore(%run_scoped3A : memref<!tpu.dma_semaphore, #tpu.memory_space<semaphore_mem>>) src(%arg17 : memref<64x144xf32, #tpu.memory_space<vmem>>) dst(%dma_wait3A_237 : memref<64x144xf32, #tpu.memory_space<vmem_shared>>)
      tpu.yield
    }) : () -> ()
    %add3A_188 = arith.constant 192 : i32
    %add3A_189 = arith.addi %mul3A_4, %add3A_188 : i32
    "tpu.region"() ({
      %run_scoped3A = tpu.sem_alloc : memref<!tpu.dma_semaphore, #tpu.memory_space<semaphore_mem>>
      %dma_start3A = arith.constant 0 : i32
      %dma_start3A_232 = tpu.memref_slice %arg18[%add3A_189, %dma_start3A] : memref<10240x144xf32, #tpu.memory_space<vmem_shared>> -> memref<64x144xf32, #tpu.memory_space<vmem_shared>>
      %dma_start3A_233 = arith.constant 0 : i32
      %dma_start3A_234 = tpu.memref_slice %arg18[%add3A_189, %dma_start3A_233] : memref<10240x144xf32, #tpu.memory_space<vmem_shared>> -> memref<64x144xf32, #tpu.memory_space<vmem_shared>>
      tpu.enqueue_dma source(%arg17 : memref<64x144xf32, #tpu.memory_space<vmem>>) target(%dma_start3A_234 : memref<64x144xf32, #tpu.memory_space<vmem_shared>>) target_semaphore(%run_scoped3A : memref<!tpu.dma_semaphore, #tpu.memory_space<semaphore_mem>>)
      %dma_wait3A = arith.constant 0 : i32
      %dma_wait3A_235 = tpu.memref_slice %arg18[%add3A_189, %dma_wait3A] : memref<10240x144xf32, #tpu.memory_space<vmem_shared>> -> memref<64x144xf32, #tpu.memory_space<vmem_shared>>
      %dma_wait3A_236 = arith.constant 0 : i32
      %dma_wait3A_237 = tpu.memref_slice %arg18[%add3A_189, %dma_wait3A_236] : memref<10240x144xf32, #tpu.memory_space<vmem_shared>> -> memref<64x144xf32, #tpu.memory_space<vmem_shared>>
      tpu.wait_dma2 semaphore(%run_scoped3A : memref<!tpu.dma_semaphore, #tpu.memory_space<semaphore_mem>>) src(%arg17 : memref<64x144xf32, #tpu.memory_space<vmem>>) dst(%dma_wait3A_237 : memref<64x144xf32, #tpu.memory_space<vmem_shared>>)
      tpu.yield
    }) : () -> ()
    %add3A_190 = arith.constant 256 : i32
    %add3A_191 = arith.addi %mul3A_4, %add3A_190 : i32
    "tpu.region"() ({
      %run_scoped3A = tpu.sem_alloc : memref<!tpu.dma_semaphore, #tpu.memory_space<semaphore_mem>>
      %dma_start3A = arith.constant 0 : i32
      %dma_start3A_232 = tpu.memref_slice %arg18[%add3A_191, %dma_start3A] : memref<10240x144xf32, #tpu.memory_space<vmem_shared>> -> memref<64x144xf32, #tpu.memory_space<vmem_shared>>
      %dma_start3A_233 = arith.constant 0 : i32
      %dma_start3A_234 = tpu.memref_slice %arg18[%add3A_191, %dma_start3A_233] : memref<10240x144xf32, #tpu.memory_space<vmem_shared>> -> memref<64x144xf32, #tpu.memory_space<vmem_shared>>
      tpu.enqueue_dma source(%arg17 : memref<64x144xf32, #tpu.memory_space<vmem>>) target(%dma_start3A_234 : memref<64x144xf32, #tpu.memory_space<vmem_shared>>) target_semaphore(%run_scoped3A : memref<!tpu.dma_semaphore, #tpu.memory_space<semaphore_mem>>)
      %dma_wait3A = arith.constant 0 : i32
      %dma_wait3A_235 = tpu.memref_slice %arg18[%add3A_191, %dma_wait3A] : memref<10240x144xf32, #tpu.memory_space<vmem_shared>> -> memref<64x144xf32, #tpu.memory_space<vmem_shared>>
      %dma_wait3A_236 = arith.constant 0 : i32
      %dma_wait3A_237 = tpu.memref_slice %arg18[%add3A_191, %dma_wait3A_236] : memref<10240x144xf32, #tpu.memory_space<vmem_shared>> -> memref<64x144xf32, #tpu.memory_space<vmem_shared>>
      tpu.wait_dma2 semaphore(%run_scoped3A : memref<!tpu.dma_semaphore, #tpu.memory_space<semaphore_mem>>) src(%arg17 : memref<64x144xf32, #tpu.memory_space<vmem>>) dst(%dma_wait3A_237 : memref<64x144xf32, #tpu.memory_space<vmem_shared>>)
      tpu.yield
    }) : () -> ()
    %add3A_192 = arith.constant 320 : i32
    %add3A_193 = arith.addi %mul3A_4, %add3A_192 : i32
    "tpu.region"() ({
      %run_scoped3A = tpu.sem_alloc : memref<!tpu.dma_semaphore, #tpu.memory_space<semaphore_mem>>
      %dma_start3A = arith.constant 0 : i32
      %dma_start3A_232 = tpu.memref_slice %arg18[%add3A_193, %dma_start3A] : memref<10240x144xf32, #tpu.memory_space<vmem_shared>> -> memref<64x144xf32, #tpu.memory_space<vmem_shared>>
      %dma_start3A_233 = arith.constant 0 : i32
      %dma_start3A_234 = tpu.memref_slice %arg18[%add3A_193, %dma_start3A_233] : memref<10240x144xf32, #tpu.memory_space<vmem_shared>> -> memref<64x144xf32, #tpu.memory_space<vmem_shared>>
      tpu.enqueue_dma source(%arg17 : memref<64x144xf32, #tpu.memory_space<vmem>>) target(%dma_start3A_234 : memref<64x144xf32, #tpu.memory_space<vmem_shared>>) target_semaphore(%run_scoped3A : memref<!tpu.dma_semaphore, #tpu.memory_space<semaphore_mem>>)
      %dma_wait3A = arith.constant 0 : i32
      %dma_wait3A_235 = tpu.memref_slice %arg18[%add3A_193, %dma_wait3A] : memref<10240x144xf32, #tpu.memory_space<vmem_shared>> -> memref<64x144xf32, #tpu.memory_space<vmem_shared>>
      %dma_wait3A_236 = arith.constant 0 : i32
      %dma_wait3A_237 = tpu.memref_slice %arg18[%add3A_193, %dma_wait3A_236] : memref<10240x144xf32, #tpu.memory_space<vmem_shared>> -> memref<64x144xf32, #tpu.memory_space<vmem_shared>>
      tpu.wait_dma2 semaphore(%run_scoped3A : memref<!tpu.dma_semaphore, #tpu.memory_space<semaphore_mem>>) src(%arg17 : memref<64x144xf32, #tpu.memory_space<vmem>>) dst(%dma_wait3A_237 : memref<64x144xf32, #tpu.memory_space<vmem_shared>>)
      tpu.yield
    }) : () -> ()
    %add3A_194 = arith.constant 384 : i32
    %add3A_195 = arith.addi %mul3A_4, %add3A_194 : i32
    "tpu.region"() ({
      %run_scoped3A = tpu.sem_alloc : memref<!tpu.dma_semaphore, #tpu.memory_space<semaphore_mem>>
      %dma_start3A = arith.constant 0 : i32
      %dma_start3A_232 = tpu.memref_slice %arg18[%add3A_195, %dma_start3A] : memref<10240x144xf32, #tpu.memory_space<vmem_shared>> -> memref<64x144xf32, #tpu.memory_space<vmem_shared>>
      %dma_start3A_233 = arith.constant 0 : i32
      %dma_start3A_234 = tpu.memref_slice %arg18[%add3A_195, %dma_start3A_233] : memref<10240x144xf32, #tpu.memory_space<vmem_shared>> -> memref<64x144xf32, #tpu.memory_space<vmem_shared>>
      tpu.enqueue_dma source(%arg17 : memref<64x144xf32, #tpu.memory_space<vmem>>) target(%dma_start3A_234 : memref<64x144xf32, #tpu.memory_space<vmem_shared>>) target_semaphore(%run_scoped3A : memref<!tpu.dma_semaphore, #tpu.memory_space<semaphore_mem>>)
      %dma_wait3A = arith.constant 0 : i32
      %dma_wait3A_235 = tpu.memref_slice %arg18[%add3A_195, %dma_wait3A] : memref<10240x144xf32, #tpu.memory_space<vmem_shared>> -> memref<64x144xf32, #tpu.memory_space<vmem_shared>>
      %dma_wait3A_236 = arith.constant 0 : i32
      %dma_wait3A_237 = tpu.memref_slice %arg18[%add3A_195, %dma_wait3A_236] : memref<10240x144xf32, #tpu.memory_space<vmem_shared>> -> memref<64x144xf32, #tpu.memory_space<vmem_shared>>
      tpu.wait_dma2 semaphore(%run_scoped3A : memref<!tpu.dma_semaphore, #tpu.memory_space<semaphore_mem>>) src(%arg17 : memref<64x144xf32, #tpu.memory_space<vmem>>) dst(%dma_wait3A_237 : memref<64x144xf32, #tpu.memory_space<vmem_shared>>)
      tpu.yield
    }) : () -> ()
    %add3A_196 = arith.constant 448 : i32
    %add3A_197 = arith.addi %mul3A_4, %add3A_196 : i32
    "tpu.region"() ({
      %run_scoped3A = tpu.sem_alloc : memref<!tpu.dma_semaphore, #tpu.memory_space<semaphore_mem>>
      %dma_start3A = arith.constant 0 : i32
      %dma_start3A_232 = tpu.memref_slice %arg18[%add3A_197, %dma_start3A] : memref<10240x144xf32, #tpu.memory_space<vmem_shared>> -> memref<64x144xf32, #tpu.memory_space<vmem_shared>>
      %dma_start3A_233 = arith.constant 0 : i32
      %dma_start3A_234 = tpu.memref_slice %arg18[%add3A_197, %dma_start3A_233] : memref<10240x144xf32, #tpu.memory_space<vmem_shared>> -> memref<64x144xf32, #tpu.memory_space<vmem_shared>>
      tpu.enqueue_dma source(%arg17 : memref<64x144xf32, #tpu.memory_space<vmem>>) target(%dma_start3A_234 : memref<64x144xf32, #tpu.memory_space<vmem_shared>>) target_semaphore(%run_scoped3A : memref<!tpu.dma_semaphore, #tpu.memory_space<semaphore_mem>>)
      %dma_wait3A = arith.constant 0 : i32
      %dma_wait3A_235 = tpu.memref_slice %arg18[%add3A_197, %dma_wait3A] : memref<10240x144xf32, #tpu.memory_space<vmem_shared>> -> memref<64x144xf32, #tpu.memory_space<vmem_shared>>
      %dma_wait3A_236 = arith.constant 0 : i32
      %dma_wait3A_237 = tpu.memref_slice %arg18[%add3A_197, %dma_wait3A_236] : memref<10240x144xf32, #tpu.memory_space<vmem_shared>> -> memref<64x144xf32, #tpu.memory_space<vmem_shared>>
      tpu.wait_dma2 semaphore(%run_scoped3A : memref<!tpu.dma_semaphore, #tpu.memory_space<semaphore_mem>>) src(%arg17 : memref<64x144xf32, #tpu.memory_space<vmem>>) dst(%dma_wait3A_237 : memref<64x144xf32, #tpu.memory_space<vmem_shared>>)
      tpu.yield
    }) : () -> ()
    %add3A_198 = arith.constant 512 : i32
    %add3A_199 = arith.addi %mul3A_4, %add3A_198 : i32
    "tpu.region"() ({
      %run_scoped3A = tpu.sem_alloc : memref<!tpu.dma_semaphore, #tpu.memory_space<semaphore_mem>>
      %dma_start3A = arith.constant 0 : i32
      %dma_start3A_232 = tpu.memref_slice %arg18[%add3A_199, %dma_start3A] : memref<10240x144xf32, #tpu.memory_space<vmem_shared>> -> memref<64x144xf32, #tpu.memory_space<vmem_shared>>
      %dma_start3A_233 = arith.constant 0 : i32
      %dma_start3A_234 = tpu.memref_slice %arg18[%add3A_199, %dma_start3A_233] : memref<10240x144xf32, #tpu.memory_space<vmem_shared>> -> memref<64x144xf32, #tpu.memory_space<vmem_shared>>
      tpu.enqueue_dma source(%arg17 : memref<64x144xf32, #tpu.memory_space<vmem>>) target(%dma_start3A_234 : memref<64x144xf32, #tpu.memory_space<vmem_shared>>) target_semaphore(%run_scoped3A : memref<!tpu.dma_semaphore, #tpu.memory_space<semaphore_mem>>)
      %dma_wait3A = arith.constant 0 : i32
      %dma_wait3A_235 = tpu.memref_slice %arg18[%add3A_199, %dma_wait3A] : memref<10240x144xf32, #tpu.memory_space<vmem_shared>> -> memref<64x144xf32, #tpu.memory_space<vmem_shared>>
      %dma_wait3A_236 = arith.constant 0 : i32
      %dma_wait3A_237 = tpu.memref_slice %arg18[%add3A_199, %dma_wait3A_236] : memref<10240x144xf32, #tpu.memory_space<vmem_shared>> -> memref<64x144xf32, #tpu.memory_space<vmem_shared>>
      tpu.wait_dma2 semaphore(%run_scoped3A : memref<!tpu.dma_semaphore, #tpu.memory_space<semaphore_mem>>) src(%arg17 : memref<64x144xf32, #tpu.memory_space<vmem>>) dst(%dma_wait3A_237 : memref<64x144xf32, #tpu.memory_space<vmem_shared>>)
      tpu.yield
    }) : () -> ()
    %add3A_200 = arith.constant 576 : i32
    %add3A_201 = arith.addi %mul3A_4, %add3A_200 : i32
    "tpu.region"() ({
      %run_scoped3A = tpu.sem_alloc : memref<!tpu.dma_semaphore, #tpu.memory_space<semaphore_mem>>
      %dma_start3A = arith.constant 0 : i32
      %dma_start3A_232 = tpu.memref_slice %arg18[%add3A_201, %dma_start3A] : memref<10240x144xf32, #tpu.memory_space<vmem_shared>> -> memref<64x144xf32, #tpu.memory_space<vmem_shared>>
      %dma_start3A_233 = arith.constant 0 : i32
      %dma_start3A_234 = tpu.memref_slice %arg18[%add3A_201, %dma_start3A_233] : memref<10240x144xf32, #tpu.memory_space<vmem_shared>> -> memref<64x144xf32, #tpu.memory_space<vmem_shared>>
      tpu.enqueue_dma source(%arg17 : memref<64x144xf32, #tpu.memory_space<vmem>>) target(%dma_start3A_234 : memref<64x144xf32, #tpu.memory_space<vmem_shared>>) target_semaphore(%run_scoped3A : memref<!tpu.dma_semaphore, #tpu.memory_space<semaphore_mem>>)
      %dma_wait3A = arith.constant 0 : i32
      %dma_wait3A_235 = tpu.memref_slice %arg18[%add3A_201, %dma_wait3A] : memref<10240x144xf32, #tpu.memory_space<vmem_shared>> -> memref<64x144xf32, #tpu.memory_space<vmem_shared>>
      %dma_wait3A_236 = arith.constant 0 : i32
      %dma_wait3A_237 = tpu.memref_slice %arg18[%add3A_201, %dma_wait3A_236] : memref<10240x144xf32, #tpu.memory_space<vmem_shared>> -> memref<64x144xf32, #tpu.memory_space<vmem_shared>>
      tpu.wait_dma2 semaphore(%run_scoped3A : memref<!tpu.dma_semaphore, #tpu.memory_space<semaphore_mem>>) src(%arg17 : memref<64x144xf32, #tpu.memory_space<vmem>>) dst(%dma_wait3A_237 : memref<64x144xf32, #tpu.memory_space<vmem_shared>>)
      tpu.yield
    }) : () -> ()
    %barrier3A_202 = arith.constant 0 : index
    tpu.barrier barrier_id(%barrier3A_202)
    %scan3A_203 = arith.constant 0 : i32
    %scan3A_204 = arith.constant 0 : i32
    %scan3A_205 = arith.constant 157 : i32
    %scan3A_206 = arith.addi %scan3A_204, %scan3A_205 : i32
    %scan3A_207 = arith.constant 1 : i32
    %scan3A_208 = scf.for %scan3A_232 = %scan3A_204 to %scan3A_206 step %scan3A_207 iter_args(%scan3A_233 = %scan3A_203) -> (i32)  : i32 {
      %mul3A_234 = arith.constant 64 : i32
      %mul3A_235 = arith.muli %scan3A_232, %mul3A_234 : i32
      %add3A_236 = arith.addi %mul3A_2, %mul3A_235 : i32
      "tpu.region"() ({
        %run_scoped3A = tpu.sem_alloc : memref<!tpu.dma_semaphore, #tpu.memory_space<semaphore_mem>>
        %dma_start3A = tpu.memref_slice %arg2[%add3A_236] : memref<321536xi32, #tpu.memory_space<hbm>> -> memref<64xi32, #tpu.memory_space<hbm>>
        %dma_start3A_238 = tpu.memref_slice %arg2[%add3A_236] : memref<321536xi32, #tpu.memory_space<hbm>> -> memref<64xi32, #tpu.memory_space<hbm>>
        tpu.enqueue_dma source(%dma_start3A_238 : memref<64xi32, #tpu.memory_space<hbm>>) target(%arg13 : memref<64xi32, #tpu.memory_space<vmem>>) target_semaphore(%run_scoped3A : memref<!tpu.dma_semaphore, #tpu.memory_space<semaphore_mem>>)
        %dma_wait3A = tpu.memref_slice %arg2[%add3A_236] : memref<321536xi32, #tpu.memory_space<hbm>> -> memref<64xi32, #tpu.memory_space<hbm>>
        %dma_wait3A_239 = tpu.memref_slice %arg2[%add3A_236] : memref<321536xi32, #tpu.memory_space<hbm>> -> memref<64xi32, #tpu.memory_space<hbm>>
        tpu.wait_dma2 semaphore(%run_scoped3A : memref<!tpu.dma_semaphore, #tpu.memory_space<semaphore_mem>>) src(%dma_wait3A_239 : memref<64xi32, #tpu.memory_space<hbm>>) dst(%arg13 : memref<64xi32, #tpu.memory_space<vmem>>)
        tpu.yield
      }) : () -> ()
      "tpu.region"() ({
        %run_scoped3A = tpu.sem_alloc : memref<!tpu.dma_semaphore, #tpu.memory_space<semaphore_mem>>
        %dma_start3A = tpu.memref_slice %arg3[%add3A_236] : memref<321536xi32, #tpu.memory_space<hbm>> -> memref<64xi32, #tpu.memory_space<hbm>>
        %dma_start3A_238 = tpu.memref_slice %arg3[%add3A_236] : memref<321536xi32, #tpu.memory_space<hbm>> -> memref<64xi32, #tpu.memory_space<hbm>>
        tpu.enqueue_dma source(%dma_start3A_238 : memref<64xi32, #tpu.memory_space<hbm>>) target(%arg14 : memref<64xi32, #tpu.memory_space<vmem>>) target_semaphore(%run_scoped3A : memref<!tpu.dma_semaphore, #tpu.memory_space<semaphore_mem>>)
        %dma_wait3A = tpu.memref_slice %arg3[%add3A_236] : memref<321536xi32, #tpu.memory_space<hbm>> -> memref<64xi32, #tpu.memory_space<hbm>>
        %dma_wait3A_239 = tpu.memref_slice %arg3[%add3A_236] : memref<321536xi32, #tpu.memory_space<hbm>> -> memref<64xi32, #tpu.memory_space<hbm>>
        tpu.wait_dma2 semaphore(%run_scoped3A : memref<!tpu.dma_semaphore, #tpu.memory_space<semaphore_mem>>) src(%dma_wait3A_239 : memref<64xi32, #tpu.memory_space<hbm>>) dst(%arg14 : memref<64xi32, #tpu.memory_space<vmem>>)
        tpu.yield
      }) : () -> ()
      "tpu.region"() ({
        %run_scoped3A = tpu.sem_alloc : memref<!tpu.dma_semaphore, #tpu.memory_space<semaphore_mem>>
        %dma_start3A = arith.constant 0 : i32
        %dma_start3A_238 = arith.constant 0 : i32
        %dma_start3A_239 = tpu.memref_slice %arg8[%dma_start3A, %dma_start3A_238] : memref<10000x144xf32, #tpu.memory_space<hbm>> -> memref<10000x144xf32, #tpu.memory_space<hbm>>
        tpu.enqueue_indirect_dma source(%dma_start3A_239 : memref<10000x144xf32, #tpu.memory_space<hbm>>) target(%arg17 : memref<64x144xf32, #tpu.memory_space<vmem>>) offsets(%arg13 : memref<64xi32, #tpu.memory_space<vmem>>) semaphore(%run_scoped3A : memref<!tpu.dma_semaphore, #tpu.memory_space<semaphore_mem>>)
        %dma_wait3A = arith.constant 0 : i32
        %dma_wait3A_240 = arith.constant 0 : i32
        %dma_wait3A_241 = tpu.memref_slice %arg8[%dma_wait3A, %dma_wait3A_240] : memref<10000x144xf32, #tpu.memory_space<hbm>> -> memref<10000x144xf32, #tpu.memory_space<hbm>>
        tpu.wait_indirect_dma semaphore(%run_scoped3A : memref<!tpu.dma_semaphore, #tpu.memory_space<semaphore_mem>>) src(%dma_wait3A_241 : memref<10000x144xf32, #tpu.memory_space<hbm>>) dst(%arg17 : memref<64x144xf32, #tpu.memory_space<vmem>>)
        tpu.yield
      }) : () -> ()
      "tpu.region"() ({
        %run_scoped3A = tpu.sem_alloc : memref<!tpu.dma_semaphore, #tpu.memory_space<semaphore_mem>>
        %dma_start3A = arith.constant 0 : i32
        %dma_start3A_238 = arith.constant 0 : i32
        %dma_start3A_239 = tpu.memref_slice %arg18[%dma_start3A, %dma_start3A_238] : memref<10240x144xf32, #tpu.memory_space<vmem_shared>> -> memref<10240x144xf32, #tpu.memory_space<vmem_shared>>
        tpu.enqueue_indirect_dma source(%arg17 : memref<64x144xf32, #tpu.memory_space<vmem>>) target(%dma_start3A_239 : memref<10240x144xf32, #tpu.memory_space<vmem_shared>>) offsets(%arg14 : memref<64xi32, #tpu.memory_space<vmem>>) semaphore(%run_scoped3A : memref<!tpu.dma_semaphore, #tpu.memory_space<semaphore_mem>>) {add = true}
        %dma_wait3A = arith.constant 0 : i32
        %dma_wait3A_240 = arith.constant 0 : i32
        %dma_wait3A_241 = tpu.memref_slice %arg18[%dma_wait3A, %dma_wait3A_240] : memref<10240x144xf32, #tpu.memory_space<vmem_shared>> -> memref<10240x144xf32, #tpu.memory_space<vmem_shared>>
        tpu.wait_indirect_dma semaphore(%run_scoped3A : memref<!tpu.dma_semaphore, #tpu.memory_space<semaphore_mem>>) src(%arg17 : memref<64x144xf32, #tpu.memory_space<vmem>>) dst(%dma_wait3A_241 : memref<10240x144xf32, #tpu.memory_space<vmem_shared>>)
        tpu.yield
      }) : () -> ()
      %scan3A_237 = arith.constant 0 : i32
      scf.yield %scan3A_237 : i32
    }
    %scan3A_209 = arith.constant 157 : i32
    %barrier3A_210 = arith.constant 0 : index
    tpu.barrier barrier_id(%barrier3A_210)
    %add3A_211 = arith.constant 0 : i32
    %add3A_212 = arith.addi %mul3A_4, %add3A_211 : i32
    %add3A_213 = arith.constant 0 : i32
    %add3A_214 = arith.addi %mul3A_4, %add3A_213 : i32
    "tpu.region"() ({
      %run_scoped3A = tpu.sem_alloc : memref<!tpu.dma_semaphore, #tpu.memory_space<semaphore_mem>>
      %dma_start3A = arith.constant 0 : i32
      %dma_start3A_232 = tpu.memref_slice %arg12[%arg0, %add3A_214, %dma_start3A] : memref<2x10240x144xf32, #tpu.memory_space<hbm>> -> memref<1x128x144xf32, #tpu.memory_space<hbm>>
      %dma_start3A_233 = tpu.memref_squeeze %dma_start3A_232 : memref<1x128x144xf32, #tpu.memory_space<hbm>> -> memref<128x144xf32, #tpu.memory_space<hbm>>
      %dma_start3A_234 = arith.constant 0 : i32
      %dma_start3A_235 = tpu.memref_slice %arg18[%add3A_212, %dma_start3A_234] : memref<10240x144xf32, #tpu.memory_space<vmem_shared>> -> memref<128x144xf32, #tpu.memory_space<vmem_shared>>
      tpu.enqueue_dma source(%dma_start3A_235 : memref<128x144xf32, #tpu.memory_space<vmem_shared>>) target(%dma_start3A_233 : memref<128x144xf32, #tpu.memory_space<hbm>>) target_semaphore(%run_scoped3A : memref<!tpu.dma_semaphore, #tpu.memory_space<semaphore_mem>>)
      %dma_wait3A = arith.constant 0 : i32
      %dma_wait3A_236 = tpu.memref_slice %arg12[%arg0, %add3A_214, %dma_wait3A] : memref<2x10240x144xf32, #tpu.memory_space<hbm>> -> memref<1x128x144xf32, #tpu.memory_space<hbm>>
      %dma_wait3A_237 = tpu.memref_squeeze %dma_wait3A_236 : memref<1x128x144xf32, #tpu.memory_space<hbm>> -> memref<128x144xf32, #tpu.memory_space<hbm>>
      %dma_wait3A_238 = arith.constant 0 : i32
      %dma_wait3A_239 = tpu.memref_slice %arg18[%add3A_212, %dma_wait3A_238] : memref<10240x144xf32, #tpu.memory_space<vmem_shared>> -> memref<128x144xf32, #tpu.memory_space<vmem_shared>>
      tpu.wait_dma2 semaphore(%run_scoped3A : memref<!tpu.dma_semaphore, #tpu.memory_space<semaphore_mem>>) src(%dma_wait3A_239 : memref<128x144xf32, #tpu.memory_space<vmem_shared>>) dst(%dma_wait3A_237 : memref<128x144xf32, #tpu.memory_space<hbm>>)
      tpu.yield
    }) : () -> ()
    %add3A_215 = arith.constant 128 : i32
    %add3A_216 = arith.addi %mul3A_4, %add3A_215 : i32
    %add3A_217 = arith.constant 128 : i32
    %add3A_218 = arith.addi %mul3A_4, %add3A_217 : i32
    "tpu.region"() ({
      %run_scoped3A = tpu.sem_alloc : memref<!tpu.dma_semaphore, #tpu.memory_space<semaphore_mem>>
      %dma_start3A = arith.constant 0 : i32
      %dma_start3A_232 = tpu.memref_slice %arg12[%arg0, %add3A_218, %dma_start3A] : memref<2x10240x144xf32, #tpu.memory_space<hbm>> -> memref<1x128x144xf32, #tpu.memory_space<hbm>>
      %dma_start3A_233 = tpu.memref_squeeze %dma_start3A_232 : memref<1x128x144xf32, #tpu.memory_space<hbm>> -> memref<128x144xf32, #tpu.memory_space<hbm>>
      %dma_start3A_234 = arith.constant 0 : i32
      %dma_start3A_235 = tpu.memref_slice %arg18[%add3A_216, %dma_start3A_234] : memref<10240x144xf32, #tpu.memory_space<vmem_shared>> -> memref<128x144xf32, #tpu.memory_space<vmem_shared>>
      tpu.enqueue_dma source(%dma_start3A_235 : memref<128x144xf32, #tpu.memory_space<vmem_shared>>) target(%dma_start3A_233 : memref<128x144xf32, #tpu.memory_space<hbm>>) target_semaphore(%run_scoped3A : memref<!tpu.dma_semaphore, #tpu.memory_space<semaphore_mem>>)
      %dma_wait3A = arith.constant 0 : i32
      %dma_wait3A_236 = tpu.memref_slice %arg12[%arg0, %add3A_218, %dma_wait3A] : memref<2x10240x144xf32, #tpu.memory_space<hbm>> -> memref<1x128x144xf32, #tpu.memory_space<hbm>>
      %dma_wait3A_237 = tpu.memref_squeeze %dma_wait3A_236 : memref<1x128x144xf32, #tpu.memory_space<hbm>> -> memref<128x144xf32, #tpu.memory_space<hbm>>
      %dma_wait3A_238 = arith.constant 0 : i32
      %dma_wait3A_239 = tpu.memref_slice %arg18[%add3A_216, %dma_wait3A_238] : memref<10240x144xf32, #tpu.memory_space<vmem_shared>> -> memref<128x144xf32, #tpu.memory_space<vmem_shared>>
      tpu.wait_dma2 semaphore(%run_scoped3A : memref<!tpu.dma_semaphore, #tpu.memory_space<semaphore_mem>>) src(%dma_wait3A_239 : memref<128x144xf32, #tpu.memory_space<vmem_shared>>) dst(%dma_wait3A_237 : memref<128x144xf32, #tpu.memory_space<hbm>>)
      tpu.yield
    }) : () -> ()
    %add3A_219 = arith.constant 256 : i32
    %add3A_220 = arith.addi %mul3A_4, %add3A_219 : i32
    %add3A_221 = arith.constant 256 : i32
    %add3A_222 = arith.addi %mul3A_4, %add3A_221 : i32
    "tpu.region"() ({
      %run_scoped3A = tpu.sem_alloc : memref<!tpu.dma_semaphore, #tpu.memory_space<semaphore_mem>>
      %dma_start3A = arith.constant 0 : i32
      %dma_start3A_232 = tpu.memref_slice %arg12[%arg0, %add3A_222, %dma_start3A] : memref<2x10240x144xf32, #tpu.memory_space<hbm>> -> memref<1x128x144xf32, #tpu.memory_space<hbm>>
      %dma_start3A_233 = tpu.memref_squeeze %dma_start3A_232 : memref<1x128x144xf32, #tpu.memory_space<hbm>> -> memref<128x144xf32, #tpu.memory_space<hbm>>
      %dma_start3A_234 = arith.constant 0 : i32
      %dma_start3A_235 = tpu.memref_slice %arg18[%add3A_220, %dma_start3A_234] : memref<10240x144xf32, #tpu.memory_space<vmem_shared>> -> memref<128x144xf32, #tpu.memory_space<vmem_shared>>
      tpu.enqueue_dma source(%dma_start3A_235 : memref<128x144xf32, #tpu.memory_space<vmem_shared>>) target(%dma_start3A_233 : memref<128x144xf32, #tpu.memory_space<hbm>>) target_semaphore(%run_scoped3A : memref<!tpu.dma_semaphore, #tpu.memory_space<semaphore_mem>>)
      %dma_wait3A = arith.constant 0 : i32
      %dma_wait3A_236 = tpu.memref_slice %arg12[%arg0, %add3A_222, %dma_wait3A] : memref<2x10240x144xf32, #tpu.memory_space<hbm>> -> memref<1x128x144xf32, #tpu.memory_space<hbm>>
      %dma_wait3A_237 = tpu.memref_squeeze %dma_wait3A_236 : memref<1x128x144xf32, #tpu.memory_space<hbm>> -> memref<128x144xf32, #tpu.memory_space<hbm>>
      %dma_wait3A_238 = arith.constant 0 : i32
      %dma_wait3A_239 = tpu.memref_slice %arg18[%add3A_220, %dma_wait3A_238] : memref<10240x144xf32, #tpu.memory_space<vmem_shared>> -> memref<128x144xf32, #tpu.memory_space<vmem_shared>>
      tpu.wait_dma2 semaphore(%run_scoped3A : memref<!tpu.dma_semaphore, #tpu.memory_space<semaphore_mem>>) src(%dma_wait3A_239 : memref<128x144xf32, #tpu.memory_space<vmem_shared>>) dst(%dma_wait3A_237 : memref<128x144xf32, #tpu.memory_space<hbm>>)
      tpu.yield
    }) : () -> ()
    %add3A_223 = arith.constant 384 : i32
    %add3A_224 = arith.addi %mul3A_4, %add3A_223 : i32
    %add3A_225 = arith.constant 384 : i32
    %add3A_226 = arith.addi %mul3A_4, %add3A_225 : i32
    "tpu.region"() ({
      %run_scoped3A = tpu.sem_alloc : memref<!tpu.dma_semaphore, #tpu.memory_space<semaphore_mem>>
      %dma_start3A = arith.constant 0 : i32
      %dma_start3A_232 = tpu.memref_slice %arg12[%arg0, %add3A_226, %dma_start3A] : memref<2x10240x144xf32, #tpu.memory_space<hbm>> -> memref<1x128x144xf32, #tpu.memory_space<hbm>>
      %dma_start3A_233 = tpu.memref_squeeze %dma_start3A_232 : memref<1x128x144xf32, #tpu.memory_space<hbm>> -> memref<128x144xf32, #tpu.memory_space<hbm>>
      %dma_start3A_234 = arith.constant 0 : i32
      %dma_start3A_235 = tpu.memref_slice %arg18[%add3A_224, %dma_start3A_234] : memref<10240x144xf32, #tpu.memory_space<vmem_shared>> -> memref<128x144xf32, #tpu.memory_space<vmem_shared>>
      tpu.enqueue_dma source(%dma_start3A_235 : memref<128x144xf32, #tpu.memory_space<vmem_shared>>) target(%dma_start3A_233 : memref<128x144xf32, #tpu.memory_space<hbm>>) target_semaphore(%run_scoped3A : memref<!tpu.dma_semaphore, #tpu.memory_space<semaphore_mem>>)
      %dma_wait3A = arith.constant 0 : i32
      %dma_wait3A_236 = tpu.memref_slice %arg12[%arg0, %add3A_226, %dma_wait3A] : memref<2x10240x144xf32, #tpu.memory_space<hbm>> -> memref<1x128x144xf32, #tpu.memory_space<hbm>>
      %dma_wait3A_237 = tpu.memref_squeeze %dma_wait3A_236 : memref<1x128x144xf32, #tpu.memory_space<hbm>> -> memref<128x144xf32, #tpu.memory_space<hbm>>
      %dma_wait3A_238 = arith.constant 0 : i32
      %dma_wait3A_239 = tpu.memref_slice %arg18[%add3A_224, %dma_wait3A_238] : memref<10240x144xf32, #tpu.memory_space<vmem_shared>> -> memref<128x144xf32, #tpu.memory_space<vmem_shared>>
      tpu.wait_dma2 semaphore(%run_scoped3A : memref<!tpu.dma_semaphore, #tpu.memory_space<semaphore_mem>>) src(%dma_wait3A_239 : memref<128x144xf32, #tpu.memory_space<vmem_shared>>) dst(%dma_wait3A_237 : memref<128x144xf32, #tpu.memory_space<hbm>>)
      tpu.yield
    }) : () -> ()
    %add3A_227 = arith.constant 512 : i32
    %add3A_228 = arith.addi %mul3A_4, %add3A_227 : i32
    %add3A_229 = arith.constant 512 : i32
    %add3A_230 = arith.addi %mul3A_4, %add3A_229 : i32
    "tpu.region"() ({
      %run_scoped3A = tpu.sem_alloc : memref<!tpu.dma_semaphore, #tpu.memory_space<semaphore_mem>>
      %dma_start3A = arith.constant 0 : i32
      %dma_start3A_232 = tpu.memref_slice %arg12[%arg0, %add3A_230, %dma_start3A] : memref<2x10240x144xf32, #tpu.memory_space<hbm>> -> memref<1x128x144xf32, #tpu.memory_space<hbm>>
      %dma_start3A_233 = tpu.memref_squeeze %dma_start3A_232 : memref<1x128x144xf32, #tpu.memory_space<hbm>> -> memref<128x144xf32, #tpu.memory_space<hbm>>
      %dma_start3A_234 = arith.constant 0 : i32
      %dma_start3A_235 = tpu.memref_slice %arg18[%add3A_228, %dma_start3A_234] : memref<10240x144xf32, #tpu.memory_space<vmem_shared>> -> memref<128x144xf32, #tpu.memory_space<vmem_shared>>
      tpu.enqueue_dma source(%dma_start3A_235 : memref<128x144xf32, #tpu.memory_space<vmem_shared>>) target(%dma_start3A_233 : memref<128x144xf32, #tpu.memory_space<hbm>>) target_semaphore(%run_scoped3A : memref<!tpu.dma_semaphore, #tpu.memory_space<semaphore_mem>>)
      %dma_wait3A = arith.constant 0 : i32
      %dma_wait3A_236 = tpu.memref_slice %arg12[%arg0, %add3A_230, %dma_wait3A] : memref<2x10240x144xf32, #tpu.memory_space<hbm>> -> memref<1x128x144xf32, #tpu.memory_space<hbm>>
      %dma_wait3A_237 = tpu.memref_squeeze %dma_wait3A_236 : memref<1x128x144xf32, #tpu.memory_space<hbm>> -> memref<128x144xf32, #tpu.memory_space<hbm>>
      %dma_wait3A_238 = arith.constant 0 : i32
      %dma_wait3A_239 = tpu.memref_slice %arg18[%add3A_228, %dma_wait3A_238] : memref<10240x144xf32, #tpu.memory_space<vmem_shared>> -> memref<128x144xf32, #tpu.memory_space<vmem_shared>>
      tpu.wait_dma2 semaphore(%run_scoped3A : memref<!tpu.dma_semaphore, #tpu.memory_space<semaphore_mem>>) src(%dma_wait3A_239 : memref<128x144xf32, #tpu.memory_space<vmem_shared>>) dst(%dma_wait3A_237 : memref<128x144xf32, #tpu.memory_space<hbm>>)
      tpu.yield
    }) : () -> ()
    %barrier3A_231 = arith.constant 0 : index
    tpu.barrier barrier_id(%barrier3A_231)
    return
  }
}

module attributes {stable_mosaic.version = 14 : i64} {
  func.func @_pre_body(%arg0: i32, %arg1: memref<1000x128xf32, #tpu.memory_space<vmem>>, %arg2: memref<1000x384xf32, #tpu.memory_space<vmem>>, %arg3: memref<128x128xf32, #tpu.memory_space<vmem>>, %arg4: memref<1x128xf32, #tpu.memory_space<vmem>>, %arg5: memref<128x128xf32, #tpu.memory_space<vmem>>, %arg6: memref<1x128xf32, #tpu.memory_space<vmem>>, %arg7: memref<128x256xf32, #tpu.memory_space<vmem>>, %arg8: memref<1x256xf32, #tpu.memory_space<vmem>>, %arg9: memref<128x384xf32, #tpu.memory_space<vmem>>, %arg10: memref<1000x128xf32, #tpu.memory_space<vmem>>, %arg11: memref<1000x256xf32, #tpu.memory_space<vmem>>, %arg12: memref<1000x144xf32, #tpu.memory_space<vmem>>, %arg13: memref<1000x144xf32, #tpu.memory_space<vmem>>, %arg14: memref<1000x144xf32, #tpu.memory_space<vmem>>, %arg15: memref<1000x128xf32, #tpu.memory_space<vmem>>, %arg16: memref<1000x384xf32, #tpu.memory_space<vmem>>) attributes {dimension_semantics = [#tpu.dimension_semantics<arbitrary>], iteration_bounds = array<i64: 10>, scalar_prefetch = 0 : i64, scratch_operands = 0 : i64, tpu.core_type = #tpu.core_type<tc>, window_params = [{transform_indices = @transform_0, window_bounds = array<i64: 1000, 128>}, {transform_indices = @transform_1, window_bounds = array<i64: 1000, 384>}, {pipeline_mode = #tpu.pipeline_mode<synchronous>, transform_indices = @transform_2, window_bounds = array<i64: 128, 128>}, {pipeline_mode = #tpu.pipeline_mode<synchronous>, transform_indices = @transform_3, window_bounds = array<i64: 1, 128>}, {pipeline_mode = #tpu.pipeline_mode<synchronous>, transform_indices = @transform_4, window_bounds = array<i64: 128, 128>}, {pipeline_mode = #tpu.pipeline_mode<synchronous>, transform_indices = @transform_5, window_bounds = array<i64: 1, 128>}, {pipeline_mode = #tpu.pipeline_mode<synchronous>, transform_indices = @transform_6, window_bounds = array<i64: 128, 256>}, {pipeline_mode = #tpu.pipeline_mode<synchronous>, transform_indices = @transform_7, window_bounds = array<i64: 1, 256>}, {pipeline_mode = #tpu.pipeline_mode<synchronous>, transform_indices = @transform_8, window_bounds = array<i64: 128, 384>}, {transform_indices = @transform_9, window_bounds = array<i64: 1000, 128>}, {transform_indices = @transform_10, window_bounds = array<i64: 1000, 256>}, {transform_indices = @transform_11, window_bounds = array<i64: 1000, 144>}, {transform_indices = @transform_12, window_bounds = array<i64: 1000, 144>}, {transform_indices = @transform_13, window_bounds = array<i64: 1000, 144>}, {transform_indices = @transform_14, window_bounds = array<i64: 1000, 128>}, {transform_indices = @transform_15, window_bounds = array<i64: 1000, 384>}]} {
    %get3A = arith.constant 0 : index
    %get3A_0 = arith.constant 0 : index
    %get3A_1 = vector.load %arg1[%get3A, %get3A_0] : memref<1000x128xf32, #tpu.memory_space<vmem>>, vector<1000x128xf32>
    %get3A_2 = arith.constant 0 : index
    %get3A_3 = arith.constant 0 : index
    %get3A_4 = vector.load %arg3[%get3A_2, %get3A_3] : memref<128x128xf32, #tpu.memory_space<vmem>>, vector<128x128xf32>
    %dot_general3A = arith.constant dense<0.000000e+00> : vector<1000x128xf32>
    %dot_general3A_5 = tpu.matmul %get3A_1, %get3A_4, %dot_general3A {dimension_numbers = #tpu.dot_dimension_numbers<[1], [0], [0], [1], [0, 0, 1, 1], [], []>, transpose_lhs_hint = false} : vector<1000x128xf32>, vector<128x128xf32>, vector<1000x128xf32> -> vector<1000x128xf32>
    %get3A_6 = arith.constant 0 : index
    %get3A_7 = arith.constant 0 : index
    %get3A_8 = vector.load %arg4[%get3A_6, %get3A_7] : memref<1x128xf32, #tpu.memory_space<vmem>>, vector<1x128xf32>
    %add3A = vector.broadcast %get3A_8 : vector<1x128xf32> to vector<1000x128xf32>
    %add3A_9 = arith.addf %dot_general3A_5, %add3A : vector<1000x128xf32>
    %get3A_10 = arith.constant 0 : index
    %get3A_11 = arith.constant 0 : index
    %get3A_12 = vector.load %arg5[%get3A_10, %get3A_11] : memref<128x128xf32, #tpu.memory_space<vmem>>, vector<128x128xf32>
    %dot_general3A_13 = arith.constant dense<0.000000e+00> : vector<1000x128xf32>
    %dot_general3A_14 = tpu.matmul %get3A_1, %get3A_12, %dot_general3A_13 {dimension_numbers = #tpu.dot_dimension_numbers<[1], [0], [0], [1], [0, 0, 1, 1], [], []>, transpose_lhs_hint = false} : vector<1000x128xf32>, vector<128x128xf32>, vector<1000x128xf32> -> vector<1000x128xf32>
    %get3A_15 = arith.constant 0 : index
    %get3A_16 = arith.constant 0 : index
    %get3A_17 = vector.load %arg6[%get3A_15, %get3A_16] : memref<1x128xf32, #tpu.memory_space<vmem>>, vector<1x128xf32>
    %add3A_18 = vector.broadcast %get3A_17 : vector<1x128xf32> to vector<1000x128xf32>
    %add3A_19 = arith.addf %dot_general3A_14, %add3A_18 : vector<1000x128xf32>
    %get3A_20 = arith.constant 0 : index
    %get3A_21 = arith.constant 0 : index
    %get3A_22 = vector.load %arg7[%get3A_20, %get3A_21] : memref<128x256xf32, #tpu.memory_space<vmem>>, vector<128x256xf32>
    %dot_general3A_23 = arith.constant dense<0.000000e+00> : vector<1000x256xf32>
    %dot_general3A_24 = tpu.matmul %get3A_1, %get3A_22, %dot_general3A_23 {dimension_numbers = #tpu.dot_dimension_numbers<[1], [0], [0], [1], [0, 0, 1, 1], [], []>, transpose_lhs_hint = false} : vector<1000x128xf32>, vector<128x256xf32>, vector<1000x256xf32> -> vector<1000x256xf32>
    %get3A_25 = arith.constant 0 : index
    %get3A_26 = arith.constant 0 : index
    %get3A_27 = vector.load %arg8[%get3A_25, %get3A_26] : memref<1x256xf32, #tpu.memory_space<vmem>>, vector<1x256xf32>
    %add3A_28 = vector.broadcast %get3A_27 : vector<1x256xf32> to vector<1000x256xf32>
    %add3A_29 = arith.addf %dot_general3A_24, %add3A_28 : vector<1000x256xf32>
    %swap3A = arith.constant 0 : index
    %swap3A_30 = arith.constant 0 : index
    %swap3A_31 = vector.load %arg10[%swap3A, %swap3A_30] : memref<1000x128xf32, #tpu.memory_space<vmem>>, vector<1000x128xf32>
    tpu.vector_store %arg10[%swap3A, %swap3A_30], %add3A_9 {strides = array<i32>} : memref<1000x128xf32, #tpu.memory_space<vmem>>, vector<1000x128xf32>,
    %slice3A = vector.extract_strided_slice %add3A_29 {offsets = [0, 0], sizes = [1000, 32], strides = [1, 1]} : vector<1000x256xf32> to vector<1000x32xf32>
    %slice3A_32 = vector.extract_strided_slice %add3A_29 {offsets = [0, 64], sizes = [1000, 32], strides = [1, 1]} : vector<1000x256xf32> to vector<1000x32xf32>
    %slice3A_33 = vector.extract_strided_slice %add3A_29 {offsets = [0, 128], sizes = [1000, 32], strides = [1, 1]} : vector<1000x256xf32> to vector<1000x32xf32>
    %slice3A_34 = vector.extract_strided_slice %add3A_29 {offsets = [0, 192], sizes = [1000, 32], strides = [1, 1]} : vector<1000x256xf32> to vector<1000x32xf32>
    %concatenate3A = tpu.concatenate %slice3A, %slice3A_32, %slice3A_33, %slice3A_34 in 1 : vector<1000x32xf32>, vector<1000x32xf32>, vector<1000x32xf32>, vector<1000x32xf32> -> vector<1000x128xf32>
    %slice3A_35 = vector.extract_strided_slice %add3A_29 {offsets = [0, 32], sizes = [1000, 32], strides = [1, 1]} : vector<1000x256xf32> to vector<1000x32xf32>
    %slice3A_36 = vector.extract_strided_slice %add3A_29 {offsets = [0, 96], sizes = [1000, 32], strides = [1, 1]} : vector<1000x256xf32> to vector<1000x32xf32>
    %slice3A_37 = vector.extract_strided_slice %add3A_29 {offsets = [0, 160], sizes = [1000, 32], strides = [1, 1]} : vector<1000x256xf32> to vector<1000x32xf32>
    %slice3A_38 = vector.extract_strided_slice %add3A_29 {offsets = [0, 224], sizes = [1000, 32], strides = [1, 1]} : vector<1000x256xf32> to vector<1000x32xf32>
    %concatenate3A_39 = tpu.concatenate %slice3A_35, %slice3A_36, %slice3A_37, %slice3A_38 in 1 : vector<1000x32xf32>, vector<1000x32xf32>, vector<1000x32xf32>, vector<1000x32xf32> -> vector<1000x128xf32>
    %concatenate3A_40 = tpu.concatenate %add3A_19, %concatenate3A in 1 : vector<1000x128xf32>, vector<1000x128xf32> -> vector<1000x256xf32>
    %swap3A_41 = arith.constant 0 : index
    %swap3A_42 = arith.constant 0 : index
    %swap3A_43 = vector.load %arg11[%swap3A_41, %swap3A_42] : memref<1000x256xf32, #tpu.memory_space<vmem>>, vector<1000x256xf32>
    tpu.vector_store %arg11[%swap3A_41, %swap3A_42], %concatenate3A_40 {strides = array<i32>} : memref<1000x256xf32, #tpu.memory_space<vmem>>, vector<1000x256xf32>,
    %broadcast_in_dim3A = arith.constant 0.000000e+00 : f32
    %broadcast_in_dim3A_44 = vector.broadcast %broadcast_in_dim3A : f32 to vector<1000x16xf32>
    %get3A_45 = arith.constant 0 : index
    %get3A_46 = arith.constant 0 : index
    %get3A_47 = vector.load %arg2[%get3A_45, %get3A_46] : memref<1000x384xf32, #tpu.memory_space<vmem>>, vector<1000x128xf32>
    %mul3A = arith.mulf %get3A_47, %concatenate3A_39 : vector<1000x128xf32>
    %concatenate3A_48 = tpu.concatenate %mul3A, %broadcast_in_dim3A_44 in 1 : vector<1000x128xf32>, vector<1000x16xf32> -> vector<1000x144xf32>
    %swap3A_49 = arith.constant 0 : index
    %swap3A_50 = arith.constant 0 : index
    %swap3A_51 = vector.load %arg12[%swap3A_49, %swap3A_50] : memref<1000x144xf32, #tpu.memory_space<vmem>>, vector<1000x144xf32>
    tpu.vector_store %arg12[%swap3A_49, %swap3A_50], %concatenate3A_48 {strides = array<i32>} : memref<1000x144xf32, #tpu.memory_space<vmem>>, vector<1000x144xf32>,
    %get3A_52 = arith.constant 0 : index
    %get3A_53 = arith.constant 0 : index
    %get3A_54 = vector.load %arg9[%get3A_52, %get3A_53] : memref<128x384xf32, #tpu.memory_space<vmem>>, vector<128x384xf32>
    %dot_general3A_55 = arith.constant dense<0.000000e+00> : vector<1000x384xf32>
    %dot_general3A_56 = tpu.matmul %get3A_47, %get3A_54, %dot_general3A_55 {dimension_numbers = #tpu.dot_dimension_numbers<[1], [0], [0], [1], [0, 0, 1, 1], [], []>, transpose_lhs_hint = false} : vector<1000x128xf32>, vector<128x384xf32>, vector<1000x384xf32> -> vector<1000x384xf32>
    %slice3A_57 = vector.extract_strided_slice %dot_general3A_56 {offsets = [0, 0], sizes = [1000, 32], strides = [1, 1]} : vector<1000x384xf32> to vector<1000x32xf32>
    %slice3A_58 = vector.extract_strided_slice %dot_general3A_56 {offsets = [0, 96], sizes = [1000, 32], strides = [1, 1]} : vector<1000x384xf32> to vector<1000x32xf32>
    %slice3A_59 = vector.extract_strided_slice %dot_general3A_56 {offsets = [0, 192], sizes = [1000, 32], strides = [1, 1]} : vector<1000x384xf32> to vector<1000x32xf32>
    %slice3A_60 = vector.extract_strided_slice %dot_general3A_56 {offsets = [0, 288], sizes = [1000, 32], strides = [1, 1]} : vector<1000x384xf32> to vector<1000x32xf32>
    %concatenate3A_61 = tpu.concatenate %slice3A_57, %slice3A_58, %slice3A_59, %slice3A_60 in 1 : vector<1000x32xf32>, vector<1000x32xf32>, vector<1000x32xf32>, vector<1000x32xf32> -> vector<1000x128xf32>
    %slice3A_62 = vector.extract_strided_slice %dot_general3A_56 {offsets = [0, 32], sizes = [1000, 32], strides = [1, 1]} : vector<1000x384xf32> to vector<1000x32xf32>
    %slice3A_63 = vector.extract_strided_slice %dot_general3A_56 {offsets = [0, 128], sizes = [1000, 32], strides = [1, 1]} : vector<1000x384xf32> to vector<1000x32xf32>
    %slice3A_64 = vector.extract_strided_slice %dot_general3A_56 {offsets = [0, 224], sizes = [1000, 32], strides = [1, 1]} : vector<1000x384xf32> to vector<1000x32xf32>
    %slice3A_65 = vector.extract_strided_slice %dot_general3A_56 {offsets = [0, 320], sizes = [1000, 32], strides = [1, 1]} : vector<1000x384xf32> to vector<1000x32xf32>
    %concatenate3A_66 = tpu.concatenate %slice3A_62, %slice3A_63, %slice3A_64, %slice3A_65 in 1 : vector<1000x32xf32>, vector<1000x32xf32>, vector<1000x32xf32>, vector<1000x32xf32> -> vector<1000x128xf32>
    %slice3A_67 = vector.extract_strided_slice %dot_general3A_56 {offsets = [0, 64], sizes = [1000, 32], strides = [1, 1]} : vector<1000x384xf32> to vector<1000x32xf32>
    %slice3A_68 = vector.extract_strided_slice %dot_general3A_56 {offsets = [0, 160], sizes = [1000, 32], strides = [1, 1]} : vector<1000x384xf32> to vector<1000x32xf32>
    %slice3A_69 = vector.extract_strided_slice %dot_general3A_56 {offsets = [0, 256], sizes = [1000, 32], strides = [1, 1]} : vector<1000x384xf32> to vector<1000x32xf32>
    %slice3A_70 = vector.extract_strided_slice %dot_general3A_56 {offsets = [0, 352], sizes = [1000, 32], strides = [1, 1]} : vector<1000x384xf32> to vector<1000x32xf32>
    %concatenate3A_71 = tpu.concatenate %slice3A_67, %slice3A_68, %slice3A_69, %slice3A_70 in 1 : vector<1000x32xf32>, vector<1000x32xf32>, vector<1000x32xf32>, vector<1000x32xf32> -> vector<1000x128xf32>
    %mul3A_72 = arith.mulf %concatenate3A_61, %concatenate3A_66 : vector<1000x128xf32>
    %swap3A_73 = arith.constant 0 : index
    %swap3A_74 = arith.constant 0 : index
    %swap3A_75 = vector.load %arg16[%swap3A_73, %swap3A_74] : memref<1000x384xf32, #tpu.memory_space<vmem>>, vector<1000x128xf32>
    tpu.vector_store %arg16[%swap3A_73, %swap3A_74], %concatenate3A_71 {strides = array<i32>} : memref<1000x384xf32, #tpu.memory_space<vmem>>, vector<1000x128xf32>,
    %get3A_76 = arith.constant 0 : index
    %get3A_77 = arith.constant 128 : index
    %get3A_78 = vector.load %arg2[%get3A_76, %get3A_77] : memref<1000x384xf32, #tpu.memory_space<vmem>>, vector<1000x128xf32>
    %mul3A_79 = arith.mulf %get3A_78, %concatenate3A_39 : vector<1000x128xf32>
    %concatenate3A_80 = tpu.concatenate %mul3A_79, %broadcast_in_dim3A_44 in 1 : vector<1000x128xf32>, vector<1000x16xf32> -> vector<1000x144xf32>
    %swap3A_81 = arith.constant 0 : index
    %swap3A_82 = arith.constant 0 : index
    %swap3A_83 = vector.load %arg13[%swap3A_81, %swap3A_82] : memref<1000x144xf32, #tpu.memory_space<vmem>>, vector<1000x144xf32>
    tpu.vector_store %arg13[%swap3A_81, %swap3A_82], %concatenate3A_80 {strides = array<i32>} : memref<1000x144xf32, #tpu.memory_space<vmem>>, vector<1000x144xf32>,
    %get3A_84 = arith.constant 0 : index
    %get3A_85 = arith.constant 0 : index
    %get3A_86 = vector.load %arg9[%get3A_84, %get3A_85] : memref<128x384xf32, #tpu.memory_space<vmem>>, vector<128x384xf32>
    %dot_general3A_87 = arith.constant dense<0.000000e+00> : vector<1000x384xf32>
    %dot_general3A_88 = tpu.matmul %get3A_78, %get3A_86, %dot_general3A_87 {dimension_numbers = #tpu.dot_dimension_numbers<[1], [0], [0], [1], [0, 0, 1, 1], [], []>, transpose_lhs_hint = false} : vector<1000x128xf32>, vector<128x384xf32>, vector<1000x384xf32> -> vector<1000x384xf32>
    %slice3A_89 = vector.extract_strided_slice %dot_general3A_88 {offsets = [0, 0], sizes = [1000, 32], strides = [1, 1]} : vector<1000x384xf32> to vector<1000x32xf32>
    %slice3A_90 = vector.extract_strided_slice %dot_general3A_88 {offsets = [0, 96], sizes = [1000, 32], strides = [1, 1]} : vector<1000x384xf32> to vector<1000x32xf32>
    %slice3A_91 = vector.extract_strided_slice %dot_general3A_88 {offsets = [0, 192], sizes = [1000, 32], strides = [1, 1]} : vector<1000x384xf32> to vector<1000x32xf32>
    %slice3A_92 = vector.extract_strided_slice %dot_general3A_88 {offsets = [0, 288], sizes = [1000, 32], strides = [1, 1]} : vector<1000x384xf32> to vector<1000x32xf32>
    %concatenate3A_93 = tpu.concatenate %slice3A_89, %slice3A_90, %slice3A_91, %slice3A_92 in 1 : vector<1000x32xf32>, vector<1000x32xf32>, vector<1000x32xf32>, vector<1000x32xf32> -> vector<1000x128xf32>
    %slice3A_94 = vector.extract_strided_slice %dot_general3A_88 {offsets = [0, 32], sizes = [1000, 32], strides = [1, 1]} : vector<1000x384xf32> to vector<1000x32xf32>
    %slice3A_95 = vector.extract_strided_slice %dot_general3A_88 {offsets = [0, 128], sizes = [1000, 32], strides = [1, 1]} : vector<1000x384xf32> to vector<1000x32xf32>
    %slice3A_96 = vector.extract_strided_slice %dot_general3A_88 {offsets = [0, 224], sizes = [1000, 32], strides = [1, 1]} : vector<1000x384xf32> to vector<1000x32xf32>
    %slice3A_97 = vector.extract_strided_slice %dot_general3A_88 {offsets = [0, 320], sizes = [1000, 32], strides = [1, 1]} : vector<1000x384xf32> to vector<1000x32xf32>
    %concatenate3A_98 = tpu.concatenate %slice3A_94, %slice3A_95, %slice3A_96, %slice3A_97 in 1 : vector<1000x32xf32>, vector<1000x32xf32>, vector<1000x32xf32>, vector<1000x32xf32> -> vector<1000x128xf32>
    %slice3A_99 = vector.extract_strided_slice %dot_general3A_88 {offsets = [0, 64], sizes = [1000, 32], strides = [1, 1]} : vector<1000x384xf32> to vector<1000x32xf32>
    %slice3A_100 = vector.extract_strided_slice %dot_general3A_88 {offsets = [0, 160], sizes = [1000, 32], strides = [1, 1]} : vector<1000x384xf32> to vector<1000x32xf32>
    %slice3A_101 = vector.extract_strided_slice %dot_general3A_88 {offsets = [0, 256], sizes = [1000, 32], strides = [1, 1]} : vector<1000x384xf32> to vector<1000x32xf32>
    %slice3A_102 = vector.extract_strided_slice %dot_general3A_88 {offsets = [0, 352], sizes = [1000, 32], strides = [1, 1]} : vector<1000x384xf32> to vector<1000x32xf32>
    %concatenate3A_103 = tpu.concatenate %slice3A_99, %slice3A_100, %slice3A_101, %slice3A_102 in 1 : vector<1000x32xf32>, vector<1000x32xf32>, vector<1000x32xf32>, vector<1000x32xf32> -> vector<1000x128xf32>
    %mul3A_104 = arith.mulf %concatenate3A_93, %concatenate3A_98 : vector<1000x128xf32>
    %add3A_105 = arith.addf %mul3A_72, %mul3A_104 : vector<1000x128xf32>
    %swap3A_106 = arith.constant 0 : index
    %swap3A_107 = arith.constant 128 : index
    %swap3A_108 = vector.load %arg16[%swap3A_106, %swap3A_107] : memref<1000x384xf32, #tpu.memory_space<vmem>>, vector<1000x128xf32>
    tpu.vector_store %arg16[%swap3A_106, %swap3A_107], %concatenate3A_103 {strides = array<i32>} : memref<1000x384xf32, #tpu.memory_space<vmem>>, vector<1000x128xf32>,
    %get3A_109 = arith.constant 0 : index
    %get3A_110 = arith.constant 256 : index
    %get3A_111 = vector.load %arg2[%get3A_109, %get3A_110] : memref<1000x384xf32, #tpu.memory_space<vmem>>, vector<1000x128xf32>
    %mul3A_112 = arith.mulf %get3A_111, %concatenate3A_39 : vector<1000x128xf32>
    %concatenate3A_113 = tpu.concatenate %mul3A_112, %broadcast_in_dim3A_44 in 1 : vector<1000x128xf32>, vector<1000x16xf32> -> vector<1000x144xf32>
    %swap3A_114 = arith.constant 0 : index
    %swap3A_115 = arith.constant 0 : index
    %swap3A_116 = vector.load %arg14[%swap3A_114, %swap3A_115] : memref<1000x144xf32, #tpu.memory_space<vmem>>, vector<1000x144xf32>
    tpu.vector_store %arg14[%swap3A_114, %swap3A_115], %concatenate3A_113 {strides = array<i32>} : memref<1000x144xf32, #tpu.memory_space<vmem>>, vector<1000x144xf32>,
    %get3A_117 = arith.constant 0 : index
    %get3A_118 = arith.constant 0 : index
    %get3A_119 = vector.load %arg9[%get3A_117, %get3A_118] : memref<128x384xf32, #tpu.memory_space<vmem>>, vector<128x384xf32>
    %dot_general3A_120 = arith.constant dense<0.000000e+00> : vector<1000x384xf32>
    %dot_general3A_121 = tpu.matmul %get3A_111, %get3A_119, %dot_general3A_120 {dimension_numbers = #tpu.dot_dimension_numbers<[1], [0], [0], [1], [0, 0, 1, 1], [], []>, transpose_lhs_hint = false} : vector<1000x128xf32>, vector<128x384xf32>, vector<1000x384xf32> -> vector<1000x384xf32>
    %slice3A_122 = vector.extract_strided_slice %dot_general3A_121 {offsets = [0, 0], sizes = [1000, 32], strides = [1, 1]} : vector<1000x384xf32> to vector<1000x32xf32>
    %slice3A_123 = vector.extract_strided_slice %dot_general3A_121 {offsets = [0, 96], sizes = [1000, 32], strides = [1, 1]} : vector<1000x384xf32> to vector<1000x32xf32>
    %slice3A_124 = vector.extract_strided_slice %dot_general3A_121 {offsets = [0, 192], sizes = [1000, 32], strides = [1, 1]} : vector<1000x384xf32> to vector<1000x32xf32>
    %slice3A_125 = vector.extract_strided_slice %dot_general3A_121 {offsets = [0, 288], sizes = [1000, 32], strides = [1, 1]} : vector<1000x384xf32> to vector<1000x32xf32>
    %concatenate3A_126 = tpu.concatenate %slice3A_122, %slice3A_123, %slice3A_124, %slice3A_125 in 1 : vector<1000x32xf32>, vector<1000x32xf32>, vector<1000x32xf32>, vector<1000x32xf32> -> vector<1000x128xf32>
    %slice3A_127 = vector.extract_strided_slice %dot_general3A_121 {offsets = [0, 32], sizes = [1000, 32], strides = [1, 1]} : vector<1000x384xf32> to vector<1000x32xf32>
    %slice3A_128 = vector.extract_strided_slice %dot_general3A_121 {offsets = [0, 128], sizes = [1000, 32], strides = [1, 1]} : vector<1000x384xf32> to vector<1000x32xf32>
    %slice3A_129 = vector.extract_strided_slice %dot_general3A_121 {offsets = [0, 224], sizes = [1000, 32], strides = [1, 1]} : vector<1000x384xf32> to vector<1000x32xf32>
    %slice3A_130 = vector.extract_strided_slice %dot_general3A_121 {offsets = [0, 320], sizes = [1000, 32], strides = [1, 1]} : vector<1000x384xf32> to vector<1000x32xf32>
    %concatenate3A_131 = tpu.concatenate %slice3A_127, %slice3A_128, %slice3A_129, %slice3A_130 in 1 : vector<1000x32xf32>, vector<1000x32xf32>, vector<1000x32xf32>, vector<1000x32xf32> -> vector<1000x128xf32>
    %slice3A_132 = vector.extract_strided_slice %dot_general3A_121 {offsets = [0, 64], sizes = [1000, 32], strides = [1, 1]} : vector<1000x384xf32> to vector<1000x32xf32>
    %slice3A_133 = vector.extract_strided_slice %dot_general3A_121 {offsets = [0, 160], sizes = [1000, 32], strides = [1, 1]} : vector<1000x384xf32> to vector<1000x32xf32>
    %slice3A_134 = vector.extract_strided_slice %dot_general3A_121 {offsets = [0, 256], sizes = [1000, 32], strides = [1, 1]} : vector<1000x384xf32> to vector<1000x32xf32>
    %slice3A_135 = vector.extract_strided_slice %dot_general3A_121 {offsets = [0, 352], sizes = [1000, 32], strides = [1, 1]} : vector<1000x384xf32> to vector<1000x32xf32>
    %concatenate3A_136 = tpu.concatenate %slice3A_132, %slice3A_133, %slice3A_134, %slice3A_135 in 1 : vector<1000x32xf32>, vector<1000x32xf32>, vector<1000x32xf32>, vector<1000x32xf32> -> vector<1000x128xf32>
    %mul3A_137 = arith.mulf %concatenate3A_126, %concatenate3A_131 : vector<1000x128xf32>
    %add3A_138 = arith.addf %add3A_105, %mul3A_137 : vector<1000x128xf32>
    %swap3A_139 = arith.constant 0 : index
    %swap3A_140 = arith.constant 256 : index
    %swap3A_141 = vector.load %arg16[%swap3A_139, %swap3A_140] : memref<1000x384xf32, #tpu.memory_space<vmem>>, vector<1000x128xf32>
    tpu.vector_store %arg16[%swap3A_139, %swap3A_140], %concatenate3A_136 {strides = array<i32>} : memref<1000x384xf32, #tpu.memory_space<vmem>>, vector<1000x128xf32>,
    %swap3A_142 = arith.constant 0 : index
    %swap3A_143 = arith.constant 0 : index
    %swap3A_144 = vector.load %arg15[%swap3A_142, %swap3A_143] : memref<1000x128xf32, #tpu.memory_space<vmem>>, vector<1000x128xf32>
    tpu.vector_store %arg15[%swap3A_142, %swap3A_143], %add3A_138 {strides = array<i32>} : memref<1000x128xf32, #tpu.memory_space<vmem>>, vector<1000x128xf32>,
    return
  }
  func.func @transform_0(%arg0: i32) -> (i32, i32) {
    %c0_i32 = arith.constant 0 : i32
    %c0_i32_0 = arith.constant 0 : i32
    return %arg0, %c0_i32 : i32, i32
  }
  func.func @transform_1(%arg0: i32) -> (i32, i32) {
    %c0_i32 = arith.constant 0 : i32
    %c0_i32_0 = arith.constant 0 : i32
    return %arg0, %c0_i32 : i32, i32
  }
  func.func @transform_2(%arg0: i32) -> (i32, i32) {
    %c0_i32 = arith.constant 0 : i32
    %c0_i32_0 = arith.constant 0 : i32
    %c0_i32_1 = arith.constant 0 : i32
    return %c0_i32, %c0_i32_0 : i32, i32
  }
  func.func @transform_3(%arg0: i32) -> (i32, i32) {
    %c0_i32 = arith.constant 0 : i32
    %c0_i32_0 = arith.constant 0 : i32
    %c0_i32_1 = arith.constant 0 : i32
    return %c0_i32, %c0_i32_0 : i32, i32
  }
  func.func @transform_4(%arg0: i32) -> (i32, i32) {
    %c0_i32 = arith.constant 0 : i32
    %c0_i32_0 = arith.constant 0 : i32
    %c0_i32_1 = arith.constant 0 : i32
    return %c0_i32, %c0_i32_0 : i32, i32
  }
  func.func @transform_5(%arg0: i32) -> (i32, i32) {
    %c0_i32 = arith.constant 0 : i32
    %c0_i32_0 = arith.constant 0 : i32
    %c0_i32_1 = arith.constant 0 : i32
    return %c0_i32, %c0_i32_0 : i32, i32
  }
  func.func @transform_6(%arg0: i32) -> (i32, i32) {
    %c0_i32 = arith.constant 0 : i32
    %c0_i32_0 = arith.constant 0 : i32
    %c0_i32_1 = arith.constant 0 : i32
    return %c0_i32, %c0_i32_0 : i32, i32
  }
  func.func @transform_7(%arg0: i32) -> (i32, i32) {
    %c0_i32 = arith.constant 0 : i32
    %c0_i32_0 = arith.constant 0 : i32
    %c0_i32_1 = arith.constant 0 : i32
    return %c0_i32, %c0_i32_0 : i32, i32
  }
  func.func @transform_8(%arg0: i32) -> (i32, i32) {
    %c0_i32 = arith.constant 0 : i32
    %c0_i32_0 = arith.constant 0 : i32
    %c0_i32_1 = arith.constant 0 : i32
    return %c0_i32, %c0_i32_0 : i32, i32
  }
  func.func @transform_9(%arg0: i32) -> (i32, i32) {
    %c0_i32 = arith.constant 0 : i32
    %c0_i32_0 = arith.constant 0 : i32
    return %arg0, %c0_i32 : i32, i32
  }
  func.func @transform_10(%arg0: i32) -> (i32, i32) {
    %c0_i32 = arith.constant 0 : i32
    %c0_i32_0 = arith.constant 0 : i32
    return %arg0, %c0_i32 : i32, i32
  }
  func.func @transform_11(%arg0: i32) -> (i32, i32) {
    %c0_i32 = arith.constant 0 : i32
    %c0_i32_0 = arith.constant 0 : i32
    return %arg0, %c0_i32 : i32, i32
  }
  func.func @transform_12(%arg0: i32) -> (i32, i32) {
    %c0_i32 = arith.constant 0 : i32
    %c0_i32_0 = arith.constant 0 : i32
    return %arg0, %c0_i32 : i32, i32
  }
  func.func @transform_13(%arg0: i32) -> (i32, i32) {
    %c0_i32 = arith.constant 0 : i32
    %c0_i32_0 = arith.constant 0 : i32
    return %arg0, %c0_i32 : i32, i32
  }
  func.func @transform_14(%arg0: i32) -> (i32, i32) {
    %c0_i32 = arith.constant 0 : i32
    %c0_i32_0 = arith.constant 0 : i32
    return %arg0, %c0_i32 : i32, i32
  }
  func.func @transform_15(%arg0: i32) -> (i32, i32) {
    %c0_i32 = arith.constant 0 : i32
    %c0_i32_0 = arith.constant 0 : i32
    return %arg0, %c0_i32 : i32, i32
  }
}

module attributes {stable_mosaic.version = 14 : i64} {
  func.func @_post_body(%arg0: i32, %arg1: memref<1000x128xf32, #tpu.memory_space<vmem>>, %arg2: memref<1000x384xf32, #tpu.memory_space<vmem>>, %arg3: memref<2x1000x144xf32, #tpu.memory_space<vmem>>, %arg4: memref<2x1000x144xf32, #tpu.memory_space<vmem>>, %arg5: memref<2x1000x144xf32, #tpu.memory_space<vmem>>, %arg6: memref<2x1000x144xf32, #tpu.memory_space<vmem>>, %arg7: memref<1000x128xf32, #tpu.memory_space<vmem>>, %arg8: memref<1000x384xf32, #tpu.memory_space<vmem>>, %arg9: memref<128x384xf32, #tpu.memory_space<vmem>>, %arg10: memref<1x384xf32, #tpu.memory_space<vmem>>, %arg11: memref<1000x128xf32, #tpu.memory_space<vmem>>, %arg12: memref<1000x384xf32, #tpu.memory_space<vmem>>) attributes {dimension_semantics = [#tpu.dimension_semantics<arbitrary>], iteration_bounds = array<i64: 10>, scalar_prefetch = 0 : i64, scratch_operands = 0 : i64, tpu.core_type = #tpu.core_type<tc>, window_params = [{transform_indices = @transform_0, window_bounds = array<i64: 1000, 128>}, {transform_indices = @transform_1, window_bounds = array<i64: 1000, 384>}, {transform_indices = @transform_2, window_bounds = array<i64: 2, 1000, 144>}, {transform_indices = @transform_3, window_bounds = array<i64: 2, 1000, 144>}, {transform_indices = @transform_4, window_bounds = array<i64: 2, 1000, 144>}, {transform_indices = @transform_5, window_bounds = array<i64: 2, 1000, 144>}, {transform_indices = @transform_6, window_bounds = array<i64: 1000, 128>}, {transform_indices = @transform_7, window_bounds = array<i64: 1000, 384>}, {pipeline_mode = #tpu.pipeline_mode<synchronous>, transform_indices = @transform_8, window_bounds = array<i64: 128, 384>}, {pipeline_mode = #tpu.pipeline_mode<synchronous>, transform_indices = @transform_9, window_bounds = array<i64: 1, 384>}, {transform_indices = @transform_10, window_bounds = array<i64: 1000, 128>}, {transform_indices = @transform_11, window_bounds = array<i64: 1000, 384>}]} {
    %get3A = arith.constant 0 : index
    %get3A_0 = arith.constant 0 : index
    %get3A_1 = arith.constant 0 : index
    %get3A_2 = vector.load %arg3[%get3A, %get3A_0, %get3A_1] : memref<2x1000x144xf32, #tpu.memory_space<vmem>>, vector<1x1000x144xf32>
    %get3A_3 = vector.shape_cast %get3A_2 : vector<1x1000x144xf32> to vector<1000x144xf32>
    %get3A_4 = arith.constant 1 : index
    %get3A_5 = arith.constant 0 : index
    %get3A_6 = arith.constant 0 : index
    %get3A_7 = vector.load %arg3[%get3A_4, %get3A_5, %get3A_6] : memref<2x1000x144xf32, #tpu.memory_space<vmem>>, vector<1x1000x144xf32>
    %get3A_8 = vector.shape_cast %get3A_7 : vector<1x1000x144xf32> to vector<1000x144xf32>
    %add3A = arith.addf %get3A_3, %get3A_8 : vector<1000x144xf32>
    %iota3A = tpu.iota {dimensions = array<i32: 1>} : vector<16x128xi32>
    %jit3A = arith.constant 32 : i32
    %div3A = vector.broadcast %jit3A : i32 to vector<16x128xi32>
    %div3A_9 = arith.divsi %iota3A, %div3A : vector<16x128xi32>
    %sign3A = arith.constant 0 : i32
    %sign3A_10 = vector.broadcast %sign3A : i32 to vector<16x128xi32>
    %sign3A_11 = arith.cmpi sgt, %iota3A, %sign3A_10 : vector<16x128xi32>
    %sign3A_12 = arith.extui %sign3A_11 : vector<16x128xi1> to vector<16x128xi32>
    %sign3A_13 = arith.constant 0 : i32
    %sign3A_14 = vector.broadcast %sign3A_13 : i32 to vector<16x128xi32>
    %sign3A_15 = arith.cmpi slt, %iota3A, %sign3A_14 : vector<16x128xi32>
    %sign3A_16 = arith.extui %sign3A_15 : vector<16x128xi1> to vector<16x128xi32>
    %sign3A_17 = arith.subi %sign3A_12, %sign3A_16 : vector<16x128xi32>
    %sign3A_18 = arith.constant 0 : i32
    %sign3A_19 = arith.cmpi sgt, %jit3A, %sign3A_18 : i32
    %sign3A_20 = arith.extui %sign3A_19 : i1 to i32
    %sign3A_21 = arith.constant 0 : i32
    %sign3A_22 = arith.cmpi slt, %jit3A, %sign3A_21 : i32
    %sign3A_23 = arith.extui %sign3A_22 : i1 to i32
    %sign3A_24 = arith.subi %sign3A_20, %sign3A_23 : i32
    %ne3A = vector.broadcast %sign3A_24 : i32 to vector<16x128xi32>
    %ne3A_25 = arith.cmpi ne, %sign3A_17, %ne3A : vector<16x128xi32>
    %rem3A = vector.broadcast %jit3A : i32 to vector<16x128xi32>
    %rem3A_26 = arith.remsi %iota3A, %rem3A : vector<16x128xi32>
    %ne3A_27 = arith.constant 0 : i32
    %ne3A_28 = vector.broadcast %ne3A_27 : i32 to vector<16x128xi32>
    %ne3A_29 = arith.cmpi ne, %rem3A_26, %ne3A_28 : vector<16x128xi32>
    %and3A = arith.andi %ne3A_25, %ne3A_29 : vector<16x128xi1>
    %sub3A = arith.constant 1 : i32
    %sub3A_30 = vector.broadcast %sub3A : i32 to vector<16x128xi32>
    %sub3A_31 = arith.subi %div3A_9, %sub3A_30 : vector<16x128xi32>
    %select_n3A = arith.select %and3A, %sub3A_31, %div3A_9 : vector<16x128xi1>, vector<16x128xi32>
    %iota3A_32 = tpu.iota {dimensions = array<i32: 0>} : vector<16x128xi32>
    %eq3A = arith.cmpi eq, %select_n3A, %iota3A_32 : vector<16x128xi32>
    %convert_element_type3A = arith.extui %eq3A : vector<16x128xi1> to vector<16x128xi32>
    %convert_element_type3A_33 = arith.sitofp %convert_element_type3A : vector<16x128xi32> to vector<16x128xf32>
    %slice3A = vector.extract_strided_slice %add3A {offsets = [0, 128], sizes = [1000, 16], strides = [1, 1]} : vector<1000x144xf32> to vector<1000x16xf32>
    %dot_general3A = arith.constant dense<0.000000e+00> : vector<1000x128xf32>
    %dot_general3A_34 = tpu.matmul %slice3A, %convert_element_type3A_33, %dot_general3A {dimension_numbers = #tpu.dot_dimension_numbers<[1], [0], [0], [1], [0, 0, 1, 1], [], []>, transpose_lhs_hint = false} : vector<1000x16xf32>, vector<16x128xf32>, vector<1000x128xf32> -> vector<1000x128xf32>
    %slice3A_35 = vector.extract_strided_slice %add3A {offsets = [0, 0], sizes = [1000, 128], strides = [1, 1]} : vector<1000x144xf32> to vector<1000x128xf32>
    %add3A_36 = arith.constant 1.000000e-16 : f32
    %add3A_37 = vector.broadcast %add3A_36 : f32 to vector<1000x128xf32>
    %add3A_38 = arith.addf %dot_general3A_34, %add3A_37 : vector<1000x128xf32>
    %div3A_39 = arith.divf %slice3A_35, %add3A_38 : vector<1000x128xf32>
    %get3A_40 = arith.constant 0 : index
    %get3A_41 = arith.constant 0 : index
    %get3A_42 = vector.load %arg9[%get3A_40, %get3A_41] : memref<128x384xf32, #tpu.memory_space<vmem>>, vector<128x384xf32>
    %dot_general3A_43 = arith.constant dense<0.000000e+00> : vector<1000x384xf32>
    %dot_general3A_44 = tpu.matmul %div3A_39, %get3A_42, %dot_general3A_43 {dimension_numbers = #tpu.dot_dimension_numbers<[1], [0], [0], [1], [0, 0, 1, 1], [], []>, transpose_lhs_hint = false} : vector<1000x128xf32>, vector<128x384xf32>, vector<1000x384xf32> -> vector<1000x384xf32>
    %get3A_45 = arith.constant 0 : index
    %get3A_46 = arith.constant 0 : index
    %get3A_47 = vector.load %arg10[%get3A_45, %get3A_46] : memref<1x384xf32, #tpu.memory_space<vmem>>, vector<1x384xf32>
    %add3A_48 = vector.broadcast %get3A_47 : vector<1x384xf32> to vector<1000x384xf32>
    %add3A_49 = arith.addf %dot_general3A_44, %add3A_48 : vector<1000x384xf32>
    %slice3A_50 = vector.extract_strided_slice %add3A_49 {offsets = [0, 0], sizes = [1000, 32], strides = [1, 1]} : vector<1000x384xf32> to vector<1000x32xf32>
    %slice3A_51 = vector.extract_strided_slice %add3A_49 {offsets = [0, 96], sizes = [1000, 32], strides = [1, 1]} : vector<1000x384xf32> to vector<1000x32xf32>
    %slice3A_52 = vector.extract_strided_slice %add3A_49 {offsets = [0, 192], sizes = [1000, 32], strides = [1, 1]} : vector<1000x384xf32> to vector<1000x32xf32>
    %slice3A_53 = vector.extract_strided_slice %add3A_49 {offsets = [0, 288], sizes = [1000, 32], strides = [1, 1]} : vector<1000x384xf32> to vector<1000x32xf32>
    %concatenate3A = tpu.concatenate %slice3A_50, %slice3A_51, %slice3A_52, %slice3A_53 in 1 : vector<1000x32xf32>, vector<1000x32xf32>, vector<1000x32xf32>, vector<1000x32xf32> -> vector<1000x128xf32>
    %slice3A_54 = vector.extract_strided_slice %add3A_49 {offsets = [0, 32], sizes = [1000, 32], strides = [1, 1]} : vector<1000x384xf32> to vector<1000x32xf32>
    %slice3A_55 = vector.extract_strided_slice %add3A_49 {offsets = [0, 128], sizes = [1000, 32], strides = [1, 1]} : vector<1000x384xf32> to vector<1000x32xf32>
    %slice3A_56 = vector.extract_strided_slice %add3A_49 {offsets = [0, 224], sizes = [1000, 32], strides = [1, 1]} : vector<1000x384xf32> to vector<1000x32xf32>
    %slice3A_57 = vector.extract_strided_slice %add3A_49 {offsets = [0, 320], sizes = [1000, 32], strides = [1, 1]} : vector<1000x384xf32> to vector<1000x32xf32>
    %concatenate3A_58 = tpu.concatenate %slice3A_54, %slice3A_55, %slice3A_56, %slice3A_57 in 1 : vector<1000x32xf32>, vector<1000x32xf32>, vector<1000x32xf32>, vector<1000x32xf32> -> vector<1000x128xf32>
    %slice3A_59 = vector.extract_strided_slice %add3A_49 {offsets = [0, 64], sizes = [1000, 32], strides = [1, 1]} : vector<1000x384xf32> to vector<1000x32xf32>
    %slice3A_60 = vector.extract_strided_slice %add3A_49 {offsets = [0, 160], sizes = [1000, 32], strides = [1, 1]} : vector<1000x384xf32> to vector<1000x32xf32>
    %slice3A_61 = vector.extract_strided_slice %add3A_49 {offsets = [0, 256], sizes = [1000, 32], strides = [1, 1]} : vector<1000x384xf32> to vector<1000x32xf32>
    %slice3A_62 = vector.extract_strided_slice %add3A_49 {offsets = [0, 352], sizes = [1000, 32], strides = [1, 1]} : vector<1000x384xf32> to vector<1000x32xf32>
    %concatenate3A_63 = tpu.concatenate %slice3A_59, %slice3A_60, %slice3A_61, %slice3A_62 in 1 : vector<1000x32xf32>, vector<1000x32xf32>, vector<1000x32xf32>, vector<1000x32xf32> -> vector<1000x128xf32>
    %get3A_64 = arith.constant 0 : index
    %get3A_65 = arith.constant 0 : index
    %get3A_66 = vector.load %arg1[%get3A_64, %get3A_65] : memref<1000x128xf32, #tpu.memory_space<vmem>>, vector<1000x128xf32>
    %add3A_67 = arith.addf %get3A_66, %concatenate3A_58 : vector<1000x128xf32>
    %get3A_68 = arith.constant 0 : index
    %get3A_69 = arith.constant 0 : index
    %get3A_70 = vector.load %arg7[%get3A_68, %get3A_69] : memref<1000x128xf32, #tpu.memory_space<vmem>>, vector<1000x128xf32>
    %mul3A = arith.mulf %concatenate3A_63, %get3A_70 : vector<1000x128xf32>
    %add3A_71 = arith.addf %add3A_67, %mul3A : vector<1000x128xf32>
    %swap3A = arith.constant 0 : index
    %swap3A_72 = arith.constant 0 : index
    %swap3A_73 = vector.load %arg11[%swap3A, %swap3A_72] : memref<1000x128xf32, #tpu.memory_space<vmem>>, vector<1000x128xf32>
    tpu.vector_store %arg11[%swap3A, %swap3A_72], %add3A_71 {strides = array<i32>} : memref<1000x128xf32, #tpu.memory_space<vmem>>, vector<1000x128xf32>,
    %get3A_74 = arith.constant 0 : index
    %get3A_75 = arith.constant 0 : index
    %get3A_76 = arith.constant 0 : index
    %get3A_77 = vector.load %arg4[%get3A_74, %get3A_75, %get3A_76] : memref<2x1000x144xf32, #tpu.memory_space<vmem>>, vector<1x1000x144xf32>
    %get3A_78 = vector.shape_cast %get3A_77 : vector<1x1000x144xf32> to vector<1000x144xf32>
    %get3A_79 = arith.constant 1 : index
    %get3A_80 = arith.constant 0 : index
    %get3A_81 = arith.constant 0 : index
    %get3A_82 = vector.load %arg4[%get3A_79, %get3A_80, %get3A_81] : memref<2x1000x144xf32, #tpu.memory_space<vmem>>, vector<1x1000x144xf32>
    %get3A_83 = vector.shape_cast %get3A_82 : vector<1x1000x144xf32> to vector<1000x144xf32>
    %add3A_84 = arith.addf %get3A_78, %get3A_83 : vector<1000x144xf32>
    %get3A_85 = arith.constant 0 : index
    %get3A_86 = arith.constant 0 : index
    %get3A_87 = vector.load %arg8[%get3A_85, %get3A_86] : memref<1000x384xf32, #tpu.memory_space<vmem>>, vector<1000x128xf32>
    %mul3A_88 = arith.mulf %get3A_87, %concatenate3A : vector<1000x128xf32>
    %slice3A_89 = vector.extract_strided_slice %add3A_84 {offsets = [0, 0], sizes = [1000, 128], strides = [1, 1]} : vector<1000x144xf32> to vector<1000x128xf32>
    %add3A_90 = arith.addf %mul3A_88, %slice3A_89 : vector<1000x128xf32>
    %get3A_91 = arith.constant 0 : index
    %get3A_92 = arith.constant 0 : index
    %get3A_93 = arith.constant 0 : index
    %get3A_94 = vector.load %arg5[%get3A_91, %get3A_92, %get3A_93] : memref<2x1000x144xf32, #tpu.memory_space<vmem>>, vector<1x1000x144xf32>
    %get3A_95 = vector.shape_cast %get3A_94 : vector<1x1000x144xf32> to vector<1000x144xf32>
    %get3A_96 = arith.constant 1 : index
    %get3A_97 = arith.constant 0 : index
    %get3A_98 = arith.constant 0 : index
    %get3A_99 = vector.load %arg5[%get3A_96, %get3A_97, %get3A_98] : memref<2x1000x144xf32, #tpu.memory_space<vmem>>, vector<1x1000x144xf32>
    %get3A_100 = vector.shape_cast %get3A_99 : vector<1x1000x144xf32> to vector<1000x144xf32>
    %add3A_101 = arith.addf %get3A_95, %get3A_100 : vector<1000x144xf32>
    %get3A_102 = arith.constant 0 : index
    %get3A_103 = arith.constant 128 : index
    %get3A_104 = vector.load %arg8[%get3A_102, %get3A_103] : memref<1000x384xf32, #tpu.memory_space<vmem>>, vector<1000x128xf32>
    %mul3A_105 = arith.mulf %get3A_104, %concatenate3A : vector<1000x128xf32>
    %slice3A_106 = vector.extract_strided_slice %add3A_101 {offsets = [0, 0], sizes = [1000, 128], strides = [1, 1]} : vector<1000x144xf32> to vector<1000x128xf32>
    %add3A_107 = arith.addf %mul3A_105, %slice3A_106 : vector<1000x128xf32>
    %get3A_108 = arith.constant 0 : index
    %get3A_109 = arith.constant 0 : index
    %get3A_110 = arith.constant 0 : index
    %get3A_111 = vector.load %arg6[%get3A_108, %get3A_109, %get3A_110] : memref<2x1000x144xf32, #tpu.memory_space<vmem>>, vector<1x1000x144xf32>
    %get3A_112 = vector.shape_cast %get3A_111 : vector<1x1000x144xf32> to vector<1000x144xf32>
    %get3A_113 = arith.constant 1 : index
    %get3A_114 = arith.constant 0 : index
    %get3A_115 = arith.constant 0 : index
    %get3A_116 = vector.load %arg6[%get3A_113, %get3A_114, %get3A_115] : memref<2x1000x144xf32, #tpu.memory_space<vmem>>, vector<1x1000x144xf32>
    %get3A_117 = vector.shape_cast %get3A_116 : vector<1x1000x144xf32> to vector<1000x144xf32>
    %add3A_118 = arith.addf %get3A_112, %get3A_117 : vector<1000x144xf32>
    %get3A_119 = arith.constant 0 : index
    %get3A_120 = arith.constant 256 : index
    %get3A_121 = vector.load %arg8[%get3A_119, %get3A_120] : memref<1000x384xf32, #tpu.memory_space<vmem>>, vector<1000x128xf32>
    %mul3A_122 = arith.mulf %get3A_121, %concatenate3A : vector<1000x128xf32>
    %slice3A_123 = vector.extract_strided_slice %add3A_118 {offsets = [0, 0], sizes = [1000, 128], strides = [1, 1]} : vector<1000x144xf32> to vector<1000x128xf32>
    %add3A_124 = arith.addf %mul3A_122, %slice3A_123 : vector<1000x128xf32>
    %get3A_125 = arith.constant 0 : index
    %get3A_126 = arith.constant 0 : index
    %get3A_127 = vector.load %arg2[%get3A_125, %get3A_126] : memref<1000x384xf32, #tpu.memory_space<vmem>>, vector<1000x384xf32>
    %concatenate3A_128 = tpu.concatenate %add3A_90, %add3A_107, %add3A_124 in 1 : vector<1000x128xf32>, vector<1000x128xf32>, vector<1000x128xf32> -> vector<1000x384xf32>
    %add3A_129 = arith.addf %get3A_127, %concatenate3A_128 : vector<1000x384xf32>
    %swap3A_130 = arith.constant 0 : index
    %swap3A_131 = arith.constant 0 : index
    %swap3A_132 = vector.load %arg12[%swap3A_130, %swap3A_131] : memref<1000x384xf32, #tpu.memory_space<vmem>>, vector<1000x384xf32>
    tpu.vector_store %arg12[%swap3A_130, %swap3A_131], %add3A_129 {strides = array<i32>} : memref<1000x384xf32, #tpu.memory_space<vmem>>, vector<1000x384xf32>,
    return
  }
  func.func @transform_0(%arg0: i32) -> (i32, i32) {
    %c0_i32 = arith.constant 0 : i32
    %c0_i32_0 = arith.constant 0 : i32
    return %arg0, %c0_i32 : i32, i32
  }
  func.func @transform_1(%arg0: i32) -> (i32, i32) {
    %c0_i32 = arith.constant 0 : i32
    %c0_i32_0 = arith.constant 0 : i32
    return %arg0, %c0_i32 : i32, i32
  }
  func.func @transform_2(%arg0: i32) -> (i32, i32, i32) {
    %c0_i32 = arith.constant 0 : i32
    %c0_i32_0 = arith.constant 0 : i32
    %c0_i32_1 = arith.constant 0 : i32
    return %c0_i32, %arg0, %c0_i32_0 : i32, i32, i32
  }
  func.func @transform_3(%arg0: i32) -> (i32, i32, i32) {
    %c0_i32 = arith.constant 0 : i32
    %c0_i32_0 = arith.constant 0 : i32
    %c0_i32_1 = arith.constant 0 : i32
    return %c0_i32, %arg0, %c0_i32_0 : i32, i32, i32
  }
  func.func @transform_4(%arg0: i32) -> (i32, i32, i32) {
    %c0_i32 = arith.constant 0 : i32
    %c0_i32_0 = arith.constant 0 : i32
    %c0_i32_1 = arith.constant 0 : i32
    return %c0_i32, %arg0, %c0_i32_0 : i32, i32, i32
  }
  func.func @transform_5(%arg0: i32) -> (i32, i32, i32) {
    %c0_i32 = arith.constant 0 : i32
    %c0_i32_0 = arith.constant 0 : i32
    %c0_i32_1 = arith.constant 0 : i32
    return %c0_i32, %arg0, %c0_i32_0 : i32, i32, i32
  }
  func.func @transform_6(%arg0: i32) -> (i32, i32) {
    %c0_i32 = arith.constant 0 : i32
    %c0_i32_0 = arith.constant 0 : i32
    return %arg0, %c0_i32 : i32, i32
  }
  func.func @transform_7(%arg0: i32) -> (i32, i32) {
    %c0_i32 = arith.constant 0 : i32
    %c0_i32_0 = arith.constant 0 : i32
    return %arg0, %c0_i32 : i32, i32
  }
  func.func @transform_8(%arg0: i32) -> (i32, i32) {
    %c0_i32 = arith.constant 0 : i32
    %c0_i32_0 = arith.constant 0 : i32
    %c0_i32_1 = arith.constant 0 : i32
    return %c0_i32, %c0_i32_0 : i32, i32
  }
  func.func @transform_9(%arg0: i32) -> (i32, i32) {
    %c0_i32 = arith.constant 0 : i32
    %c0_i32_0 = arith.constant 0 : i32
    %c0_i32_1 = arith.constant 0 : i32
    return %c0_i32, %c0_i32_0 : i32, i32
  }
  func.func @transform_10(%arg0: i32) -> (i32, i32) {
    %c0_i32 = arith.constant 0 : i32
    %c0_i32_0 = arith.constant 0 : i32
    return %arg0, %c0_i32 : i32, i32
  }
  func.func @transform_11(%arg0: i32) -> (i32, i32) {
    %c0_i32 = arith.constant 0 : i32
    %c0_i32_0 = arith.constant 0 : i32
    return %arg0, %c0_i32 : i32, i32
  }
}

</mosaic_0001>

<sc_bundles>
// kernel: kernel.5.cloned.1.call-start
scs
__scs_entry_jumppad:
0x0: {  	(pc) =	sbr.rel $0x88, $3  }
0x1: {  	(tag) =	ssettag $0x0;
	lr =	simm.s32 $0x1  }
0x2: {  	[smem:$0x3F95] =	sst lr;
	_ =	strace $0xD0000000  }
0x3: {  	_ = 	snop  }
0x4: {  	_ = 	snop  }
0x5: {  	_ = 	snop  }
0x6: {  	_ = 	snop  }
0x7: {  	_ = 	snop  }
__scs_overlays_trampoline_lowered:
0x8: {  	[smem:$0x3FA4] =	sst s0  }
0x9: {  	[smem:$0x3FA5] =	sst s1  }
0xa: {  	[smem:$0x3FA6] =	sst s2  }
0xb: {  	[smem:$0x3FA7] =	sst s3  }
0xc: {  	[smem:$0x3FA8] =	sst s4  }
0xd: {  	[smem:$0x3FA9] =	sst s5  }
0xe: {  	[smem:$0x3FAA] =	sst s6  }
0xf: {  	[smem:$0x3FAB] =	sst s7  }
0x10: {  	[smem:$0x3FAC] =	sst s8  }
0x11: {  	[smem:$0x3FAD] =	sst s9;
	s0 =	simm.s32 @!p0 $0x0  }
0x12: {  	s1 =	sld [smem:$0x3F93];
	s0 =	simm.s32 @p0 $0x1  }
0x13: {  	[smem:$0x3FAE] =	sst s0;
	s0 =	simm.s32 @!p1 $0x0  }
0x14: {  	s2 =	sld [smem:$0x3F92];
	s0 =	simm.s32 @p1 $0x1  }
0x15: {  	[smem:$0x3FAF] =	sst s0;
	s0 =	simm.s32 @!p2 $0x0  }
0x16: {  	s3 =	sld [smem:$0x3FDB];
	s0 =	simm.s32 @p2 $0x1  }
0x17: {  	s4 =	simm.s32 $0x1BF5;
	[smem:$0x3FB1] =	sst s0  }
0x18: {  	s0 =	sld [smem:$0x3F94];
	_ =	swait.ge [sflag:s4], $0x0  }
0x19: {  	s7 =	sld [smem:$0x3F95]  }
0x1a: {  	s8 =	sadd.s32 $0xFFFFE003, lr  }
0x1b: {  	s9 =	sadd.s32 $0xFFFFFEF7, lr;
	s5 =	simm.s32 $0xFFFFFFFF;
	p2 =	slt.u32 s8, $0xFFFFF086  }
0x1c: {  	p1 =	slt.u32 s9, $0xF7A;
	s5 =	simm.s32 @!p2 $0x0  }
0x1d: {  	s5 =	simm.s32 @p1 $0x1;
	p0 =	seq.s32 s7, s2  }
0x1e: {  	s7 =	smul.u32 @!p0 $0xF7A, s2;
	p2 =	seq.s32 @!p0 s5, $0x0  }
0x1f: {  	s9 =	smul.u32 $0xF7A, s1;
	s8 =	simm.s32 @!p0 $0x1BF5;
	p2 =	por !p2, p0  }
0x20: {  	[sflag:s8] =	ssyncset.s32 @!p0 $0xFFFFF086;
	s6 =	sadd.s32 @!p0 s3, s7;
	s7 =	simm.s32 @!p0 $0x108  }
0x21: {  	s3 =	sadd.s32 s3, s9;
	s6 =	sadd.s32 @!p0 $0x88, s6;
	s7 =	simm.s32 @p2 $0x1082  }
0x22: {  	[simem:s7], [sflag:s8] =	dma.local @!p0 [hbm:s6], $0xF7A  }
0x23: {  	s9 =	sor.u32 $0xD0000000, s2;
	s6 =	simm.s32 $0x108;
	_ =	swait.ge @!p0 [sflag:s8], $0x0  }
0x24: {  	s3 =	sadd.s32 $0x88, s3;
	s6 =	simm.s32 @!p1 $0x1082;
	[sflag:s4] =	ssyncset.s32 $0xFFFFF086  }
0x25: {  	[simem:s6], [sflag:s4] =	dma.local [hbm:s3], $0xF7A  }
0x26: {  	[smem:$0x3F95] =	sst s1;
	(tag) =	ssettag s2;
	_ =	strace s9  }
0x27: {  	s1 =	sld [smem:$0x3FA5]  }
0x28: {  	s2 =	sld [smem:$0x3FA6]  }
0x29: {  	s4 =	sld [smem:$0x3FA8]  }
0x2a: {  	p0 =	seq.s32 s5, $0x0;
	s5 =	sld [smem:$0x3FA9]  }
0x2b: {  	s6 =	sld [smem:$0x3FAA]  }
0x2c: {  	s7 =	sld [smem:$0x3FAB]  }
0x2d: {  	s3 =	simm.s32 $0x108;
	s8 =	sld [smem:$0x3FAC]  }
0x2e: {  	s3 =	simm.s32 @!p0 $0x1082;
	s9 =	sld [smem:$0x3FAD]  }
0x2f: {  	lr =	sadd.s32 s0, s3;
	s0 =	sld [smem:$0x3FA4]  }
0x30: {  	s3 =	sld [smem:$0x3FA7]  }
0x31: {  	[smem:$0x3FB0] =	sst s10  }
0x32: {  	s10 =	sld [smem:$0x3FAE];
	_ =	sdelay $0x3  }
0x33: {  	p0 =	seq.s32 s10, $0x1;
	s10 =	sld [smem:$0x3FB0];
	_ =	sdelay $0x3  }
0x34: {  	[smem:$0x3FB0] =	sst s10  }
0x35: {  	s10 =	sld [smem:$0x3FAF];
	_ =	sdelay $0x3  }
0x36: {  	p1 =	seq.s32 s10, $0x1;
	s10 =	sld [smem:$0x3FB0];
	_ =	sdelay $0x3  }
0x37: {  	[smem:$0x3FB0] =	sst s10  }
0x38: {  	s10 =	sld [smem:$0x3FB1]  }
0x39: {  	_ = 	snop;
	(pc) =	sbr.ind lr, $3  }
0x3a: {  	_ = 	snop  }
0x3b: {  	_ = 	snop  }
0x3c: {  	p2 =	seq.s32 s10, $0x1;
	s10 =	sld [smem:$0x3FB0]  }
0x3d: {  	_ =	shalt  }
0x3e: {  	_ =	shalt  }
0x3f: {  	_ =	shalt  }
0x40: {  	_ =	shalt  }
0x41: {  	_ =	shalt  }
0x42: {  	_ =	shalt  }
0x43: {  	_ =	shalt  }
0x44: {  	_ =	shalt  }
0x45: {  	_ =	shalt  }
0x46: {  	_ =	shalt  }
0x47: {  	_ =	shalt  }
0x48: {  	_ =	shalt  }
0x49: {  	_ =	shalt  }
0x4a: {  	_ =	shalt  }
0x4b: {  	_ =	shalt  }
0x4c: {  	_ =	shalt  }
0x4d: {  	_ =	shalt  }
0x4e: {  	_ =	shalt  }
0x4f: {  	_ =	shalt  }
0x50: {  	_ =	shalt  }
0x51: {  	_ =	shalt  }
0x52: {  	_ =	shalt  }
0x53: {  	_ =	shalt  }
0x54: {  	_ =	shalt  }
0x55: {  	_ =	shalt  }
0x56: {  	_ =	shalt  }
0x57: {  	_ =	shalt  }
0x58: {  	_ =	shalt  }
0x59: {  	_ =	shalt  }
0x5a: {  	_ =	shalt  }
0x5b: {  	_ =	shalt  }
0x5c: {  	_ =	shalt  }
0x5d: {  	_ =	shalt  }
0x5e: {  	_ =	shalt  }
0x5f: {  	_ =	shalt  }
0x60: {  	_ =	shalt  }
0x61: {  	_ =	shalt  }
0x62: {  	_ =	shalt  }
0x63: {  	_ =	shalt  }
0x64: {  	_ =	shalt  }
0x65: {  	_ =	shalt  }
0x66: {  	_ =	shalt  }
0x67: {  	_ =	shalt  }
0x68: {  	_ =	shalt  }
0x69: {  	_ =	shalt  }
0x6a: {  	_ =	shalt  }
0x6b: {  	_ =	shalt  }
0x6c: {  	_ =	shalt  }
0x6d: {  	_ =	shalt  }
0x6e: {  	_ =	shalt  }
0x6f: {  	_ =	shalt  }
0x70: {  	_ =	shalt  }
0x71: {  	_ =	shalt  }
0x72: {  	_ =	shalt  }
0x73: {  	_ =	shalt  }
0x74: {  	_ =	shalt  }
0x75: {  	_ =	shalt  }
0x76: {  	_ =	shalt  }
0x77: {  	_ =	shalt  }
0x78: {  	_ =	shalt  }
0x79: {  	_ =	shalt  }
0x7a: {  	_ =	shalt  }
0x7b: {  	_ =	shalt  }
0x7c: {  	_ =	shalt  }
0x7d: {  	_ =	shalt  }
0x7e: {  	_ =	shalt  }
0x7f: {  	_ =	shalt  }
0x80: {  	_ =	shalt  }
0x81: {  	_ =	shalt  }
0x82: {  	_ =	shalt  }
0x83: {  	_ =	shalt  }
0x84: {  	_ =	shalt  }
0x85: {  	_ =	shalt  }
0x86: {  	_ =	shalt  }
0x87: {  	_ =	shalt  }
.Lfunc_end0:
.L_simem_size_0:
called_computation_lowered:
.L_overlay_start_0:
0x88: {  	s2 =	sld [smem:$0x3FD9]  }
0x89: {  	s3 =	sld [smem:$0x3FFE];
	_ =	sdelay $0x1  }
0x8a: {  	s1 =	srdreg.scid  }
0x8b: {  	s0 =	sand.u32 $0x1, s1  }
0x8c: {  	s14 =	sshll.u32 s0, $0xA;
	s2 =	sadd.s32 s3, s2  }
0x8d: {  	s2 =	sadd.s32 s2, s14  }
0x8e: {  	[smem:$0x3FBC] =	sst s2  }
0x8f: {  	_ = 	snop  }
0x90: {  	s2 =	sld [smem:$0x3FD0];
	_ =	sdelay $0x2  }
0x91: {  	s15 =	simm.s32 $0xA;
	s4 =	simm.s32 $0x10  }
0x92: {  	[smem:s4], [sflag:s15] =	dma.local [hbm:s2], $0x1  }
0x93: {  	_ =	swait.eq [sflag:s15], $0x1  }
0x94: {  	[sflag:s15] =	ssyncset.done $0x0  }
0x95: {  	[sflag:s15] =	ssyncadd.s32 $0xFFFFFFFF  }
0x96: {  	s16 =	sld [smem:$0x10];
	(tm) =	ssettm $0x1  }
0x97: {  	s17 =	sld [smem:$0x3FFB];
	_ =	sdelay $0x3  }
0x98: {  	_ =	strace s17  }
0x99: {  	s3 =	sld [smem:$0x3FFC];
	_ =	sdelay $0x3  }
0x9a: {  	_ =	strace s3  }
0x9b: {  	s3 =	sld [smem:$0x3FFD];
	_ =	sdelay $0x3  }
0x9c: {  	_ =	strace s3  }
0x9d: {  	_ =	strace $0x8FFFFFFF  }
0x9e: {  	s18 =	sld [smem:$0x3FDB];
	_ =	sdelay $0x1  }
0x9f: {  	s19 =	simm.s32 $_scs_section_size  }
0xa0: {  	s5 =	simm.s32 $_size__tile_overlayer_lowered;
	s6 =	simm.s32 $_tile_overlayer_lowered  }
0xa1: {  	s22 =	simm.s32 $0x1BFF;
	s21 =	sshll.u32 s6, $0x1;
	s3 =	sadd.s32 s19, s18  }
0xa2: {  	s7 =	simm.s32 $0x0;
	s20 =	sshll.u32 s5, $0x1;
	s5 =	sadd.s32 s21, s3  }
0xa3: {  	[timem:s7], [sflag:s22] =	dma.local [hbm:s5], s20  }
0xa4: {  	_ =	swait.ge [sflag:s22], s20  }
0xa5: {  	s4 =	ssub.s32 $0x0, s20;
	[sflag:s22] =	ssyncset.done $0x0  }
0xa6: {  	[sflag:s22] =	ssyncadd.s32 s4;
	_ =	sdelay $0x1  }
0xa7: {  	s23 =	simm.s32 $0x1B8B  }
0xa8: {  	_ =	swait.ge [sflag:s23], $0x1  }
0xa9: {  	[sflag:s23] =	ssyncset.done $0x0  }
0xaa: {  	s25 =	simm.s32 $0x1B8E;
	s24 =	sld [smem:$0x3FFE];
	[sflag:s23] =	ssyncadd.s32 $0xFFFFFFFF  }
0xab: {  	s26 =	simm.s32 $execute0_lowered;
	[smem:$0x3FD2] =	sst s25  }
0xac: {  	s5 =	sshll.u32 s26, $0x1;
	_ =	strace $0x80000046;
	[dreg:$0x1] =	wrdreg $0xFFFFFFFF  }
0xad: {  	s28 =	simm.s32 $_size_execute0_lowered;
	s3 =	sadd.s32 s3, s5;
	[dreg:$0x0] =	wrdreg $0x0  }
0xae: {  	s5 =	sshll.u32 s28, $0x1;
	[dreg:$0x2] =	wrdreg s3  }
0xaf: {  	[dreg:$0x3] =	wrdreg s5  }
0xb0: {  	[dreg:$0x4] =	wrdreg $0xC0  }
0xb1: {  	_ =	task [dreg:s7], $0x5FFFF  }
0xb2: {  	[dreg:$0x1] =	wrdreg $0xFFFFFFFF  }
0xb3: {  	[dreg:$0x0] =	wrdreg $0x60  }
0xb4: {  	[dreg:$0x2] =	wrdreg s24  }
0xb5: {  	[dreg:$0x3] =	wrdreg s16  }
0xb6: {  	[dreg:$0x4] =	wrdreg $0x84800  }
0xb7: {  	[dreg:$0x5] =	wrdreg $0x9  }
0xb8: {  	_ =	task.clear_ibuf [dreg:s7], $0x6FFFF;
	_ =	strace $0x90000046  }
0xb9: {  	s29 =	simm.s32 $0x9;
	_ =	strace $0x80000048  }
0xba: {  	_ =	swait.ge [sflag:s29], $0x1  }
0xbb: {  	[sflag:s29] =	ssyncadd.s32 $0xFFFFFFFF  }
0xbc: {  	_ =	strace $0x90000048  }
0xbd: {  	_ =	sfence  }
0xbe: {  	s30 =	sld [smem:$0x0];
	_ =	sdelay $0x2  }
0xbf: {  	s31 =	sshll.u32 s1, $0xD;
	s1 =	sshrl.u32 s1, $0x2  }
0xc0: {  	s3 =	sand.u32 $0x4000, s31;
	s1 =	sadd.s32 s1, s30  }
0xc1: {  	s0 =	sor.u32 s3, s0;
	s1 =	sshll.u32 s1, $0x11  }
0xc2: {  	s0 =	sor.u32 s1, s0  }
0xc3: {  	s0 =	sadd.s32 $0x8F2B, s0  }
0xc4: {  	[sflag:s0] =	ssyncadd.remote.s32 $0x1  }
0xc5: {  	_ =	sfence.sel $0xFFFF  }
0xc6: {  	[dreg:$0x0] =	wrdreg $0xFFFFFFFF;
	(pc) =	sbr.abs _section_cstart, $3  }
0xc7: {  	[dreg:$0x1] =	wrdreg $0xFFFFFFFF  }
0xc8: {  	_ =	task.clear_ibuf [dreg:s7], $0x2FFFF;
	_ =	strace $0x9FFFFFFF  }
0xc9: {  	(tm) =	ssettm $0x7FFFFFFF  }
tec
execute0_lowered:
.L_overlay_start_1:
0x0: {  	(tag) =	ssettag $0x1  }
0x1: {  	s0 =	rddreg [dreg:$0x0];
	s1 =	simm.s32 $0x0;
	s2 =	srdreg.scid  }
0x2: {  	s17 =	stileid.u32;
	[smem:$0x7FF] =	sst s1  }
0x3: {  	s9 =	sadd.s32 $0x209A00, s0;
	s10 =	sand.u32 $0x1, s2;
	s2 =	smul.u32 $0x16800, s17  }
0x4: {  	s11 =	sadd.s32 $0xA5800, s0;
	s5 =	sshll.u32 s17, $0x1;
	s12 =	smul.u32 $0x168000, s10  }
0x5: {  	s20 =	sadd.s32 $0x263A00, s0;
	s3 =	ssub.s32 $0x2, s10;
	s8 =	sor.u32 s10, s5  }
0x6: {  	s4 =	sshrl.u32 s3, $0x1;
	s5 =	sadd.s32 $0x4800, s2;
	s7 =	sadd.s32 s2, s12  }
0x7: {  	s6 =	ssub.s32 s3, s4;
	s13 =	sadd.s32 s12, s5;
	s14 =	sshrl.u32 s7, $0x3  }
0x8: {  	s3 =	sadd.s32 $0x9000, s2;
	s13 =	sshrl.u32 s13, $0x3;
	s15 =	sadd.s32 s9, s14  }
0x9: {  	s4 =	sadd.s32 $0xD800, s2;
	s21 =	sadd.s32 s9, s13;
	[dreg:$0x4] =	wrdreg s15  }
0xa: {  	s16 =	sadd.s32 s12, s4;
	s24 =	sadd.s32 s11, s14;
	[dreg:$0x5] =	wrdreg s21  }
0xb: {  	s16 =	sshrl.u32 s16, $0x3;
	s25 =	sadd.s32 s11, s13;
	[dreg:$0x9] =	wrdreg s24  }
0xc: {  	v0 =	vlaneseq.u32;
	s7 =	sadd.s32 $0x12000, s2;
	s23 =	sadd.s32 s9, s16;
	[dreg:$0xa] =	wrdreg s25  }
0xd: {  	v19 =	vmul.u32 $0x90, v0;
	s22 =	sadd.s32 s12, s3;
	s21 =	sadd.s32 s20, s14;
	[dreg:$0x7] =	wrdreg s23  }
0xe: {  	s15 =	sshrl.u32 s22, $0x3;
	s22 =	sadd.s32 s20, s13;
	[dreg:$0xe] =	wrdreg s21  }
0xf: {  	v15 =	vmul.u32 $0x80, v0;
	v16 =	vmul.u32 $0x100, v0;
	v0 =	vadd.s32 $0x80, v19;
	s12 =	sadd.s32 s12, s7;
	s24 =	sadd.s32 s20, s16;
	[dreg:$0xf] =	wrdreg s22  }
0x10: {  	v3 =	vadd.s32 $0x980, v19;
	[tilespmem:$0x1FDF0] =	vst v0;
	s12 =	sshrl.u32 s12, $0x3;
	s18 =	sadd.s32 s9, s15;
	[dreg:$0x11] =	wrdreg s24  }
0x11: {  	v0 =	vadd.s32 $0x81, v19;
	[tilespmem:$0x1FEC0] =	vst v3;
	s9 =	sadd.s32 s9, s12;
	[dreg:$0x6] =	wrdreg s18  }
0x12: {  	[tilespmem:$0x1FE00] =	vst v0;
	v0 =	vadd.s32 $0x82, v19;
	s26 =	sadd.s32 s11, s15;
	[dreg:$0x8] =	wrdreg s9  }
0x13: {  	[tilespmem:$0x1FE10] =	vst v0;
	v0 =	vadd.s32 $0x83, v19;
	s19 =	sadd.s32 s11, s12;
	[dreg:$0xb] =	wrdreg s26  }
0x14: {  	[tilespmem:$0x1FE20] =	vst v0;
	v0 =	vor.u32 $0x80, v16;
	s23 =	sadd.s32 s20, s15;
	[dreg:$0xd] =	wrdreg s19  }
0x15: {  	s25 =	sadd.s32 $0x2BDA00, s0;
	[tilespmem:$0x1FE30] =	vst v0;
	v0 =	vor.u32 $0xA0, v16;
	[dreg:$0x10] =	wrdreg s23  }
0x16: {  	s21 =	sadd.s32 s25, s15;
	[tilespmem:$0x1FE40] =	vst v0;
	v0 =	vadd.s32 $0x20, v19;
	s9 =	sadd.s32 s20, s12;
	s20 =	rddreg [dreg:$0x2]  }
0x17: {  	s22 =	sadd.s32 s25, s16;
	[dreg:$0x15] =	wrdreg s21;
	[tilespmem:$0x1FE50] =	vst v0;
	v0 =	vor.u32 $0xC0, v16  }
0x18: {  	s18 =	sadd.s32 s11, s16;
	[dreg:$0x16] =	wrdreg s22;
	[tilespmem:$0x1FE60] =	vst v0;
	v0 =	vadd.s32 $0x40, v19  }
0x19: {  	[dreg:$0xc] =	wrdreg s18;
	[tilespmem:$0x1FE70] =	vst v0;
	v0 =	vor.u32 $0xE0, v16  }
0x1a: {  	s26 =	sadd.s32 s25, s14;
	[dreg:$0x12] =	wrdreg s9;
	[tilespmem:$0x1FE80] =	vst v0;
	v0 =	vadd.s32 $0x60, v19  }
0x1b: {  	s14 =	sadd.s32 s25, s13;
	[dreg:$0x13] =	wrdreg s26;
	[tilespmem:$0x1FE90] =	vst v0;
	v0 =	vor.u32 $0x1000, v16  }
0x1c: {  	[dreg:$0x14] =	wrdreg s14;
	s9 =	sadd.s32 s25, s12;
	[tilespmem:$0x1FEA0] =	vst v0;
	v0 =	vor.u32 $0x820, v15  }
0x1d: {  	v3 =	vadd.s32 $0x981, v19;
	[dreg:$0x17] =	wrdreg s9;
	[tilespmem:$0x1FEB0] =	vst v0  }
0x1e: {  	v4 =	vadd.s32 $0x1280, v19;
	s18 =	rddreg [dreg:$0x1];
	_ =	strace $0x80000047;
	[tilespmem:$0x1FED0] =	vst v3  }
0x1f: {  	[tilespmem:$0x1FF00] =	vst v4  }
0x20: {  	[tilespmem:$0x1FF40] =	vst v15  }
0x21: {  	v17 =	vor.u32 $0x20, v15;
	[tilespmem:$0x1FF50] =	vst v16  }
0x22: {  	s10 =	smul.u32 $0x2740, s10;
	v18 =	vor.u32 $0x20, v16;
	[tilespmem:$0x1FF60] =	vst v17  }
0x23: {  	s28 =	sadd.s32 $0x1BB800, s0;
	v63 =	vor.u32 $0x40, v15;
	v14 =	vor.u32 $0x40, v16;
	s24 =	smul.u32 $0x5A000, s17;
	[tilespmem:$0x1FF70] =	vst v18  }
0x24: {  	s29 =	sadd.s32 $0xDC00, s0;
	s30 =	sadd.s32 $0x39C00, s0;
	v62 =	vor.u32 $0x60, v15;
	v20 =	vor.u32 $0x60, v16;
	v23 =	vor.u32 $0x800, v15;
	s19 =	smul.u32 $0x4E80, s17;
	[tilespmem:$0x1FF80] =	vst v19  }
0x25: {  	s31 =	sadd.s32 $0x65C00, s0;
	v26 =	vor.u32 $0x840, v15;
	v1 =	vor.u32 $0x1040, v16;
	v2 =	vor.u32 $0x860, v15;
	s21 =	smul.u32 $0x2740, s8;
	s12 =	sadd.s32 s2, s20;
	[tilespmem:$0x1FF90] =	vst v14  }
0x26: {  	v25 =	vor.u32 $0x1060, v16;
	v32 =	vor.u32 $0x1080, v16;
	s11 =	sshrl.u32 s24, $0x2;
	s13 =	sadd.s32 s5, s20;
	v0 =	vor.u32 $0x1020, v16;
	[dreg:$0x18] =	wrdreg s12;
	[tilespmem:$0x1FFA0] =	vst v23  }
0x27: {  	v33 =	vadd.s32 $0x900, v19;
	v34 =	vor.u32 $0x10A0, v16;
	v36 =	vadd.s32 $0x920, v19;
	s14 =	sadd.s32 s3, s20;
	s8 =	sadd.s32 s11, s20;
	[dreg:$0x19] =	wrdreg s13;
	[tilespmem:$0x1FFB0] =	vst v0  }
0x28: {  	v37 =	vor.u32 $0x10C0, v16;
	v38 =	vadd.s32 $0x940, v19;
	v39 =	vor.u32 $0x10E0, v16;
	s25 =	sadd.s32 $0x9BA00, s0;
	s15 =	sadd.s32 $0x2400, s8;
	[dreg:$0x1a] =	wrdreg s14;
	[tilespmem:$0x1FFC0] =	vst v26  }
0x29: {  	v40 =	vadd.s32 $0x960, v19;
	v41 =	vor.u32 $0x1000, v15;
	v42 =	vor.u32 $0x2000, v16;
	s26 =	sadd.s32 $0x91C00, s0;
	s16 =	sadd.s32 $0x6C00, s8;
	[dreg:$0x1b] =	wrdreg s15;
	[tilespmem:$0x1FFD0] =	vst v1  }
0x2a: {  	v43 =	vor.u32 $0x1020, v15;
	v44 =	vor.u32 $0x2020, v16;
	v45 =	vor.u32 $0x1040, v15;
	s4 =	sadd.s32 s4, s20;
	s17 =	sadd.s32 $0xB400, s8;
	[dreg:$0x1c] =	wrdreg s16;
	[tilespmem:$0x1FFE0] =	vst v2  }
0x2b: {  	v46 =	vor.u32 $0x2040, v16;
	v47 =	vor.u32 $0x1060, v15;
	s23 =	sadd.s32 s10, s19;
	s19 =	sadd.s32 $0xFC00, s8;
	v3 =	vadd.s32 $0x982, v19;
	[dreg:$0x1d] =	wrdreg s17;
	[tilespmem:$0x1FFF0] =	vst v20  }
0x2c: {  	v48 =	vor.u32 $0x2060, v16;
	v53 =	vor.u32 $0x2080, v16;
	s5 =	sadd.s32 s7, s20;
	s22 =	sadd.s32 $0x14400, s8;
	[dreg:$0x1e] =	wrdreg s19;
	v4 =	vadd.s32 $0x1281, v19;
	[tilespmem:$0x1FEE0] =	vst v3  }
0x2d: {  	v54 =	vadd.s32 $0x1200, v19;
	v55 =	vor.u32 $0x20A0, v16;
	s24 =	smax.u32 s6, $0x1;
	s23 =	sshrl.u32 s23, $0x3;
	[dreg:$0x1f] =	wrdreg s22;
	v3 =	vadd.s32 $0x983, v19;
	[tilespmem:$0x1FF10] =	vst v4  }
0x2e: {  	v56 =	vadd.s32 $0x1220, v19;
	v57 =	vor.u32 $0x20C0, v16;
	[smem:$0x7FD] =	sst s24;
	s12 =	sadd.s32 s23, s26;
	s13 =	sadd.s32 s23, s25;
	v4 =	vadd.s32 $0x1282, v19;
	[tilespmem:$0x1FEF0] =	vst v3  }
0x2f: {  	v58 =	vadd.s32 $0x1240, v19;
	v59 =	vor.u32 $0x20E0, v16;
	s14 =	simm.s32 $0x6080;
	s15 =	simm.s32 $0x1;
	s16 =	simm.s32 $0x40;
	[tilespmem:$0x1FF20] =	vst v4;
	v4 =	vadd.s32 $0x1283, v19  }
0x30: {  	v60 =	vadd.s32 $0x1260, v19;
	v61 =	vor.u32 $0x1800, v15;
	s17 =	simm.s32 $0x80;
	s19 =	simm.s32 $0x2080;
	s22 =	simm.s32 $0x0;
	v3 =	vimm.f32 $0.0e+00;
	[tilespmem:$0x1FF30] =	vst v4  }
.LBB2_1:
0x31: {  	s6 =	simm.s32 $0x0;
	s7 =	simm.s32 $0x240  }
.LBB2_2:
0x32: {  	p0 =	sne.s32 s7, $0x8DC0;
	[tilespmem:s6+$0x6100] =	vst v3  }
0x33: {  	[tilespmem:s6+$0x6080] =	vst v3  }
0x34: {  	[tilespmem:s6+$0x6090] =	vst v3  }
0x35: {  	[tilespmem:s6+$0x60A0] =	vst v3  }
.Ltmp0:
0x36: {  	[tilespmem:s6+$0x60B0] =	vst v3;
	(pc) =	sbr.rel @p0 .LBB2_2-.Ltmp0, $4  }
0x37: {  	[tilespmem:s6+$0x60C0] =	vst v3  }
0x38: {  	[tilespmem:s6+$0x60D0] =	vst v3  }
0x39: {  	[tilespmem:s6+$0x60E0] =	vst v3  }
0x3a: {  	[tilespmem:s6+$0x60F0] =	vst v3;
	s6 =	sshra.s32 s7, $0x2;
	s7 =	sadd.s32 $0x240, s7  }
0x3b: {  	[tilespmem:s6+$0x6100] =	vst v3  }
0x3c: {  	[tilespmem:s6+$0x6080] =	vst v3  }
0x3d: {  	[tilespmem:s6+$0x6090] =	vst v3  }
0x3e: {  	[tilespmem:s6+$0x60A0] =	vst v3  }
0x3f: {  	[tilespmem:s6+$0x60B0] =	vst v3  }
0x40: {  	[tilespmem:s6+$0x60C0] =	vst v3  }
0x41: {  	[tilespmem:s6+$0x60D0] =	vst v3  }
0x42: {  	[tilespmem:s6+$0x60E0] =	vst v3  }
0x43: {  	[tilespmem:s6+$0x60F0] =	vst v3;
	s0 =	rddreg [dreg:$0x18]  }
0x44: {  	[spmem:s0] =	stream.linear.scatter [tilespmem:s14], [sflag:$0x1], $0x2400, $0x38;
	[tilespmem:$0x1EC80] =	vst v63  }
0x45: {  	_ =	swait.ge [sflag:s15], $0x2400  }
0x46: {  	[sflag:s15] =	ssyncset.done $0x0  }
0x47: {  	s7 =	rddreg [dreg:$0x1b];
	[sflag:s15] =	ssyncadd.s32 $0xFFFFDC00  }
0x48: {  	[spmem:s7] =	stream.linear.scatter [tilespmem:s14], [sflag:$0x1], $0x2400, $0x38;
	[tilespmem:$0x1EC80] =	vst v63  }
0x49: {  	_ =	swait.ge [sflag:s15], $0x2400  }
0x4a: {  	[sflag:s15] =	ssyncset.done $0x0  }
0x4b: {  	s8 =	rddreg [dreg:$0x19];
	[sflag:s15] =	ssyncadd.s32 $0xFFFFDC00  }
0x4c: {  	[spmem:s8] =	stream.linear.scatter [tilespmem:s14], [sflag:$0x1], $0x2400, $0x38;
	[tilespmem:$0x1EC80] =	vst v63  }
0x4d: {  	_ =	swait.ge [sflag:s15], $0x2400  }
0x4e: {  	[sflag:s15] =	ssyncset.done $0x0  }
0x4f: {  	s9 =	rddreg [dreg:$0x1c];
	[sflag:s15] =	ssyncadd.s32 $0xFFFFDC00  }
0x50: {  	[spmem:s9] =	stream.linear.scatter [tilespmem:s14], [sflag:$0x1], $0x2400, $0x38;
	[tilespmem:$0x1EC80] =	vst v63  }
0x51: {  	_ =	swait.ge [sflag:s15], $0x2400  }
0x52: {  	[sflag:s15] =	ssyncset.done $0x0  }
0x53: {  	s10 =	rddreg [dreg:$0x1a];
	[sflag:s15] =	ssyncadd.s32 $0xFFFFDC00  }
0x54: {  	[spmem:s10] =	stream.linear.scatter [tilespmem:s14], [sflag:$0x1], $0x2400, $0x38;
	[tilespmem:$0x1EC80] =	vst v63  }
0x55: {  	_ =	swait.ge [sflag:s15], $0x2400  }
0x56: {  	[sflag:s15] =	ssyncset.done $0x0  }
0x57: {  	s11 =	rddreg [dreg:$0x1d];
	[sflag:s15] =	ssyncadd.s32 $0xFFFFDC00  }
0x58: {  	[spmem:s11] =	stream.linear.scatter [tilespmem:s14], [sflag:$0x1], $0x2400, $0x38;
	[tilespmem:$0x1EC80] =	vst v63  }
0x59: {  	_ =	swait.ge [sflag:s15], $0x2400  }
0x5a: {  	[sflag:s15] =	ssyncset.done $0x0  }
0x5b: {  	[sflag:s15] =	ssyncadd.s32 $0xFFFFDC00  }
0x5c: {  	[spmem:s4] =	stream.linear.scatter [tilespmem:s14], [sflag:$0x1], $0x2400, $0x38;
	[tilespmem:$0x1EC80] =	vst v63  }
0x5d: {  	_ =	swait.ge [sflag:s15], $0x2400  }
0x5e: {  	[sflag:s15] =	ssyncset.done $0x0  }
0x5f: {  	s23 =	rddreg [dreg:$0x1e];
	[sflag:s15] =	ssyncadd.s32 $0xFFFFDC00  }
0x60: {  	[spmem:s23] =	stream.linear.scatter [tilespmem:s14], [sflag:$0x1], $0x2400, $0x38;
	[tilespmem:$0x1EC80] =	vst v63  }
0x61: {  	_ =	swait.ge [sflag:s15], $0x2400  }
0x62: {  	[sflag:s15] =	ssyncset.done $0x0  }
0x63: {  	[sflag:s15] =	ssyncadd.s32 $0xFFFFDC00  }
0x64: {  	[spmem:s5] =	stream.linear.scatter [tilespmem:s14], [sflag:$0x1], $0x2400, $0x38;
	[tilespmem:$0x1EC80] =	vst v63  }
0x65: {  	_ =	swait.ge [sflag:s15], $0x2400  }
0x66: {  	[sflag:s15] =	ssyncset.done $0x0  }
0x67: {  	s24 =	rddreg [dreg:$0x1f];
	[sflag:s15] =	ssyncadd.s32 $0xFFFFDC00  }
0x68: {  	[spmem:s24] =	stream.linear.scatter [tilespmem:s14], [sflag:$0x1], $0x2400, $0x38;
	[tilespmem:$0x1EC80] =	vst v63  }
0x69: {  	_ =	swait.ge [sflag:s15], $0x2400  }
0x6a: {  	[sflag:s15] =	ssyncset.done $0x0  }
0x6b: {  	[sflag:s15] =	ssyncadd.s32 $0xFFFFDC00  }
0x6c: {  	s23 =	simm.s32 $0x0;
	s24 =	simm.s32 $0x0;
	[bflag:$0x0] =	sbarrier.arrive $0xFFFF  }
.LBB2_4:
0x6d: {  	s6 =	sshll.u32 s24, $0x6  }
0x6e: {  	s6 =	sadd.s32 s21, s6  }
0x6f: {  	s6 =	sshrl.u32 s6, $0x3  }
0x70: {  	s7 =	sadd.s32 s25, s6  }
0x71: {  	[tilespmem:s23], [sflag:$0x1] =	stream.linear.gather [hbm4b:s7+s23], $0x40, $0x38;
	[tilespmem:$0x1EC80] =	vst v63  }
0x72: {  	_ =	swait.ge [sflag:s15], $0x40  }
0x73: {  	[sflag:s15] =	ssyncset.done $0x0  }
0x74: {  	s6 =	sadd.s32 s26, s6;
	[sflag:s15] =	ssyncadd.s32 $0xFFFFFFC0  }
0x75: {  	[tilespmem:s16], [sflag:$0x1] =	stream.linear.gather [hbm4b:s6+s23], $0x40, $0x38;
	[tilespmem:$0x1EC80] =	vst v63  }
0x76: {  	_ =	swait.ge [sflag:s15], $0x40  }
0x77: {  	[sflag:s15] =	ssyncset.done $0x0  }
0x78: {  	v0 =	vmov s23;
	[sflag:s15] =	ssyncadd.s32 $0xFFFFFFC0  }
0x79: {  	v0 =	vand.u32 $0x1F, v0;
	[tilespmem:s17], [sflag:$0x1] =	stream.indirect.gather [hbm4b:s18+s16], $0x80, s16, s16, $0xb8;
	[tilespmem:$0x1EC80] =	vst v63  }
0x7a: {  	v0 =	vbroadcast v0, $0x0;
	_ =	swait.ge [sflag:s15], $0x2000  }
0x7b: {  	[sflag:s15] =	ssyncset.done $0x0  }
0x7c: {  	v1 =	vor.u32 v62, v0;
	[sflag:s15] =	ssyncadd.s32 $0xFFFFE000  }
0x7d: {  	v2 =	vor.u32 v20, v0;
	[tilespmem:s19], [sflag:$0x1] =	stream.indirect.gather [hbm4b:s28+s16], $0x100, s23, s16, $0xb8;
	[tilespmem:$0x1EC80] =	vst v63  }
0x7e: {  	v3 =	vor.u32 v15, v0;
	_ =	swait.ge [sflag:s15], $0x4000  }
0x7f: {  	s10 =	simm.s32 $0x1;
	v4 =	vor.u32 v16, v0;
	[sflag:s15] =	ssyncset.done $0x0  }
0x80: {  	v6 =	vmov s10;
	v5 =	vor.u32 v17, v0;
	[sflag:s15] =	ssyncadd.s32 $0xFFFFC000  }
0x81: {  	v6 =	vand.u32 $0x1F, v6;
	v7 =	vor.u32 v18, v0;
	v1 =	vld.idx.msk [tilespmem:v1+s17+$0x0], $0xffff  }
0x82: {  	v13 =	vbroadcast v6, $0x0;
	v8 =	vor.u32 v63, v0;
	v29 =	vld.idx.msk [tilespmem:v2+s19+$0x0], $0xffff  }
0x83: {  	v31 =	vor.u32 v14, v0;
	v10 =	vld.idx.msk [tilespmem:v3+s17+$0x0], $0xffff  }
0x84: {  	v49 =	vor.u32 v62, v13;
	v12 =	vld.idx.msk [tilespmem:v4+s19+$0x0], $0xffff  }
0x85: {  	v9 =	vimm.f32 $0.0e+00;
	v6 =	vor.u32 v20, v13;
	v30 =	vld.idx.msk [tilespmem:v5+s17+$0x0], $0xffff  }
0x86: {  	v50 =	vimm.f32 $0.0e+00;
	v51 =	vor.u32 v16, v13;
	v3 =	vor.u32 v15, v13;
	v11 =	vld.idx.msk [tilespmem:v7+s19+$0x0], $0xffff  }
0x87: {  	s11 =	simm.s32 $0x2;
	v0 =	vor.u32 v17, v13;
	v52 =	vor.u32 v14, v13;
	v5 =	vor.u32 v18, v13;
	v28 =	vld.idx.msk [tilespmem:v8+s17+$0x0], $0xffff  }
0x88: {  	v2 =	vor.u32 v63, v13;
	v4 =	vmov s11;
	v35 =	vld.idx.msk [tilespmem:v31+s19+$0x0], $0xffff;
	v1 =	vmul.f32 v29, v1  }
0x89: {  	v23 =	vmovc v20;
	v21 =	vmovc v14;
	s6 =	simm.s32 $0x3;
	v31 =	vimm.f32 $0.0e+00;
	v4 =	vand.u32 $0x1F, v4;
	v29 =	vld.idx.msk [tilespmem:v49+s17+$0x0], $0xffff;
	v49 =	vimm.f32 $0.0e+00  }
.LBB2_5:
0x8a: {  	p0 =	sne.s32 s6, $0x1F;
	v4 =	vbroadcast v4, $0x0;
	v7 =	vld.idx.msk [tilespmem:v6+s19+$0x0], $0xffff;
	v8 =	vmul.f32 v12, v10;
	v9 =	vadd.f32 v1, v9;
	v1 =	vmovc v30  }
0x8b: {  	v22 =	vmov v62;
	v20 =	vmov v63;
	v10 =	vld.idx.msk [tilespmem:v3+s17+$0x0], $0xffff;
	v14 =	vmul.f32 v11, v1  }
0x8c: {  	v3 =	vor.u32 v15, v4;
	v13 =	vor.u32 v62, v4;
	v12 =	vld.idx.msk [tilespmem:v51+s19+$0x0], $0xffff;
	v51 =	vor.u32 v16, v4  }
.Ltmp1:
0x8d: {  	v62 =	vor.u32 v18, v4;
	v6 =	vor.u32 v23, v4;
	v30 =	vld.idx.msk [tilespmem:v0+s17+$0x0], $0xffff;
	v0 =	vor.u32 v17, v4;
	(pc) =	sbr.rel @p0 .LBB2_5-.Ltmp1, $4  }
0x8e: {  	v24 =	vor.u32 v63, v4;
	v50 =	vadd.f32 v8, v50;
	v4 =	vor.u32 v21, v4;
	v11 =	vld.idx.msk [tilespmem:v5+s19+$0x0], $0xffff  }
0x8f: {  	v63 =	vmovc v20;
	v8 =	vmul.f32 v35, v28;
	v5 =	vmov v62;
	v28 =	vld.idx.msk [tilespmem:v2+s17+$0x0], $0xffff;
	v2 =	vmov v24  }
0x90: {  	v31 =	vadd.f32 v14, v31;
	v24 =	vmov s6;
	v1 =	vmul.f32 v7, v29;
	v35 =	vld.idx.msk [tilespmem:v52+s19+$0x0], $0xffff;
	v52 =	vmovc v4  }
0x91: {  	v62 =	vmov v22;
	s6 =	sadd.s32 $0x1, s6;
	v49 =	vadd.f32 v8, v49;
	v4 =	vand.u32 $0x1F, v24;
	v29 =	vld.idx.msk [tilespmem:v13+s17+$0x0], $0xffff  }
0x92: {  	_ =	sdelay $0x3  }
0x93: {  	v4 =	vbroadcast v4, $0x0;
	v24 =	vld.idx.msk [tilespmem:v6+s19+$0x0], $0xffff  }
0x94: {  	v6 =	vld.idx.msk [tilespmem:v3+s17+$0x0], $0xffff  }
0x95: {  	v8 =	vld.idx.msk [tilespmem:v51+s19+$0x0], $0xffff;
	v7 =	vor.u32 v62, v4  }
0x96: {  	v3 =	vld.idx.msk [tilespmem:v0+s17+$0x0], $0xffff;
	v13 =	vor.u32 v15, v4  }
0x97: {  	v5 =	vld.idx.msk [tilespmem:v5+s19+$0x0], $0xffff;
	v14 =	vor.u32 v16, v4  }
0x98: {  	v2 =	vld.idx.msk [tilespmem:v2+s17+$0x0], $0xffff;
	v51 =	vor.u32 v17, v4  }
0x99: {  	v52 =	vld.idx.msk [tilespmem:v52+s19+$0x0], $0xffff;
	v62 =	vor.u32 v18, v4  }
0x9a: {  	v63 =	vor.u32 v63, v4;
	v7 =	vld.idx.msk [tilespmem:v7+s17+$0x0], $0xffff  }
0x9b: {  	v0 =	vor.u32 v21, v4;
	v13 =	vld.idx.msk [tilespmem:v13+s17+$0x0], $0xffff  }
0x9c: {  	v4 =	vor.u32 v23, v4;
	v14 =	vld.idx.msk [tilespmem:v14+s19+$0x0], $0xffff  }
0x9d: {  	v51 =	vld.idx.msk [tilespmem:v51+s17+$0x0], $0xffff  }
0x9e: {  	v62 =	vld.idx.msk [tilespmem:v62+s19+$0x0], $0xffff  }
0x9f: {  	v10 =	vmul.f32 v12, v10;
	v12 =	vld.idx.msk [tilespmem:v63+s17+$0x0], $0xffff  }
0xa0: {  	v11 =	vmul.f32 v11, v30;
	v28 =	vmul.f32 v35, v28;
	v0 =	vld.idx.msk [tilespmem:v0+s19+$0x0], $0xffff  }
0xa1: {  	v1 =	vadd.f32 v1, v9;
	v9 =	vadd.f32 v10, v50;
	v6 =	vmul.f32 v8, v6;
	v4 =	vld.idx.msk [tilespmem:v4+s19+$0x0], $0xffff  }
0xa2: {  	v8 =	vadd.f32 v11, v31;
	v10 =	vadd.f32 v28, v49;
	v3 =	vmul.f32 v5, v3  }
0xa3: {  	v2 =	vmul.f32 v52, v2;
	v5 =	vadd.f32 v6, v9;
	v6 =	vmul.f32 v14, v13  }
0xa4: {  	v9 =	vmul.f32 v24, v29;
	v3 =	vadd.f32 v3, v8;
	v8 =	vmul.f32 v62, v51  }
0xa5: {  	v2 =	vadd.f32 v2, v10;
	v0 =	vmul.f32 v0, v12;
	v5 =	vadd.f32 v6, v5  }
0xa6: {  	v1 =	vadd.f32 v9, v1;
	v4 =	vmul.f32 v4, v7;
	v3 =	vadd.f32 v8, v3  }
0xa7: {  	v0 =	vadd.f32 v0, v2;
	v2 =	vmul.f32 $1.767766920e-01, v5  }
0xa8: {  	v1 =	vadd.f32 v4, v1;
	v3 =	vmul.f32 $1.767766920e-01, v3  }
0xa9: {  	v0 =	vmul.f32 $1.767766920e-01, v0;
	v2 =	vmul.f32 $1.442695020e+00, v2  }
0xaa: {  	v1 =	vmul.f32 $1.767766920e-01, v1;
	v3 =	vmul.f32 $1.442695020e+00, v3  }
0xab: {  	v0 =	vmul.f32 $1.442695020e+00, v0;
	(erf) = vpow2.f32 v2  }
0xac: {  	v1 =	vmul.f32 $1.442695020e+00, v1;
	(erf) = vpow2.f32 v3  }
0xad: {  	(erf) = vpow2.f32 v0  }
0xae: {  	(erf) = vpow2.f32 v1;
	v1 =	vld [tilespmem:$0x1FDF0];
	_ =	sdelay $0x6  }
0xaf: {  	v11 =	vpop (erf)  }
0xb0: {  	[tilespmem:v1+s14+$0x0] =	vst.idx.msk $0xffff, v11;
	v1 =	vld [tilespmem:$0x1FE00];
	_ =	sdelay $0x6  }
0xb1: {  	v10 =	vpop (erf)  }
0xb2: {  	[tilespmem:v1+s14+$0x0] =	vst.idx.msk $0xffff, v10;
	v1 =	vld [tilespmem:$0x1FE10];
	_ =	sdelay $0x6  }
0xb3: {  	v4 =	vld [tilespmem:$0x1FE30];
	v9 =	vpop (erf)  }
0xb4: {  	[tilespmem:v1+s14+$0x0] =	vst.idx.msk $0xffff, v9;
	v1 =	vld [tilespmem:$0x1FE20];
	_ =	sdelay $0x2  }
0xb5: {  	s6 =	simm.s32 $0x0  }
0xb6: {  	v0 =	vor.u32 s6, v4;
	_ =	sdelay $0x2  }
0xb7: {  	v5 =	vld [tilespmem:$0x1FE40];
	v62 =	vpop (erf)  }
0xb8: {  	[tilespmem:v1+s14+$0x0] =	vst.idx.msk $0xffff, v62  }
0xb9: {  	v1 =	vmov s6;
	v0 =	vld.idx.msk [tilespmem:v0+s19+$0x0], $0xffff  }
0xba: {  	v1 =	vand.u32 $0x1F, v1  }
0xbb: {  	v2 =	vadd.s32 v19, v1  }
0xbc: {  	v3 =	vor.u32 s6, v5;
	_ =	sdelay $0x1  }
0xbd: {  	v6 =	vld [tilespmem:$0x1FE50];
	v0 =	vmul.f32 v0, v11  }
0xbe: {  	v7 =	vld [tilespmem:$0x1FE60]  }
0xbf: {  	[tilespmem:v2+s14+$0x0] =	vst.idx.msk $0xffff, v0  }
0xc0: {  	v0 =	vld.idx.msk [tilespmem:v3+s19+$0x0], $0xffff;
	_ =	sdelay $0x1  }
0xc1: {  	v2 =	vadd.s32 v6, v1  }
0xc2: {  	v3 =	vor.u32 s6, v7;
	_ =	sdelay $0x1  }
0xc3: {  	v8 =	vld [tilespmem:$0x1FE70];
	v0 =	vmul.f32 v0, v10  }
0xc4: {  	v12 =	vld [tilespmem:$0x1FE80]  }
0xc5: {  	[tilespmem:v2+s14+$0x0] =	vst.idx.msk $0xffff, v0  }
0xc6: {  	v0 =	vld.idx.msk [tilespmem:v3+s19+$0x0], $0xffff;
	_ =	sdelay $0x1  }
0xc7: {  	v2 =	vadd.s32 v8, v1  }
0xc8: {  	v3 =	vor.u32 s6, v12;
	_ =	sdelay $0x1  }
0xc9: {  	v13 =	vld [tilespmem:$0x1FE90];
	v0 =	vmul.f32 v0, v9;
	_ =	sdelay $0x1  }
0xca: {  	[tilespmem:v2+s14+$0x0] =	vst.idx.msk $0xffff, v0  }
0xcb: {  	v2 =	vld.idx.msk [tilespmem:v3+s19+$0x0], $0xffff;
	_ =	sdelay $0x1  }
0xcc: {  	s7 =	simm.s32 $0x1;
	v1 =	vadd.s32 v13, v1  }
0xcd: {  	v0 =	vor.u32 s7, v4;
	_ =	sdelay $0x1  }
0xce: {  	s11 =	simm.s32 $0x2;
	s8 =	simm.s32 $0x1;
	v2 =	vmul.f32 v2, v62  }
.LBB2_7:
0xcf: {  	_ = 	snop  }
0xd0: {  	p0 =	sne.s32 s11, $0x1F;
	s9 =	smov.u32 s11;
	s11 =	sadd.s32 $0x1, s11;
	[tilespmem:v1+s14+$0x0] =	vst.idx.msk $0xffff, v2  }
0xd1: {  	v0 =	vld.idx.msk [tilespmem:v0+s19+$0x0], $0xffff  }
0xd2: {  	v1 =	vmov s8  }
0xd3: {  	v1 =	vand.u32 $0x1F, v1  }
0xd4: {  	v2 =	vadd.s32 v19, v1  }
0xd5: {  	v3 =	vor.u32 s8, v5;
	_ =	sdelay $0x1  }
0xd6: {  	v0 =	vmul.f32 v0, v11;
	_ =	sdelay $0x1  }
0xd7: {  	[tilespmem:v2+s14+$0x0] =	vst.idx.msk $0xffff, v0  }
0xd8: {  	v0 =	vld.idx.msk [tilespmem:v3+s19+$0x0], $0xffff;
	_ =	sdelay $0x2  }
0xd9: {  	v2 =	vadd.s32 v6, v1  }
0xda: {  	v3 =	vor.u32 s8, v7;
	_ =	sdelay $0x1  }
0xdb: {  	v0 =	vmul.f32 v0, v10;
	_ =	sdelay $0x1  }
0xdc: {  	[tilespmem:v2+s14+$0x0] =	vst.idx.msk $0xffff, v0  }
0xdd: {  	v0 =	vld.idx.msk [tilespmem:v3+s19+$0x0], $0xffff;
	_ =	sdelay $0x2  }
0xde: {  	v2 =	vadd.s32 v8, v1  }
0xdf: {  	v3 =	vor.u32 s8, v12;
	s8 =	smov.u32 s9;
	_ =	sdelay $0x1  }
0xe0: {  	v0 =	vmul.f32 v0, v9;
	_ =	sdelay $0x1  }
0xe1: {  	[tilespmem:v2+s14+$0x0] =	vst.idx.msk $0xffff, v0  }
0xe2: {  	v2 =	vld.idx.msk [tilespmem:v3+s19+$0x0], $0xffff;
	_ =	sdelay $0x1  }
.Ltmp2:
0xe3: {  	(pc) =	sbr.rel @p0 .LBB2_7-.Ltmp2, $3  }
0xe4: {  	v1 =	vadd.s32 v13, v1  }
0xe5: {  	v0 =	vor.u32 s8, v4;
	_ =	sdelay $0x1  }
0xe6: {  	v2 =	vmul.f32 v2, v62  }
0xe7: {  	_ =	sdelay $0x3  }
0xe8: {  	[tilespmem:v1+s14+$0x0] =	vst.idx.msk $0xffff, v2  }
0xe9: {  	v1 =	vmov s8;
	v0 =	vld.idx.msk [tilespmem:v0+s19+$0x0], $0xffff  }
0xea: {  	v1 =	vand.u32 $0x1F, v1  }
0xeb: {  	v2 =	vadd.s32 v19, v1  }
0xec: {  	v3 =	vor.u32 s8, v5;
	_ =	sdelay $0x1  }
0xed: {  	v0 =	vmul.f32 v0, v11;
	_ =	sdelay $0x1  }
0xee: {  	[tilespmem:v2+s14+$0x0] =	vst.idx.msk $0xffff, v0  }
0xef: {  	v0 =	vld.idx.msk [tilespmem:v3+s19+$0x0], $0xffff;
	_ =	sdelay $0x1  }
0xf0: {  	v2 =	vadd.s32 v6, v1  }
0xf1: {  	v3 =	vor.u32 s8, v7;
	_ =	sdelay $0x1  }
0xf2: {  	v0 =	vmul.f32 v0, v10;
	_ =	sdelay $0x1  }
0xf3: {  	[tilespmem:v2+s14+$0x0] =	vst.idx.msk $0xffff, v0  }
0xf4: {  	v0 =	vld.idx.msk [tilespmem:v3+s19+$0x0], $0xffff;
	_ =	sdelay $0x1  }
0xf5: {  	v2 =	vadd.s32 v8, v1  }
0xf6: {  	v3 =	vor.u32 s8, v12;
	_ =	sdelay $0x1  }
0xf7: {  	v0 =	vmul.f32 v0, v9;
	_ =	sdelay $0x1  }
0xf8: {  	v24 =	vld [tilespmem:$0x1FFE0];
	[tilespmem:v2+s14+$0x0] =	vst.idx.msk $0xffff, v0  }
0xf9: {  	v0 =	vmov s6;
	v2 =	vld.idx.msk [tilespmem:v3+s19+$0x0], $0xffff  }
0xfa: {  	v23 =	vld [tilespmem:$0x1FFA0];
	v0 =	vand.u32 $0x1F, v0  }
0xfb: {  	v21 =	vld [tilespmem:$0x1FFB0];
	v0 =	vbroadcast v0, $0x0  }
0xfc: {  	v26 =	vld [tilespmem:$0x1FFC0];
	v1 =	vadd.s32 v13, v1  }
0xfd: {  	v27 =	vld [tilespmem:$0x1FFD0];
	v3 =	vor.u32 v24, v0  }
0xfe: {  	v4 =	vor.u32 v25, v0;
	v2 =	vmul.f32 v2, v62;
	v62 =	vld [tilespmem:$0x1FEA0]  }
0xff: {  	v63 =	vld [tilespmem:$0x1FEB0];
	v5 =	vor.u32 v23, v0  }
0x100: {  	v7 =	vor.u32 v21, v0  }
0x101: {  	v13 =	vor.u32 v26, v0;
	[tilespmem:v1+s14+$0x0] =	vst.idx.msk $0xffff, v2;
	v2 =	vmov s7  }
0x102: {  	v29 =	vor.u32 v27, v0;
	v2 =	vand.u32 $0x1F, v2;
	v8 =	vld.idx.msk [tilespmem:v3+s17+$0x0], $0xffff  }
0x103: {  	v4 =	vld.idx.msk [tilespmem:v4+s19+$0x0], $0xffff;
	v14 =	vbroadcast v2, $0x0;
	v6 =	vor.u32 v62, v0  }
0x104: {  	v1 =	vor.u32 v63, v0;
	v10 =	vld.idx.msk [tilespmem:v5+s17+$0x0], $0xffff  }
0x105: {  	v11 =	vld.idx.msk [tilespmem:v7+s19+$0x0], $0xffff;
	v31 =	vor.u32 v24, v14  }
0x106: {  	s11 =	simm.s32 $0x2;
	v50 =	vimm.f32 $0.0e+00;
	v49 =	vimm.f32 $0.0e+00;
	v28 =	vld.idx.msk [tilespmem:v13+s17+$0x0], $0xffff  }
0x107: {  	v9 =	vimm.f32 $0.0e+00;
	v7 =	vmov s11;
	v35 =	vld.idx.msk [tilespmem:v29+s19+$0x0], $0xffff;
	v3 =	vor.u32 v23, v14  }
0x108: {  	v51 =	vor.u32 v62, v14;
	v0 =	vor.u32 v63, v14;
	v12 =	vld.idx.msk [tilespmem:v6+s19+$0x0], $0xffff;
	v6 =	vor.u32 v25, v14  }
0x109: {  	v5 =	vor.u32 v21, v14;
	v2 =	vor.u32 v26, v14;
	v52 =	vor.u32 v27, v14;
	v30 =	vld.idx.msk [tilespmem:v1+s17+$0x0], $0xffff  }
0x10a: {  	s6 =	simm.s32 $0x3;
	v1 =	vmul.f32 v4, v8;
	v4 =	vand.u32 $0x1F, v7;
	v29 =	vld.idx.msk [tilespmem:v31+s17+$0x0], $0xffff;
	v31 =	vimm.f32 $0.0e+00  }
.LBB2_9:
0x10b: {  	_ =	sdelay $0x1  }
0x10c: {  	v7 =	vld.idx.msk [tilespmem:v6+s19+$0x0], $0xffff  }
0x10d: {  	v4 =	vbroadcast v4, $0x0;
	v9 =	vadd.f32 v1, v9;
	v1 =	vmov v30;
	v30 =	vld.idx.msk [tilespmem:v0+s17+$0x0], $0xffff  }
0x10e: {  	v8 =	vmul.f32 v12, v10;
	v10 =	vld.idx.msk [tilespmem:v3+s17+$0x0], $0xffff  }
0x10f: {  	v13 =	vor.u32 v24, v4;
	v12 =	vld.idx.msk [tilespmem:v51+s19+$0x0], $0xffff  }
0x110: {  	p0 =	sne.s32 s6, $0x1F;
	v51 =	vor.u32 v62, v4;
	v0 =	vor.u32 v63, v4;
	v63 =	vmul.f32 v11, v1;
	v11 =	vld.idx.msk [tilespmem:v5+s19+$0x0], $0xffff  }
.Ltmp3:
0x111: {  	v62 =	vor.u32 v26, v4;
	v50 =	vadd.f32 v8, v50;
	v8 =	vmul.f32 v35, v28;
	v28 =	vld.idx.msk [tilespmem:v2+s17+$0x0], $0xffff;
	(pc) =	sbr.rel @p0 .LBB2_9-.Ltmp3, $4  }
0x112: {  	v2 =	vmov v62;
	v62 =	vld [tilespmem:$0x1FEA0]  }
0x113: {  	v14 =	vor.u32 v21, v4;
	v6 =	vor.u32 v25, v4;
	v3 =	vor.u32 v23, v4;
	v35 =	vld.idx.msk [tilespmem:v52+s19+$0x0], $0xffff  }
0x114: {  	v4 =	vor.u32 v27, v4;
	v5 =	vmovc v14;
	v14 =	vmov s6;
	v31 =	vadd.f32 v63, v31;
	v63 =	vld [tilespmem:$0x1FEB0]  }
0x115: {  	s6 =	sadd.s32 $0x1, s6;
	v1 =	vmul.f32 v7, v29;
	v52 =	vmovc v4;
	v4 =	vand.u32 $0x1F, v14;
	v29 =	vld.idx.msk [tilespmem:v13+s17+$0x0], $0xffff;
	v49 =	vadd.f32 v8, v49  }
0x116: {  	_ =	sdelay $0x3  }
0x117: {  	v4 =	vbroadcast v4, $0x0;
	v6 =	vld.idx.msk [tilespmem:v6+s19+$0x0], $0xffff  }
0x118: {  	v8 =	vld.idx.msk [tilespmem:v51+s19+$0x0], $0xffff  }
0x119: {  	v5 =	vld.idx.msk [tilespmem:v5+s19+$0x0], $0xffff;
	v7 =	vor.u32 v24, v4  }
0x11a: {  	v2 =	vld.idx.msk [tilespmem:v2+s17+$0x0], $0xffff;
	v13 =	vor.u32 v23, v4  }
0x11b: {  	v52 =	vld.idx.msk [tilespmem:v52+s19+$0x0], $0xffff;
	v14 =	vor.u32 v62, v4  }
0x11c: {  	v62 =	vor.u32 v21, v4;
	[tilespmem:$0x1FDE0] =	vst v6;
	v6 =	vld.idx.msk [tilespmem:v3+s17+$0x0], $0xffff  }
0x11d: {  	v51 =	vor.u32 v63, v4;
	v3 =	vld.idx.msk [tilespmem:v0+s17+$0x0], $0xffff  }
0x11e: {  	v63 =	vor.u32 v26, v4;
	v7 =	vld.idx.msk [tilespmem:v7+s17+$0x0], $0xffff  }
0x11f: {  	v13 =	vld.idx.msk [tilespmem:v13+s17+$0x0], $0xffff  }
0x120: {  	v10 =	vmul.f32 v12, v10;
	v0 =	vor.u32 v27, v4;
	v14 =	vld.idx.msk [tilespmem:v14+s19+$0x0], $0xffff  }
0x121: {  	v4 =	vor.u32 v25, v4;
	v62 =	vld.idx.msk [tilespmem:v62+s19+$0x0], $0xffff  }
0x122: {  	v1 =	vadd.f32 v1, v9;
	v9 =	vadd.f32 v10, v50;
	v51 =	vld.idx.msk [tilespmem:v51+s17+$0x0], $0xffff;
	v6 =	vmul.f32 v8, v6  }
0x123: {  	v12 =	vld.idx.msk [tilespmem:v63+s17+$0x0], $0xffff  }
0x124: {  	v50 =	vadd.f32 v6, v9;
	v9 =	vld [tilespmem:$0x1FDE0]  }
0x125: {  	v11 =	vmul.f32 v11, v30;
	v0 =	vld.idx.msk [tilespmem:v0+s19+$0x0], $0xffff  }
0x126: {  	v28 =	vmul.f32 v35, v28;
	v4 =	vld.idx.msk [tilespmem:v4+s19+$0x0], $0xffff  }
0x127: {  	v8 =	vadd.f32 v11, v31;
	v3 =	vmul.f32 v5, v3  }
0x128: {  	v10 =	vadd.f32 v28, v49;
	v2 =	vmul.f32 v52, v2;
	v63 =	vmul.f32 v14, v13  }
0x129: {  	v3 =	vadd.f32 v3, v8;
	v8 =	vmul.f32 v62, v51;
	v9 =	vmul.f32 v9, v29  }
0x12a: {  	v2 =	vadd.f32 v2, v10;
	v5 =	vadd.f32 v63, v50;
	v0 =	vmul.f32 v0, v12  }
0x12b: {  	v4 =	vmul.f32 v4, v7;
	v3 =	vadd.f32 v8, v3;
	v1 =	vadd.f32 v9, v1  }
0x12c: {  	v0 =	vadd.f32 v0, v2;
	v2 =	vmul.f32 $1.767766920e-01, v5  }
0x12d: {  	v3 =	vmul.f32 $1.767766920e-01, v3;
	v1 =	vadd.f32 v4, v1  }
0x12e: {  	v2 =	vmul.f32 $1.442695020e+00, v2;
	v0 =	vmul.f32 $1.767766920e-01, v0  }
0x12f: {  	v3 =	vmul.f32 $1.442695020e+00, v3;
	v1 =	vmul.f32 $1.767766920e-01, v1  }
0x130: {  	(erf) = vpow2.f32 v2;
	v0 =	vmul.f32 $1.442695020e+00, v0  }
0x131: {  	(erf) = vpow2.f32 v3;
	v1 =	vmul.f32 $1.442695020e+00, v1  }
0x132: {  	(erf) = vpow2.f32 v0  }
0x133: {  	(erf) = vpow2.f32 v1;
	v1 =	vld [tilespmem:$0x1FEC0];
	_ =	sdelay $0x6  }
0x134: {  	v11 =	vpop (erf)  }
0x135: {  	[tilespmem:v1+s14+$0x0] =	vst.idx.msk $0xffff, v11;
	v1 =	vld [tilespmem:$0x1FED0];
	_ =	sdelay $0x6  }
0x136: {  	v10 =	vpop (erf)  }
0x137: {  	[tilespmem:v1+s14+$0x0] =	vst.idx.msk $0xffff, v10;
	v1 =	vld [tilespmem:$0x1FEE0];
	_ =	sdelay $0x6  }
0x138: {  	v9 =	vpop (erf)  }
0x139: {  	[tilespmem:v1+s14+$0x0] =	vst.idx.msk $0xffff, v9;
	v1 =	vld [tilespmem:$0x1FEF0];
	_ =	sdelay $0x2  }
0x13a: {  	s6 =	simm.s32 $0x0  }
0x13b: {  	v0 =	vor.u32 s6, v32;
	_ =	sdelay $0x2  }
0x13c: {  	v62 =	vpop (erf)  }
0x13d: {  	[tilespmem:v1+s14+$0x0] =	vst.idx.msk $0xffff, v62  }
0x13e: {  	v1 =	vmov s6;
	v0 =	vld.idx.msk [tilespmem:v0+s19+$0x0], $0xffff  }
0x13f: {  	v1 =	vand.u32 $0x1F, v1  }
0x140: {  	v2 =	vadd.s32 v33, v1  }
0x141: {  	v3 =	vor.u32 s6, v34;
	_ =	sdelay $0x1  }
0x142: {  	v0 =	vmul.f32 v0, v11;
	_ =	sdelay $0x1  }
0x143: {  	[tilespmem:v2+s14+$0x0] =	vst.idx.msk $0xffff, v0  }
0x144: {  	v0 =	vld.idx.msk [tilespmem:v3+s19+$0x0], $0xffff;
	_ =	sdelay $0x1  }
0x145: {  	v2 =	vadd.s32 v36, v1  }
0x146: {  	v3 =	vor.u32 s6, v37;
	_ =	sdelay $0x1  }
0x147: {  	v0 =	vmul.f32 v0, v10;
	_ =	sdelay $0x1  }
0x148: {  	[tilespmem:v2+s14+$0x0] =	vst.idx.msk $0xffff, v0  }
0x149: {  	v0 =	vld.idx.msk [tilespmem:v3+s19+$0x0], $0xffff;
	_ =	sdelay $0x1  }
0x14a: {  	v2 =	vadd.s32 v38, v1  }
0x14b: {  	v3 =	vor.u32 s6, v39;
	_ =	sdelay $0x1  }
0x14c: {  	v0 =	vmul.f32 v0, v9;
	_ =	sdelay $0x1  }
0x14d: {  	[tilespmem:v2+s14+$0x0] =	vst.idx.msk $0xffff, v0  }
0x14e: {  	v2 =	vld.idx.msk [tilespmem:v3+s19+$0x0], $0xffff;
	_ =	sdelay $0x1  }
0x14f: {  	s7 =	simm.s32 $0x1;
	v1 =	vadd.s32 v40, v1  }
0x150: {  	v0 =	vor.u32 s7, v32;
	_ =	sdelay $0x1  }
0x151: {  	s11 =	simm.s32 $0x2;
	s8 =	simm.s32 $0x1;
	v2 =	vmul.f32 v2, v62  }
.LBB2_11:
0x152: {  	_ = 	snop  }
0x153: {  	p0 =	sne.s32 s11, $0x1F;
	s9 =	smov.u32 s11;
	s11 =	sadd.s32 $0x1, s11;
	[tilespmem:v1+s14+$0x0] =	vst.idx.msk $0xffff, v2  }
0x154: {  	v0 =	vld.idx.msk [tilespmem:v0+s19+$0x0], $0xffff  }
0x155: {  	v1 =	vmov s8  }
0x156: {  	v1 =	vand.u32 $0x1F, v1  }
0x157: {  	v2 =	vadd.s32 v33, v1  }
0x158: {  	v3 =	vor.u32 s8, v34;
	_ =	sdelay $0x1  }
0x159: {  	v0 =	vmul.f32 v0, v11;
	_ =	sdelay $0x1  }
0x15a: {  	[tilespmem:v2+s14+$0x0] =	vst.idx.msk $0xffff, v0  }
0x15b: {  	v0 =	vld.idx.msk [tilespmem:v3+s19+$0x0], $0xffff;
	_ =	sdelay $0x2  }
0x15c: {  	v2 =	vadd.s32 v36, v1  }
0x15d: {  	v3 =	vor.u32 s8, v37;
	_ =	sdelay $0x1  }
0x15e: {  	v0 =	vmul.f32 v0, v10;
	_ =	sdelay $0x1  }
0x15f: {  	[tilespmem:v2+s14+$0x0] =	vst.idx.msk $0xffff, v0  }
0x160: {  	v0 =	vld.idx.msk [tilespmem:v3+s19+$0x0], $0xffff;
	_ =	sdelay $0x2  }
0x161: {  	v2 =	vadd.s32 v38, v1  }
0x162: {  	v3 =	vor.u32 s8, v39;
	s8 =	smov.u32 s9;
	_ =	sdelay $0x1  }
0x163: {  	v0 =	vmul.f32 v0, v9;
	_ =	sdelay $0x1  }
0x164: {  	[tilespmem:v2+s14+$0x0] =	vst.idx.msk $0xffff, v0  }
0x165: {  	v2 =	vld.idx.msk [tilespmem:v3+s19+$0x0], $0xffff;
	_ =	sdelay $0x1  }
.Ltmp4:
0x166: {  	(pc) =	sbr.rel @p0 .LBB2_11-.Ltmp4, $3  }
0x167: {  	v1 =	vadd.s32 v40, v1  }
0x168: {  	v0 =	vor.u32 s8, v32;
	_ =	sdelay $0x1  }
0x169: {  	v2 =	vmul.f32 v2, v62  }
0x16a: {  	_ =	sdelay $0x3  }
0x16b: {  	[tilespmem:v1+s14+$0x0] =	vst.idx.msk $0xffff, v2  }
0x16c: {  	v1 =	vmov s8;
	v0 =	vld.idx.msk [tilespmem:v0+s19+$0x0], $0xffff  }
0x16d: {  	v1 =	vand.u32 $0x1F, v1  }
0x16e: {  	v2 =	vadd.s32 v33, v1  }
0x16f: {  	v3 =	vor.u32 s8, v34;
	_ =	sdelay $0x1  }
0x170: {  	v0 =	vmul.f32 v0, v11;
	_ =	sdelay $0x1  }
0x171: {  	[tilespmem:v2+s14+$0x0] =	vst.idx.msk $0xffff, v0  }
0x172: {  	v0 =	vld.idx.msk [tilespmem:v3+s19+$0x0], $0xffff;
	_ =	sdelay $0x1  }
0x173: {  	v2 =	vadd.s32 v36, v1  }
0x174: {  	v3 =	vor.u32 s8, v37;
	_ =	sdelay $0x1  }
0x175: {  	v0 =	vmul.f32 v0, v10;
	_ =	sdelay $0x1  }
0x176: {  	[tilespmem:v2+s14+$0x0] =	vst.idx.msk $0xffff, v0  }
0x177: {  	v0 =	vld.idx.msk [tilespmem:v3+s19+$0x0], $0xffff;
	_ =	sdelay $0x1  }
0x178: {  	v2 =	vadd.s32 v38, v1  }
0x179: {  	v3 =	vor.u32 s8, v39;
	_ =	sdelay $0x1  }
0x17a: {  	v0 =	vmul.f32 v0, v9;
	_ =	sdelay $0x1  }
0x17b: {  	[tilespmem:v2+s14+$0x0] =	vst.idx.msk $0xffff, v0;
	v0 =	vmov s6  }
0x17c: {  	v2 =	vld.idx.msk [tilespmem:v3+s19+$0x0], $0xffff;
	v0 =	vand.u32 $0x1F, v0  }
0x17d: {  	v0 =	vbroadcast v0, $0x0  }
0x17e: {  	v1 =	vadd.s32 v40, v1  }
0x17f: {  	v3 =	vor.u32 v47, v0  }
0x180: {  	v4 =	vor.u32 v48, v0  }
0x181: {  	v5 =	vor.u32 v41, v0;
	v2 =	vmul.f32 v2, v62  }
0x182: {  	v6 =	vor.u32 v42, v0  }
0x183: {  	v7 =	vor.u32 v44, v0;
	[tilespmem:v1+s14+$0x0] =	vst.idx.msk $0xffff, v2;
	v2 =	vmov s7  }
0x184: {  	v1 =	vor.u32 v43, v0;
	v2 =	vand.u32 $0x1F, v2;
	v8 =	vld.idx.msk [tilespmem:v3+s17+$0x0], $0xffff  }
0x185: {  	v13 =	vor.u32 v45, v0;
	v4 =	vld.idx.msk [tilespmem:v4+s19+$0x0], $0xffff;
	v14 =	vbroadcast v2, $0x0  }
0x186: {  	v29 =	vor.u32 v46, v0;
	v10 =	vld.idx.msk [tilespmem:v5+s17+$0x0], $0xffff  }
0x187: {  	v12 =	vld.idx.msk [tilespmem:v6+s19+$0x0], $0xffff;
	v31 =	vor.u32 v47, v14  }
0x188: {  	v50 =	vimm.f32 $0.0e+00;
	v11 =	vld.idx.msk [tilespmem:v7+s19+$0x0], $0xffff;
	v6 =	vor.u32 v48, v14  }
0x189: {  	s11 =	simm.s32 $0x2;
	v49 =	vimm.f32 $0.0e+00;
	v9 =	vimm.f32 $0.0e+00;
	v3 =	vor.u32 v41, v14;
	v30 =	vld.idx.msk [tilespmem:v1+s17+$0x0], $0xffff  }
0x18a: {  	v28 =	vld.idx.msk [tilespmem:v13+s17+$0x0], $0xffff;
	v7 =	vmov s11;
	v51 =	vor.u32 v42, v14;
	v0 =	vor.u32 v43, v14  }
0x18b: {  	v35 =	vld.idx.msk [tilespmem:v29+s19+$0x0], $0xffff;
	v5 =	vor.u32 v44, v14;
	v2 =	vor.u32 v45, v14;
	v1 =	vmul.f32 v4, v8  }
0x18c: {  	s6 =	simm.s32 $0x3;
	v52 =	vor.u32 v46, v14;
	v4 =	vand.u32 $0x1F, v7;
	v29 =	vld.idx.msk [tilespmem:v31+s17+$0x0], $0xffff;
	v31 =	vimm.f32 $0.0e+00  }
.LBB2_13:
0x18d: {  	p0 =	sne.s32 s6, $0x1F;
	v4 =	vbroadcast v4, $0x0;
	v7 =	vld.idx.msk [tilespmem:v6+s19+$0x0], $0xffff;
	v8 =	vmul.f32 v12, v10;
	v9 =	vadd.f32 v1, v9  }
0x18e: {  	v1 =	vmov v30;
	v10 =	vld.idx.msk [tilespmem:v3+s17+$0x0], $0xffff  }
0x18f: {  	v3 =	vor.u32 v41, v4;
	v13 =	vor.u32 v47, v4;
	v12 =	vld.idx.msk [tilespmem:v51+s19+$0x0], $0xffff;
	v51 =	vor.u32 v42, v4  }
.Ltmp5:
0x190: {  	v14 =	vor.u32 v44, v4;
	v6 =	vor.u32 v48, v4;
	v30 =	vld.idx.msk [tilespmem:v0+s17+$0x0], $0xffff;
	v0 =	vor.u32 v43, v4;
	(pc) =	sbr.rel @p0 .LBB2_13-.Ltmp5, $4  }
0x191: {  	v63 =	vmul.f32 v11, v1;
	v62 =	vor.u32 v45, v4;
	v4 =	vor.u32 v46, v4;
	v11 =	vld.idx.msk [tilespmem:v5+s19+$0x0], $0xffff  }
0x192: {  	v50 =	vadd.f32 v8, v50;
	v8 =	vmul.f32 v35, v28;
	v5 =	vmovc v14;
	v28 =	vld.idx.msk [tilespmem:v2+s17+$0x0], $0xffff;
	v2 =	vmov v62  }
0x193: {  	v31 =	vadd.f32 v63, v31;
	v14 =	vmov s6;
	v1 =	vmul.f32 v7, v29;
	v35 =	vld.idx.msk [tilespmem:v52+s19+$0x0], $0xffff;
	v52 =	vmovc v4  }
0x194: {  	s6 =	sadd.s32 $0x1, s6;
	v49 =	vadd.f32 v8, v49;
	v4 =	vand.u32 $0x1F, v14;
	v29 =	vld.idx.msk [tilespmem:v13+s17+$0x0], $0xffff  }
0x195: {  	_ =	sdelay $0x3  }
0x196: {  	v4 =	vbroadcast v4, $0x0;
	v18 =	vld.idx.msk [tilespmem:v6+s19+$0x0], $0xffff  }
0x197: {  	v6 =	vld.idx.msk [tilespmem:v3+s17+$0x0], $0xffff  }
0x198: {  	v8 =	vld.idx.msk [tilespmem:v51+s19+$0x0], $0xffff;
	v7 =	vor.u32 v47, v4  }
0x199: {  	v3 =	vld.idx.msk [tilespmem:v0+s17+$0x0], $0xffff;
	v13 =	vor.u32 v41, v4  }
0x19a: {  	v5 =	vld.idx.msk [tilespmem:v5+s19+$0x0], $0xffff;
	v14 =	vor.u32 v42, v4  }
0x19b: {  	v2 =	vld.idx.msk [tilespmem:v2+s17+$0x0], $0xffff;
	v51 =	vor.u32 v43, v4  }
0x19c: {  	v52 =	vld.idx.msk [tilespmem:v52+s19+$0x0], $0xffff;
	v62 =	vor.u32 v44, v4  }
0x19d: {  	v63 =	vor.u32 v45, v4;
	v7 =	vld.idx.msk [tilespmem:v7+s17+$0x0], $0xffff  }
0x19e: {  	v0 =	vor.u32 v46, v4;
	v13 =	vld.idx.msk [tilespmem:v13+s17+$0x0], $0xffff  }
0x19f: {  	v4 =	vor.u32 v48, v4;
	v14 =	vld.idx.msk [tilespmem:v14+s19+$0x0], $0xffff  }
0x1a0: {  	v51 =	vld.idx.msk [tilespmem:v51+s17+$0x0], $0xffff  }
0x1a1: {  	v62 =	vld.idx.msk [tilespmem:v62+s19+$0x0], $0xffff  }
0x1a2: {  	v10 =	vmul.f32 v12, v10;
	v12 =	vld.idx.msk [tilespmem:v63+s17+$0x0], $0xffff  }
0x1a3: {  	v11 =	vmul.f32 v11, v30;
	v28 =	vmul.f32 v35, v28;
	v0 =	vld.idx.msk [tilespmem:v0+s19+$0x0], $0xffff  }
0x1a4: {  	v1 =	vadd.f32 v1, v9;
	v9 =	vadd.f32 v10, v50;
	v6 =	vmul.f32 v8, v6;
	v4 =	vld.idx.msk [tilespmem:v4+s19+$0x0], $0xffff  }
0x1a5: {  	v8 =	vadd.f32 v11, v31;
	v10 =	vadd.f32 v28, v49;
	v3 =	vmul.f32 v5, v3  }
0x1a6: {  	v2 =	vmul.f32 v52, v2;
	v50 =	vadd.f32 v6, v9;
	v63 =	vmul.f32 v14, v13  }
0x1a7: {  	v9 =	vmul.f32 v18, v29;
	v3 =	vadd.f32 v3, v8;
	v8 =	vmul.f32 v62, v51  }
0x1a8: {  	v2 =	vadd.f32 v2, v10;
	v0 =	vmul.f32 v0, v12;
	v5 =	vadd.f32 v63, v50  }
0x1a9: {  	v1 =	vadd.f32 v9, v1;
	v4 =	vmul.f32 v4, v7;
	v3 =	vadd.f32 v8, v3  }
0x1aa: {  	v0 =	vadd.f32 v0, v2;
	v2 =	vmul.f32 $1.767766920e-01, v5  }
0x1ab: {  	v1 =	vadd.f32 v4, v1;
	v3 =	vmul.f32 $1.767766920e-01, v3  }
0x1ac: {  	v0 =	vmul.f32 $1.767766920e-01, v0;
	v2 =	vmul.f32 $1.442695020e+00, v2  }
0x1ad: {  	v1 =	vmul.f32 $1.767766920e-01, v1;
	v3 =	vmul.f32 $1.442695020e+00, v3  }
0x1ae: {  	v0 =	vmul.f32 $1.442695020e+00, v0;
	(erf) = vpow2.f32 v2  }
0x1af: {  	v1 =	vmul.f32 $1.442695020e+00, v1;
	(erf) = vpow2.f32 v3  }
0x1b0: {  	(erf) = vpow2.f32 v0  }
0x1b1: {  	(erf) = vpow2.f32 v1;
	v1 =	vld [tilespmem:$0x1FF00];
	_ =	sdelay $0x6  }
0x1b2: {  	v11 =	vpop (erf)  }
0x1b3: {  	[tilespmem:v1+s14+$0x0] =	vst.idx.msk $0xffff, v11;
	v1 =	vld [tilespmem:$0x1FF10];
	_ =	sdelay $0x6  }
0x1b4: {  	v10 =	vpop (erf)  }
0x1b5: {  	[tilespmem:v1+s14+$0x0] =	vst.idx.msk $0xffff, v10;
	v1 =	vld [tilespmem:$0x1FF20];
	_ =	sdelay $0x6  }
0x1b6: {  	v9 =	vpop (erf)  }
0x1b7: {  	[tilespmem:v1+s14+$0x0] =	vst.idx.msk $0xffff, v9;
	v1 =	vld [tilespmem:$0x1FF30];
	_ =	sdelay $0x2  }
0x1b8: {  	s6 =	simm.s32 $0x0  }
0x1b9: {  	v0 =	vor.u32 s6, v53;
	_ =	sdelay $0x2  }
0x1ba: {  	v62 =	vpop (erf)  }
0x1bb: {  	[tilespmem:v1+s14+$0x0] =	vst.idx.msk $0xffff, v62  }
0x1bc: {  	v1 =	vmov s6;
	v0 =	vld.idx.msk [tilespmem:v0+s19+$0x0], $0xffff  }
0x1bd: {  	v1 =	vand.u32 $0x1F, v1  }
0x1be: {  	v2 =	vadd.s32 v54, v1  }
0x1bf: {  	v3 =	vor.u32 s6, v55;
	_ =	sdelay $0x1  }
0x1c0: {  	v0 =	vmul.f32 v0, v11;
	_ =	sdelay $0x1  }
0x1c1: {  	[tilespmem:v2+s14+$0x0] =	vst.idx.msk $0xffff, v0  }
0x1c2: {  	v0 =	vld.idx.msk [tilespmem:v3+s19+$0x0], $0xffff;
	_ =	sdelay $0x1  }
0x1c3: {  	v2 =	vadd.s32 v56, v1  }
0x1c4: {  	v3 =	vor.u32 s6, v57;
	_ =	sdelay $0x1  }
0x1c5: {  	v0 =	vmul.f32 v0, v10;
	_ =	sdelay $0x1  }
0x1c6: {  	[tilespmem:v2+s14+$0x0] =	vst.idx.msk $0xffff, v0  }
0x1c7: {  	v0 =	vld.idx.msk [tilespmem:v3+s19+$0x0], $0xffff;
	_ =	sdelay $0x1  }
0x1c8: {  	v2 =	vadd.s32 v58, v1  }
0x1c9: {  	v3 =	vor.u32 s6, v59;
	_ =	sdelay $0x1  }
0x1ca: {  	v0 =	vmul.f32 v0, v9;
	_ =	sdelay $0x1  }
0x1cb: {  	[tilespmem:v2+s14+$0x0] =	vst.idx.msk $0xffff, v0  }
0x1cc: {  	v2 =	vld.idx.msk [tilespmem:v3+s19+$0x0], $0xffff;
	_ =	sdelay $0x1  }
0x1cd: {  	s7 =	simm.s32 $0x1;
	v1 =	vadd.s32 v60, v1  }
0x1ce: {  	v0 =	vor.u32 s7, v53;
	_ =	sdelay $0x1  }
0x1cf: {  	s11 =	simm.s32 $0x2;
	s8 =	simm.s32 $0x1;
	v2 =	vmul.f32 v2, v62  }
.LBB2_15:
0x1d0: {  	_ = 	snop  }
0x1d1: {  	p0 =	sne.s32 s11, $0x1F;
	s9 =	smov.u32 s11;
	s11 =	sadd.s32 $0x1, s11;
	[tilespmem:v1+s14+$0x0] =	vst.idx.msk $0xffff, v2  }
0x1d2: {  	v0 =	vld.idx.msk [tilespmem:v0+s19+$0x0], $0xffff  }
0x1d3: {  	v1 =	vmov s8  }
0x1d4: {  	v1 =	vand.u32 $0x1F, v1  }
0x1d5: {  	v2 =	vadd.s32 v54, v1  }
0x1d6: {  	v3 =	vor.u32 s8, v55;
	_ =	sdelay $0x1  }
0x1d7: {  	v0 =	vmul.f32 v0, v11;
	_ =	sdelay $0x1  }
0x1d8: {  	[tilespmem:v2+s14+$0x0] =	vst.idx.msk $0xffff, v0  }
0x1d9: {  	v0 =	vld.idx.msk [tilespmem:v3+s19+$0x0], $0xffff;
	_ =	sdelay $0x2  }
0x1da: {  	v2 =	vadd.s32 v56, v1  }
0x1db: {  	v3 =	vor.u32 s8, v57;
	_ =	sdelay $0x1  }
0x1dc: {  	v0 =	vmul.f32 v0, v10;
	_ =	sdelay $0x1  }
0x1dd: {  	[tilespmem:v2+s14+$0x0] =	vst.idx.msk $0xffff, v0  }
0x1de: {  	v0 =	vld.idx.msk [tilespmem:v3+s19+$0x0], $0xffff;
	_ =	sdelay $0x2  }
0x1df: {  	v2 =	vadd.s32 v58, v1  }
0x1e0: {  	v3 =	vor.u32 s8, v59;
	s8 =	smov.u32 s9;
	_ =	sdelay $0x1  }
0x1e1: {  	v0 =	vmul.f32 v0, v9;
	_ =	sdelay $0x1  }
0x1e2: {  	[tilespmem:v2+s14+$0x0] =	vst.idx.msk $0xffff, v0  }
0x1e3: {  	v2 =	vld.idx.msk [tilespmem:v3+s19+$0x0], $0xffff;
	_ =	sdelay $0x1  }
.Ltmp6:
0x1e4: {  	(pc) =	sbr.rel @p0 .LBB2_15-.Ltmp6, $3  }
0x1e5: {  	v1 =	vadd.s32 v60, v1  }
0x1e6: {  	v0 =	vor.u32 s8, v53;
	_ =	sdelay $0x1  }
0x1e7: {  	v2 =	vmul.f32 v2, v62  }
0x1e8: {  	_ =	sdelay $0x3  }
0x1e9: {  	[tilespmem:v1+s14+$0x0] =	vst.idx.msk $0xffff, v2  }
0x1ea: {  	v1 =	vmov s8;
	v0 =	vld.idx.msk [tilespmem:v0+s19+$0x0], $0xffff  }
0x1eb: {  	v1 =	vand.u32 $0x1F, v1  }
0x1ec: {  	v2 =	vadd.s32 v54, v1  }
0x1ed: {  	v3 =	vor.u32 s8, v55;
	_ =	sdelay $0x1  }
0x1ee: {  	v0 =	vmul.f32 v0, v11;
	_ =	sdelay $0x1  }
0x1ef: {  	[tilespmem:v2+s14+$0x0] =	vst.idx.msk $0xffff, v0  }
0x1f0: {  	v0 =	vld.idx.msk [tilespmem:v3+s19+$0x0], $0xffff;
	_ =	sdelay $0x1  }
0x1f1: {  	v2 =	vadd.s32 v56, v1  }
0x1f2: {  	v3 =	vor.u32 s8, v57;
	_ =	sdelay $0x1  }
0x1f3: {  	v0 =	vmul.f32 v0, v10;
	_ =	sdelay $0x1  }
0x1f4: {  	[tilespmem:v2+s14+$0x0] =	vst.idx.msk $0xffff, v0  }
0x1f5: {  	v0 =	vld.idx.msk [tilespmem:v3+s19+$0x0], $0xffff;
	_ =	sdelay $0x1  }
0x1f6: {  	v2 =	vadd.s32 v58, v1  }
0x1f7: {  	v3 =	vor.u32 s8, v59;
	_ =	sdelay $0x1  }
0x1f8: {  	v0 =	vmul.f32 v0, v9;
	_ =	sdelay $0x1  }
0x1f9: {  	[tilespmem:v2+s14+$0x0] =	vst.idx.msk $0xffff, v0;
	v0 =	vmov s6  }
0x1fa: {  	v2 =	vld.idx.msk [tilespmem:v3+s19+$0x0], $0xffff;
	v0 =	vand.u32 $0x1F, v0  }
0x1fb: {  	v0 =	vbroadcast v0, $0x0  }
0x1fc: {  	v10 =	vor.u32 $0x1860, v15;
	v1 =	vadd.s32 v60, v1  }
0x1fd: {  	v9 =	vor.u32 $0x3060, v16;
	v3 =	vor.u32 v10, v0  }
0x1fe: {  	v4 =	vor.u32 v9, v0  }
0x1ff: {  	v11 =	vor.u32 $0x3000, v16;
	v5 =	vor.u32 v61, v0;
	v2 =	vmul.f32 v2, v62  }
0x200: {  	v28 =	vor.u32 $0x3020, v16;
	v6 =	vor.u32 v11, v0  }
0x201: {  	v12 =	vor.u32 $0x1820, v15;
	v7 =	vor.u32 v28, v0;
	[tilespmem:v1+s14+$0x0] =	vst.idx.msk $0xffff, v2;
	v2 =	vmov s7  }
0x202: {  	v29 =	vor.u32 $0x1840, v15;
	v1 =	vor.u32 v12, v0;
	v3 =	vld.idx.msk [tilespmem:v3+s17+$0x0], $0xffff;
	v2 =	vand.u32 $0x1F, v2  }
0x203: {  	v30 =	vor.u32 $0x3040, v16;
	v13 =	vor.u32 v29, v0;
	v4 =	vld.idx.msk [tilespmem:v4+s19+$0x0], $0xffff;
	v2 =	vbroadcast v2, $0x0  }
0x204: {  	v14 =	vor.u32 v30, v0;
	v49 =	vld.idx.msk [tilespmem:v5+s17+$0x0], $0xffff  }
0x205: {  	v51 =	vld.idx.msk [tilespmem:v6+s19+$0x0], $0xffff;
	v52 =	vor.u32 v10, v2  }
0x206: {  	v35 =	vld.idx.msk [tilespmem:v7+s19+$0x0], $0xffff;
	v15 =	vor.u32 v9, v2  }
0x207: {  	v31 =	vimm.f32 $0.0e+00;
	v50 =	vld.idx.msk [tilespmem:v1+s17+$0x0], $0xffff;
	v1 =	vor.u32 v61, v2  }
0x208: {  	v0 =	vld.idx.msk [tilespmem:v13+s17+$0x0], $0xffff;
	v8 =	vor.u32 v11, v2;
	v6 =	vor.u32 v12, v2;
	v7 =	vor.u32 v28, v2  }
0x209: {  	s11 =	simm.s32 $0x2;
	v63 =	vld.idx.msk [tilespmem:v14+s19+$0x0], $0xffff;
	v5 =	vor.u32 v29, v2;
	v13 =	vmul.f32 v4, v3;
	v3 =	vor.u32 v30, v2  }
0x20a: {  	v2 =	vmov s11;
	v4 =	vmul.f32 v51, v49;
	v51 =	vimm.f32 $0.0e+00;
	v62 =	vld.idx.msk [tilespmem:v52+s17+$0x0], $0xffff  }
0x20b: {  	s6 =	simm.s32 $0x3;
	v49 =	vadd.f32 v13, v31;
	v13 =	vand.u32 $0x1F, v2;
	v2 =	vld.idx.msk [tilespmem:v15+s19+$0x0], $0xffff;
	v52 =	vimm.f32 $0.0e+00  }
.LBB2_17:
0x20c: {  	p0 =	sne.s32 s6, $0x1F;
	v13 =	vbroadcast v13, $0x0;
	v14 =	vld.idx.msk [tilespmem:v1+s17+$0x0], $0xffff;
	v31 =	vadd.f32 v4, v31;
	v4 =	vmul.f32 v35, v50  }
0x20d: {  	v16 =	vmov v0;
	v15 =	vld.idx.msk [tilespmem:v8+s19+$0x0], $0xffff  }
0x20e: {  	v1 =	vor.u32 v61, v13;
	v17 =	vor.u32 v10, v13;
	v50 =	vld.idx.msk [tilespmem:v6+s17+$0x0], $0xffff  }
0x20f: {  	v8 =	vor.u32 v11, v13;
	v6 =	vor.u32 v12, v13;
	v18 =	vor.u32 v9, v13;
	v35 =	vld.idx.msk [tilespmem:v7+s19+$0x0], $0xffff  }
.Ltmp7:
0x210: {  	v19 =	vor.u32 v30, v13;
	v7 =	vor.u32 v28, v13;
	v0 =	vld.idx.msk [tilespmem:v5+s17+$0x0], $0xffff;
	v5 =	vor.u32 v29, v13;
	(pc) =	sbr.rel @p0 .LBB2_17-.Ltmp7, $4  }
0x211: {  	v16 =	vmul.f32 v63, v16;
	v51 =	vadd.f32 v4, v51;
	v2 =	vmul.f32 v2, v62;
	v63 =	vld.idx.msk [tilespmem:v3+s19+$0x0], $0xffff  }
0x212: {  	v3 =	vmov v19  }
0x213: {  	v13 =	vmov s6;
	v4 =	vmul.f32 v15, v14;
	v49 =	vadd.f32 v2, v49;
	v62 =	vld.idx.msk [tilespmem:v17+s17+$0x0], $0xffff  }
0x214: {  	v52 =	vadd.f32 v16, v52;
	s6 =	sadd.s32 $0x1, s6;
	v13 =	vand.u32 $0x1F, v13;
	v2 =	vld.idx.msk [tilespmem:v18+s19+$0x0], $0xffff  }
0x215: {  	_ =	sdelay $0x2  }
0x216: {  	v13 =	vbroadcast v13, $0x0  }
0x217: {  	v1 =	vld.idx.msk [tilespmem:v1+s17+$0x0], $0xffff  }
0x218: {  	v8 =	vld.idx.msk [tilespmem:v8+s19+$0x0], $0xffff;
	v10 =	vor.u32 v10, v13  }
0x219: {  	v6 =	vld.idx.msk [tilespmem:v6+s17+$0x0], $0xffff;
	v14 =	vor.u32 v61, v13  }
0x21a: {  	v7 =	vld.idx.msk [tilespmem:v7+s19+$0x0], $0xffff;
	v11 =	vor.u32 v11, v13  }
0x21b: {  	v5 =	vld.idx.msk [tilespmem:v5+s17+$0x0], $0xffff;
	v12 =	vor.u32 v12, v13  }
0x21c: {  	v3 =	vld.idx.msk [tilespmem:v3+s19+$0x0], $0xffff;
	v15 =	vor.u32 v28, v13  }
0x21d: {  	v16 =	vor.u32 v29, v13;
	v10 =	vld.idx.msk [tilespmem:v10+s17+$0x0], $0xffff  }
0x21e: {  	v17 =	vor.u32 v30, v13;
	v14 =	vld.idx.msk [tilespmem:v14+s17+$0x0], $0xffff  }
0x21f: {  	v9 =	vor.u32 v9, v13;
	v11 =	vld.idx.msk [tilespmem:v11+s19+$0x0], $0xffff  }
0x220: {  	v12 =	vld.idx.msk [tilespmem:v12+s17+$0x0], $0xffff  }
0x221: {  	v13 =	vld.idx.msk [tilespmem:v15+s19+$0x0], $0xffff  }
0x222: {  	v15 =	vld.idx.msk [tilespmem:v16+s17+$0x0], $0xffff  }
0x223: {  	v0 =	vmul.f32 v63, v0;
	v16 =	vmul.f32 v35, v50;
	v17 =	vld.idx.msk [tilespmem:v17+s19+$0x0], $0xffff  }
0x224: {  	v4 =	vadd.f32 v4, v31;
	v1 =	vmul.f32 v8, v1;
	v8 =	vld.idx.msk [tilespmem:v9+s19+$0x0], $0xffff  }
0x225: {  	v0 =	vadd.f32 v0, v52;
	v6 =	vmul.f32 v7, v6;
	v9 =	vadd.f32 v16, v51  }
0x226: {  	v3 =	vmul.f32 v3, v5;
	v1 =	vadd.f32 v1, v4;
	v63 =	vmul.f32 v11, v14  }
0x227: {  	v2 =	vmul.f32 v2, v62;
	v35 =	vadd.f32 v6, v9;
	v50 =	vmul.f32 v13, v12  }
0x228: {  	v0 =	vadd.f32 v3, v0;
	v3 =	vmul.f32 v17, v15;
	v1 =	vadd.f32 v63, v1  }
0x229: {  	v2 =	vadd.f32 v2, v49;
	v51 =	vmul.f32 v8, v10;
	v5 =	vadd.f32 v50, v35  }
0x22a: {  	v0 =	vadd.f32 v3, v0;
	v1 =	vmul.f32 $1.767766920e-01, v1  }
0x22b: {  	v2 =	vadd.f32 v51, v2;
	v3 =	vmul.f32 $1.767766920e-01, v5  }
0x22c: {  	v0 =	vmul.f32 $1.767766920e-01, v0;
	v1 =	vmul.f32 $1.442695020e+00, v1  }
0x22d: {  	v2 =	vmul.f32 $1.767766920e-01, v2;
	v3 =	vmul.f32 $1.442695020e+00, v3  }
0x22e: {  	v19 =	vld [tilespmem:$0x1FF80];
	v0 =	vmul.f32 $1.442695020e+00, v0;
	(erf) = vpow2.f32 v1  }
0x22f: {  	v1 =	vmul.f32 $1.442695020e+00, v2;
	(erf) = vpow2.f32 v3  }
0x230: {  	(erf) = vpow2.f32 v0  }
0x231: {  	v16 =	vld [tilespmem:$0x1FF50];
	(erf) = vpow2.f32 v1;
	_ =	sdelay $0x1  }
0x232: {  	v0 =	vadd.s32 $0x1B80, v19  }
0x233: {  	v1 =	vadd.s32 $0x1B81, v19  }
0x234: {  	v2 =	vadd.s32 $0x1B82, v19  }
0x235: {  	s6 =	simm.s32 $0x0;
	v11 =	vor.u32 $0x3080, v16;
	v3 =	vadd.s32 $0x1B83, v19  }
0x236: {  	v52 =	vor.u32 s6, v11;
	v10 =	vpop (erf)  }
0x237: {  	v9 =	vpop (erf);
	[tilespmem:v0+s14+$0x0] =	vst.idx.msk $0xffff, v10  }
0x238: {  	v63 =	vpop (erf);
	[tilespmem:v1+s14+$0x0] =	vst.idx.msk $0xffff, v9  }
0x239: {  	v62 =	vpop (erf);
	[tilespmem:v2+s14+$0x0] =	vst.idx.msk $0xffff, v63  }
0x23a: {  	[tilespmem:v3+s14+$0x0] =	vst.idx.msk $0xffff, v62  }
0x23b: {  	v1 =	vmov s6;
	v0 =	vld.idx.msk [tilespmem:v52+s19+$0x0], $0xffff  }
0x23c: {  	v12 =	vadd.s32 $0x1B00, v19;
	v1 =	vand.u32 $0x1F, v1  }
0x23d: {  	v28 =	vor.u32 $0x30A0, v16;
	v2 =	vadd.s32 v12, v1  }
0x23e: {  	v3 =	vor.u32 s6, v28;
	_ =	sdelay $0x1  }
0x23f: {  	v0 =	vmul.f32 v0, v10;
	_ =	sdelay $0x1  }
0x240: {  	[tilespmem:v2+s14+$0x0] =	vst.idx.msk $0xffff, v0  }
0x241: {  	v0 =	vld.idx.msk [tilespmem:v3+s19+$0x0], $0xffff  }
0x242: {  	v29 =	vadd.s32 $0x1B20, v19  }
0x243: {  	v30 =	vor.u32 $0x30C0, v16;
	v2 =	vadd.s32 v29, v1  }
0x244: {  	v3 =	vor.u32 s6, v30;
	_ =	sdelay $0x1  }
0x245: {  	v0 =	vmul.f32 v0, v9;
	_ =	sdelay $0x1  }
0x246: {  	[tilespmem:v2+s14+$0x0] =	vst.idx.msk $0xffff, v0  }
0x247: {  	v0 =	vld.idx.msk [tilespmem:v3+s19+$0x0], $0xffff  }
0x248: {  	v31 =	vadd.s32 $0x1B40, v19  }
0x249: {  	v49 =	vor.u32 $0x30E0, v16;
	v2 =	vadd.s32 v31, v1  }
0x24a: {  	v3 =	vor.u32 s6, v49;
	_ =	sdelay $0x1  }
0x24b: {  	v0 =	vmul.f32 v0, v63;
	_ =	sdelay $0x1  }
0x24c: {  	[tilespmem:v2+s14+$0x0] =	vst.idx.msk $0xffff, v0  }
0x24d: {  	v2 =	vld.idx.msk [tilespmem:v3+s19+$0x0], $0xffff  }
0x24e: {  	v50 =	vadd.s32 $0x1B60, v19  }
0x24f: {  	v1 =	vadd.s32 v50, v1;
	s6 =	simm.s32 $0x1  }
0x250: {  	v0 =	vor.u32 s6, v11;
	_ =	sdelay $0x1  }
0x251: {  	s7 =	simm.s32 $0x2;
	v2 =	vmul.f32 v2, v62  }
.LBB2_19:
0x252: {  	_ = 	snop  }
0x253: {  	p0 =	sne.s32 s7, $0x1F;
	s8 =	smov.u32 s7;
	s7 =	sadd.s32 $0x1, s7;
	[tilespmem:v1+s14+$0x0] =	vst.idx.msk $0xffff, v2  }
0x254: {  	v0 =	vld.idx.msk [tilespmem:v0+s19+$0x0], $0xffff  }
0x255: {  	v1 =	vmov s6  }
0x256: {  	v1 =	vand.u32 $0x1F, v1  }
0x257: {  	v2 =	vadd.s32 v12, v1  }
0x258: {  	v3 =	vor.u32 s6, v28;
	_ =	sdelay $0x1  }
0x259: {  	v0 =	vmul.f32 v0, v10;
	_ =	sdelay $0x1  }
0x25a: {  	[tilespmem:v2+s14+$0x0] =	vst.idx.msk $0xffff, v0  }
0x25b: {  	v0 =	vld.idx.msk [tilespmem:v3+s19+$0x0], $0xffff;
	_ =	sdelay $0x2  }
0x25c: {  	v2 =	vadd.s32 v29, v1  }
0x25d: {  	v3 =	vor.u32 s6, v30;
	_ =	sdelay $0x1  }
0x25e: {  	v0 =	vmul.f32 v0, v9;
	_ =	sdelay $0x1  }
0x25f: {  	[tilespmem:v2+s14+$0x0] =	vst.idx.msk $0xffff, v0  }
0x260: {  	v0 =	vld.idx.msk [tilespmem:v3+s19+$0x0], $0xffff;
	_ =	sdelay $0x2  }
0x261: {  	v2 =	vadd.s32 v31, v1  }
0x262: {  	v3 =	vor.u32 s6, v49;
	s6 =	smov.u32 s8;
	_ =	sdelay $0x1  }
0x263: {  	v0 =	vmul.f32 v0, v63;
	_ =	sdelay $0x1  }
0x264: {  	[tilespmem:v2+s14+$0x0] =	vst.idx.msk $0xffff, v0  }
0x265: {  	v2 =	vld.idx.msk [tilespmem:v3+s19+$0x0], $0xffff;
	_ =	sdelay $0x1  }
.Ltmp8:
0x266: {  	(pc) =	sbr.rel @p0 .LBB2_19-.Ltmp8, $3  }
0x267: {  	v1 =	vadd.s32 v50, v1  }
0x268: {  	v0 =	vor.u32 s6, v11;
	_ =	sdelay $0x1  }
0x269: {  	v2 =	vmul.f32 v2, v62  }
0x26a: {  	_ =	sdelay $0x3  }
0x26b: {  	[tilespmem:v1+s14+$0x0] =	vst.idx.msk $0xffff, v2  }
0x26c: {  	v8 =	vmov s6;
	v0 =	vld.idx.msk [tilespmem:v0+s19+$0x0], $0xffff  }
0x26d: {  	v1 =	vand.u32 $0x1F, v8  }
0x26e: {  	v11 =	vadd.s32 v12, v1  }
0x26f: {  	v3 =	vor.u32 s6, v28;
	_ =	sdelay $0x1  }
0x270: {  	v0 =	vmul.f32 v0, v10;
	_ =	sdelay $0x1  }
0x271: {  	[tilespmem:v11+s14+$0x0] =	vst.idx.msk $0xffff, v0  }
0x272: {  	v0 =	vld.idx.msk [tilespmem:v3+s19+$0x0], $0xffff;
	_ =	sdelay $0x1  }
0x273: {  	v29 =	vadd.s32 v29, v1  }
0x274: {  	v35 =	vor.u32 s6, v30;
	_ =	sdelay $0x1  }
0x275: {  	v0 =	vmul.f32 v0, v9;
	_ =	sdelay $0x1  }
0x276: {  	[tilespmem:v29+s14+$0x0] =	vst.idx.msk $0xffff, v0  }
0x277: {  	v0 =	vld.idx.msk [tilespmem:v35+s19+$0x0], $0xffff;
	_ =	sdelay $0x1  }
0x278: {  	v51 =	vadd.s32 v31, v1  }
0x279: {  	v52 =	vor.u32 s6, v49;
	_ =	sdelay $0x1  }
0x27a: {  	v0 =	vmul.f32 v0, v63;
	_ =	sdelay $0x1  }
0x27b: {  	[tilespmem:v51+s14+$0x0] =	vst.idx.msk $0xffff, v0  }
0x27c: {  	v0 =	vld.idx.msk [tilespmem:v52+s19+$0x0], $0xffff;
	_ =	sdelay $0x1  }
0x27d: {  	v1 =	vadd.s32 v50, v1;
	_ =	sdelay $0x2  }
0x27e: {  	v0 =	vmul.f32 v0, v62;
	_ =	sdelay $0x1  }
0x27f: {  	s24 =	sadd.s32 $0x1, s24;
	[tilespmem:v1+s14+$0x0] =	vst.idx.msk $0xffff, v0  }
0x280: {  	[spmem:s20] =	stream.indirect.scatter.add.f32 [tilespmem:s14], [sflag:$0x1], $0x90, s16, s16, $0xb8;
	[tilespmem:$0x1EC80] =	vst v63  }
0x281: {  	p0 =	sne.s32 s24, $0x9D;
	_ =	swait.ge [sflag:s15], $0x2400  }
.Ltmp9:
0x282: {  	v15 =	vld [tilespmem:$0x1FF40];
	(pc) =	sbr.rel @p0 .LBB2_4-.Ltmp9, $4  }
0x283: {  	v17 =	vld [tilespmem:$0x1FF60]  }
0x284: {  	v18 =	vld [tilespmem:$0x1FF70]  }
0x285: {  	[sflag:s15] =	ssyncset.done $0x0;
	v14 =	vld [tilespmem:$0x1FF90]  }
0x286: {  	v63 =	vmov v20;
	v62 =	vmov v22;
	v20 =	vld [tilespmem:$0x1FFF0];
	[sflag:s15] =	ssyncadd.s32 $0xFFFFDC00  }
0x287: {  	s0 =	stileid.u32;
	[bflag:$0x0] =	sbarrier.arrive $0xFFFF  }
0x288: {  	s6 =	sshll.u32 s0, $0x6;
	s24 =	rddreg [dreg:$0x18]  }
0x289: {  	s2 =	rddreg [dreg:$0x4];
	s23 =	sor.u32 $0x1C01, s6;
	s24 =	sshrl.u32 s24, $0x3  }
0x28a: {  	[hbm:s2], [sflag:s23] =	dma.local [spmem:s24], $0x900  }
0x28b: {  	_ =	swait.ge [sflag:s15], $0x900  }
0x28c: {  	[sflag:s15] =	ssyncset.done $0x0;
	s3 =	rddreg [dreg:$0x19]  }
0x28d: {  	s6 =	rddreg [dreg:$0x5];
	[sflag:s15] =	ssyncadd.s32 $0xFFFFF700;
	s11 =	sshrl.u32 s3, $0x3  }
0x28e: {  	[hbm:s6], [sflag:s23] =	dma.local [spmem:s11], $0x900  }
0x28f: {  	_ =	swait.ge [sflag:s15], $0x900  }
0x290: {  	[sflag:s15] =	ssyncset.done $0x0;
	s7 =	rddreg [dreg:$0x1a]  }
0x291: {  	s8 =	rddreg [dreg:$0x6];
	[sflag:s15] =	ssyncadd.s32 $0xFFFFF700;
	s6 =	sshrl.u32 s7, $0x3  }
0x292: {  	[hbm:s8], [sflag:s23] =	dma.local [spmem:s6], $0x900  }
0x293: {  	_ =	swait.ge [sflag:s15], $0x900  }
0x294: {  	[sflag:s15] =	ssyncset.done $0x0  }
0x295: {  	s7 =	sshrl.u32 s4, $0x3;
	s9 =	rddreg [dreg:$0x7];
	[sflag:s15] =	ssyncadd.s32 $0xFFFFF700  }
0x296: {  	[hbm:s9], [sflag:s23] =	dma.local [spmem:s7], $0x900  }
0x297: {  	_ =	swait.ge [sflag:s15], $0x900  }
0x298: {  	[sflag:s15] =	ssyncset.done $0x0  }
0x299: {  	s8 =	sshrl.u32 s5, $0x3;
	s10 =	rddreg [dreg:$0x8];
	[sflag:s15] =	ssyncadd.s32 $0xFFFFF700  }
0x29a: {  	[hbm:s10], [sflag:s23] =	dma.local [spmem:s8], $0x900  }
0x29b: {  	_ =	swait.ge [sflag:s15], $0x900  }
0x29c: {  	[sflag:s15] =	ssyncset.done $0x0  }
0x29d: {  	[sflag:s15] =	ssyncadd.s32 $0xFFFFF700  }
0x29e: {  	v3 =	vimm.f32 $0.0e+00;
	s9 =	simm.s32 $0x0;
	s10 =	simm.s32 $0x240;
	[bflag:$0x0] =	sbarrier.arrive $0xFFFF  }
.LBB2_22:
0x29f: {  	p0 =	sne.s32 s10, $0x8DC0;
	[tilespmem:s9+$0x6100] =	vst v3  }
0x2a0: {  	[tilespmem:s9+$0x6080] =	vst v3  }
0x2a1: {  	[tilespmem:s9+$0x6090] =	vst v3  }
0x2a2: {  	[tilespmem:s9+$0x60A0] =	vst v3  }
.Ltmp10:
0x2a3: {  	[tilespmem:s9+$0x60B0] =	vst v3;
	(pc) =	sbr.rel @p0 .LBB2_22-.Ltmp10, $4  }
0x2a4: {  	[tilespmem:s9+$0x60C0] =	vst v3  }
0x2a5: {  	[tilespmem:s9+$0x60D0] =	vst v3  }
0x2a6: {  	[tilespmem:s9+$0x60E0] =	vst v3  }
0x2a7: {  	[tilespmem:s9+$0x60F0] =	vst v3;
	s9 =	sshra.s32 s10, $0x2;
	s10 =	sadd.s32 $0x240, s10  }
0x2a8: {  	[tilespmem:s9+$0x6100] =	vst v3  }
0x2a9: {  	[tilespmem:s9+$0x6080] =	vst v3  }
0x2aa: {  	[tilespmem:s9+$0x6090] =	vst v3  }
0x2ab: {  	[tilespmem:s9+$0x60A0] =	vst v3  }
0x2ac: {  	[tilespmem:s9+$0x60B0] =	vst v3  }
0x2ad: {  	[tilespmem:s9+$0x60C0] =	vst v3  }
0x2ae: {  	[tilespmem:s9+$0x60D0] =	vst v3  }
0x2af: {  	[tilespmem:s9+$0x60E0] =	vst v3  }
0x2b0: {  	[tilespmem:s9+$0x60F0] =	vst v3;
	s0 =	rddreg [dreg:$0x18]  }
0x2b1: {  	[spmem:s0] =	stream.linear.scatter [tilespmem:s14], [sflag:$0x1], $0x2400, $0x38;
	[tilespmem:$0x1EC80] =	vst v63  }
0x2b2: {  	_ =	swait.ge [sflag:s15], $0x2400  }
0x2b3: {  	[sflag:s15] =	ssyncset.done $0x0  }
0x2b4: {  	s9 =	rddreg [dreg:$0x1b];
	[sflag:s15] =	ssyncadd.s32 $0xFFFFDC00  }
0x2b5: {  	[spmem:s9] =	stream.linear.scatter [tilespmem:s14], [sflag:$0x1], $0x2400, $0x38;
	[tilespmem:$0x1EC80] =	vst v63  }
0x2b6: {  	_ =	swait.ge [sflag:s15], $0x2400  }
0x2b7: {  	[sflag:s15] =	ssyncset.done $0x0  }
0x2b8: {  	s10 =	rddreg [dreg:$0x19];
	[sflag:s15] =	ssyncadd.s32 $0xFFFFDC00  }
0x2b9: {  	[spmem:s10] =	stream.linear.scatter [tilespmem:s14], [sflag:$0x1], $0x2400, $0x38;
	[tilespmem:$0x1EC80] =	vst v63  }
0x2ba: {  	_ =	swait.ge [sflag:s15], $0x2400  }
0x2bb: {  	[sflag:s15] =	ssyncset.done $0x0  }
0x2bc: {  	s2 =	rddreg [dreg:$0x1c];
	[sflag:s15] =	ssyncadd.s32 $0xFFFFDC00  }
0x2bd: {  	[spmem:s2] =	stream.linear.scatter [tilespmem:s14], [sflag:$0x1], $0x2400, $0x38;
	[tilespmem:$0x1EC80] =	vst v63  }
0x2be: {  	_ =	swait.ge [sflag:s15], $0x2400  }
0x2bf: {  	[sflag:s15] =	ssyncset.done $0x0  }
0x2c0: {  	s3 =	rddreg [dreg:$0x1a];
	[sflag:s15] =	ssyncadd.s32 $0xFFFFDC00  }
0x2c1: {  	[spmem:s3] =	stream.linear.scatter [tilespmem:s14], [sflag:$0x1], $0x2400, $0x38;
	[tilespmem:$0x1EC80] =	vst v63  }
0x2c2: {  	_ =	swait.ge [sflag:s15], $0x2400  }
0x2c3: {  	[sflag:s15] =	ssyncset.done $0x0  }
0x2c4: {  	s9 =	rddreg [dreg:$0x1d];
	[sflag:s15] =	ssyncadd.s32 $0xFFFFDC00  }
0x2c5: {  	[spmem:s9] =	stream.linear.scatter [tilespmem:s14], [sflag:$0x1], $0x2400, $0x38;
	[tilespmem:$0x1EC80] =	vst v63  }
0x2c6: {  	_ =	swait.ge [sflag:s15], $0x2400  }
0x2c7: {  	[sflag:s15] =	ssyncset.done $0x0  }
0x2c8: {  	[sflag:s15] =	ssyncadd.s32 $0xFFFFDC00  }
0x2c9: {  	[spmem:s4] =	stream.linear.scatter [tilespmem:s14], [sflag:$0x1], $0x2400, $0x38;
	[tilespmem:$0x1EC80] =	vst v63  }
0x2ca: {  	_ =	swait.ge [sflag:s15], $0x2400  }
0x2cb: {  	[sflag:s15] =	ssyncset.done $0x0  }
0x2cc: {  	s10 =	rddreg [dreg:$0x1e];
	[sflag:s15] =	ssyncadd.s32 $0xFFFFDC00  }
0x2cd: {  	[spmem:s10] =	stream.linear.scatter [tilespmem:s14], [sflag:$0x1], $0x2400, $0x38;
	[tilespmem:$0x1EC80] =	vst v63  }
0x2ce: {  	_ =	swait.ge [sflag:s15], $0x2400  }
0x2cf: {  	[sflag:s15] =	ssyncset.done $0x0  }
0x2d0: {  	[sflag:s15] =	ssyncadd.s32 $0xFFFFDC00  }
0x2d1: {  	[spmem:s5] =	stream.linear.scatter [tilespmem:s14], [sflag:$0x1], $0x2400, $0x38;
	[tilespmem:$0x1EC80] =	vst v63  }
0x2d2: {  	_ =	swait.ge [sflag:s15], $0x2400  }
0x2d3: {  	[sflag:s15] =	ssyncset.done $0x0  }
0x2d4: {  	s2 =	rddreg [dreg:$0x1f];
	[sflag:s15] =	ssyncadd.s32 $0xFFFFDC00  }
0x2d5: {  	[spmem:s2] =	stream.linear.scatter [tilespmem:s14], [sflag:$0x1], $0x2400, $0x38;
	[tilespmem:$0x1EC80] =	vst v63  }
0x2d6: {  	_ =	swait.ge [sflag:s15], $0x2400  }
0x2d7: {  	[sflag:s15] =	ssyncset.done $0x0  }
0x2d8: {  	[sflag:s15] =	ssyncadd.s32 $0xFFFFDC00  }
0x2d9: {  	s3 =	sadd.s32 $0x0, s13;
	[bflag:$0x0] =	sbarrier.arrive $0xFFFF  }
0x2da: {  	[tilespmem:s1], [sflag:$0x1] =	stream.linear.gather [hbm4b:s3+s1], $0x40, $0x38;
	[tilespmem:$0x1EC80] =	vst v63  }
0x2db: {  	_ =	swait.ge [sflag:s15], $0x40  }
0x2dc: {  	[sflag:s15] =	ssyncset.done $0x0  }
0x2dd: {  	s10 =	sadd.s32 $0x0, s12;
	[sflag:s15] =	ssyncadd.s32 $0xFFFFFFC0  }
0x2de: {  	[tilespmem:s16], [sflag:$0x1] =	stream.linear.gather [hbm4b:s10+s1], $0x40, $0x38;
	[tilespmem:$0x1EC80] =	vst v63  }
0x2df: {  	_ =	swait.ge [sflag:s15], $0x40  }
0x2e0: {  	[sflag:s15] =	ssyncset.done $0x0  }
0x2e1: {  	[sflag:s15] =	ssyncadd.s32 $0xFFFFFFC0  }
0x2e2: {  	[tilespmem:s14], [sflag:$0x1] =	stream.indirect.gather [hbm4b:s29+s16], $0x90, s1, s16, $0xb8;
	[tilespmem:$0x1EC80] =	vst v63  }
0x2e3: {  	_ =	swait.ge [sflag:s15], $0x2400  }
0x2e4: {  	[sflag:s15] =	ssyncset.done $0x0  }
0x2e5: {  	[sflag:s15] =	ssyncadd.s32 $0xFFFFDC00  }
0x2e6: {  	[spmem:s20] =	stream.indirect.scatter.add.f32 [tilespmem:s14], [sflag:$0x1], $0x90, s16, s16, $0xb8;
	[tilespmem:$0x1EC80] =	vst v63  }
0x2e7: {  	_ =	swait.ge [sflag:s15], $0x2400  }
0x2e8: {  	s9 =	simm.s32 $0x8;
	s10 =	simm.s32 $0x10;
	[sflag:s15] =	ssyncset.done $0x0  }
.LBB2_24:
0x2e9: {  	s0 =	sadd.s32 s9, s13  }
0x2ea: {  	[sflag:s15] =	ssyncadd.s32 $0xFFFFDC00;
	s2 =	smov.u32 s10;
	s3 =	sadd.s32 $0x8, s10  }
0x2eb: {  	[tilespmem:s1], [sflag:$0x1] =	stream.linear.gather [hbm4b:s0+s1], $0x40, $0x38;
	[tilespmem:$0x1EC80] =	vst v63  }
0x2ec: {  	p0 =	sne.s32 s10, $0x4E0;
	_ =	swait.ge [sflag:s15], $0x40  }
0x2ed: {  	[sflag:s15] =	ssyncset.done $0x0  }
0x2ee: {  	s0 =	sadd.s32 s9, s12;
	s9 =	smov.u32 s2;
	[sflag:s15] =	ssyncadd.s32 $0xFFFFFFC0  }
0x2ef: {  	[tilespmem:s16], [sflag:$0x1] =	stream.linear.gather [hbm4b:s0+s1], $0x40, $0x38;
	[tilespmem:$0x1EC80] =	vst v63  }
0x2f0: {  	_ =	swait.ge [sflag:s15], $0x40  }
0x2f1: {  	[sflag:s15] =	ssyncset.done $0x0  }
0x2f2: {  	[sflag:s15] =	ssyncadd.s32 $0xFFFFFFC0  }
0x2f3: {  	[tilespmem:s14], [sflag:$0x1] =	stream.indirect.gather [hbm4b:s29+s16], $0x90, s1, s16, $0xb8;
	[tilespmem:$0x1EC80] =	vst v63  }
0x2f4: {  	_ =	swait.ge [sflag:s15], $0x2400  }
.Ltmp11:
0x2f5: {  	[sflag:s15] =	ssyncset.done $0x0;
	(pc) =	sbr.rel @p0 .LBB2_24-.Ltmp11, $4  }
0x2f6: {  	[sflag:s15] =	ssyncadd.s32 $0xFFFFDC00  }
0x2f7: {  	[spmem:s20] =	stream.indirect.scatter.add.f32 [tilespmem:s14], [sflag:$0x1], $0x90, s16, s16, $0xb8;
	[tilespmem:$0x1EC80] =	vst v63  }
0x2f8: {  	_ =	swait.ge [sflag:s15], $0x2400  }
0x2f9: {  	s10 =	smov.u32 s3;
	[sflag:s15] =	ssyncset.done $0x0  }
0x2fa: {  	s0 =	sadd.s32 s9, s13;
	[sflag:s15] =	ssyncadd.s32 $0xFFFFDC00  }
0x2fb: {  	[tilespmem:s1], [sflag:$0x1] =	stream.linear.gather [hbm4b:s0+s1], $0x40, $0x38;
	[tilespmem:$0x1EC80] =	vst v63  }
0x2fc: {  	_ =	swait.ge [sflag:s15], $0x40  }
0x2fd: {  	[sflag:s15] =	ssyncset.done $0x0  }
0x2fe: {  	s9 =	sadd.s32 s9, s12;
	[sflag:s15] =	ssyncadd.s32 $0xFFFFFFC0  }
0x2ff: {  	[tilespmem:s16], [sflag:$0x1] =	stream.linear.gather [hbm4b:s9+s1], $0x40, $0x38;
	[tilespmem:$0x1EC80] =	vst v63  }
0x300: {  	_ =	swait.ge [sflag:s15], $0x40  }
0x301: {  	[sflag:s15] =	ssyncset.done $0x0  }
0x302: {  	[sflag:s15] =	ssyncadd.s32 $0xFFFFFFC0  }
0x303: {  	[tilespmem:s14], [sflag:$0x1] =	stream.indirect.gather [hbm4b:s29+s16], $0x90, s1, s16, $0xb8;
	[tilespmem:$0x1EC80] =	vst v63  }
0x304: {  	_ =	swait.ge [sflag:s15], $0x2400  }
0x305: {  	[sflag:s15] =	ssyncset.done $0x0  }
0x306: {  	[sflag:s15] =	ssyncadd.s32 $0xFFFFDC00  }
0x307: {  	[spmem:s20] =	stream.indirect.scatter.add.f32 [tilespmem:s14], [sflag:$0x1], $0x90, s16, s16, $0xb8;
	[tilespmem:$0x1EC80] =	vst v63  }
0x308: {  	_ =	swait.ge [sflag:s15], $0x2400  }
0x309: {  	[sflag:s15] =	ssyncset.done $0x0  }
0x30a: {  	[sflag:s15] =	ssyncadd.s32 $0xFFFFDC00  }
0x30b: {  	[bflag:$0x0] =	sbarrier.arrive $0xFFFF  }
0x30c: {  	s10 =	rddreg [dreg:$0x9]  }
0x30d: {  	[hbm:s10], [sflag:s23] =	dma.local [spmem:s24], $0x900  }
0x30e: {  	_ =	swait.ge [sflag:s15], $0x900  }
0x30f: {  	[sflag:s15] =	ssyncset.done $0x0  }
0x310: {  	s2 =	rddreg [dreg:$0xa];
	[sflag:s15] =	ssyncadd.s32 $0xFFFFF700  }
0x311: {  	[hbm:s2], [sflag:s23] =	dma.local [spmem:s11], $0x900  }
0x312: {  	_ =	swait.ge [sflag:s15], $0x900  }
0x313: {  	[sflag:s15] =	ssyncset.done $0x0  }
0x314: {  	s3 =	rddreg [dreg:$0xb];
	[sflag:s15] =	ssyncadd.s32 $0xFFFFF700  }
0x315: {  	[hbm:s3], [sflag:s23] =	dma.local [spmem:s6], $0x900  }
0x316: {  	_ =	swait.ge [sflag:s15], $0x900  }
0x317: {  	[sflag:s15] =	ssyncset.done $0x0  }
0x318: {  	s9 =	rddreg [dreg:$0xc];
	[sflag:s15] =	ssyncadd.s32 $0xFFFFF700  }
0x319: {  	[hbm:s9], [sflag:s23] =	dma.local [spmem:s7], $0x900  }
0x31a: {  	_ =	swait.ge [sflag:s15], $0x900  }
0x31b: {  	[sflag:s15] =	ssyncset.done $0x0  }
0x31c: {  	s10 =	rddreg [dreg:$0xd];
	[sflag:s15] =	ssyncadd.s32 $0xFFFFF700  }
0x31d: {  	[hbm:s10], [sflag:s23] =	dma.local [spmem:s8], $0x900  }
0x31e: {  	_ =	swait.ge [sflag:s15], $0x900  }
0x31f: {  	[sflag:s15] =	ssyncset.done $0x0  }
0x320: {  	[sflag:s15] =	ssyncadd.s32 $0xFFFFF700  }
0x321: {  	s9 =	simm.s32 $0x0;
	s10 =	simm.s32 $0x240;
	[bflag:$0x0] =	sbarrier.arrive $0xFFFF  }
.LBB2_26:
0x322: {  	p0 =	sne.s32 s10, $0x8DC0;
	[tilespmem:s9+$0x6100] =	vst v3  }
0x323: {  	[tilespmem:s9+$0x6080] =	vst v3  }
0x324: {  	[tilespmem:s9+$0x6090] =	vst v3  }
0x325: {  	[tilespmem:s9+$0x60A0] =	vst v3  }
.Ltmp12:
0x326: {  	[tilespmem:s9+$0x60B0] =	vst v3;
	(pc) =	sbr.rel @p0 .LBB2_26-.Ltmp12, $4  }
0x327: {  	[tilespmem:s9+$0x60C0] =	vst v3  }
0x328: {  	[tilespmem:s9+$0x60D0] =	vst v3  }
0x329: {  	[tilespmem:s9+$0x60E0] =	vst v3  }
0x32a: {  	[tilespmem:s9+$0x60F0] =	vst v3;
	s9 =	sshra.s32 s10, $0x2;
	s10 =	sadd.s32 $0x240, s10  }
0x32b: {  	[tilespmem:s9+$0x6100] =	vst v3  }
0x32c: {  	[tilespmem:s9+$0x6080] =	vst v3  }
0x32d: {  	[tilespmem:s9+$0x6090] =	vst v3  }
0x32e: {  	[tilespmem:s9+$0x60A0] =	vst v3  }
0x32f: {  	[tilespmem:s9+$0x60B0] =	vst v3  }
0x330: {  	[tilespmem:s9+$0x60C0] =	vst v3  }
0x331: {  	[tilespmem:s9+$0x60D0] =	vst v3  }
0x332: {  	[tilespmem:s9+$0x60E0] =	vst v3  }
0x333: {  	[tilespmem:s9+$0x60F0] =	vst v3;
	s0 =	rddreg [dreg:$0x18]  }
0x334: {  	[spmem:s0] =	stream.linear.scatter [tilespmem:s14], [sflag:$0x1], $0x2400, $0x38;
	[tilespmem:$0x1EC80] =	vst v63  }
0x335: {  	_ =	swait.ge [sflag:s15], $0x2400  }
0x336: {  	[sflag:s15] =	ssyncset.done $0x0  }
0x337: {  	s10 =	rddreg [dreg:$0x1b];
	[sflag:s15] =	ssyncadd.s32 $0xFFFFDC00  }
0x338: {  	[spmem:s10] =	stream.linear.scatter [tilespmem:s14], [sflag:$0x1], $0x2400, $0x38;
	[tilespmem:$0x1EC80] =	vst v63  }
0x339: {  	_ =	swait.ge [sflag:s15], $0x2400  }
0x33a: {  	[sflag:s15] =	ssyncset.done $0x0  }
0x33b: {  	s2 =	rddreg [dreg:$0x19];
	[sflag:s15] =	ssyncadd.s32 $0xFFFFDC00  }
0x33c: {  	[spmem:s2] =	stream.linear.scatter [tilespmem:s14], [sflag:$0x1], $0x2400, $0x38;
	[tilespmem:$0x1EC80] =	vst v63  }
0x33d: {  	_ =	swait.ge [sflag:s15], $0x2400  }
0x33e: {  	[sflag:s15] =	ssyncset.done $0x0  }
0x33f: {  	s3 =	rddreg [dreg:$0x1c];
	[sflag:s15] =	ssyncadd.s32 $0xFFFFDC00  }
0x340: {  	[spmem:s3] =	stream.linear.scatter [tilespmem:s14], [sflag:$0x1], $0x2400, $0x38;
	[tilespmem:$0x1EC80] =	vst v63  }
0x341: {  	_ =	swait.ge [sflag:s15], $0x2400  }
0x342: {  	[sflag:s15] =	ssyncset.done $0x0  }
0x343: {  	s9 =	rddreg [dreg:$0x1a];
	[sflag:s15] =	ssyncadd.s32 $0xFFFFDC00  }
0x344: {  	[spmem:s9] =	stream.linear.scatter [tilespmem:s14], [sflag:$0x1], $0x2400, $0x38;
	[tilespmem:$0x1EC80] =	vst v63  }
0x345: {  	_ =	swait.ge [sflag:s15], $0x2400  }
0x346: {  	[sflag:s15] =	ssyncset.done $0x0  }
0x347: {  	s10 =	rddreg [dreg:$0x1d];
	[sflag:s15] =	ssyncadd.s32 $0xFFFFDC00  }
0x348: {  	[spmem:s10] =	stream.linear.scatter [tilespmem:s14], [sflag:$0x1], $0x2400, $0x38;
	[tilespmem:$0x1EC80] =	vst v63  }
0x349: {  	_ =	swait.ge [sflag:s15], $0x2400  }
0x34a: {  	[sflag:s15] =	ssyncset.done $0x0  }
0x34b: {  	[sflag:s15] =	ssyncadd.s32 $0xFFFFDC00  }
0x34c: {  	[spmem:s4] =	stream.linear.scatter [tilespmem:s14], [sflag:$0x1], $0x2400, $0x38;
	[tilespmem:$0x1EC80] =	vst v63  }
0x34d: {  	_ =	swait.ge [sflag:s15], $0x2400  }
0x34e: {  	[sflag:s15] =	ssyncset.done $0x0  }
0x34f: {  	s2 =	rddreg [dreg:$0x1e];
	[sflag:s15] =	ssyncadd.s32 $0xFFFFDC00  }
0x350: {  	[spmem:s2] =	stream.linear.scatter [tilespmem:s14], [sflag:$0x1], $0x2400, $0x38;
	[tilespmem:$0x1EC80] =	vst v63  }
0x351: {  	_ =	swait.ge [sflag:s15], $0x2400  }
0x352: {  	[sflag:s15] =	ssyncset.done $0x0  }
0x353: {  	[sflag:s15] =	ssyncadd.s32 $0xFFFFDC00  }
0x354: {  	[spmem:s5] =	stream.linear.scatter [tilespmem:s14], [sflag:$0x1], $0x2400, $0x38;
	[tilespmem:$0x1EC80] =	vst v63  }
0x355: {  	_ =	swait.ge [sflag:s15], $0x2400  }
0x356: {  	[sflag:s15] =	ssyncset.done $0x0  }
0x357: {  	s3 =	rddreg [dreg:$0x1f];
	[sflag:s15] =	ssyncadd.s32 $0xFFFFDC00  }
0x358: {  	[spmem:s3] =	stream.linear.scatter [tilespmem:s14], [sflag:$0x1], $0x2400, $0x38;
	[tilespmem:$0x1EC80] =	vst v63  }
0x359: {  	_ =	swait.ge [sflag:s15], $0x2400  }
0x35a: {  	[sflag:s15] =	ssyncset.done $0x0  }
0x35b: {  	[sflag:s15] =	ssyncadd.s32 $0xFFFFDC00  }
0x35c: {  	s9 =	sadd.s32 $0x0, s13;
	[bflag:$0x0] =	sbarrier.arrive $0xFFFF  }
0x35d: {  	[tilespmem:s1], [sflag:$0x1] =	stream.linear.gather [hbm4b:s9+s1], $0x40, $0x38;
	[tilespmem:$0x1EC80] =	vst v63  }
0x35e: {  	_ =	swait.ge [sflag:s15], $0x40  }
0x35f: {  	[sflag:s15] =	ssyncset.done $0x0  }
0x360: {  	s10 =	sadd.s32 $0x0, s12;
	[sflag:s15] =	ssyncadd.s32 $0xFFFFFFC0  }
0x361: {  	[tilespmem:s16], [sflag:$0x1] =	stream.linear.gather [hbm4b:s10+s1], $0x40, $0x38;
	[tilespmem:$0x1EC80] =	vst v63  }
0x362: {  	_ =	swait.ge [sflag:s15], $0x40  }
0x363: {  	[sflag:s15] =	ssyncset.done $0x0  }
0x364: {  	[sflag:s15] =	ssyncadd.s32 $0xFFFFFFC0  }
0x365: {  	[tilespmem:s14], [sflag:$0x1] =	stream.indirect.gather [hbm4b:s30+s16], $0x90, s1, s16, $0xb8;
	[tilespmem:$0x1EC80] =	vst v63  }
0x366: {  	_ =	swait.ge [sflag:s15], $0x2400  }
0x367: {  	[sflag:s15] =	ssyncset.done $0x0  }
0x368: {  	[sflag:s15] =	ssyncadd.s32 $0xFFFFDC00  }
0x369: {  	[spmem:s20] =	stream.indirect.scatter.add.f32 [tilespmem:s14], [sflag:$0x1], $0x90, s16, s16, $0xb8;
	[tilespmem:$0x1EC80] =	vst v63  }
0x36a: {  	_ =	swait.ge [sflag:s15], $0x2400  }
0x36b: {  	s9 =	simm.s32 $0x8;
	s10 =	simm.s32 $0x10;
	[sflag:s15] =	ssyncset.done $0x0  }
.LBB2_28:
0x36c: {  	s0 =	sadd.s32 s9, s13  }
0x36d: {  	[sflag:s15] =	ssyncadd.s32 $0xFFFFDC00;
	s2 =	smov.u32 s10;
	s3 =	sadd.s32 $0x8, s10  }
0x36e: {  	[tilespmem:s1], [sflag:$0x1] =	stream.linear.gather [hbm4b:s0+s1], $0x40, $0x38;
	[tilespmem:$0x1EC80] =	vst v63  }
0x36f: {  	p0 =	sne.s32 s10, $0x4E0;
	_ =	swait.ge [sflag:s15], $0x40  }
0x370: {  	[sflag:s15] =	ssyncset.done $0x0  }
0x371: {  	s0 =	sadd.s32 s9, s12;
	s9 =	smov.u32 s2;
	[sflag:s15] =	ssyncadd.s32 $0xFFFFFFC0  }
0x372: {  	[tilespmem:s16], [sflag:$0x1] =	stream.linear.gather [hbm4b:s0+s1], $0x40, $0x38;
	[tilespmem:$0x1EC80] =	vst v63  }
0x373: {  	_ =	swait.ge [sflag:s15], $0x40  }
0x374: {  	[sflag:s15] =	ssyncset.done $0x0  }
0x375: {  	[sflag:s15] =	ssyncadd.s32 $0xFFFFFFC0  }
0x376: {  	[tilespmem:s14], [sflag:$0x1] =	stream.indirect.gather [hbm4b:s30+s16], $0x90, s1, s16, $0xb8;
	[tilespmem:$0x1EC80] =	vst v63  }
0x377: {  	_ =	swait.ge [sflag:s15], $0x2400  }
.Ltmp13:
0x378: {  	[sflag:s15] =	ssyncset.done $0x0;
	(pc) =	sbr.rel @p0 .LBB2_28-.Ltmp13, $4  }
0x379: {  	[sflag:s15] =	ssyncadd.s32 $0xFFFFDC00  }
0x37a: {  	[spmem:s20] =	stream.indirect.scatter.add.f32 [tilespmem:s14], [sflag:$0x1], $0x90, s16, s16, $0xb8;
	[tilespmem:$0x1EC80] =	vst v63  }
0x37b: {  	_ =	swait.ge [sflag:s15], $0x2400  }
0x37c: {  	s10 =	smov.u32 s3;
	[sflag:s15] =	ssyncset.done $0x0  }
0x37d: {  	s0 =	sadd.s32 s9, s13;
	[sflag:s15] =	ssyncadd.s32 $0xFFFFDC00  }
0x37e: {  	[tilespmem:s1], [sflag:$0x1] =	stream.linear.gather [hbm4b:s0+s1], $0x40, $0x38;
	[tilespmem:$0x1EC80] =	vst v63  }
0x37f: {  	_ =	swait.ge [sflag:s15], $0x40  }
0x380: {  	[sflag:s15] =	ssyncset.done $0x0  }
0x381: {  	s9 =	sadd.s32 s9, s12;
	[sflag:s15] =	ssyncadd.s32 $0xFFFFFFC0  }
0x382: {  	[tilespmem:s16], [sflag:$0x1] =	stream.linear.gather [hbm4b:s9+s1], $0x40, $0x38;
	[tilespmem:$0x1EC80] =	vst v63  }
0x383: {  	_ =	swait.ge [sflag:s15], $0x40  }
0x384: {  	[sflag:s15] =	ssyncset.done $0x0  }
0x385: {  	[sflag:s15] =	ssyncadd.s32 $0xFFFFFFC0  }
0x386: {  	[tilespmem:s14], [sflag:$0x1] =	stream.indirect.gather [hbm4b:s30+s16], $0x90, s1, s16, $0xb8;
	[tilespmem:$0x1EC80] =	vst v63  }
0x387: {  	_ =	swait.ge [sflag:s15], $0x2400  }
0x388: {  	[sflag:s15] =	ssyncset.done $0x0  }
0x389: {  	[sflag:s15] =	ssyncadd.s32 $0xFFFFDC00  }
0x38a: {  	[spmem:s20] =	stream.indirect.scatter.add.f32 [tilespmem:s14], [sflag:$0x1], $0x90, s16, s16, $0xb8;
	[tilespmem:$0x1EC80] =	vst v63  }
0x38b: {  	_ =	swait.ge [sflag:s15], $0x2400  }
0x38c: {  	[sflag:s15] =	ssyncset.done $0x0  }
0x38d: {  	[sflag:s15] =	ssyncadd.s32 $0xFFFFDC00  }
0x38e: {  	[bflag:$0x0] =	sbarrier.arrive $0xFFFF  }
0x38f: {  	s10 =	rddreg [dreg:$0xe]  }
0x390: {  	[hbm:s10], [sflag:s23] =	dma.local [spmem:s24], $0x900  }
0x391: {  	_ =	swait.ge [sflag:s15], $0x900  }
0x392: {  	[sflag:s15] =	ssyncset.done $0x0  }
0x393: {  	s2 =	rddreg [dreg:$0xf];
	[sflag:s15] =	ssyncadd.s32 $0xFFFFF700  }
0x394: {  	[hbm:s2], [sflag:s23] =	dma.local [spmem:s11], $0x900  }
0x395: {  	_ =	swait.ge [sflag:s15], $0x900  }
0x396: {  	[sflag:s15] =	ssyncset.done $0x0  }
0x397: {  	s3 =	rddreg [dreg:$0x10];
	[sflag:s15] =	ssyncadd.s32 $0xFFFFF700  }
0x398: {  	[hbm:s3], [sflag:s23] =	dma.local [spmem:s6], $0x900  }
0x399: {  	_ =	swait.ge [sflag:s15], $0x900  }
0x39a: {  	[sflag:s15] =	ssyncset.done $0x0  }
0x39b: {  	s9 =	rddreg [dreg:$0x11];
	[sflag:s15] =	ssyncadd.s32 $0xFFFFF700  }
0x39c: {  	[hbm:s9], [sflag:s23] =	dma.local [spmem:s7], $0x900  }
0x39d: {  	_ =	swait.ge [sflag:s15], $0x900  }
0x39e: {  	[sflag:s15] =	ssyncset.done $0x0  }
0x39f: {  	s10 =	rddreg [dreg:$0x12];
	[sflag:s15] =	ssyncadd.s32 $0xFFFFF700  }
0x3a0: {  	[hbm:s10], [sflag:s23] =	dma.local [spmem:s8], $0x900  }
0x3a1: {  	_ =	swait.ge [sflag:s15], $0x900  }
0x3a2: {  	[sflag:s15] =	ssyncset.done $0x0  }
0x3a3: {  	[sflag:s15] =	ssyncadd.s32 $0xFFFFF700  }
0x3a4: {  	s9 =	simm.s32 $0x0;
	s10 =	simm.s32 $0x240;
	[bflag:$0x0] =	sbarrier.arrive $0xFFFF  }
.LBB2_30:
0x3a5: {  	p0 =	sne.s32 s10, $0x8DC0;
	[tilespmem:s9+$0x6100] =	vst v3  }
0x3a6: {  	[tilespmem:s9+$0x6080] =	vst v3  }
0x3a7: {  	[tilespmem:s9+$0x6090] =	vst v3  }
0x3a8: {  	[tilespmem:s9+$0x60A0] =	vst v3  }
.Ltmp14:
0x3a9: {  	[tilespmem:s9+$0x60B0] =	vst v3;
	(pc) =	sbr.rel @p0 .LBB2_30-.Ltmp14, $4  }
0x3aa: {  	[tilespmem:s9+$0x60C0] =	vst v3  }
0x3ab: {  	[tilespmem:s9+$0x60D0] =	vst v3  }
0x3ac: {  	[tilespmem:s9+$0x60E0] =	vst v3  }
0x3ad: {  	[tilespmem:s9+$0x60F0] =	vst v3;
	s9 =	sshra.s32 s10, $0x2;
	s10 =	sadd.s32 $0x240, s10  }
0x3ae: {  	[tilespmem:s9+$0x6100] =	vst v3  }
0x3af: {  	[tilespmem:s9+$0x6080] =	vst v3  }
0x3b0: {  	[tilespmem:s9+$0x6090] =	vst v3  }
0x3b1: {  	[tilespmem:s9+$0x60A0] =	vst v3  }
0x3b2: {  	[tilespmem:s9+$0x60B0] =	vst v3  }
0x3b3: {  	[tilespmem:s9+$0x60C0] =	vst v3  }
0x3b4: {  	[tilespmem:s9+$0x60D0] =	vst v3  }
0x3b5: {  	[tilespmem:s9+$0x60E0] =	vst v3  }
0x3b6: {  	[tilespmem:s9+$0x60F0] =	vst v3;
	s0 =	rddreg [dreg:$0x18]  }
0x3b7: {  	[spmem:s0] =	stream.linear.scatter [tilespmem:s14], [sflag:$0x1], $0x2400, $0x38;
	[tilespmem:$0x1EC80] =	vst v63  }
0x3b8: {  	_ =	swait.ge [sflag:s15], $0x2400  }
0x3b9: {  	[sflag:s15] =	ssyncset.done $0x0  }
0x3ba: {  	s10 =	rddreg [dreg:$0x1b];
	[sflag:s15] =	ssyncadd.s32 $0xFFFFDC00  }
0x3bb: {  	[spmem:s10] =	stream.linear.scatter [tilespmem:s14], [sflag:$0x1], $0x2400, $0x38;
	[tilespmem:$0x1EC80] =	vst v63  }
0x3bc: {  	_ =	swait.ge [sflag:s15], $0x2400  }
0x3bd: {  	[sflag:s15] =	ssyncset.done $0x0  }
0x3be: {  	s2 =	rddreg [dreg:$0x19];
	[sflag:s15] =	ssyncadd.s32 $0xFFFFDC00  }
0x3bf: {  	[spmem:s2] =	stream.linear.scatter [tilespmem:s14], [sflag:$0x1], $0x2400, $0x38;
	[tilespmem:$0x1EC80] =	vst v63  }
0x3c0: {  	_ =	swait.ge [sflag:s15], $0x2400  }
0x3c1: {  	[sflag:s15] =	ssyncset.done $0x0  }
0x3c2: {  	s3 =	rddreg [dreg:$0x1c];
	[sflag:s15] =	ssyncadd.s32 $0xFFFFDC00  }
0x3c3: {  	[spmem:s3] =	stream.linear.scatter [tilespmem:s14], [sflag:$0x1], $0x2400, $0x38;
	[tilespmem:$0x1EC80] =	vst v63  }
0x3c4: {  	_ =	swait.ge [sflag:s15], $0x2400  }
0x3c5: {  	[sflag:s15] =	ssyncset.done $0x0  }
0x3c6: {  	s9 =	rddreg [dreg:$0x1a];
	[sflag:s15] =	ssyncadd.s32 $0xFFFFDC00  }
0x3c7: {  	[spmem:s9] =	stream.linear.scatter [tilespmem:s14], [sflag:$0x1], $0x2400, $0x38;
	[tilespmem:$0x1EC80] =	vst v63  }
0x3c8: {  	_ =	swait.ge [sflag:s15], $0x2400  }
0x3c9: {  	[sflag:s15] =	ssyncset.done $0x0  }
0x3ca: {  	s10 =	rddreg [dreg:$0x1d];
	[sflag:s15] =	ssyncadd.s32 $0xFFFFDC00  }
0x3cb: {  	[spmem:s10] =	stream.linear.scatter [tilespmem:s14], [sflag:$0x1], $0x2400, $0x38;
	[tilespmem:$0x1EC80] =	vst v63  }
0x3cc: {  	_ =	swait.ge [sflag:s15], $0x2400  }
0x3cd: {  	[sflag:s15] =	ssyncset.done $0x0  }
0x3ce: {  	[sflag:s15] =	ssyncadd.s32 $0xFFFFDC00  }
0x3cf: {  	[spmem:s4] =	stream.linear.scatter [tilespmem:s14], [sflag:$0x1], $0x2400, $0x38;
	[tilespmem:$0x1EC80] =	vst v63  }
0x3d0: {  	_ =	swait.ge [sflag:s15], $0x2400  }
0x3d1: {  	[sflag:s15] =	ssyncset.done $0x0  }
0x3d2: {  	s2 =	rddreg [dreg:$0x1e];
	[sflag:s15] =	ssyncadd.s32 $0xFFFFDC00  }
0x3d3: {  	[spmem:s2] =	stream.linear.scatter [tilespmem:s14], [sflag:$0x1], $0x2400, $0x38;
	[tilespmem:$0x1EC80] =	vst v63  }
0x3d4: {  	_ =	swait.ge [sflag:s15], $0x2400  }
0x3d5: {  	[sflag:s15] =	ssyncset.done $0x0  }
0x3d6: {  	[sflag:s15] =	ssyncadd.s32 $0xFFFFDC00  }
0x3d7: {  	[spmem:s5] =	stream.linear.scatter [tilespmem:s14], [sflag:$0x1], $0x2400, $0x38;
	[tilespmem:$0x1EC80] =	vst v63  }
0x3d8: {  	_ =	swait.ge [sflag:s15], $0x2400  }
0x3d9: {  	[sflag:s15] =	ssyncset.done $0x0  }
0x3da: {  	s3 =	rddreg [dreg:$0x1f];
	[sflag:s15] =	ssyncadd.s32 $0xFFFFDC00  }
0x3db: {  	[spmem:s3] =	stream.linear.scatter [tilespmem:s14], [sflag:$0x1], $0x2400, $0x38;
	[tilespmem:$0x1EC80] =	vst v63  }
0x3dc: {  	_ =	swait.ge [sflag:s15], $0x2400  }
0x3dd: {  	[sflag:s15] =	ssyncset.done $0x0  }
0x3de: {  	[sflag:s15] =	ssyncadd.s32 $0xFFFFDC00  }
0x3df: {  	s9 =	sadd.s32 $0x0, s13;
	[bflag:$0x0] =	sbarrier.arrive $0xFFFF  }
0x3e0: {  	[tilespmem:s1], [sflag:$0x1] =	stream.linear.gather [hbm4b:s9+s1], $0x40, $0x38;
	[tilespmem:$0x1EC80] =	vst v63  }
0x3e1: {  	_ =	swait.ge [sflag:s15], $0x40  }
0x3e2: {  	[sflag:s15] =	ssyncset.done $0x0  }
0x3e3: {  	s10 =	sadd.s32 $0x0, s12;
	[sflag:s15] =	ssyncadd.s32 $0xFFFFFFC0  }
0x3e4: {  	[tilespmem:s16], [sflag:$0x1] =	stream.linear.gather [hbm4b:s10+s1], $0x40, $0x38;
	[tilespmem:$0x1EC80] =	vst v63  }
0x3e5: {  	_ =	swait.ge [sflag:s15], $0x40  }
0x3e6: {  	[sflag:s15] =	ssyncset.done $0x0  }
0x3e7: {  	[sflag:s15] =	ssyncadd.s32 $0xFFFFFFC0  }
0x3e8: {  	[tilespmem:s14], [sflag:$0x1] =	stream.indirect.gather [hbm4b:s31+s16], $0x90, s1, s16, $0xb8;
	[tilespmem:$0x1EC80] =	vst v63  }
0x3e9: {  	_ =	swait.ge [sflag:s15], $0x2400  }
0x3ea: {  	[sflag:s15] =	ssyncset.done $0x0  }
0x3eb: {  	[sflag:s15] =	ssyncadd.s32 $0xFFFFDC00  }
0x3ec: {  	[spmem:s20] =	stream.indirect.scatter.add.f32 [tilespmem:s14], [sflag:$0x1], $0x90, s16, s16, $0xb8;
	[tilespmem:$0x1EC80] =	vst v63  }
0x3ed: {  	_ =	swait.ge [sflag:s15], $0x2400  }
0x3ee: {  	s9 =	simm.s32 $0x8;
	s10 =	simm.s32 $0x10;
	[sflag:s15] =	ssyncset.done $0x0  }
.LBB2_32:
0x3ef: {  	s0 =	sadd.s32 s9, s13  }
0x3f0: {  	[sflag:s15] =	ssyncadd.s32 $0xFFFFDC00;
	s2 =	smov.u32 s10;
	s3 =	sadd.s32 $0x8, s10  }
0x3f1: {  	[tilespmem:s1], [sflag:$0x1] =	stream.linear.gather [hbm4b:s0+s1], $0x40, $0x38;
	[tilespmem:$0x1EC80] =	vst v63  }
0x3f2: {  	p0 =	sne.s32 s10, $0x4E0;
	_ =	swait.ge [sflag:s15], $0x40  }
0x3f3: {  	[sflag:s15] =	ssyncset.done $0x0  }
0x3f4: {  	s0 =	sadd.s32 s9, s12;
	s9 =	smov.u32 s2;
	[sflag:s15] =	ssyncadd.s32 $0xFFFFFFC0  }
0x3f5: {  	[tilespmem:s16], [sflag:$0x1] =	stream.linear.gather [hbm4b:s0+s1], $0x40, $0x38;
	[tilespmem:$0x1EC80] =	vst v63  }
0x3f6: {  	_ =	swait.ge [sflag:s15], $0x40  }
0x3f7: {  	[sflag:s15] =	ssyncset.done $0x0  }
0x3f8: {  	[sflag:s15] =	ssyncadd.s32 $0xFFFFFFC0  }
0x3f9: {  	[tilespmem:s14], [sflag:$0x1] =	stream.indirect.gather [hbm4b:s31+s16], $0x90, s1, s16, $0xb8;
	[tilespmem:$0x1EC80] =	vst v63  }
0x3fa: {  	_ =	swait.ge [sflag:s15], $0x2400  }
.Ltmp15:
0x3fb: {  	[sflag:s15] =	ssyncset.done $0x0;
	(pc) =	sbr.rel @p0 .LBB2_32-.Ltmp15, $4  }
0x3fc: {  	[sflag:s15] =	ssyncadd.s32 $0xFFFFDC00  }
0x3fd: {  	[spmem:s20] =	stream.indirect.scatter.add.f32 [tilespmem:s14], [sflag:$0x1], $0x90, s16, s16, $0xb8;
	[tilespmem:$0x1EC80] =	vst v63  }
0x3fe: {  	_ =	swait.ge [sflag:s15], $0x2400  }
0x3ff: {  	s10 =	smov.u32 s3;
	[sflag:s15] =	ssyncset.done $0x0  }
0x400: {  	s0 =	sadd.s32 s9, s13;
	[sflag:s15] =	ssyncadd.s32 $0xFFFFDC00  }
0x401: {  	[tilespmem:s1], [sflag:$0x1] =	stream.linear.gather [hbm4b:s0+s1], $0x40, $0x38;
	[tilespmem:$0x1EC80] =	vst v63  }
0x402: {  	_ =	swait.ge [sflag:s15], $0x40  }
0x403: {  	[sflag:s15] =	ssyncset.done $0x0  }
0x404: {  	s10 =	sadd.s32 s9, s12;
	[sflag:s15] =	ssyncadd.s32 $0xFFFFFFC0  }
0x405: {  	[tilespmem:s16], [sflag:$0x1] =	stream.linear.gather [hbm4b:s10+s1], $0x40, $0x38;
	[tilespmem:$0x1EC80] =	vst v63  }
0x406: {  	_ =	swait.ge [sflag:s15], $0x40  }
0x407: {  	[sflag:s15] =	ssyncset.done $0x0  }
0x408: {  	[sflag:s15] =	ssyncadd.s32 $0xFFFFFFC0  }
0x409: {  	[tilespmem:s14], [sflag:$0x1] =	stream.indirect.gather [hbm4b:s31+s16], $0x90, s1, s16, $0xb8;
	[tilespmem:$0x1EC80] =	vst v63  }
0x40a: {  	_ =	swait.ge [sflag:s15], $0x2400  }
0x40b: {  	[sflag:s15] =	ssyncset.done $0x0  }
0x40c: {  	[sflag:s15] =	ssyncadd.s32 $0xFFFFDC00  }
0x40d: {  	[spmem:s20] =	stream.indirect.scatter.add.f32 [tilespmem:s14], [sflag:$0x1], $0x90, s16, s16, $0xb8;
	[tilespmem:$0x1EC80] =	vst v63  }
0x40e: {  	_ =	swait.ge [sflag:s15], $0x2400  }
0x40f: {  	[sflag:s15] =	ssyncset.done $0x0  }
0x410: {  	[sflag:s15] =	ssyncadd.s32 $0xFFFFDC00  }
0x411: {  	[bflag:$0x0] =	sbarrier.arrive $0xFFFF  }
0x412: {  	s2 =	rddreg [dreg:$0x13]  }
0x413: {  	[hbm:s2], [sflag:s23] =	dma.local [spmem:s24], $0x900  }
0x414: {  	_ =	swait.ge [sflag:s15], $0x900  }
0x415: {  	[sflag:s15] =	ssyncset.done $0x0  }
0x416: {  	s3 =	rddreg [dreg:$0x14];
	[sflag:s15] =	ssyncadd.s32 $0xFFFFF700  }
0x417: {  	[hbm:s3], [sflag:s23] =	dma.local [spmem:s11], $0x900  }
0x418: {  	_ =	swait.ge [sflag:s15], $0x900  }
0x419: {  	[sflag:s15] =	ssyncset.done $0x0  }
0x41a: {  	s9 =	rddreg [dreg:$0x15];
	[sflag:s15] =	ssyncadd.s32 $0xFFFFF700  }
0x41b: {  	[hbm:s9], [sflag:s23] =	dma.local [spmem:s6], $0x900  }
0x41c: {  	_ =	swait.ge [sflag:s15], $0x900  }
0x41d: {  	[sflag:s15] =	ssyncset.done $0x0  }
0x41e: {  	s10 =	rddreg [dreg:$0x16];
	[sflag:s15] =	ssyncadd.s32 $0xFFFFF700  }
0x41f: {  	[hbm:s10], [sflag:s23] =	dma.local [spmem:s7], $0x900  }
0x420: {  	_ =	swait.ge [sflag:s15], $0x900  }
0x421: {  	[sflag:s15] =	ssyncset.done $0x0  }
0x422: {  	s11 =	rddreg [dreg:$0x17];
	[sflag:s15] =	ssyncadd.s32 $0xFFFFF700  }
0x423: {  	[hbm:s11], [sflag:s23] =	dma.local [spmem:s8], $0x900  }
0x424: {  	_ =	swait.ge [sflag:s15], $0x900  }
0x425: {  	s24 =	sld [smem:$0x7FD];
	_ =	sdelay $0x1  }
0x426: {  	s22 =	sadd.s32 $0x1, s22  }
0x427: {  	p0 =	sne.s32 s22, s24  }
.Ltmp16:
0x428: {  	_ = 	snop;
	(pc) =	sbr.rel @p0 .LBB2_1-.Ltmp16, $3  }
0x429: {  	[sflag:s15] =	ssyncset.done $0x0  }
0x42a: {  	[sflag:s15] =	ssyncadd.s32 $0xFFFFF700  }
0x42b: {  	[bflag:$0x0] =	sbarrier.arrive $0xFFFF;
	_ =	sdelay $0x1  }
0x42c: {  	_ =	sfence.sel $0x180000  }
0x42d: {  	[bflag:$0x0] =	sbarrier.arrive $0xFFFF  }
0x42e: {  	_ =	strace $0x90000047  }
0x42f: {  	s0 =	stileid.u32;
	[bflag:$0x2] =	sbarrier.arrive $0xFFFF  }
0x430: {  	p0 =	sne.s32 s0, $0x0;
	s0 =	rddreg [dreg:$0x3]  }
0x431: {  	s0 =	sadd.s32 @!p0 $0x100000, s0  }
0x432: {  	[sflag:s0] =	ssyncadd.tile.s32 @!p0 $0x1;
	_ =	shalt  }
.Lfunc_end2:
_tile_overlayer_lowered:
.L_overlay_start_2:
0x433: {  	(tag) =	ssettag $0x2  }
0x434: {  	s0 =	rddreg [dreg:$0x0];
	s2 =	stileid.u32  }
0x435: {  	s1 =	rddreg [dreg:$0x1];
	p0 =	sne.s32 s2, $0x0  }
0x436: {  	s3 =	rddreg [dreg:$0x2];
	[bflag:$0x3] =	sbarrier.arrive $0xFFFF;
	s2 =	simm.s32 @!p0 $0x1C01  }
0x437: {  	[timem:s3], [sflag:s2] =	dma.local @!p0 [hbm:s0], s1  }
0x438: {  	s0 =	simm.s32 @!p0 $0x1  }
0x439: {  	_ =	swait.ge @!p0 [sflag:s0], s1  }
0x43a: {  	s1 =	ssub.s32 @!p0 $0x0, s1;
	[sflag:s0] =	ssyncset.done @!p0 $0x0  }
0x43b: {  	[sflag:s0] =	ssyncadd.s32 @!p0 s1  }
0x43c: {  	[bflag:$0x3] =	sbarrier.arrive $0xFFFF  }
0x43d: {  	_ =	shalt  }

</sc_bundles>
